<compile_context>
chip_gen: v7x
topology: tpu7x:2x2x1
jax: 0.10.2.dev20260603
libtpu: 0.0.44.dev20260713+nightly
codegen_flags: <defaults>
</compile_context>

<pallas_src>
import functools

import jax
import jax.numpy as jnp
from jax import lax
from jax.experimental import pallas as pl
from jax.experimental.pallas import tpu as pltpu
from jax.experimental.pallas import tpu_sc as plsc

K_NN = 20
_EPS = 1e-5
_RQ = 256
_RP = 256
_DPAD = 16
_NC, _NS = 2, 16


def _f32(x):
    return x.astype(jnp.float32)



def _topk_body(xf_ref, xq_ref, out_ref):
    n_all = xf_ref.shape[1]
    b = pl.program_id(0)
    xf = xf_ref[0]
    xq = xq_ref[0]
    inner = lax.dot_general(xf, xq, (((1,), (1,)), ((), ())),
                            preferred_element_type=jnp.float32)
    xxf = jnp.sum(xf * xf, axis=1, keepdims=True)
    xxq = jnp.transpose(jnp.sum(xq * xq, axis=1, keepdims=True))
    p = (jnp.negative(xxq) - (-2.0 * inner)) - xxf
    iota = lax.broadcasted_iota(jnp.int32, p.shape, 0)
    rows = []
    for _ in range(K_NN):
        m = jnp.max(p, axis=0, keepdims=True)
        idxt = jnp.min(jnp.where(p == m, iota, n_all), axis=0,
                       keepdims=True)
        rows.append(idxt)
        p = jnp.where(iota == idxt, -jnp.inf, p)
    out_ref[0] = jnp.concatenate(rows, axis=0) + b * n_all


def _topk_ids(x):
    b_sz, n, c = x.shape
    grid = (b_sz, n // _RQ)
    return pl.pallas_call(
        _topk_body,
        grid=grid,
        in_specs=[
            pl.BlockSpec((1, n, c), lambda b, q: (b, 0, 0)),
            pl.BlockSpec((1, _RQ, c), lambda b, q: (b, q, 0)),
        ],
        out_specs=pl.BlockSpec((1, K_NN, _RQ), lambda b, q: (b, 0, q)),
        out_shape=jax.ShapeDtypeStruct((b_sz, K_NN, n), jnp.int32),
    )(x, x)



def _gather_rows_sc(xpad, gidx2d):
    rows_total, d = gidx2d.shape[0], xpad.shape[1]
    nw = _NC * _NS
    rpw = rows_total // nw
    fire = 8
    groups = rpw // fire
    assert rpw * nw == rows_total and groups * fire == rpw

    mesh = plsc.VectorSubcoreMesh(core_axis_name="c", subcore_axis_name="s")

    @functools.partial(
        pl.kernel,
        mesh=mesh,
        compiler_params=pltpu.CompilerParams(use_tc_tiling_on_sc=False),
        out_type=jax.ShapeDtypeStruct((rows_total * 128, d), jnp.float32),
        scratch_types=[
            pltpu.VMEM((rpw, 128), jnp.int32),
            pltpu.VMEM((fire * 128, d), jnp.float32),
            pltpu.SemaphoreType.DMA,
        ],
    )
    def k(xpad_hbm, gidx_hbm, out_hbm, idx_v, rows_v, sem):
        wid = lax.axis_index("s") * _NC + lax.axis_index("c")
        row0 = wid * rpw
        pltpu.sync_copy(gidx_hbm.at[pl.ds(row0, rpw)], idx_v)

        def body(g, carry):
            descs = [
                pltpu.async_copy(xpad_hbm.at[idx_v.at[g * fire + f]],
                                 rows_v.at[pl.ds(f * 128, 128)], sem)
                for f in range(fire)
            ]
            for dsc in descs:
                dsc.wait()
            pltpu.sync_copy(
                rows_v, out_hbm.at[pl.ds((row0 + g * fire) * 128, fire * 128)])
            return carry

        lax.fori_loop(0, groups, body, 0)

    return k(xpad, gidx2d)



def _affine_from_stats(st, g, be, cnt):
    mean = st[0:1, :] * (1.0 / cnt)
    var = st[1:2, :] * (1.0 / cnt) - mean * mean
    scale = g / jnp.sqrt(var + _EPS)
    return scale, be - mean * scale


def _z1_t(xg_ref, xq, t, w1t_ref, b1_ref):
    xj = xg_ref[0, t, :, 0:3]
    e6 = jnp.concatenate([xj - xq, xq], axis=1)
    return lax.dot_general(e6, w1t_ref[...], (((1,), (0,)), ((), ())),
                           preferred_element_type=jnp.float32) + b1_ref[...]


def _dot_oc(a, w_ref, b_ref):
    return lax.dot_general(a, w_ref[...], (((1,), (1,)), ((), ())),
                           preferred_element_type=jnp.float32) + b_ref[...]


def _first_step():
    return (pl.program_id(0) == 0) & (pl.program_id(1) == 0)


def _accum(st_ref, acc_s, acc_q):
    @pl.when(_first_step())
    def _():
        st_ref[...] = jnp.zeros_like(st_ref)

    st_ref[0:1, :] += acc_s
    st_ref[1:2, :] += acc_q


def _p1_body(xg_ref, xq_ref, w1t_ref, b1_ref, st1_ref):
    xq = xq_ref[0]
    acc_s = jnp.zeros((1, 64), jnp.float32)
    acc_q = jnp.zeros((1, 64), jnp.float32)
    for t in range(K_NN):
        z1 = _z1_t(xg_ref, xq, t, w1t_ref, b1_ref)
        acc_s += jnp.sum(z1, axis=0, keepdims=True)
        acc_q += jnp.sum(z1 * z1, axis=0, keepdims=True)
    _accum(st1_ref, acc_s, acc_q)


def _p2_body(cnt, xg_ref, xq_ref, w1t_ref, b1_ref, g1_ref, be1_ref, st1_ref,
             w2_ref, b2_ref, st2_ref):
    xq = xq_ref[0]
    sc1, sh1 = _affine_from_stats(st1_ref[...], g1_ref[...], be1_ref[...], cnt)
    acc_s = jnp.zeros((1, 128), jnp.float32)
    acc_q = jnp.zeros((1, 128), jnp.float32)
    for t in range(K_NN):
        a1 = jnp.maximum(_z1_t(xg_ref, xq, t, w1t_ref, b1_ref) * sc1 + sh1,
                         0.0)
        z2 = _dot_oc(a1, w2_ref, b2_ref)
        acc_s += jnp.sum(z2, axis=0, keepdims=True)
        acc_q += jnp.sum(z2 * z2, axis=0, keepdims=True)
    _accum(st2_ref, acc_s, acc_q)


def _p3_body(cnt, xg_ref, xq_ref, w1t_ref, b1_ref, g1_ref, be1_ref, st1_ref,
             w2_ref, b2_ref, g2_ref, be2_ref, st2_ref, w3_ref, b3_ref,
             m3_ref, st3_ref):
    xq = xq_ref[0]
    sc1, sh1 = _affine_from_stats(st1_ref[...], g1_ref[...], be1_ref[...], cnt)
    sc2, sh2 = _affine_from_stats(st2_ref[...], g2_ref[...], be2_ref[...], cnt)
    acc_s = jnp.zeros((1, 128), jnp.float32)
    acc_q = jnp.zeros((1, 128), jnp.float32)
    mx = None
    for t in range(K_NN):
        a1 = jnp.maximum(_z1_t(xg_ref, xq, t, w1t_ref, b1_ref) * sc1 + sh1,
                         0.0)
        a2 = jnp.maximum(_dot_oc(a1, w2_ref, b2_ref) * sc2 + sh2, 0.0)
        z3 = _dot_oc(a2, w3_ref, b3_ref)
        acc_s += jnp.sum(z3, axis=0, keepdims=True)
        acc_q += jnp.sum(z3 * z3, axis=0, keepdims=True)
        mx = z3 if mx is None else jnp.maximum(mx, z3)
    m3_ref[0] = mx
    _accum(st3_ref, acc_s, acc_q)


def _small(shape):
    return pl.BlockSpec(shape, lambda b, q: tuple(0 for _ in shape))


def _edge_specs(n, c):
    return [
        pl.BlockSpec((1, K_NN, _RP, _DPAD), lambda b, q: (b, 0, q, 0)),
        pl.BlockSpec((1, _RP, c), lambda b, q: (b, q, 0)),
    ]


def _run_passes(xg, x, cnt, w1t, b1, g1, be1, w2, b2, g2, be2, w3, b3):
    b_sz, n, c = x.shape
    grid = (b_sz, n // _RP)
    especs = _edge_specs(n, c)

    st1 = pl.pallas_call(
        _p1_body, grid=grid,
        in_specs=especs + [_small((2 * c, 64)), _small((1, 64))],
        out_specs=_small((2, 64)),
        out_shape=jax.ShapeDtypeStruct((2, 64), jnp.float32),
    )(xg, x, w1t, b1)

    st2 = pl.pallas_call(
        functools.partial(_p2_body, cnt), grid=grid,
        in_specs=especs + [_small((2 * c, 64)), _small((1, 64)),
                           _small((1, 64)), _small((1, 64)), _small((2, 64)),
                           _small((128, 64)), _small((1, 128))],
        out_specs=_small((2, 128)),
        out_shape=jax.ShapeDtypeStruct((2, 128), jnp.float32),
    )(xg, x, w1t, b1, g1, be1, st1, w2, b2)

    m3, st3 = pl.pallas_call(
        functools.partial(_p3_body, cnt), grid=grid,
        in_specs=especs + [_small((2 * c, 64)), _small((1, 64)),
                           _small((1, 64)), _small((1, 64)), _small((2, 64)),
                           _small((128, 64)), _small((1, 128)),
                           _small((1, 128)), _small((1, 128)),
                           _small((2, 128)), _small((128, 128)),
                           _small((1, 128))],
        out_specs=[pl.BlockSpec((1, _RP, 128), lambda b, q: (b, q, 0)),
                   _small((2, 128))],
        out_shape=[jax.ShapeDtypeStruct((b_sz, n, 128), jnp.float32),
                   jax.ShapeDtypeStruct((2, 128), jnp.float32)],
    )(xg, x, w1t, b1, g1, be1, st1, w2, b2, g2, be2, st2, w3, b3)
    return st1, st2, m3, st3


def _final_body(cnt, m3_ref, st3_ref, g3_ref, be3_ref, out_ref):
    sc3, sh3 = _affine_from_stats(st3_ref[...], g3_ref[...], be3_ref[...], cnt)
    out_ref[0] = m3_ref[0] * sc3 + sh3



def kernel(x, w1, b1, g1, be1, w2, b2, g2, be2, w3, b3, g3, be3):
    b_sz, n, c = x.shape
    cnt = float(b_sz * n * K_NN)
    x = _f32(x)
    r = lambda a: _f32(a).reshape(1, -1)

    gidx = _topk_ids(x)
    xpad = jnp.pad(x.reshape(b_sz * n, c), ((0, 0), (0, _DPAD - c)))
    xg = _gather_rows_sc(xpad, gidx.reshape(-1, 128))
    xg = xg.reshape(b_sz, K_NN, n, _DPAD)

    st1, st2, m3, st3 = _run_passes(xg, x, cnt, _f32(w1).T, r(b1), r(g1),
                                    r(be1), _f32(w2), r(b2), r(g2), r(be2),
                                    _f32(w3), r(b3))

    out = pl.pallas_call(
        functools.partial(_final_body, cnt),
        grid=(b_sz,),
        in_specs=[pl.BlockSpec((1, n, 128), lambda b: (b, 0, 0)),
                  pl.BlockSpec((2, 128), lambda b: (0, 0)),
                  pl.BlockSpec((1, 128), lambda b: (0, 0)),
                  pl.BlockSpec((1, 128), lambda b: (0, 0))],
        out_specs=pl.BlockSpec((1, n, 128), lambda b: (b, 0, 0)),
        out_shape=jax.ShapeDtypeStruct((b_sz, n, 128), jnp.float32),
    )(m3, st3, r(g3), r(be3))

    return jnp.transpose(out, (0, 2, 1))

# --- scband reference (transcript-rebuilt; emitter-appended) ---
"""Pipeline reference for scband-patch-feature-extractor-16638703305432 (READ-ONLY COPY).

The authoritative reference and input builder live on the scoring server;
editing this copy changes nothing except your own understanding.
"""

import jax, jax.numpy as jnp
import numpy as np

K_NEIGH = 20

def _knn(x, k):
    inner = -2.0 * jnp.einsum('bnc,bmc->bnm', x, x)
    xx = jnp.sum(x * x, axis=-1, keepdims=True)
    pairwise = -xx - inner - jnp.swapaxes(xx, 1, 2)
    _, idx = jax.lax.top_k(pairwise, k)
    return idx

def _get_graph_feature(x, k=K_NEIGH):
    B, N, C = x.shape
    idx = _knn(x, k)
    idx_base = jnp.arange(B, dtype=idx.dtype).reshape(-1, 1, 1) * N
    idx_flat = (idx + idx_base).reshape(-1)
    feature = jnp.take(x.reshape(B * N, C), idx_flat, axis=0).reshape(B, N, k, C)
    xr = jnp.broadcast_to(x[:, :, None, :], (B, N, k, C))
    out = jnp.concatenate([feature - xr, xr], axis=3)
    return jnp.transpose(out, (0, 3, 1, 2))

def _conv1x1(y, w, b):
    return jnp.einsum('oc,bcnk->bonk', w, y) + b.reshape(1, -1, 1, 1)

def _bn_train(y, g, b, eps=1e-5):
    mean = jnp.mean(y, axis=(0, 2, 3), keepdims=True)
    var = jnp.var(y, axis=(0, 2, 3), keepdims=True)
    yh = (y - mean) / jnp.sqrt(var + eps)
    return yh * g.reshape(1, -1, 1, 1) + b.reshape(1, -1, 1, 1)

def setup_inputs(seed: int = 0) -> dict:
    key = jax.random.key(seed)
    ks = jax.random.split(key, 8)
    B, N, C = 8, 2048, 3
    x = jax.random.normal(ks[0], (B, N, C), dtype=jnp.float32)
    def cw(k, o, c):
        return jax.random.normal(k, (o, c), dtype=jnp.float32) * (1.0 / np.sqrt(c))
    w1 = cw(ks[1], 64, 2 * C); b1 = jnp.zeros((64,), jnp.float32)
    w2 = cw(ks[2], 128, 64);   b2 = jnp.zeros((128,), jnp.float32)
    w3 = cw(ks[3], 128, 128);  b3 = jnp.zeros((128,), jnp.float32)
    g1 = jnp.ones((64,), jnp.float32);  be1 = jnp.zeros((64,), jnp.float32)
    g2 = jnp.ones((128,), jnp.float32); be2 = jnp.zeros((128,), jnp.float32)
    g3 = jnp.ones((128,), jnp.float32); be3 = jnp.zeros((128,), jnp.float32)
    return {'x': x, 'w1': w1, 'b1': b1, 'g1': g1, 'be1': be1,
            'w2': w2, 'b2': b2, 'g2': g2, 'be2': be2,
            'w3': w3, 'b3': b3, 'g3': g3, 'be3': be3}

def reference(x, w1, b1, g1, be1, w2, b2, g2, be2, w3, b3, g3, be3):
    y = _get_graph_feature(x, K_NEIGH)
    y = jax.nn.relu(_bn_train(_conv1x1(y, w1, b1), g1, be1))
    y = jax.nn.relu(_bn_train(_conv1x1(y, w2, b2), g2, be2))
    y = _bn_train(_conv1x1(y, w3, b3), g3, be3)
    return jnp.max(y, axis=-1)

if __name__ == "__main__":
    import jax
    _d = setup_inputs()
    print(jax.jit(kernel)(*tuple(_d.values())))

</pallas_src>

<mosaic_0001>
#map = affine_map<(d0, d1) -> (0, 0)>
module attributes {stable_mosaic.version = 14 : i64} {
  func.func @k(%arg0: i32, %arg1: i32, %arg2: memref<16384x16xf32, #tpu.memory_space<hbm>>, %arg3: memref<2560x128xi32, #tpu.memory_space<hbm>>, %arg4: memref<327680x16xf32, #tpu.memory_space<hbm>>, %arg5: memref<80x128xi32, #tpu.memory_space<vmem>>, %arg6: memref<1024x16xf32, #tpu.memory_space<vmem>>, %arg7: memref<!tpu.dma_semaphore, #tpu.memory_space<semaphore_mem>>) attributes {dimension_semantics = [#tpu.dimension_semantics<core_parallel>, #tpu.dimension_semantics<subcore_parallel>], iteration_bounds = array<i64: 2, 16>, scalar_prefetch = 0 : i64, scratch_operands = 3 : i64, tpu.core_type = #tpu.core_type<sc_vector_subcore>, window_params = [{transform_indices = #map}, {transform_indices = #map}, {transform_indices = #map}]} {
    %mul3A = arith.constant 2 : i32
    %mul3A_0 = arith.muli %arg1, %mul3A : i32
    %add3A = arith.addi %mul3A_0, %arg0 : i32
    %mul3A_1 = arith.constant 80 : i32
    %mul3A_2 = arith.muli %add3A, %mul3A_1 : i32
    "tpu.region"() ({
      %run_scoped3A = tpu.sem_alloc : memref<!tpu.dma_semaphore, #tpu.memory_space<semaphore_mem>>
      %dma_start3A = arith.constant 0 : i32
      %dma_start3A_8 = tpu.memref_slice %arg3[%mul3A_2, %dma_start3A] : memref<2560x128xi32, #tpu.memory_space<hbm>> -> memref<80x128xi32, #tpu.memory_space<hbm>>
      %dma_start3A_9 = arith.constant 0 : i32
      %dma_start3A_10 = tpu.memref_slice %arg3[%mul3A_2, %dma_start3A_9] : memref<2560x128xi32, #tpu.memory_space<hbm>> -> memref<80x128xi32, #tpu.memory_space<hbm>>
      tpu.enqueue_dma source(%dma_start3A_10 : memref<80x128xi32, #tpu.memory_space<hbm>>) target(%arg5 : memref<80x128xi32, #tpu.memory_space<vmem>>) target_semaphore(%run_scoped3A : memref<!tpu.dma_semaphore, #tpu.memory_space<semaphore_mem>>)
      %dma_wait3A = arith.constant 0 : i32
      %dma_wait3A_11 = tpu.memref_slice %arg3[%mul3A_2, %dma_wait3A] : memref<2560x128xi32, #tpu.memory_space<hbm>> -> memref<80x128xi32, #tpu.memory_space<hbm>>
      %dma_wait3A_12 = arith.constant 0 : i32
      %dma_wait3A_13 = tpu.memref_slice %arg3[%mul3A_2, %dma_wait3A_12] : memref<2560x128xi32, #tpu.memory_space<hbm>> -> memref<80x128xi32, #tpu.memory_space<hbm>>
      tpu.wait_dma2 semaphore(%run_scoped3A : memref<!tpu.dma_semaphore, #tpu.memory_space<semaphore_mem>>) src(%dma_wait3A_13 : memref<80x128xi32, #tpu.memory_space<hbm>>) dst(%arg5 : memref<80x128xi32, #tpu.memory_space<vmem>>)
      tpu.yield
    }) : () -> ()
    %scan3A = arith.constant 0 : i32
    %scan3A_3 = arith.constant 0 : i32
    %scan3A_4 = arith.constant 10 : i32
    %scan3A_5 = arith.addi %scan3A_3, %scan3A_4 : i32
    %scan3A_6 = arith.constant 1 : i32
    scf.for %scan3A_8 = %scan3A_3 to %scan3A_5 step %scan3A_6  : i32 {
      %mul3A_9 = arith.constant 8 : i32
      %mul3A_10 = arith.muli %scan3A_8, %mul3A_9 : i32
      %add3A_11 = arith.constant 0 : i32
      %add3A_12 = arith.addi %mul3A_10, %add3A_11 : i32
      %dma_start3A = arith.constant 0 : i32
      %dma_start3A_13 = arith.constant 0 : i32
      %dma_start3A_14 = tpu.memref_slice %arg6[%dma_start3A, %dma_start3A_13] : memref<1024x16xf32, #tpu.memory_space<vmem>> -> memref<128x16xf32, #tpu.memory_space<vmem>>
      %dma_start3A_15 = arith.constant 0 : i32
      %dma_start3A_16 = tpu.memref_slice %arg5[%add3A_12, %dma_start3A_15] : memref<80x128xi32, #tpu.memory_space<vmem>> -> memref<1x128xi32, #tpu.memory_space<vmem>>
      %dma_start3A_17 = tpu.memref_squeeze %dma_start3A_16 : memref<1x128xi32, #tpu.memory_space<vmem>> -> memref<128xi32, #tpu.memory_space<vmem>>
      %dma_start3A_18 = arith.constant 0 : i32
      %dma_start3A_19 = arith.constant 0 : i32
      %dma_start3A_20 = tpu.memref_slice %arg2[%dma_start3A_18, %dma_start3A_19] : memref<16384x16xf32, #tpu.memory_space<hbm>> -> memref<16384x16xf32, #tpu.memory_space<hbm>>
      tpu.enqueue_indirect_dma source(%dma_start3A_20 : memref<16384x16xf32, #tpu.memory_space<hbm>>) target(%dma_start3A_14 : memref<128x16xf32, #tpu.memory_space<vmem>>) offsets(%dma_start3A_17 : memref<128xi32, #tpu.memory_space<vmem>>) semaphore(%arg7 : memref<!tpu.dma_semaphore, #tpu.memory_space<semaphore_mem>>)
      %mul3A_21 = arith.constant 8 : i32
      %mul3A_22 = arith.muli %scan3A_8, %mul3A_21 : i32
      %add3A_23 = arith.constant 1 : i32
      %add3A_24 = arith.addi %mul3A_22, %add3A_23 : i32
      %dma_start3A_25 = arith.constant 128 : i32
      %dma_start3A_26 = arith.constant 0 : i32
      %dma_start3A_27 = tpu.memref_slice %arg6[%dma_start3A_25, %dma_start3A_26] : memref<1024x16xf32, #tpu.memory_space<vmem>> -> memref<128x16xf32, #tpu.memory_space<vmem>>
      %dma_start3A_28 = arith.constant 0 : i32
      %dma_start3A_29 = tpu.memref_slice %arg5[%add3A_24, %dma_start3A_28] : memref<80x128xi32, #tpu.memory_space<vmem>> -> memref<1x128xi32, #tpu.memory_space<vmem>>
      %dma_start3A_30 = tpu.memref_squeeze %dma_start3A_29 : memref<1x128xi32, #tpu.memory_space<vmem>> -> memref<128xi32, #tpu.memory_space<vmem>>
      %dma_start3A_31 = arith.constant 0 : i32
      %dma_start3A_32 = arith.constant 0 : i32
      %dma_start3A_33 = tpu.memref_slice %arg2[%dma_start3A_31, %dma_start3A_32] : memref<16384x16xf32, #tpu.memory_space<hbm>> -> memref<16384x16xf32, #tpu.memory_space<hbm>>
      tpu.enqueue_indirect_dma source(%dma_start3A_33 : memref<16384x16xf32, #tpu.memory_space<hbm>>) target(%dma_start3A_27 : memref<128x16xf32, #tpu.memory_space<vmem>>) offsets(%dma_start3A_30 : memref<128xi32, #tpu.memory_space<vmem>>) semaphore(%arg7 : memref<!tpu.dma_semaphore, #tpu.memory_space<semaphore_mem>>)
      %mul3A_34 = arith.constant 8 : i32
      %mul3A_35 = arith.muli %scan3A_8, %mul3A_34 : i32
      %add3A_36 = arith.constant 2 : i32
      %add3A_37 = arith.addi %mul3A_35, %add3A_36 : i32
      %dma_start3A_38 = arith.constant 256 : i32
      %dma_start3A_39 = arith.constant 0 : i32
      %dma_start3A_40 = tpu.memref_slice %arg6[%dma_start3A_38, %dma_start3A_39] : memref<1024x16xf32, #tpu.memory_space<vmem>> -> memref<128x16xf32, #tpu.memory_space<vmem>>
      %dma_start3A_41 = arith.constant 0 : i32
      %dma_start3A_42 = tpu.memref_slice %arg5[%add3A_37, %dma_start3A_41] : memref<80x128xi32, #tpu.memory_space<vmem>> -> memref<1x128xi32, #tpu.memory_space<vmem>>
      %dma_start3A_43 = tpu.memref_squeeze %dma_start3A_42 : memref<1x128xi32, #tpu.memory_space<vmem>> -> memref<128xi32, #tpu.memory_space<vmem>>
      %dma_start3A_44 = arith.constant 0 : i32
      %dma_start3A_45 = arith.constant 0 : i32
      %dma_start3A_46 = tpu.memref_slice %arg2[%dma_start3A_44, %dma_start3A_45] : memref<16384x16xf32, #tpu.memory_space<hbm>> -> memref<16384x16xf32, #tpu.memory_space<hbm>>
      tpu.enqueue_indirect_dma source(%dma_start3A_46 : memref<16384x16xf32, #tpu.memory_space<hbm>>) target(%dma_start3A_40 : memref<128x16xf32, #tpu.memory_space<vmem>>) offsets(%dma_start3A_43 : memref<128xi32, #tpu.memory_space<vmem>>) semaphore(%arg7 : memref<!tpu.dma_semaphore, #tpu.memory_space<semaphore_mem>>)
      %mul3A_47 = arith.constant 8 : i32
      %mul3A_48 = arith.muli %scan3A_8, %mul3A_47 : i32
      %add3A_49 = arith.constant 3 : i32
      %add3A_50 = arith.addi %mul3A_48, %add3A_49 : i32
      %dma_start3A_51 = arith.constant 384 : i32
      %dma_start3A_52 = arith.constant 0 : i32
      %dma_start3A_53 = tpu.memref_slice %arg6[%dma_start3A_51, %dma_start3A_52] : memref<1024x16xf32, #tpu.memory_space<vmem>> -> memref<128x16xf32, #tpu.memory_space<vmem>>
      %dma_start3A_54 = arith.constant 0 : i32
      %dma_start3A_55 = tpu.memref_slice %arg5[%add3A_50, %dma_start3A_54] : memref<80x128xi32, #tpu.memory_space<vmem>> -> memref<1x128xi32, #tpu.memory_space<vmem>>
      %dma_start3A_56 = tpu.memref_squeeze %dma_start3A_55 : memref<1x128xi32, #tpu.memory_space<vmem>> -> memref<128xi32, #tpu.memory_space<vmem>>
      %dma_start3A_57 = arith.constant 0 : i32
      %dma_start3A_58 = arith.constant 0 : i32
      %dma_start3A_59 = tpu.memref_slice %arg2[%dma_start3A_57, %dma_start3A_58] : memref<16384x16xf32, #tpu.memory_space<hbm>> -> memref<16384x16xf32, #tpu.memory_space<hbm>>
      tpu.enqueue_indirect_dma source(%dma_start3A_59 : memref<16384x16xf32, #tpu.memory_space<hbm>>) target(%dma_start3A_53 : memref<128x16xf32, #tpu.memory_space<vmem>>) offsets(%dma_start3A_56 : memref<128xi32, #tpu.memory_space<vmem>>) semaphore(%arg7 : memref<!tpu.dma_semaphore, #tpu.memory_space<semaphore_mem>>)
      %mul3A_60 = arith.constant 8 : i32
      %mul3A_61 = arith.muli %scan3A_8, %mul3A_60 : i32
      %add3A_62 = arith.constant 4 : i32
      %add3A_63 = arith.addi %mul3A_61, %add3A_62 : i32
      %dma_start3A_64 = arith.constant 512 : i32
      %dma_start3A_65 = arith.constant 0 : i32
      %dma_start3A_66 = tpu.memref_slice %arg6[%dma_start3A_64, %dma_start3A_65] : memref<1024x16xf32, #tpu.memory_space<vmem>> -> memref<128x16xf32, #tpu.memory_space<vmem>>
      %dma_start3A_67 = arith.constant 0 : i32
      %dma_start3A_68 = tpu.memref_slice %arg5[%add3A_63, %dma_start3A_67] : memref<80x128xi32, #tpu.memory_space<vmem>> -> memref<1x128xi32, #tpu.memory_space<vmem>>
      %dma_start3A_69 = tpu.memref_squeeze %dma_start3A_68 : memref<1x128xi32, #tpu.memory_space<vmem>> -> memref<128xi32, #tpu.memory_space<vmem>>
      %dma_start3A_70 = arith.constant 0 : i32
      %dma_start3A_71 = arith.constant 0 : i32
      %dma_start3A_72 = tpu.memref_slice %arg2[%dma_start3A_70, %dma_start3A_71] : memref<16384x16xf32, #tpu.memory_space<hbm>> -> memref<16384x16xf32, #tpu.memory_space<hbm>>
      tpu.enqueue_indirect_dma source(%dma_start3A_72 : memref<16384x16xf32, #tpu.memory_space<hbm>>) target(%dma_start3A_66 : memref<128x16xf32, #tpu.memory_space<vmem>>) offsets(%dma_start3A_69 : memref<128xi32, #tpu.memory_space<vmem>>) semaphore(%arg7 : memref<!tpu.dma_semaphore, #tpu.memory_space<semaphore_mem>>)
      %mul3A_73 = arith.constant 8 : i32
      %mul3A_74 = arith.muli %scan3A_8, %mul3A_73 : i32
      %add3A_75 = arith.constant 5 : i32
      %add3A_76 = arith.addi %mul3A_74, %add3A_75 : i32
      %dma_start3A_77 = arith.constant 640 : i32
      %dma_start3A_78 = arith.constant 0 : i32
      %dma_start3A_79 = tpu.memref_slice %arg6[%dma_start3A_77, %dma_start3A_78] : memref<1024x16xf32, #tpu.memory_space<vmem>> -> memref<128x16xf32, #tpu.memory_space<vmem>>
      %dma_start3A_80 = arith.constant 0 : i32
      %dma_start3A_81 = tpu.memref_slice %arg5[%add3A_76, %dma_start3A_80] : memref<80x128xi32, #tpu.memory_space<vmem>> -> memref<1x128xi32, #tpu.memory_space<vmem>>
      %dma_start3A_82 = tpu.memref_squeeze %dma_start3A_81 : memref<1x128xi32, #tpu.memory_space<vmem>> -> memref<128xi32, #tpu.memory_space<vmem>>
      %dma_start3A_83 = arith.constant 0 : i32
      %dma_start3A_84 = arith.constant 0 : i32
      %dma_start3A_85 = tpu.memref_slice %arg2[%dma_start3A_83, %dma_start3A_84] : memref<16384x16xf32, #tpu.memory_space<hbm>> -> memref<16384x16xf32, #tpu.memory_space<hbm>>
      tpu.enqueue_indirect_dma source(%dma_start3A_85 : memref<16384x16xf32, #tpu.memory_space<hbm>>) target(%dma_start3A_79 : memref<128x16xf32, #tpu.memory_space<vmem>>) offsets(%dma_start3A_82 : memref<128xi32, #tpu.memory_space<vmem>>) semaphore(%arg7 : memref<!tpu.dma_semaphore, #tpu.memory_space<semaphore_mem>>)
      %mul3A_86 = arith.constant 8 : i32
      %mul3A_87 = arith.muli %scan3A_8, %mul3A_86 : i32
      %add3A_88 = arith.constant 6 : i32
      %add3A_89 = arith.addi %mul3A_87, %add3A_88 : i32
      %dma_start3A_90 = arith.constant 768 : i32
      %dma_start3A_91 = arith.constant 0 : i32
      %dma_start3A_92 = tpu.memref_slice %arg6[%dma_start3A_90, %dma_start3A_91] : memref<1024x16xf32, #tpu.memory_space<vmem>> -> memref<128x16xf32, #tpu.memory_space<vmem>>
      %dma_start3A_93 = arith.constant 0 : i32
      %dma_start3A_94 = tpu.memref_slice %arg5[%add3A_89, %dma_start3A_93] : memref<80x128xi32, #tpu.memory_space<vmem>> -> memref<1x128xi32, #tpu.memory_space<vmem>>
      %dma_start3A_95 = tpu.memref_squeeze %dma_start3A_94 : memref<1x128xi32, #tpu.memory_space<vmem>> -> memref<128xi32, #tpu.memory_space<vmem>>
      %dma_start3A_96 = arith.constant 0 : i32
      %dma_start3A_97 = arith.constant 0 : i32
      %dma_start3A_98 = tpu.memref_slice %arg2[%dma_start3A_96, %dma_start3A_97] : memref<16384x16xf32, #tpu.memory_space<hbm>> -> memref<16384x16xf32, #tpu.memory_space<hbm>>
      tpu.enqueue_indirect_dma source(%dma_start3A_98 : memref<16384x16xf32, #tpu.memory_space<hbm>>) target(%dma_start3A_92 : memref<128x16xf32, #tpu.memory_space<vmem>>) offsets(%dma_start3A_95 : memref<128xi32, #tpu.memory_space<vmem>>) semaphore(%arg7 : memref<!tpu.dma_semaphore, #tpu.memory_space<semaphore_mem>>)
      %mul3A_99 = arith.constant 8 : i32
      %mul3A_100 = arith.muli %scan3A_8, %mul3A_99 : i32
      %add3A_101 = arith.constant 7 : i32
      %add3A_102 = arith.addi %mul3A_100, %add3A_101 : i32
      %dma_start3A_103 = arith.constant 896 : i32
      %dma_start3A_104 = arith.constant 0 : i32
      %dma_start3A_105 = tpu.memref_slice %arg6[%dma_start3A_103, %dma_start3A_104] : memref<1024x16xf32, #tpu.memory_space<vmem>> -> memref<128x16xf32, #tpu.memory_space<vmem>>
      %dma_start3A_106 = arith.constant 0 : i32
      %dma_start3A_107 = tpu.memref_slice %arg5[%add3A_102, %dma_start3A_106] : memref<80x128xi32, #tpu.memory_space<vmem>> -> memref<1x128xi32, #tpu.memory_space<vmem>>
      %dma_start3A_108 = tpu.memref_squeeze %dma_start3A_107 : memref<1x128xi32, #tpu.memory_space<vmem>> -> memref<128xi32, #tpu.memory_space<vmem>>
      %dma_start3A_109 = arith.constant 0 : i32
      %dma_start3A_110 = arith.constant 0 : i32
      %dma_start3A_111 = tpu.memref_slice %arg2[%dma_start3A_109, %dma_start3A_110] : memref<16384x16xf32, #tpu.memory_space<hbm>> -> memref<16384x16xf32, #tpu.memory_space<hbm>>
      tpu.enqueue_indirect_dma source(%dma_start3A_111 : memref<16384x16xf32, #tpu.memory_space<hbm>>) target(%dma_start3A_105 : memref<128x16xf32, #tpu.memory_space<vmem>>) offsets(%dma_start3A_108 : memref<128xi32, #tpu.memory_space<vmem>>) semaphore(%arg7 : memref<!tpu.dma_semaphore, #tpu.memory_space<semaphore_mem>>)
      %dma_wait3A = arith.constant 0 : i32
      %dma_wait3A_112 = arith.constant 0 : i32
      %dma_wait3A_113 = tpu.memref_slice %arg6[%dma_wait3A, %dma_wait3A_112] : memref<1024x16xf32, #tpu.memory_space<vmem>> -> memref<128x16xf32, #tpu.memory_space<vmem>>
      %dma_wait3A_114 = arith.constant 0 : i32
      %dma_wait3A_115 = tpu.memref_slice %arg5[%add3A_12, %dma_wait3A_114] : memref<80x128xi32, #tpu.memory_space<vmem>> -> memref<1x128xi32, #tpu.memory_space<vmem>>
      %dma_wait3A_116 = tpu.memref_squeeze %dma_wait3A_115 : memref<1x128xi32, #tpu.memory_space<vmem>> -> memref<128xi32, #tpu.memory_space<vmem>>
      %dma_wait3A_117 = arith.constant 0 : i32
      %dma_wait3A_118 = arith.constant 0 : i32
      %dma_wait3A_119 = tpu.memref_slice %arg2[%dma_wait3A_117, %dma_wait3A_118] : memref<16384x16xf32, #tpu.memory_space<hbm>> -> memref<16384x16xf32, #tpu.memory_space<hbm>>
      tpu.wait_indirect_dma semaphore(%arg7 : memref<!tpu.dma_semaphore, #tpu.memory_space<semaphore_mem>>) src(%dma_wait3A_119 : memref<16384x16xf32, #tpu.memory_space<hbm>>) dst(%dma_wait3A_113 : memref<128x16xf32, #tpu.memory_space<vmem>>)
      %dma_wait3A_120 = arith.constant 128 : i32
      %dma_wait3A_121 = arith.constant 0 : i32
      %dma_wait3A_122 = tpu.memref_slice %arg6[%dma_wait3A_120, %dma_wait3A_121] : memref<1024x16xf32, #tpu.memory_space<vmem>> -> memref<128x16xf32, #tpu.memory_space<vmem>>
      %dma_wait3A_123 = arith.constant 0 : i32
      %dma_wait3A_124 = tpu.memref_slice %arg5[%add3A_24, %dma_wait3A_123] : memref<80x128xi32, #tpu.memory_space<vmem>> -> memref<1x128xi32, #tpu.memory_space<vmem>>
      %dma_wait3A_125 = tpu.memref_squeeze %dma_wait3A_124 : memref<1x128xi32, #tpu.memory_space<vmem>> -> memref<128xi32, #tpu.memory_space<vmem>>
      %dma_wait3A_126 = arith.constant 0 : i32
      %dma_wait3A_127 = arith.constant 0 : i32
      %dma_wait3A_128 = tpu.memref_slice %arg2[%dma_wait3A_126, %dma_wait3A_127] : memref<16384x16xf32, #tpu.memory_space<hbm>> -> memref<16384x16xf32, #tpu.memory_space<hbm>>
      tpu.wait_indirect_dma semaphore(%arg7 : memref<!tpu.dma_semaphore, #tpu.memory_space<semaphore_mem>>) src(%dma_wait3A_128 : memref<16384x16xf32, #tpu.memory_space<hbm>>) dst(%dma_wait3A_122 : memref<128x16xf32, #tpu.memory_space<vmem>>)
      %dma_wait3A_129 = arith.constant 256 : i32
      %dma_wait3A_130 = arith.constant 0 : i32
      %dma_wait3A_131 = tpu.memref_slice %arg6[%dma_wait3A_129, %dma_wait3A_130] : memref<1024x16xf32, #tpu.memory_space<vmem>> -> memref<128x16xf32, #tpu.memory_space<vmem>>
      %dma_wait3A_132 = arith.constant 0 : i32
      %dma_wait3A_133 = tpu.memref_slice %arg5[%add3A_37, %dma_wait3A_132] : memref<80x128xi32, #tpu.memory_space<vmem>> -> memref<1x128xi32, #tpu.memory_space<vmem>>
      %dma_wait3A_134 = tpu.memref_squeeze %dma_wait3A_133 : memref<1x128xi32, #tpu.memory_space<vmem>> -> memref<128xi32, #tpu.memory_space<vmem>>
      %dma_wait3A_135 = arith.constant 0 : i32
      %dma_wait3A_136 = arith.constant 0 : i32
      %dma_wait3A_137 = tpu.memref_slice %arg2[%dma_wait3A_135, %dma_wait3A_136] : memref<16384x16xf32, #tpu.memory_space<hbm>> -> memref<16384x16xf32, #tpu.memory_space<hbm>>
      tpu.wait_indirect_dma semaphore(%arg7 : memref<!tpu.dma_semaphore, #tpu.memory_space<semaphore_mem>>) src(%dma_wait3A_137 : memref<16384x16xf32, #tpu.memory_space<hbm>>) dst(%dma_wait3A_131 : memref<128x16xf32, #tpu.memory_space<vmem>>)
      %dma_wait3A_138 = arith.constant 384 : i32
      %dma_wait3A_139 = arith.constant 0 : i32
      %dma_wait3A_140 = tpu.memref_slice %arg6[%dma_wait3A_138, %dma_wait3A_139] : memref<1024x16xf32, #tpu.memory_space<vmem>> -> memref<128x16xf32, #tpu.memory_space<vmem>>
      %dma_wait3A_141 = arith.constant 0 : i32
      %dma_wait3A_142 = tpu.memref_slice %arg5[%add3A_50, %dma_wait3A_141] : memref<80x128xi32, #tpu.memory_space<vmem>> -> memref<1x128xi32, #tpu.memory_space<vmem>>
      %dma_wait3A_143 = tpu.memref_squeeze %dma_wait3A_142 : memref<1x128xi32, #tpu.memory_space<vmem>> -> memref<128xi32, #tpu.memory_space<vmem>>
      %dma_wait3A_144 = arith.constant 0 : i32
      %dma_wait3A_145 = arith.constant 0 : i32
      %dma_wait3A_146 = tpu.memref_slice %arg2[%dma_wait3A_144, %dma_wait3A_145] : memref<16384x16xf32, #tpu.memory_space<hbm>> -> memref<16384x16xf32, #tpu.memory_space<hbm>>
      tpu.wait_indirect_dma semaphore(%arg7 : memref<!tpu.dma_semaphore, #tpu.memory_space<semaphore_mem>>) src(%dma_wait3A_146 : memref<16384x16xf32, #tpu.memory_space<hbm>>) dst(%dma_wait3A_140 : memref<128x16xf32, #tpu.memory_space<vmem>>)
      %dma_wait3A_147 = arith.constant 512 : i32
      %dma_wait3A_148 = arith.constant 0 : i32
      %dma_wait3A_149 = tpu.memref_slice %arg6[%dma_wait3A_147, %dma_wait3A_148] : memref<1024x16xf32, #tpu.memory_space<vmem>> -> memref<128x16xf32, #tpu.memory_space<vmem>>
      %dma_wait3A_150 = arith.constant 0 : i32
      %dma_wait3A_151 = tpu.memref_slice %arg5[%add3A_63, %dma_wait3A_150] : memref<80x128xi32, #tpu.memory_space<vmem>> -> memref<1x128xi32, #tpu.memory_space<vmem>>
      %dma_wait3A_152 = tpu.memref_squeeze %dma_wait3A_151 : memref<1x128xi32, #tpu.memory_space<vmem>> -> memref<128xi32, #tpu.memory_space<vmem>>
      %dma_wait3A_153 = arith.constant 0 : i32
      %dma_wait3A_154 = arith.constant 0 : i32
      %dma_wait3A_155 = tpu.memref_slice %arg2[%dma_wait3A_153, %dma_wait3A_154] : memref<16384x16xf32, #tpu.memory_space<hbm>> -> memref<16384x16xf32, #tpu.memory_space<hbm>>
      tpu.wait_indirect_dma semaphore(%arg7 : memref<!tpu.dma_semaphore, #tpu.memory_space<semaphore_mem>>) src(%dma_wait3A_155 : memref<16384x16xf32, #tpu.memory_space<hbm>>) dst(%dma_wait3A_149 : memref<128x16xf32, #tpu.memory_space<vmem>>)
      %dma_wait3A_156 = arith.constant 640 : i32
      %dma_wait3A_157 = arith.constant 0 : i32
      %dma_wait3A_158 = tpu.memref_slice %arg6[%dma_wait3A_156, %dma_wait3A_157] : memref<1024x16xf32, #tpu.memory_space<vmem>> -> memref<128x16xf32, #tpu.memory_space<vmem>>
      %dma_wait3A_159 = arith.constant 0 : i32
      %dma_wait3A_160 = tpu.memref_slice %arg5[%add3A_76, %dma_wait3A_159] : memref<80x128xi32, #tpu.memory_space<vmem>> -> memref<1x128xi32, #tpu.memory_space<vmem>>
      %dma_wait3A_161 = tpu.memref_squeeze %dma_wait3A_160 : memref<1x128xi32, #tpu.memory_space<vmem>> -> memref<128xi32, #tpu.memory_space<vmem>>
      %dma_wait3A_162 = arith.constant 0 : i32
      %dma_wait3A_163 = arith.constant 0 : i32
      %dma_wait3A_164 = tpu.memref_slice %arg2[%dma_wait3A_162, %dma_wait3A_163] : memref<16384x16xf32, #tpu.memory_space<hbm>> -> memref<16384x16xf32, #tpu.memory_space<hbm>>
      tpu.wait_indirect_dma semaphore(%arg7 : memref<!tpu.dma_semaphore, #tpu.memory_space<semaphore_mem>>) src(%dma_wait3A_164 : memref<16384x16xf32, #tpu.memory_space<hbm>>) dst(%dma_wait3A_158 : memref<128x16xf32, #tpu.memory_space<vmem>>)
      %dma_wait3A_165 = arith.constant 768 : i32
      %dma_wait3A_166 = arith.constant 0 : i32
      %dma_wait3A_167 = tpu.memref_slice %arg6[%dma_wait3A_165, %dma_wait3A_166] : memref<1024x16xf32, #tpu.memory_space<vmem>> -> memref<128x16xf32, #tpu.memory_space<vmem>>
      %dma_wait3A_168 = arith.constant 0 : i32
      %dma_wait3A_169 = tpu.memref_slice %arg5[%add3A_89, %dma_wait3A_168] : memref<80x128xi32, #tpu.memory_space<vmem>> -> memref<1x128xi32, #tpu.memory_space<vmem>>
      %dma_wait3A_170 = tpu.memref_squeeze %dma_wait3A_169 : memref<1x128xi32, #tpu.memory_space<vmem>> -> memref<128xi32, #tpu.memory_space<vmem>>
      %dma_wait3A_171 = arith.constant 0 : i32
      %dma_wait3A_172 = arith.constant 0 : i32
      %dma_wait3A_173 = tpu.memref_slice %arg2[%dma_wait3A_171, %dma_wait3A_172] : memref<16384x16xf32, #tpu.memory_space<hbm>> -> memref<16384x16xf32, #tpu.memory_space<hbm>>
      tpu.wait_indirect_dma semaphore(%arg7 : memref<!tpu.dma_semaphore, #tpu.memory_space<semaphore_mem>>) src(%dma_wait3A_173 : memref<16384x16xf32, #tpu.memory_space<hbm>>) dst(%dma_wait3A_167 : memref<128x16xf32, #tpu.memory_space<vmem>>)
      %dma_wait3A_174 = arith.constant 896 : i32
      %dma_wait3A_175 = arith.constant 0 : i32
      %dma_wait3A_176 = tpu.memref_slice %arg6[%dma_wait3A_174, %dma_wait3A_175] : memref<1024x16xf32, #tpu.memory_space<vmem>> -> memref<128x16xf32, #tpu.memory_space<vmem>>
      %dma_wait3A_177 = arith.constant 0 : i32
      %dma_wait3A_178 = tpu.memref_slice %arg5[%add3A_102, %dma_wait3A_177] : memref<80x128xi32, #tpu.memory_space<vmem>> -> memref<1x128xi32, #tpu.memory_space<vmem>>
      %dma_wait3A_179 = tpu.memref_squeeze %dma_wait3A_178 : memref<1x128xi32, #tpu.memory_space<vmem>> -> memref<128xi32, #tpu.memory_space<vmem>>
      %dma_wait3A_180 = arith.constant 0 : i32
      %dma_wait3A_181 = arith.constant 0 : i32
      %dma_wait3A_182 = tpu.memref_slice %arg2[%dma_wait3A_180, %dma_wait3A_181] : memref<16384x16xf32, #tpu.memory_space<hbm>> -> memref<16384x16xf32, #tpu.memory_space<hbm>>
      tpu.wait_indirect_dma semaphore(%arg7 : memref<!tpu.dma_semaphore, #tpu.memory_space<semaphore_mem>>) src(%dma_wait3A_182 : memref<16384x16xf32, #tpu.memory_space<hbm>>) dst(%dma_wait3A_176 : memref<128x16xf32, #tpu.memory_space<vmem>>)
      %mul3A_183 = arith.constant 8 : i32
      %mul3A_184 = arith.muli %scan3A_8, %mul3A_183 : i32
      %add3A_185 = arith.addi %mul3A_2, %mul3A_184 : i32
      %mul3A_186 = arith.constant 128 : i32
      %mul3A_187 = arith.muli %add3A_185, %mul3A_186 : i32
      "tpu.region"() ({
        %run_scoped3A = tpu.sem_alloc : memref<!tpu.dma_semaphore, #tpu.memory_space<semaphore_mem>>
        %dma_start3A_188 = arith.constant 0 : i32
        %dma_start3A_189 = tpu.memref_slice %arg4[%mul3A_187, %dma_start3A_188] : memref<327680x16xf32, #tpu.memory_space<hbm>> -> memref<1024x16xf32, #tpu.memory_space<hbm>>
        %dma_start3A_190 = arith.constant 0 : i32
        %dma_start3A_191 = tpu.memref_slice %arg4[%mul3A_187, %dma_start3A_190] : memref<327680x16xf32, #tpu.memory_space<hbm>> -> memref<1024x16xf32, #tpu.memory_space<hbm>>
        tpu.enqueue_dma source(%arg6 : memref<1024x16xf32, #tpu.memory_space<vmem>>) target(%dma_start3A_191 : memref<1024x16xf32, #tpu.memory_space<hbm>>) target_semaphore(%run_scoped3A : memref<!tpu.dma_semaphore, #tpu.memory_space<semaphore_mem>>)
        %dma_wait3A_192 = arith.constant 0 : i32
        %dma_wait3A_193 = tpu.memref_slice %arg4[%mul3A_187, %dma_wait3A_192] : memref<327680x16xf32, #tpu.memory_space<hbm>> -> memref<1024x16xf32, #tpu.memory_space<hbm>>
        %dma_wait3A_194 = arith.constant 0 : i32
        %dma_wait3A_195 = tpu.memref_slice %arg4[%mul3A_187, %dma_wait3A_194] : memref<327680x16xf32, #tpu.memory_space<hbm>> -> memref<1024x16xf32, #tpu.memory_space<hbm>>
        tpu.wait_dma2 semaphore(%run_scoped3A : memref<!tpu.dma_semaphore, #tpu.memory_space<semaphore_mem>>) src(%arg6 : memref<1024x16xf32, #tpu.memory_space<vmem>>) dst(%dma_wait3A_195 : memref<1024x16xf32, #tpu.memory_space<hbm>>)
        tpu.yield
      }) : () -> ()
    }
    %scan3A_7 = arith.constant 10 : i32
    return
  }
}

module attributes {stable_mosaic.version = 14 : i64} {
  func.func @_topk_body(%arg0: i32, %arg1: i32, %arg2: memref<1x2048x3xf32, #tpu.memory_space<vmem>>, %arg3: memref<1x256x3xf32, #tpu.memory_space<vmem>>, %arg4: memref<1x20x256xi32, #tpu.memory_space<vmem>>) attributes {dimension_semantics = [#tpu.dimension_semantics<arbitrary>, #tpu.dimension_semantics<arbitrary>], iteration_bounds = array<i64: 8, 8>, scalar_prefetch = 0 : i64, scratch_operands = 0 : i64, tpu.core_type = #tpu.core_type<tc>, window_params = [{transform_indices = @transform_0, window_bounds = array<i64: 1, 2048, 3>}, {transform_indices = @transform_1, window_bounds = array<i64: 1, 256, 3>}, {transform_indices = @transform_2, window_bounds = array<i64: 1, 20, 256>}]} {
    %get3A = arith.constant 0 : index
    %get3A_0 = arith.constant 0 : index
    %get3A_1 = arith.constant 0 : index
    %get3A_2 = vector.load %arg2[%get3A, %get3A_0, %get3A_1] : memref<1x2048x3xf32, #tpu.memory_space<vmem>>, vector<1x2048x3xf32>
    %get3A_3 = vector.shape_cast %get3A_2 : vector<1x2048x3xf32> to vector<2048x3xf32>
    %get3A_4 = arith.constant 0 : index
    %get3A_5 = arith.constant 0 : index
    %get3A_6 = arith.constant 0 : index
    %get3A_7 = vector.load %arg3[%get3A_4, %get3A_5, %get3A_6] : memref<1x256x3xf32, #tpu.memory_space<vmem>>, vector<1x256x3xf32>
    %get3A_8 = vector.shape_cast %get3A_7 : vector<1x256x3xf32> to vector<256x3xf32>
    %dot_general3A = arith.constant dense<0.000000e+00> : vector<2048x256xf32>
    %dot_general3A_9 = tpu.matmul %get3A_3, %get3A_8, %dot_general3A {dimension_numbers = #tpu.dot_dimension_numbers<[1], [1], [0], [0], [0, 0, 1, 0], [], []>, transpose_lhs_hint = false} : vector<2048x3xf32>, vector<256x3xf32>, vector<2048x256xf32> -> vector<2048x256xf32>
    %mul3A = arith.mulf %get3A_3, %get3A_3 : vector<2048x3xf32>
    %reduce_sum3A = arith.constant dense<0.000000e+00> : vector<2048xf32>
    %reduce_sum3A_10 = vector.multi_reduction <add>, %mul3A, %reduce_sum3A [1] : vector<2048x3xf32> to vector<2048xf32>
    %broadcast_in_dim3A = vector.shape_cast %reduce_sum3A_10 : vector<2048xf32> to vector<2048x1xf32>
    %mul3A_11 = arith.mulf %get3A_8, %get3A_8 : vector<256x3xf32>
    %reduce_sum3A_12 = arith.constant dense<0.000000e+00> : vector<256xf32>
    %reduce_sum3A_13 = vector.multi_reduction <add>, %mul3A_11, %reduce_sum3A_12 [1] : vector<256x3xf32> to vector<256xf32>
    %broadcast_in_dim3A_14 = vector.shape_cast %reduce_sum3A_13 : vector<256xf32> to vector<256x1xf32>
    %transpose3A = tpu.transpose %broadcast_in_dim3A_14, [1, 0] : vector<256x1xf32> -> vector<1x256xf32>
    %neg3A = arith.constant 0.000000e+00 : f32
    %neg3A_15 = vector.broadcast %neg3A : f32 to vector<1x256xf32>
    %neg3A_16 = arith.subf %neg3A_15, %transpose3A : vector<1x256xf32>
    %mul3A_17 = arith.constant -2.000000e+00 : f32
    %mul3A_18 = vector.broadcast %mul3A_17 : f32 to vector<2048x256xf32>
    %mul3A_19 = arith.mulf %mul3A_18, %dot_general3A_9 : vector<2048x256xf32>
    %sub3A = vector.broadcast %neg3A_16 : vector<1x256xf32> to vector<2048x256xf32>
    %sub3A_20 = arith.subf %sub3A, %mul3A_19 : vector<2048x256xf32>
    %sub3A_21 = vector.broadcast %broadcast_in_dim3A : vector<2048x1xf32> to vector<2048x256xf32>
    %sub3A_22 = arith.subf %sub3A_20, %sub3A_21 : vector<2048x256xf32>
    %iota3A = tpu.iota {dimensions = array<i32: 0>} : vector<2048x256xi32>
    %reduce_max3A = arith.constant dense<0xFF800000> : vector<256xf32>
    %reduce_max3A_23 = vector.multi_reduction <maximumf>, %sub3A_22, %reduce_max3A [0] : vector<2048x256xf32> to vector<256xf32>
    %broadcast_in_dim3A_24 = vector.shape_cast %reduce_max3A_23 : vector<256xf32> to vector<1x256xf32>
    %eq3A = vector.broadcast %broadcast_in_dim3A_24 : vector<1x256xf32> to vector<2048x256xf32>
    %eq3A_25 = arith.cmpf oeq, %sub3A_22, %eq3A : vector<2048x256xf32>
    %jit3A = arith.constant 2048 : i32
    %broadcast_in_dim3A_26 = vector.broadcast %jit3A : i32 to vector<2048x256xi32>
    %select_n3A = arith.select %eq3A_25, %iota3A, %broadcast_in_dim3A_26 : vector<2048x256xi1>, vector<2048x256xi32>
    %reduce_min3A = arith.constant dense<2147483647> : vector<256xi32>
    %reduce_min3A_27 = vector.multi_reduction <minsi>, %select_n3A, %reduce_min3A [0] : vector<2048x256xi32> to vector<256xi32>
    %broadcast_in_dim3A_28 = vector.shape_cast %reduce_min3A_27 : vector<256xi32> to vector<1x256xi32>
    %eq3A_29 = vector.broadcast %broadcast_in_dim3A_28 : vector<1x256xi32> to vector<2048x256xi32>
    %eq3A_30 = arith.cmpi eq, %iota3A, %eq3A_29 : vector<2048x256xi32>
    %jit3A_31 = arith.constant 0xFF800000 : f32
    %broadcast_in_dim3A_32 = vector.broadcast %jit3A_31 : f32 to vector<2048x256xf32>
    %select_n3A_33 = arith.select %eq3A_30, %broadcast_in_dim3A_32, %sub3A_22 : vector<2048x256xi1>, vector<2048x256xf32>
    %reduce_max3A_34 = arith.constant dense<0xFF800000> : vector<256xf32>
    %reduce_max3A_35 = vector.multi_reduction <maximumf>, %select_n3A_33, %reduce_max3A_34 [0] : vector<2048x256xf32> to vector<256xf32>
    %broadcast_in_dim3A_36 = vector.shape_cast %reduce_max3A_35 : vector<256xf32> to vector<1x256xf32>
    %eq3A_37 = vector.broadcast %broadcast_in_dim3A_36 : vector<1x256xf32> to vector<2048x256xf32>
    %eq3A_38 = arith.cmpf oeq, %select_n3A_33, %eq3A_37 : vector<2048x256xf32>
    %jit3A_39 = arith.constant 2048 : i32
    %broadcast_in_dim3A_40 = vector.broadcast %jit3A_39 : i32 to vector<2048x256xi32>
    %select_n3A_41 = arith.select %eq3A_38, %iota3A, %broadcast_in_dim3A_40 : vector<2048x256xi1>, vector<2048x256xi32>
    %reduce_min3A_42 = arith.constant dense<2147483647> : vector<256xi32>
    %reduce_min3A_43 = vector.multi_reduction <minsi>, %select_n3A_41, %reduce_min3A_42 [0] : vector<2048x256xi32> to vector<256xi32>
    %broadcast_in_dim3A_44 = vector.shape_cast %reduce_min3A_43 : vector<256xi32> to vector<1x256xi32>
    %eq3A_45 = vector.broadcast %broadcast_in_dim3A_44 : vector<1x256xi32> to vector<2048x256xi32>
    %eq3A_46 = arith.cmpi eq, %iota3A, %eq3A_45 : vector<2048x256xi32>
    %jit3A_47 = arith.constant 0xFF800000 : f32
    %broadcast_in_dim3A_48 = vector.broadcast %jit3A_47 : f32 to vector<2048x256xf32>
    %select_n3A_49 = arith.select %eq3A_46, %broadcast_in_dim3A_48, %select_n3A_33 : vector<2048x256xi1>, vector<2048x256xf32>
    %reduce_max3A_50 = arith.constant dense<0xFF800000> : vector<256xf32>
    %reduce_max3A_51 = vector.multi_reduction <maximumf>, %select_n3A_49, %reduce_max3A_50 [0] : vector<2048x256xf32> to vector<256xf32>
    %broadcast_in_dim3A_52 = vector.shape_cast %reduce_max3A_51 : vector<256xf32> to vector<1x256xf32>
    %eq3A_53 = vector.broadcast %broadcast_in_dim3A_52 : vector<1x256xf32> to vector<2048x256xf32>
    %eq3A_54 = arith.cmpf oeq, %select_n3A_49, %eq3A_53 : vector<2048x256xf32>
    %jit3A_55 = arith.constant 2048 : i32
    %broadcast_in_dim3A_56 = vector.broadcast %jit3A_55 : i32 to vector<2048x256xi32>
    %select_n3A_57 = arith.select %eq3A_54, %iota3A, %broadcast_in_dim3A_56 : vector<2048x256xi1>, vector<2048x256xi32>
    %reduce_min3A_58 = arith.constant dense<2147483647> : vector<256xi32>
    %reduce_min3A_59 = vector.multi_reduction <minsi>, %select_n3A_57, %reduce_min3A_58 [0] : vector<2048x256xi32> to vector<256xi32>
    %broadcast_in_dim3A_60 = vector.shape_cast %reduce_min3A_59 : vector<256xi32> to vector<1x256xi32>
    %eq3A_61 = vector.broadcast %broadcast_in_dim3A_60 : vector<1x256xi32> to vector<2048x256xi32>
    %eq3A_62 = arith.cmpi eq, %iota3A, %eq3A_61 : vector<2048x256xi32>
    %jit3A_63 = arith.constant 0xFF800000 : f32
    %broadcast_in_dim3A_64 = vector.broadcast %jit3A_63 : f32 to vector<2048x256xf32>
    %select_n3A_65 = arith.select %eq3A_62, %broadcast_in_dim3A_64, %select_n3A_49 : vector<2048x256xi1>, vector<2048x256xf32>
    %reduce_max3A_66 = arith.constant dense<0xFF800000> : vector<256xf32>
    %reduce_max3A_67 = vector.multi_reduction <maximumf>, %select_n3A_65, %reduce_max3A_66 [0] : vector<2048x256xf32> to vector<256xf32>
    %broadcast_in_dim3A_68 = vector.shape_cast %reduce_max3A_67 : vector<256xf32> to vector<1x256xf32>
    %eq3A_69 = vector.broadcast %broadcast_in_dim3A_68 : vector<1x256xf32> to vector<2048x256xf32>
    %eq3A_70 = arith.cmpf oeq, %select_n3A_65, %eq3A_69 : vector<2048x256xf32>
    %jit3A_71 = arith.constant 2048 : i32
    %broadcast_in_dim3A_72 = vector.broadcast %jit3A_71 : i32 to vector<2048x256xi32>
    %select_n3A_73 = arith.select %eq3A_70, %iota3A, %broadcast_in_dim3A_72 : vector<2048x256xi1>, vector<2048x256xi32>
    %reduce_min3A_74 = arith.constant dense<2147483647> : vector<256xi32>
    %reduce_min3A_75 = vector.multi_reduction <minsi>, %select_n3A_73, %reduce_min3A_74 [0] : vector<2048x256xi32> to vector<256xi32>
    %broadcast_in_dim3A_76 = vector.shape_cast %reduce_min3A_75 : vector<256xi32> to vector<1x256xi32>
    %eq3A_77 = vector.broadcast %broadcast_in_dim3A_76 : vector<1x256xi32> to vector<2048x256xi32>
    %eq3A_78 = arith.cmpi eq, %iota3A, %eq3A_77 : vector<2048x256xi32>
    %jit3A_79 = arith.constant 0xFF800000 : f32
    %broadcast_in_dim3A_80 = vector.broadcast %jit3A_79 : f32 to vector<2048x256xf32>
    %select_n3A_81 = arith.select %eq3A_78, %broadcast_in_dim3A_80, %select_n3A_65 : vector<2048x256xi1>, vector<2048x256xf32>
    %reduce_max3A_82 = arith.constant dense<0xFF800000> : vector<256xf32>
    %reduce_max3A_83 = vector.multi_reduction <maximumf>, %select_n3A_81, %reduce_max3A_82 [0] : vector<2048x256xf32> to vector<256xf32>
    %broadcast_in_dim3A_84 = vector.shape_cast %reduce_max3A_83 : vector<256xf32> to vector<1x256xf32>
    %eq3A_85 = vector.broadcast %broadcast_in_dim3A_84 : vector<1x256xf32> to vector<2048x256xf32>
    %eq3A_86 = arith.cmpf oeq, %select_n3A_81, %eq3A_85 : vector<2048x256xf32>
    %jit3A_87 = arith.constant 2048 : i32
    %broadcast_in_dim3A_88 = vector.broadcast %jit3A_87 : i32 to vector<2048x256xi32>
    %select_n3A_89 = arith.select %eq3A_86, %iota3A, %broadcast_in_dim3A_88 : vector<2048x256xi1>, vector<2048x256xi32>
    %reduce_min3A_90 = arith.constant dense<2147483647> : vector<256xi32>
    %reduce_min3A_91 = vector.multi_reduction <minsi>, %select_n3A_89, %reduce_min3A_90 [0] : vector<2048x256xi32> to vector<256xi32>
    %broadcast_in_dim3A_92 = vector.shape_cast %reduce_min3A_91 : vector<256xi32> to vector<1x256xi32>
    %eq3A_93 = vector.broadcast %broadcast_in_dim3A_92 : vector<1x256xi32> to vector<2048x256xi32>
    %eq3A_94 = arith.cmpi eq, %iota3A, %eq3A_93 : vector<2048x256xi32>
    %jit3A_95 = arith.constant 0xFF800000 : f32
    %broadcast_in_dim3A_96 = vector.broadcast %jit3A_95 : f32 to vector<2048x256xf32>
    %select_n3A_97 = arith.select %eq3A_94, %broadcast_in_dim3A_96, %select_n3A_81 : vector<2048x256xi1>, vector<2048x256xf32>
    %reduce_max3A_98 = arith.constant dense<0xFF800000> : vector<256xf32>
    %reduce_max3A_99 = vector.multi_reduction <maximumf>, %select_n3A_97, %reduce_max3A_98 [0] : vector<2048x256xf32> to vector<256xf32>
    %broadcast_in_dim3A_100 = vector.shape_cast %reduce_max3A_99 : vector<256xf32> to vector<1x256xf32>
    %eq3A_101 = vector.broadcast %broadcast_in_dim3A_100 : vector<1x256xf32> to vector<2048x256xf32>
    %eq3A_102 = arith.cmpf oeq, %select_n3A_97, %eq3A_101 : vector<2048x256xf32>
    %jit3A_103 = arith.constant 2048 : i32
    %broadcast_in_dim3A_104 = vector.broadcast %jit3A_103 : i32 to vector<2048x256xi32>
    %select_n3A_105 = arith.select %eq3A_102, %iota3A, %broadcast_in_dim3A_104 : vector<2048x256xi1>, vector<2048x256xi32>
    %reduce_min3A_106 = arith.constant dense<2147483647> : vector<256xi32>
    %reduce_min3A_107 = vector.multi_reduction <minsi>, %select_n3A_105, %reduce_min3A_106 [0] : vector<2048x256xi32> to vector<256xi32>
    %broadcast_in_dim3A_108 = vector.shape_cast %reduce_min3A_107 : vector<256xi32> to vector<1x256xi32>
    %eq3A_109 = vector.broadcast %broadcast_in_dim3A_108 : vector<1x256xi32> to vector<2048x256xi32>
    %eq3A_110 = arith.cmpi eq, %iota3A, %eq3A_109 : vector<2048x256xi32>
    %jit3A_111 = arith.constant 0xFF800000 : f32
    %broadcast_in_dim3A_112 = vector.broadcast %jit3A_111 : f32 to vector<2048x256xf32>
    %select_n3A_113 = arith.select %eq3A_110, %broadcast_in_dim3A_112, %select_n3A_97 : vector<2048x256xi1>, vector<2048x256xf32>
    %reduce_max3A_114 = arith.constant dense<0xFF800000> : vector<256xf32>
    %reduce_max3A_115 = vector.multi_reduction <maximumf>, %select_n3A_113, %reduce_max3A_114 [0] : vector<2048x256xf32> to vector<256xf32>
    %broadcast_in_dim3A_116 = vector.shape_cast %reduce_max3A_115 : vector<256xf32> to vector<1x256xf32>
    %eq3A_117 = vector.broadcast %broadcast_in_dim3A_116 : vector<1x256xf32> to vector<2048x256xf32>
    %eq3A_118 = arith.cmpf oeq, %select_n3A_113, %eq3A_117 : vector<2048x256xf32>
    %jit3A_119 = arith.constant 2048 : i32
    %broadcast_in_dim3A_120 = vector.broadcast %jit3A_119 : i32 to vector<2048x256xi32>
    %select_n3A_121 = arith.select %eq3A_118, %iota3A, %broadcast_in_dim3A_120 : vector<2048x256xi1>, vector<2048x256xi32>
    %reduce_min3A_122 = arith.constant dense<2147483647> : vector<256xi32>
    %reduce_min3A_123 = vector.multi_reduction <minsi>, %select_n3A_121, %reduce_min3A_122 [0] : vector<2048x256xi32> to vector<256xi32>
    %broadcast_in_dim3A_124 = vector.shape_cast %reduce_min3A_123 : vector<256xi32> to vector<1x256xi32>
    %eq3A_125 = vector.broadcast %broadcast_in_dim3A_124 : vector<1x256xi32> to vector<2048x256xi32>
    %eq3A_126 = arith.cmpi eq, %iota3A, %eq3A_125 : vector<2048x256xi32>
    %jit3A_127 = arith.constant 0xFF800000 : f32
    %broadcast_in_dim3A_128 = vector.broadcast %jit3A_127 : f32 to vector<2048x256xf32>
    %select_n3A_129 = arith.select %eq3A_126, %broadcast_in_dim3A_128, %select_n3A_113 : vector<2048x256xi1>, vector<2048x256xf32>
    %reduce_max3A_130 = arith.constant dense<0xFF800000> : vector<256xf32>
    %reduce_max3A_131 = vector.multi_reduction <maximumf>, %select_n3A_129, %reduce_max3A_130 [0] : vector<2048x256xf32> to vector<256xf32>
    %broadcast_in_dim3A_132 = vector.shape_cast %reduce_max3A_131 : vector<256xf32> to vector<1x256xf32>
    %eq3A_133 = vector.broadcast %broadcast_in_dim3A_132 : vector<1x256xf32> to vector<2048x256xf32>
    %eq3A_134 = arith.cmpf oeq, %select_n3A_129, %eq3A_133 : vector<2048x256xf32>
    %jit3A_135 = arith.constant 2048 : i32
    %broadcast_in_dim3A_136 = vector.broadcast %jit3A_135 : i32 to vector<2048x256xi32>
    %select_n3A_137 = arith.select %eq3A_134, %iota3A, %broadcast_in_dim3A_136 : vector<2048x256xi1>, vector<2048x256xi32>
    %reduce_min3A_138 = arith.constant dense<2147483647> : vector<256xi32>
    %reduce_min3A_139 = vector.multi_reduction <minsi>, %select_n3A_137, %reduce_min3A_138 [0] : vector<2048x256xi32> to vector<256xi32>
    %broadcast_in_dim3A_140 = vector.shape_cast %reduce_min3A_139 : vector<256xi32> to vector<1x256xi32>
    %eq3A_141 = vector.broadcast %broadcast_in_dim3A_140 : vector<1x256xi32> to vector<2048x256xi32>
    %eq3A_142 = arith.cmpi eq, %iota3A, %eq3A_141 : vector<2048x256xi32>
    %jit3A_143 = arith.constant 0xFF800000 : f32
    %broadcast_in_dim3A_144 = vector.broadcast %jit3A_143 : f32 to vector<2048x256xf32>
    %select_n3A_145 = arith.select %eq3A_142, %broadcast_in_dim3A_144, %select_n3A_129 : vector<2048x256xi1>, vector<2048x256xf32>
    %reduce_max3A_146 = arith.constant dense<0xFF800000> : vector<256xf32>
    %reduce_max3A_147 = vector.multi_reduction <maximumf>, %select_n3A_145, %reduce_max3A_146 [0] : vector<2048x256xf32> to vector<256xf32>
    %broadcast_in_dim3A_148 = vector.shape_cast %reduce_max3A_147 : vector<256xf32> to vector<1x256xf32>
    %eq3A_149 = vector.broadcast %broadcast_in_dim3A_148 : vector<1x256xf32> to vector<2048x256xf32>
    %eq3A_150 = arith.cmpf oeq, %select_n3A_145, %eq3A_149 : vector<2048x256xf32>
    %jit3A_151 = arith.constant 2048 : i32
    %broadcast_in_dim3A_152 = vector.broadcast %jit3A_151 : i32 to vector<2048x256xi32>
    %select_n3A_153 = arith.select %eq3A_150, %iota3A, %broadcast_in_dim3A_152 : vector<2048x256xi1>, vector<2048x256xi32>
    %reduce_min3A_154 = arith.constant dense<2147483647> : vector<256xi32>
    %reduce_min3A_155 = vector.multi_reduction <minsi>, %select_n3A_153, %reduce_min3A_154 [0] : vector<2048x256xi32> to vector<256xi32>
    %broadcast_in_dim3A_156 = vector.shape_cast %reduce_min3A_155 : vector<256xi32> to vector<1x256xi32>
    %eq3A_157 = vector.broadcast %broadcast_in_dim3A_156 : vector<1x256xi32> to vector<2048x256xi32>
    %eq3A_158 = arith.cmpi eq, %iota3A, %eq3A_157 : vector<2048x256xi32>
    %jit3A_159 = arith.constant 0xFF800000 : f32
    %broadcast_in_dim3A_160 = vector.broadcast %jit3A_159 : f32 to vector<2048x256xf32>
    %select_n3A_161 = arith.select %eq3A_158, %broadcast_in_dim3A_160, %select_n3A_145 : vector<2048x256xi1>, vector<2048x256xf32>
    %reduce_max3A_162 = arith.constant dense<0xFF800000> : vector<256xf32>
    %reduce_max3A_163 = vector.multi_reduction <maximumf>, %select_n3A_161, %reduce_max3A_162 [0] : vector<2048x256xf32> to vector<256xf32>
    %broadcast_in_dim3A_164 = vector.shape_cast %reduce_max3A_163 : vector<256xf32> to vector<1x256xf32>
    %eq3A_165 = vector.broadcast %broadcast_in_dim3A_164 : vector<1x256xf32> to vector<2048x256xf32>
    %eq3A_166 = arith.cmpf oeq, %select_n3A_161, %eq3A_165 : vector<2048x256xf32>
    %jit3A_167 = arith.constant 2048 : i32
    %broadcast_in_dim3A_168 = vector.broadcast %jit3A_167 : i32 to vector<2048x256xi32>
    %select_n3A_169 = arith.select %eq3A_166, %iota3A, %broadcast_in_dim3A_168 : vector<2048x256xi1>, vector<2048x256xi32>
    %reduce_min3A_170 = arith.constant dense<2147483647> : vector<256xi32>
    %reduce_min3A_171 = vector.multi_reduction <minsi>, %select_n3A_169, %reduce_min3A_170 [0] : vector<2048x256xi32> to vector<256xi32>
    %broadcast_in_dim3A_172 = vector.shape_cast %reduce_min3A_171 : vector<256xi32> to vector<1x256xi32>
    %eq3A_173 = vector.broadcast %broadcast_in_dim3A_172 : vector<1x256xi32> to vector<2048x256xi32>
    %eq3A_174 = arith.cmpi eq, %iota3A, %eq3A_173 : vector<2048x256xi32>
    %jit3A_175 = arith.constant 0xFF800000 : f32
    %broadcast_in_dim3A_176 = vector.broadcast %jit3A_175 : f32 to vector<2048x256xf32>
    %select_n3A_177 = arith.select %eq3A_174, %broadcast_in_dim3A_176, %select_n3A_161 : vector<2048x256xi1>, vector<2048x256xf32>
    %reduce_max3A_178 = arith.constant dense<0xFF800000> : vector<256xf32>
    %reduce_max3A_179 = vector.multi_reduction <maximumf>, %select_n3A_177, %reduce_max3A_178 [0] : vector<2048x256xf32> to vector<256xf32>
    %broadcast_in_dim3A_180 = vector.shape_cast %reduce_max3A_179 : vector<256xf32> to vector<1x256xf32>
    %eq3A_181 = vector.broadcast %broadcast_in_dim3A_180 : vector<1x256xf32> to vector<2048x256xf32>
    %eq3A_182 = arith.cmpf oeq, %select_n3A_177, %eq3A_181 : vector<2048x256xf32>
    %jit3A_183 = arith.constant 2048 : i32
    %broadcast_in_dim3A_184 = vector.broadcast %jit3A_183 : i32 to vector<2048x256xi32>
    %select_n3A_185 = arith.select %eq3A_182, %iota3A, %broadcast_in_dim3A_184 : vector<2048x256xi1>, vector<2048x256xi32>
    %reduce_min3A_186 = arith.constant dense<2147483647> : vector<256xi32>
    %reduce_min3A_187 = vector.multi_reduction <minsi>, %select_n3A_185, %reduce_min3A_186 [0] : vector<2048x256xi32> to vector<256xi32>
    %broadcast_in_dim3A_188 = vector.shape_cast %reduce_min3A_187 : vector<256xi32> to vector<1x256xi32>
    %eq3A_189 = vector.broadcast %broadcast_in_dim3A_188 : vector<1x256xi32> to vector<2048x256xi32>
    %eq3A_190 = arith.cmpi eq, %iota3A, %eq3A_189 : vector<2048x256xi32>
    %jit3A_191 = arith.constant 0xFF800000 : f32
    %broadcast_in_dim3A_192 = vector.broadcast %jit3A_191 : f32 to vector<2048x256xf32>
    %select_n3A_193 = arith.select %eq3A_190, %broadcast_in_dim3A_192, %select_n3A_177 : vector<2048x256xi1>, vector<2048x256xf32>
    %reduce_max3A_194 = arith.constant dense<0xFF800000> : vector<256xf32>
    %reduce_max3A_195 = vector.multi_reduction <maximumf>, %select_n3A_193, %reduce_max3A_194 [0] : vector<2048x256xf32> to vector<256xf32>
    %broadcast_in_dim3A_196 = vector.shape_cast %reduce_max3A_195 : vector<256xf32> to vector<1x256xf32>
    %eq3A_197 = vector.broadcast %broadcast_in_dim3A_196 : vector<1x256xf32> to vector<2048x256xf32>
    %eq3A_198 = arith.cmpf oeq, %select_n3A_193, %eq3A_197 : vector<2048x256xf32>
    %jit3A_199 = arith.constant 2048 : i32
    %broadcast_in_dim3A_200 = vector.broadcast %jit3A_199 : i32 to vector<2048x256xi32>
    %select_n3A_201 = arith.select %eq3A_198, %iota3A, %broadcast_in_dim3A_200 : vector<2048x256xi1>, vector<2048x256xi32>
    %reduce_min3A_202 = arith.constant dense<2147483647> : vector<256xi32>
    %reduce_min3A_203 = vector.multi_reduction <minsi>, %select_n3A_201, %reduce_min3A_202 [0] : vector<2048x256xi32> to vector<256xi32>
    %broadcast_in_dim3A_204 = vector.shape_cast %reduce_min3A_203 : vector<256xi32> to vector<1x256xi32>
    %eq3A_205 = vector.broadcast %broadcast_in_dim3A_204 : vector<1x256xi32> to vector<2048x256xi32>
    %eq3A_206 = arith.cmpi eq, %iota3A, %eq3A_205 : vector<2048x256xi32>
    %jit3A_207 = arith.constant 0xFF800000 : f32
    %broadcast_in_dim3A_208 = vector.broadcast %jit3A_207 : f32 to vector<2048x256xf32>
    %select_n3A_209 = arith.select %eq3A_206, %broadcast_in_dim3A_208, %select_n3A_193 : vector<2048x256xi1>, vector<2048x256xf32>
    %reduce_max3A_210 = arith.constant dense<0xFF800000> : vector<256xf32>
    %reduce_max3A_211 = vector.multi_reduction <maximumf>, %select_n3A_209, %reduce_max3A_210 [0] : vector<2048x256xf32> to vector<256xf32>
    %broadcast_in_dim3A_212 = vector.shape_cast %reduce_max3A_211 : vector<256xf32> to vector<1x256xf32>
    %eq3A_213 = vector.broadcast %broadcast_in_dim3A_212 : vector<1x256xf32> to vector<2048x256xf32>
    %eq3A_214 = arith.cmpf oeq, %select_n3A_209, %eq3A_213 : vector<2048x256xf32>
    %jit3A_215 = arith.constant 2048 : i32
    %broadcast_in_dim3A_216 = vector.broadcast %jit3A_215 : i32 to vector<2048x256xi32>
    %select_n3A_217 = arith.select %eq3A_214, %iota3A, %broadcast_in_dim3A_216 : vector<2048x256xi1>, vector<2048x256xi32>
    %reduce_min3A_218 = arith.constant dense<2147483647> : vector<256xi32>
    %reduce_min3A_219 = vector.multi_reduction <minsi>, %select_n3A_217, %reduce_min3A_218 [0] : vector<2048x256xi32> to vector<256xi32>
    %broadcast_in_dim3A_220 = vector.shape_cast %reduce_min3A_219 : vector<256xi32> to vector<1x256xi32>
    %eq3A_221 = vector.broadcast %broadcast_in_dim3A_220 : vector<1x256xi32> to vector<2048x256xi32>
    %eq3A_222 = arith.cmpi eq, %iota3A, %eq3A_221 : vector<2048x256xi32>
    %jit3A_223 = arith.constant 0xFF800000 : f32
    %broadcast_in_dim3A_224 = vector.broadcast %jit3A_223 : f32 to vector<2048x256xf32>
    %select_n3A_225 = arith.select %eq3A_222, %broadcast_in_dim3A_224, %select_n3A_209 : vector<2048x256xi1>, vector<2048x256xf32>
    %reduce_max3A_226 = arith.constant dense<0xFF800000> : vector<256xf32>
    %reduce_max3A_227 = vector.multi_reduction <maximumf>, %select_n3A_225, %reduce_max3A_226 [0] : vector<2048x256xf32> to vector<256xf32>
    %broadcast_in_dim3A_228 = vector.shape_cast %reduce_max3A_227 : vector<256xf32> to vector<1x256xf32>
    %eq3A_229 = vector.broadcast %broadcast_in_dim3A_228 : vector<1x256xf32> to vector<2048x256xf32>
    %eq3A_230 = arith.cmpf oeq, %select_n3A_225, %eq3A_229 : vector<2048x256xf32>
    %jit3A_231 = arith.constant 2048 : i32
    %broadcast_in_dim3A_232 = vector.broadcast %jit3A_231 : i32 to vector<2048x256xi32>
    %select_n3A_233 = arith.select %eq3A_230, %iota3A, %broadcast_in_dim3A_232 : vector<2048x256xi1>, vector<2048x256xi32>
    %reduce_min3A_234 = arith.constant dense<2147483647> : vector<256xi32>
    %reduce_min3A_235 = vector.multi_reduction <minsi>, %select_n3A_233, %reduce_min3A_234 [0] : vector<2048x256xi32> to vector<256xi32>
    %broadcast_in_dim3A_236 = vector.shape_cast %reduce_min3A_235 : vector<256xi32> to vector<1x256xi32>
    %eq3A_237 = vector.broadcast %broadcast_in_dim3A_236 : vector<1x256xi32> to vector<2048x256xi32>
    %eq3A_238 = arith.cmpi eq, %iota3A, %eq3A_237 : vector<2048x256xi32>
    %jit3A_239 = arith.constant 0xFF800000 : f32
    %broadcast_in_dim3A_240 = vector.broadcast %jit3A_239 : f32 to vector<2048x256xf32>
    %select_n3A_241 = arith.select %eq3A_238, %broadcast_in_dim3A_240, %select_n3A_225 : vector<2048x256xi1>, vector<2048x256xf32>
    %reduce_max3A_242 = arith.constant dense<0xFF800000> : vector<256xf32>
    %reduce_max3A_243 = vector.multi_reduction <maximumf>, %select_n3A_241, %reduce_max3A_242 [0] : vector<2048x256xf32> to vector<256xf32>
    %broadcast_in_dim3A_244 = vector.shape_cast %reduce_max3A_243 : vector<256xf32> to vector<1x256xf32>
    %eq3A_245 = vector.broadcast %broadcast_in_dim3A_244 : vector<1x256xf32> to vector<2048x256xf32>
    %eq3A_246 = arith.cmpf oeq, %select_n3A_241, %eq3A_245 : vector<2048x256xf32>
    %jit3A_247 = arith.constant 2048 : i32
    %broadcast_in_dim3A_248 = vector.broadcast %jit3A_247 : i32 to vector<2048x256xi32>
    %select_n3A_249 = arith.select %eq3A_246, %iota3A, %broadcast_in_dim3A_248 : vector<2048x256xi1>, vector<2048x256xi32>
    %reduce_min3A_250 = arith.constant dense<2147483647> : vector<256xi32>
    %reduce_min3A_251 = vector.multi_reduction <minsi>, %select_n3A_249, %reduce_min3A_250 [0] : vector<2048x256xi32> to vector<256xi32>
    %broadcast_in_dim3A_252 = vector.shape_cast %reduce_min3A_251 : vector<256xi32> to vector<1x256xi32>
    %eq3A_253 = vector.broadcast %broadcast_in_dim3A_252 : vector<1x256xi32> to vector<2048x256xi32>
    %eq3A_254 = arith.cmpi eq, %iota3A, %eq3A_253 : vector<2048x256xi32>
    %jit3A_255 = arith.constant 0xFF800000 : f32
    %broadcast_in_dim3A_256 = vector.broadcast %jit3A_255 : f32 to vector<2048x256xf32>
    %select_n3A_257 = arith.select %eq3A_254, %broadcast_in_dim3A_256, %select_n3A_241 : vector<2048x256xi1>, vector<2048x256xf32>
    %reduce_max3A_258 = arith.constant dense<0xFF800000> : vector<256xf32>
    %reduce_max3A_259 = vector.multi_reduction <maximumf>, %select_n3A_257, %reduce_max3A_258 [0] : vector<2048x256xf32> to vector<256xf32>
    %broadcast_in_dim3A_260 = vector.shape_cast %reduce_max3A_259 : vector<256xf32> to vector<1x256xf32>
    %eq3A_261 = vector.broadcast %broadcast_in_dim3A_260 : vector<1x256xf32> to vector<2048x256xf32>
    %eq3A_262 = arith.cmpf oeq, %select_n3A_257, %eq3A_261 : vector<2048x256xf32>
    %jit3A_263 = arith.constant 2048 : i32
    %broadcast_in_dim3A_264 = vector.broadcast %jit3A_263 : i32 to vector<2048x256xi32>
    %select_n3A_265 = arith.select %eq3A_262, %iota3A, %broadcast_in_dim3A_264 : vector<2048x256xi1>, vector<2048x256xi32>
    %reduce_min3A_266 = arith.constant dense<2147483647> : vector<256xi32>
    %reduce_min3A_267 = vector.multi_reduction <minsi>, %select_n3A_265, %reduce_min3A_266 [0] : vector<2048x256xi32> to vector<256xi32>
    %broadcast_in_dim3A_268 = vector.shape_cast %reduce_min3A_267 : vector<256xi32> to vector<1x256xi32>
    %eq3A_269 = vector.broadcast %broadcast_in_dim3A_268 : vector<1x256xi32> to vector<2048x256xi32>
    %eq3A_270 = arith.cmpi eq, %iota3A, %eq3A_269 : vector<2048x256xi32>
    %jit3A_271 = arith.constant 0xFF800000 : f32
    %broadcast_in_dim3A_272 = vector.broadcast %jit3A_271 : f32 to vector<2048x256xf32>
    %select_n3A_273 = arith.select %eq3A_270, %broadcast_in_dim3A_272, %select_n3A_257 : vector<2048x256xi1>, vector<2048x256xf32>
    %reduce_max3A_274 = arith.constant dense<0xFF800000> : vector<256xf32>
    %reduce_max3A_275 = vector.multi_reduction <maximumf>, %select_n3A_273, %reduce_max3A_274 [0] : vector<2048x256xf32> to vector<256xf32>
    %broadcast_in_dim3A_276 = vector.shape_cast %reduce_max3A_275 : vector<256xf32> to vector<1x256xf32>
    %eq3A_277 = vector.broadcast %broadcast_in_dim3A_276 : vector<1x256xf32> to vector<2048x256xf32>
    %eq3A_278 = arith.cmpf oeq, %select_n3A_273, %eq3A_277 : vector<2048x256xf32>
    %jit3A_279 = arith.constant 2048 : i32
    %broadcast_in_dim3A_280 = vector.broadcast %jit3A_279 : i32 to vector<2048x256xi32>
    %select_n3A_281 = arith.select %eq3A_278, %iota3A, %broadcast_in_dim3A_280 : vector<2048x256xi1>, vector<2048x256xi32>
    %reduce_min3A_282 = arith.constant dense<2147483647> : vector<256xi32>
    %reduce_min3A_283 = vector.multi_reduction <minsi>, %select_n3A_281, %reduce_min3A_282 [0] : vector<2048x256xi32> to vector<256xi32>
    %broadcast_in_dim3A_284 = vector.shape_cast %reduce_min3A_283 : vector<256xi32> to vector<1x256xi32>
    %eq3A_285 = vector.broadcast %broadcast_in_dim3A_284 : vector<1x256xi32> to vector<2048x256xi32>
    %eq3A_286 = arith.cmpi eq, %iota3A, %eq3A_285 : vector<2048x256xi32>
    %jit3A_287 = arith.constant 0xFF800000 : f32
    %broadcast_in_dim3A_288 = vector.broadcast %jit3A_287 : f32 to vector<2048x256xf32>
    %select_n3A_289 = arith.select %eq3A_286, %broadcast_in_dim3A_288, %select_n3A_273 : vector<2048x256xi1>, vector<2048x256xf32>
    %reduce_max3A_290 = arith.constant dense<0xFF800000> : vector<256xf32>
    %reduce_max3A_291 = vector.multi_reduction <maximumf>, %select_n3A_289, %reduce_max3A_290 [0] : vector<2048x256xf32> to vector<256xf32>
    %broadcast_in_dim3A_292 = vector.shape_cast %reduce_max3A_291 : vector<256xf32> to vector<1x256xf32>
    %eq3A_293 = vector.broadcast %broadcast_in_dim3A_292 : vector<1x256xf32> to vector<2048x256xf32>
    %eq3A_294 = arith.cmpf oeq, %select_n3A_289, %eq3A_293 : vector<2048x256xf32>
    %jit3A_295 = arith.constant 2048 : i32
    %broadcast_in_dim3A_296 = vector.broadcast %jit3A_295 : i32 to vector<2048x256xi32>
    %select_n3A_297 = arith.select %eq3A_294, %iota3A, %broadcast_in_dim3A_296 : vector<2048x256xi1>, vector<2048x256xi32>
    %reduce_min3A_298 = arith.constant dense<2147483647> : vector<256xi32>
    %reduce_min3A_299 = vector.multi_reduction <minsi>, %select_n3A_297, %reduce_min3A_298 [0] : vector<2048x256xi32> to vector<256xi32>
    %broadcast_in_dim3A_300 = vector.shape_cast %reduce_min3A_299 : vector<256xi32> to vector<1x256xi32>
    %eq3A_301 = vector.broadcast %broadcast_in_dim3A_300 : vector<1x256xi32> to vector<2048x256xi32>
    %eq3A_302 = arith.cmpi eq, %iota3A, %eq3A_301 : vector<2048x256xi32>
    %jit3A_303 = arith.constant 0xFF800000 : f32
    %broadcast_in_dim3A_304 = vector.broadcast %jit3A_303 : f32 to vector<2048x256xf32>
    %select_n3A_305 = arith.select %eq3A_302, %broadcast_in_dim3A_304, %select_n3A_289 : vector<2048x256xi1>, vector<2048x256xf32>
    %reduce_max3A_306 = arith.constant dense<0xFF800000> : vector<256xf32>
    %reduce_max3A_307 = vector.multi_reduction <maximumf>, %select_n3A_305, %reduce_max3A_306 [0] : vector<2048x256xf32> to vector<256xf32>
    %broadcast_in_dim3A_308 = vector.shape_cast %reduce_max3A_307 : vector<256xf32> to vector<1x256xf32>
    %eq3A_309 = vector.broadcast %broadcast_in_dim3A_308 : vector<1x256xf32> to vector<2048x256xf32>
    %eq3A_310 = arith.cmpf oeq, %select_n3A_305, %eq3A_309 : vector<2048x256xf32>
    %jit3A_311 = arith.constant 2048 : i32
    %broadcast_in_dim3A_312 = vector.broadcast %jit3A_311 : i32 to vector<2048x256xi32>
    %select_n3A_313 = arith.select %eq3A_310, %iota3A, %broadcast_in_dim3A_312 : vector<2048x256xi1>, vector<2048x256xi32>
    %reduce_min3A_314 = arith.constant dense<2147483647> : vector<256xi32>
    %reduce_min3A_315 = vector.multi_reduction <minsi>, %select_n3A_313, %reduce_min3A_314 [0] : vector<2048x256xi32> to vector<256xi32>
    %broadcast_in_dim3A_316 = vector.shape_cast %reduce_min3A_315 : vector<256xi32> to vector<1x256xi32>
    %eq3A_317 = vector.broadcast %broadcast_in_dim3A_316 : vector<1x256xi32> to vector<2048x256xi32>
    %eq3A_318 = arith.cmpi eq, %iota3A, %eq3A_317 : vector<2048x256xi32>
    %jit3A_319 = arith.constant 0xFF800000 : f32
    %broadcast_in_dim3A_320 = vector.broadcast %jit3A_319 : f32 to vector<2048x256xf32>
    %select_n3A_321 = arith.select %eq3A_318, %broadcast_in_dim3A_320, %select_n3A_305 : vector<2048x256xi1>, vector<2048x256xf32>
    %reduce_max3A_322 = arith.constant dense<0xFF800000> : vector<256xf32>
    %reduce_max3A_323 = vector.multi_reduction <maximumf>, %select_n3A_321, %reduce_max3A_322 [0] : vector<2048x256xf32> to vector<256xf32>
    %broadcast_in_dim3A_324 = vector.shape_cast %reduce_max3A_323 : vector<256xf32> to vector<1x256xf32>
    %eq3A_325 = vector.broadcast %broadcast_in_dim3A_324 : vector<1x256xf32> to vector<2048x256xf32>
    %eq3A_326 = arith.cmpf oeq, %select_n3A_321, %eq3A_325 : vector<2048x256xf32>
    %jit3A_327 = arith.constant 2048 : i32
    %broadcast_in_dim3A_328 = vector.broadcast %jit3A_327 : i32 to vector<2048x256xi32>
    %select_n3A_329 = arith.select %eq3A_326, %iota3A, %broadcast_in_dim3A_328 : vector<2048x256xi1>, vector<2048x256xi32>
    %reduce_min3A_330 = arith.constant dense<2147483647> : vector<256xi32>
    %reduce_min3A_331 = vector.multi_reduction <minsi>, %select_n3A_329, %reduce_min3A_330 [0] : vector<2048x256xi32> to vector<256xi32>
    %broadcast_in_dim3A_332 = vector.shape_cast %reduce_min3A_331 : vector<256xi32> to vector<1x256xi32>
    %concatenate3A = tpu.concatenate %broadcast_in_dim3A_28, %broadcast_in_dim3A_44, %broadcast_in_dim3A_60, %broadcast_in_dim3A_76, %broadcast_in_dim3A_92, %broadcast_in_dim3A_108, %broadcast_in_dim3A_124, %broadcast_in_dim3A_140, %broadcast_in_dim3A_156, %broadcast_in_dim3A_172, %broadcast_in_dim3A_188, %broadcast_in_dim3A_204, %broadcast_in_dim3A_220, %broadcast_in_dim3A_236, %broadcast_in_dim3A_252, %broadcast_in_dim3A_268, %broadcast_in_dim3A_284, %broadcast_in_dim3A_300, %broadcast_in_dim3A_316, %broadcast_in_dim3A_332 in 0 : vector<1x256xi32>, vector<1x256xi32>, vector<1x256xi32>, vector<1x256xi32>, vector<1x256xi32>, vector<1x256xi32>, vector<1x256xi32>, vector<1x256xi32>, vector<1x256xi32>, vector<1x256xi32>, vector<1x256xi32>, vector<1x256xi32>, vector<1x256xi32>, vector<1x256xi32>, vector<1x256xi32>, vector<1x256xi32>, vector<1x256xi32>, vector<1x256xi32>, vector<1x256xi32>, vector<1x256xi32> -> vector<20x256xi32>
    %mul3A_333 = arith.constant 2048 : i32
    %mul3A_334 = arith.muli %arg0, %mul3A_333 : i32
    %add3A = vector.broadcast %mul3A_334 : i32 to vector<20x256xi32>
    %add3A_335 = arith.addi %concatenate3A, %add3A : vector<20x256xi32>
    %swap3A = arith.constant 0 : index
    %swap3A_336 = arith.constant 0 : index
    %swap3A_337 = arith.constant 0 : index
    %swap3A_338 = vector.load %arg4[%swap3A, %swap3A_336, %swap3A_337] : memref<1x20x256xi32, #tpu.memory_space<vmem>>, vector<1x20x256xi32>
    %swap3A_339 = vector.shape_cast %swap3A_338 : vector<1x20x256xi32> to vector<20x256xi32>
    %swap3A_340 = vector.shape_cast %add3A_335 : vector<20x256xi32> to vector<1x20x256xi32>
    tpu.vector_store %arg4[%swap3A, %swap3A_336, %swap3A_337], %swap3A_340 {strides = array<i32>} : memref<1x20x256xi32, #tpu.memory_space<vmem>>, vector<1x20x256xi32>,
    return
  }
  func.func @transform_0(%arg0: i32, %arg1: i32) -> (i32, i32, i32) {
    %c0_i32 = arith.constant 0 : i32
    %c0_i32_0 = arith.constant 0 : i32
    %c0_i32_1 = arith.constant 0 : i32
    return %arg0, %c0_i32, %c0_i32_0 : i32, i32, i32
  }
  func.func @transform_1(%arg0: i32, %arg1: i32) -> (i32, i32, i32) {
    %c0_i32 = arith.constant 0 : i32
    %c0_i32_0 = arith.constant 0 : i32
    return %arg0, %arg1, %c0_i32 : i32, i32, i32
  }
  func.func @transform_2(%arg0: i32, %arg1: i32) -> (i32, i32, i32) {
    %c0_i32 = arith.constant 0 : i32
    %c0_i32_0 = arith.constant 0 : i32
    return %arg0, %c0_i32, %arg1 : i32, i32, i32
  }
}

module attributes {stable_mosaic.version = 14 : i64} {
  func.func @_p1_body(%arg0: i32, %arg1: i32, %arg2: memref<1x20x256x16xf32, #tpu.memory_space<vmem>>, %arg3: memref<1x256x3xf32, #tpu.memory_space<vmem>>, %arg4: memref<6x64xf32, #tpu.memory_space<vmem>>, %arg5: memref<1x64xf32, #tpu.memory_space<vmem>>, %arg6: memref<2x64xf32, #tpu.memory_space<vmem>>) attributes {dimension_semantics = [#tpu.dimension_semantics<arbitrary>, #tpu.dimension_semantics<arbitrary>], iteration_bounds = array<i64: 8, 8>, scalar_prefetch = 0 : i64, scratch_operands = 0 : i64, tpu.core_type = #tpu.core_type<tc>, window_params = [{transform_indices = @transform_0, window_bounds = array<i64: 1, 20, 256, 16>}, {transform_indices = @transform_1, window_bounds = array<i64: 1, 256, 3>}, {pipeline_mode = #tpu.pipeline_mode<synchronous>, transform_indices = @transform_2, window_bounds = array<i64: 6, 64>}, {pipeline_mode = #tpu.pipeline_mode<synchronous>, transform_indices = @transform_3, window_bounds = array<i64: 1, 64>}, {pipeline_mode = #tpu.pipeline_mode<synchronous>, transform_indices = @transform_4, window_bounds = array<i64: 2, 64>}]} {
    %get3A = arith.constant 0 : index
    %get3A_0 = arith.constant 0 : index
    %get3A_1 = arith.constant 0 : index
    %get3A_2 = vector.load %arg3[%get3A, %get3A_0, %get3A_1] : memref<1x256x3xf32, #tpu.memory_space<vmem>>, vector<1x256x3xf32>
    %get3A_3 = vector.shape_cast %get3A_2 : vector<1x256x3xf32> to vector<256x3xf32>
    %broadcast_in_dim3A = arith.constant 0.000000e+00 : f32
    %broadcast_in_dim3A_4 = vector.broadcast %broadcast_in_dim3A : f32 to vector<1x64xf32>
    %broadcast_in_dim3A_5 = arith.constant 0.000000e+00 : f32
    %broadcast_in_dim3A_6 = vector.broadcast %broadcast_in_dim3A_5 : f32 to vector<1x64xf32>
    %get3A_7 = arith.constant 0 : index
    %get3A_8 = arith.constant 0 : index
    %get3A_9 = arith.constant 0 : index
    %get3A_10 = arith.constant 0 : index
    %get3A_11 = vector.load %arg2[%get3A_7, %get3A_8, %get3A_9, %get3A_10] : memref<1x20x256x16xf32, #tpu.memory_space<vmem>>, vector<1x1x256x3xf32>
    %get3A_12 = vector.shape_cast %get3A_11 : vector<1x1x256x3xf32> to vector<256x3xf32>
    %sub3A = arith.subf %get3A_12, %get3A_3 : vector<256x3xf32>
    %concatenate3A = tpu.concatenate %sub3A, %get3A_3 in 1 : vector<256x3xf32>, vector<256x3xf32> -> vector<256x6xf32>
    %get3A_13 = arith.constant 0 : index
    %get3A_14 = arith.constant 0 : index
    %get3A_15 = vector.load %arg4[%get3A_13, %get3A_14] : memref<6x64xf32, #tpu.memory_space<vmem>>, vector<6x64xf32>
    %dot_general3A = arith.constant dense<0.000000e+00> : vector<256x64xf32>
    %dot_general3A_16 = tpu.matmul %concatenate3A, %get3A_15, %dot_general3A {dimension_numbers = #tpu.dot_dimension_numbers<[1], [0], [0], [1], [0, 0, 1, 1], [], []>, transpose_lhs_hint = false} : vector<256x6xf32>, vector<6x64xf32>, vector<256x64xf32> -> vector<256x64xf32>
    %get3A_17 = arith.constant 0 : index
    %get3A_18 = arith.constant 0 : index
    %get3A_19 = vector.load %arg5[%get3A_17, %get3A_18] : memref<1x64xf32, #tpu.memory_space<vmem>>, vector<1x64xf32>
    %add3A = vector.broadcast %get3A_19 : vector<1x64xf32> to vector<256x64xf32>
    %add3A_20 = arith.addf %dot_general3A_16, %add3A : vector<256x64xf32>
    %reduce_sum3A = arith.constant dense<0.000000e+00> : vector<64xf32>
    %reduce_sum3A_21 = vector.multi_reduction <add>, %add3A_20, %reduce_sum3A [0] : vector<256x64xf32> to vector<64xf32>
    %broadcast_in_dim3A_22 = vector.shape_cast %reduce_sum3A_21 : vector<64xf32> to vector<1x64xf32>
    %add3A_23 = arith.addf %broadcast_in_dim3A_4, %broadcast_in_dim3A_22 : vector<1x64xf32>
    %mul3A = arith.mulf %add3A_20, %add3A_20 : vector<256x64xf32>
    %reduce_sum3A_24 = arith.constant dense<0.000000e+00> : vector<64xf32>
    %reduce_sum3A_25 = vector.multi_reduction <add>, %mul3A, %reduce_sum3A_24 [0] : vector<256x64xf32> to vector<64xf32>
    %broadcast_in_dim3A_26 = vector.shape_cast %reduce_sum3A_25 : vector<64xf32> to vector<1x64xf32>
    %add3A_27 = arith.addf %broadcast_in_dim3A_6, %broadcast_in_dim3A_26 : vector<1x64xf32>
    %get3A_28 = arith.constant 0 : index
    %get3A_29 = arith.constant 1 : index
    %get3A_30 = arith.constant 0 : index
    %get3A_31 = arith.constant 0 : index
    %get3A_32 = vector.load %arg2[%get3A_28, %get3A_29, %get3A_30, %get3A_31] : memref<1x20x256x16xf32, #tpu.memory_space<vmem>>, vector<1x1x256x3xf32>
    %get3A_33 = vector.shape_cast %get3A_32 : vector<1x1x256x3xf32> to vector<256x3xf32>
    %sub3A_34 = arith.subf %get3A_33, %get3A_3 : vector<256x3xf32>
    %concatenate3A_35 = tpu.concatenate %sub3A_34, %get3A_3 in 1 : vector<256x3xf32>, vector<256x3xf32> -> vector<256x6xf32>
    %get3A_36 = arith.constant 0 : index
    %get3A_37 = arith.constant 0 : index
    %get3A_38 = vector.load %arg4[%get3A_36, %get3A_37] : memref<6x64xf32, #tpu.memory_space<vmem>>, vector<6x64xf32>
    %dot_general3A_39 = arith.constant dense<0.000000e+00> : vector<256x64xf32>
    %dot_general3A_40 = tpu.matmul %concatenate3A_35, %get3A_38, %dot_general3A_39 {dimension_numbers = #tpu.dot_dimension_numbers<[1], [0], [0], [1], [0, 0, 1, 1], [], []>, transpose_lhs_hint = false} : vector<256x6xf32>, vector<6x64xf32>, vector<256x64xf32> -> vector<256x64xf32>
    %get3A_41 = arith.constant 0 : index
    %get3A_42 = arith.constant 0 : index
    %get3A_43 = vector.load %arg5[%get3A_41, %get3A_42] : memref<1x64xf32, #tpu.memory_space<vmem>>, vector<1x64xf32>
    %add3A_44 = vector.broadcast %get3A_43 : vector<1x64xf32> to vector<256x64xf32>
    %add3A_45 = arith.addf %dot_general3A_40, %add3A_44 : vector<256x64xf32>
    %reduce_sum3A_46 = arith.constant dense<0.000000e+00> : vector<64xf32>
    %reduce_sum3A_47 = vector.multi_reduction <add>, %add3A_45, %reduce_sum3A_46 [0] : vector<256x64xf32> to vector<64xf32>
    %broadcast_in_dim3A_48 = vector.shape_cast %reduce_sum3A_47 : vector<64xf32> to vector<1x64xf32>
    %add3A_49 = arith.addf %add3A_23, %broadcast_in_dim3A_48 : vector<1x64xf32>
    %mul3A_50 = arith.mulf %add3A_45, %add3A_45 : vector<256x64xf32>
    %reduce_sum3A_51 = arith.constant dense<0.000000e+00> : vector<64xf32>
    %reduce_sum3A_52 = vector.multi_reduction <add>, %mul3A_50, %reduce_sum3A_51 [0] : vector<256x64xf32> to vector<64xf32>
    %broadcast_in_dim3A_53 = vector.shape_cast %reduce_sum3A_52 : vector<64xf32> to vector<1x64xf32>
    %add3A_54 = arith.addf %add3A_27, %broadcast_in_dim3A_53 : vector<1x64xf32>
    %get3A_55 = arith.constant 0 : index
    %get3A_56 = arith.constant 2 : index
    %get3A_57 = arith.constant 0 : index
    %get3A_58 = arith.constant 0 : index
    %get3A_59 = vector.load %arg2[%get3A_55, %get3A_56, %get3A_57, %get3A_58] : memref<1x20x256x16xf32, #tpu.memory_space<vmem>>, vector<1x1x256x3xf32>
    %get3A_60 = vector.shape_cast %get3A_59 : vector<1x1x256x3xf32> to vector<256x3xf32>
    %sub3A_61 = arith.subf %get3A_60, %get3A_3 : vector<256x3xf32>
    %concatenate3A_62 = tpu.concatenate %sub3A_61, %get3A_3 in 1 : vector<256x3xf32>, vector<256x3xf32> -> vector<256x6xf32>
    %get3A_63 = arith.constant 0 : index
    %get3A_64 = arith.constant 0 : index
    %get3A_65 = vector.load %arg4[%get3A_63, %get3A_64] : memref<6x64xf32, #tpu.memory_space<vmem>>, vector<6x64xf32>
    %dot_general3A_66 = arith.constant dense<0.000000e+00> : vector<256x64xf32>
    %dot_general3A_67 = tpu.matmul %concatenate3A_62, %get3A_65, %dot_general3A_66 {dimension_numbers = #tpu.dot_dimension_numbers<[1], [0], [0], [1], [0, 0, 1, 1], [], []>, transpose_lhs_hint = false} : vector<256x6xf32>, vector<6x64xf32>, vector<256x64xf32> -> vector<256x64xf32>
    %get3A_68 = arith.constant 0 : index
    %get3A_69 = arith.constant 0 : index
    %get3A_70 = vector.load %arg5[%get3A_68, %get3A_69] : memref<1x64xf32, #tpu.memory_space<vmem>>, vector<1x64xf32>
    %add3A_71 = vector.broadcast %get3A_70 : vector<1x64xf32> to vector<256x64xf32>
    %add3A_72 = arith.addf %dot_general3A_67, %add3A_71 : vector<256x64xf32>
    %reduce_sum3A_73 = arith.constant dense<0.000000e+00> : vector<64xf32>
    %reduce_sum3A_74 = vector.multi_reduction <add>, %add3A_72, %reduce_sum3A_73 [0] : vector<256x64xf32> to vector<64xf32>
    %broadcast_in_dim3A_75 = vector.shape_cast %reduce_sum3A_74 : vector<64xf32> to vector<1x64xf32>
    %add3A_76 = arith.addf %add3A_49, %broadcast_in_dim3A_75 : vector<1x64xf32>
    %mul3A_77 = arith.mulf %add3A_72, %add3A_72 : vector<256x64xf32>
    %reduce_sum3A_78 = arith.constant dense<0.000000e+00> : vector<64xf32>
    %reduce_sum3A_79 = vector.multi_reduction <add>, %mul3A_77, %reduce_sum3A_78 [0] : vector<256x64xf32> to vector<64xf32>
    %broadcast_in_dim3A_80 = vector.shape_cast %reduce_sum3A_79 : vector<64xf32> to vector<1x64xf32>
    %add3A_81 = arith.addf %add3A_54, %broadcast_in_dim3A_80 : vector<1x64xf32>
    %get3A_82 = arith.constant 0 : index
    %get3A_83 = arith.constant 3 : index
    %get3A_84 = arith.constant 0 : index
    %get3A_85 = arith.constant 0 : index
    %get3A_86 = vector.load %arg2[%get3A_82, %get3A_83, %get3A_84, %get3A_85] : memref<1x20x256x16xf32, #tpu.memory_space<vmem>>, vector<1x1x256x3xf32>
    %get3A_87 = vector.shape_cast %get3A_86 : vector<1x1x256x3xf32> to vector<256x3xf32>
    %sub3A_88 = arith.subf %get3A_87, %get3A_3 : vector<256x3xf32>
    %concatenate3A_89 = tpu.concatenate %sub3A_88, %get3A_3 in 1 : vector<256x3xf32>, vector<256x3xf32> -> vector<256x6xf32>
    %get3A_90 = arith.constant 0 : index
    %get3A_91 = arith.constant 0 : index
    %get3A_92 = vector.load %arg4[%get3A_90, %get3A_91] : memref<6x64xf32, #tpu.memory_space<vmem>>, vector<6x64xf32>
    %dot_general3A_93 = arith.constant dense<0.000000e+00> : vector<256x64xf32>
    %dot_general3A_94 = tpu.matmul %concatenate3A_89, %get3A_92, %dot_general3A_93 {dimension_numbers = #tpu.dot_dimension_numbers<[1], [0], [0], [1], [0, 0, 1, 1], [], []>, transpose_lhs_hint = false} : vector<256x6xf32>, vector<6x64xf32>, vector<256x64xf32> -> vector<256x64xf32>
    %get3A_95 = arith.constant 0 : index
    %get3A_96 = arith.constant 0 : index
    %get3A_97 = vector.load %arg5[%get3A_95, %get3A_96] : memref<1x64xf32, #tpu.memory_space<vmem>>, vector<1x64xf32>
    %add3A_98 = vector.broadcast %get3A_97 : vector<1x64xf32> to vector<256x64xf32>
    %add3A_99 = arith.addf %dot_general3A_94, %add3A_98 : vector<256x64xf32>
    %reduce_sum3A_100 = arith.constant dense<0.000000e+00> : vector<64xf32>
    %reduce_sum3A_101 = vector.multi_reduction <add>, %add3A_99, %reduce_sum3A_100 [0] : vector<256x64xf32> to vector<64xf32>
    %broadcast_in_dim3A_102 = vector.shape_cast %reduce_sum3A_101 : vector<64xf32> to vector<1x64xf32>
    %add3A_103 = arith.addf %add3A_76, %broadcast_in_dim3A_102 : vector<1x64xf32>
    %mul3A_104 = arith.mulf %add3A_99, %add3A_99 : vector<256x64xf32>
    %reduce_sum3A_105 = arith.constant dense<0.000000e+00> : vector<64xf32>
    %reduce_sum3A_106 = vector.multi_reduction <add>, %mul3A_104, %reduce_sum3A_105 [0] : vector<256x64xf32> to vector<64xf32>
    %broadcast_in_dim3A_107 = vector.shape_cast %reduce_sum3A_106 : vector<64xf32> to vector<1x64xf32>
    %add3A_108 = arith.addf %add3A_81, %broadcast_in_dim3A_107 : vector<1x64xf32>
    %get3A_109 = arith.constant 0 : index
    %get3A_110 = arith.constant 4 : index
    %get3A_111 = arith.constant 0 : index
    %get3A_112 = arith.constant 0 : index
    %get3A_113 = vector.load %arg2[%get3A_109, %get3A_110, %get3A_111, %get3A_112] : memref<1x20x256x16xf32, #tpu.memory_space<vmem>>, vector<1x1x256x3xf32>
    %get3A_114 = vector.shape_cast %get3A_113 : vector<1x1x256x3xf32> to vector<256x3xf32>
    %sub3A_115 = arith.subf %get3A_114, %get3A_3 : vector<256x3xf32>
    %concatenate3A_116 = tpu.concatenate %sub3A_115, %get3A_3 in 1 : vector<256x3xf32>, vector<256x3xf32> -> vector<256x6xf32>
    %get3A_117 = arith.constant 0 : index
    %get3A_118 = arith.constant 0 : index
    %get3A_119 = vector.load %arg4[%get3A_117, %get3A_118] : memref<6x64xf32, #tpu.memory_space<vmem>>, vector<6x64xf32>
    %dot_general3A_120 = arith.constant dense<0.000000e+00> : vector<256x64xf32>
    %dot_general3A_121 = tpu.matmul %concatenate3A_116, %get3A_119, %dot_general3A_120 {dimension_numbers = #tpu.dot_dimension_numbers<[1], [0], [0], [1], [0, 0, 1, 1], [], []>, transpose_lhs_hint = false} : vector<256x6xf32>, vector<6x64xf32>, vector<256x64xf32> -> vector<256x64xf32>
    %get3A_122 = arith.constant 0 : index
    %get3A_123 = arith.constant 0 : index
    %get3A_124 = vector.load %arg5[%get3A_122, %get3A_123] : memref<1x64xf32, #tpu.memory_space<vmem>>, vector<1x64xf32>
    %add3A_125 = vector.broadcast %get3A_124 : vector<1x64xf32> to vector<256x64xf32>
    %add3A_126 = arith.addf %dot_general3A_121, %add3A_125 : vector<256x64xf32>
    %reduce_sum3A_127 = arith.constant dense<0.000000e+00> : vector<64xf32>
    %reduce_sum3A_128 = vector.multi_reduction <add>, %add3A_126, %reduce_sum3A_127 [0] : vector<256x64xf32> to vector<64xf32>
    %broadcast_in_dim3A_129 = vector.shape_cast %reduce_sum3A_128 : vector<64xf32> to vector<1x64xf32>
    %add3A_130 = arith.addf %add3A_103, %broadcast_in_dim3A_129 : vector<1x64xf32>
    %mul3A_131 = arith.mulf %add3A_126, %add3A_126 : vector<256x64xf32>
    %reduce_sum3A_132 = arith.constant dense<0.000000e+00> : vector<64xf32>
    %reduce_sum3A_133 = vector.multi_reduction <add>, %mul3A_131, %reduce_sum3A_132 [0] : vector<256x64xf32> to vector<64xf32>
    %broadcast_in_dim3A_134 = vector.shape_cast %reduce_sum3A_133 : vector<64xf32> to vector<1x64xf32>
    %add3A_135 = arith.addf %add3A_108, %broadcast_in_dim3A_134 : vector<1x64xf32>
    %get3A_136 = arith.constant 0 : index
    %get3A_137 = arith.constant 5 : index
    %get3A_138 = arith.constant 0 : index
    %get3A_139 = arith.constant 0 : index
    %get3A_140 = vector.load %arg2[%get3A_136, %get3A_137, %get3A_138, %get3A_139] : memref<1x20x256x16xf32, #tpu.memory_space<vmem>>, vector<1x1x256x3xf32>
    %get3A_141 = vector.shape_cast %get3A_140 : vector<1x1x256x3xf32> to vector<256x3xf32>
    %sub3A_142 = arith.subf %get3A_141, %get3A_3 : vector<256x3xf32>
    %concatenate3A_143 = tpu.concatenate %sub3A_142, %get3A_3 in 1 : vector<256x3xf32>, vector<256x3xf32> -> vector<256x6xf32>
    %get3A_144 = arith.constant 0 : index
    %get3A_145 = arith.constant 0 : index
    %get3A_146 = vector.load %arg4[%get3A_144, %get3A_145] : memref<6x64xf32, #tpu.memory_space<vmem>>, vector<6x64xf32>
    %dot_general3A_147 = arith.constant dense<0.000000e+00> : vector<256x64xf32>
    %dot_general3A_148 = tpu.matmul %concatenate3A_143, %get3A_146, %dot_general3A_147 {dimension_numbers = #tpu.dot_dimension_numbers<[1], [0], [0], [1], [0, 0, 1, 1], [], []>, transpose_lhs_hint = false} : vector<256x6xf32>, vector<6x64xf32>, vector<256x64xf32> -> vector<256x64xf32>
    %get3A_149 = arith.constant 0 : index
    %get3A_150 = arith.constant 0 : index
    %get3A_151 = vector.load %arg5[%get3A_149, %get3A_150] : memref<1x64xf32, #tpu.memory_space<vmem>>, vector<1x64xf32>
    %add3A_152 = vector.broadcast %get3A_151 : vector<1x64xf32> to vector<256x64xf32>
    %add3A_153 = arith.addf %dot_general3A_148, %add3A_152 : vector<256x64xf32>
    %reduce_sum3A_154 = arith.constant dense<0.000000e+00> : vector<64xf32>
    %reduce_sum3A_155 = vector.multi_reduction <add>, %add3A_153, %reduce_sum3A_154 [0] : vector<256x64xf32> to vector<64xf32>
    %broadcast_in_dim3A_156 = vector.shape_cast %reduce_sum3A_155 : vector<64xf32> to vector<1x64xf32>
    %add3A_157 = arith.addf %add3A_130, %broadcast_in_dim3A_156 : vector<1x64xf32>
    %mul3A_158 = arith.mulf %add3A_153, %add3A_153 : vector<256x64xf32>
    %reduce_sum3A_159 = arith.constant dense<0.000000e+00> : vector<64xf32>
    %reduce_sum3A_160 = vector.multi_reduction <add>, %mul3A_158, %reduce_sum3A_159 [0] : vector<256x64xf32> to vector<64xf32>
    %broadcast_in_dim3A_161 = vector.shape_cast %reduce_sum3A_160 : vector<64xf32> to vector<1x64xf32>
    %add3A_162 = arith.addf %add3A_135, %broadcast_in_dim3A_161 : vector<1x64xf32>
    %get3A_163 = arith.constant 0 : index
    %get3A_164 = arith.constant 6 : index
    %get3A_165 = arith.constant 0 : index
    %get3A_166 = arith.constant 0 : index
    %get3A_167 = vector.load %arg2[%get3A_163, %get3A_164, %get3A_165, %get3A_166] : memref<1x20x256x16xf32, #tpu.memory_space<vmem>>, vector<1x1x256x3xf32>
    %get3A_168 = vector.shape_cast %get3A_167 : vector<1x1x256x3xf32> to vector<256x3xf32>
    %sub3A_169 = arith.subf %get3A_168, %get3A_3 : vector<256x3xf32>
    %concatenate3A_170 = tpu.concatenate %sub3A_169, %get3A_3 in 1 : vector<256x3xf32>, vector<256x3xf32> -> vector<256x6xf32>
    %get3A_171 = arith.constant 0 : index
    %get3A_172 = arith.constant 0 : index
    %get3A_173 = vector.load %arg4[%get3A_171, %get3A_172] : memref<6x64xf32, #tpu.memory_space<vmem>>, vector<6x64xf32>
    %dot_general3A_174 = arith.constant dense<0.000000e+00> : vector<256x64xf32>
    %dot_general3A_175 = tpu.matmul %concatenate3A_170, %get3A_173, %dot_general3A_174 {dimension_numbers = #tpu.dot_dimension_numbers<[1], [0], [0], [1], [0, 0, 1, 1], [], []>, transpose_lhs_hint = false} : vector<256x6xf32>, vector<6x64xf32>, vector<256x64xf32> -> vector<256x64xf32>
    %get3A_176 = arith.constant 0 : index
    %get3A_177 = arith.constant 0 : index
    %get3A_178 = vector.load %arg5[%get3A_176, %get3A_177] : memref<1x64xf32, #tpu.memory_space<vmem>>, vector<1x64xf32>
    %add3A_179 = vector.broadcast %get3A_178 : vector<1x64xf32> to vector<256x64xf32>
    %add3A_180 = arith.addf %dot_general3A_175, %add3A_179 : vector<256x64xf32>
    %reduce_sum3A_181 = arith.constant dense<0.000000e+00> : vector<64xf32>
    %reduce_sum3A_182 = vector.multi_reduction <add>, %add3A_180, %reduce_sum3A_181 [0] : vector<256x64xf32> to vector<64xf32>
    %broadcast_in_dim3A_183 = vector.shape_cast %reduce_sum3A_182 : vector<64xf32> to vector<1x64xf32>
    %add3A_184 = arith.addf %add3A_157, %broadcast_in_dim3A_183 : vector<1x64xf32>
    %mul3A_185 = arith.mulf %add3A_180, %add3A_180 : vector<256x64xf32>
    %reduce_sum3A_186 = arith.constant dense<0.000000e+00> : vector<64xf32>
    %reduce_sum3A_187 = vector.multi_reduction <add>, %mul3A_185, %reduce_sum3A_186 [0] : vector<256x64xf32> to vector<64xf32>
    %broadcast_in_dim3A_188 = vector.shape_cast %reduce_sum3A_187 : vector<64xf32> to vector<1x64xf32>
    %add3A_189 = arith.addf %add3A_162, %broadcast_in_dim3A_188 : vector<1x64xf32>
    %get3A_190 = arith.constant 0 : index
    %get3A_191 = arith.constant 7 : index
    %get3A_192 = arith.constant 0 : index
    %get3A_193 = arith.constant 0 : index
    %get3A_194 = vector.load %arg2[%get3A_190, %get3A_191, %get3A_192, %get3A_193] : memref<1x20x256x16xf32, #tpu.memory_space<vmem>>, vector<1x1x256x3xf32>
    %get3A_195 = vector.shape_cast %get3A_194 : vector<1x1x256x3xf32> to vector<256x3xf32>
    %sub3A_196 = arith.subf %get3A_195, %get3A_3 : vector<256x3xf32>
    %concatenate3A_197 = tpu.concatenate %sub3A_196, %get3A_3 in 1 : vector<256x3xf32>, vector<256x3xf32> -> vector<256x6xf32>
    %get3A_198 = arith.constant 0 : index
    %get3A_199 = arith.constant 0 : index
    %get3A_200 = vector.load %arg4[%get3A_198, %get3A_199] : memref<6x64xf32, #tpu.memory_space<vmem>>, vector<6x64xf32>
    %dot_general3A_201 = arith.constant dense<0.000000e+00> : vector<256x64xf32>
    %dot_general3A_202 = tpu.matmul %concatenate3A_197, %get3A_200, %dot_general3A_201 {dimension_numbers = #tpu.dot_dimension_numbers<[1], [0], [0], [1], [0, 0, 1, 1], [], []>, transpose_lhs_hint = false} : vector<256x6xf32>, vector<6x64xf32>, vector<256x64xf32> -> vector<256x64xf32>
    %get3A_203 = arith.constant 0 : index
    %get3A_204 = arith.constant 0 : index
    %get3A_205 = vector.load %arg5[%get3A_203, %get3A_204] : memref<1x64xf32, #tpu.memory_space<vmem>>, vector<1x64xf32>
    %add3A_206 = vector.broadcast %get3A_205 : vector<1x64xf32> to vector<256x64xf32>
    %add3A_207 = arith.addf %dot_general3A_202, %add3A_206 : vector<256x64xf32>
    %reduce_sum3A_208 = arith.constant dense<0.000000e+00> : vector<64xf32>
    %reduce_sum3A_209 = vector.multi_reduction <add>, %add3A_207, %reduce_sum3A_208 [0] : vector<256x64xf32> to vector<64xf32>
    %broadcast_in_dim3A_210 = vector.shape_cast %reduce_sum3A_209 : vector<64xf32> to vector<1x64xf32>
    %add3A_211 = arith.addf %add3A_184, %broadcast_in_dim3A_210 : vector<1x64xf32>
    %mul3A_212 = arith.mulf %add3A_207, %add3A_207 : vector<256x64xf32>
    %reduce_sum3A_213 = arith.constant dense<0.000000e+00> : vector<64xf32>
    %reduce_sum3A_214 = vector.multi_reduction <add>, %mul3A_212, %reduce_sum3A_213 [0] : vector<256x64xf32> to vector<64xf32>
    %broadcast_in_dim3A_215 = vector.shape_cast %reduce_sum3A_214 : vector<64xf32> to vector<1x64xf32>
    %add3A_216 = arith.addf %add3A_189, %broadcast_in_dim3A_215 : vector<1x64xf32>
    %get3A_217 = arith.constant 0 : index
    %get3A_218 = arith.constant 8 : index
    %get3A_219 = arith.constant 0 : index
    %get3A_220 = arith.constant 0 : index
    %get3A_221 = vector.load %arg2[%get3A_217, %get3A_218, %get3A_219, %get3A_220] : memref<1x20x256x16xf32, #tpu.memory_space<vmem>>, vector<1x1x256x3xf32>
    %get3A_222 = vector.shape_cast %get3A_221 : vector<1x1x256x3xf32> to vector<256x3xf32>
    %sub3A_223 = arith.subf %get3A_222, %get3A_3 : vector<256x3xf32>
    %concatenate3A_224 = tpu.concatenate %sub3A_223, %get3A_3 in 1 : vector<256x3xf32>, vector<256x3xf32> -> vector<256x6xf32>
    %get3A_225 = arith.constant 0 : index
    %get3A_226 = arith.constant 0 : index
    %get3A_227 = vector.load %arg4[%get3A_225, %get3A_226] : memref<6x64xf32, #tpu.memory_space<vmem>>, vector<6x64xf32>
    %dot_general3A_228 = arith.constant dense<0.000000e+00> : vector<256x64xf32>
    %dot_general3A_229 = tpu.matmul %concatenate3A_224, %get3A_227, %dot_general3A_228 {dimension_numbers = #tpu.dot_dimension_numbers<[1], [0], [0], [1], [0, 0, 1, 1], [], []>, transpose_lhs_hint = false} : vector<256x6xf32>, vector<6x64xf32>, vector<256x64xf32> -> vector<256x64xf32>
    %get3A_230 = arith.constant 0 : index
    %get3A_231 = arith.constant 0 : index
    %get3A_232 = vector.load %arg5[%get3A_230, %get3A_231] : memref<1x64xf32, #tpu.memory_space<vmem>>, vector<1x64xf32>
    %add3A_233 = vector.broadcast %get3A_232 : vector<1x64xf32> to vector<256x64xf32>
    %add3A_234 = arith.addf %dot_general3A_229, %add3A_233 : vector<256x64xf32>
    %reduce_sum3A_235 = arith.constant dense<0.000000e+00> : vector<64xf32>
    %reduce_sum3A_236 = vector.multi_reduction <add>, %add3A_234, %reduce_sum3A_235 [0] : vector<256x64xf32> to vector<64xf32>
    %broadcast_in_dim3A_237 = vector.shape_cast %reduce_sum3A_236 : vector<64xf32> to vector<1x64xf32>
    %add3A_238 = arith.addf %add3A_211, %broadcast_in_dim3A_237 : vector<1x64xf32>
    %mul3A_239 = arith.mulf %add3A_234, %add3A_234 : vector<256x64xf32>
    %reduce_sum3A_240 = arith.constant dense<0.000000e+00> : vector<64xf32>
    %reduce_sum3A_241 = vector.multi_reduction <add>, %mul3A_239, %reduce_sum3A_240 [0] : vector<256x64xf32> to vector<64xf32>
    %broadcast_in_dim3A_242 = vector.shape_cast %reduce_sum3A_241 : vector<64xf32> to vector<1x64xf32>
    %add3A_243 = arith.addf %add3A_216, %broadcast_in_dim3A_242 : vector<1x64xf32>
    %get3A_244 = arith.constant 0 : index
    %get3A_245 = arith.constant 9 : index
    %get3A_246 = arith.constant 0 : index
    %get3A_247 = arith.constant 0 : index
    %get3A_248 = vector.load %arg2[%get3A_244, %get3A_245, %get3A_246, %get3A_247] : memref<1x20x256x16xf32, #tpu.memory_space<vmem>>, vector<1x1x256x3xf32>
    %get3A_249 = vector.shape_cast %get3A_248 : vector<1x1x256x3xf32> to vector<256x3xf32>
    %sub3A_250 = arith.subf %get3A_249, %get3A_3 : vector<256x3xf32>
    %concatenate3A_251 = tpu.concatenate %sub3A_250, %get3A_3 in 1 : vector<256x3xf32>, vector<256x3xf32> -> vector<256x6xf32>
    %get3A_252 = arith.constant 0 : index
    %get3A_253 = arith.constant 0 : index
    %get3A_254 = vector.load %arg4[%get3A_252, %get3A_253] : memref<6x64xf32, #tpu.memory_space<vmem>>, vector<6x64xf32>
    %dot_general3A_255 = arith.constant dense<0.000000e+00> : vector<256x64xf32>
    %dot_general3A_256 = tpu.matmul %concatenate3A_251, %get3A_254, %dot_general3A_255 {dimension_numbers = #tpu.dot_dimension_numbers<[1], [0], [0], [1], [0, 0, 1, 1], [], []>, transpose_lhs_hint = false} : vector<256x6xf32>, vector<6x64xf32>, vector<256x64xf32> -> vector<256x64xf32>
    %get3A_257 = arith.constant 0 : index
    %get3A_258 = arith.constant 0 : index
    %get3A_259 = vector.load %arg5[%get3A_257, %get3A_258] : memref<1x64xf32, #tpu.memory_space<vmem>>, vector<1x64xf32>
    %add3A_260 = vector.broadcast %get3A_259 : vector<1x64xf32> to vector<256x64xf32>
    %add3A_261 = arith.addf %dot_general3A_256, %add3A_260 : vector<256x64xf32>
    %reduce_sum3A_262 = arith.constant dense<0.000000e+00> : vector<64xf32>
    %reduce_sum3A_263 = vector.multi_reduction <add>, %add3A_261, %reduce_sum3A_262 [0] : vector<256x64xf32> to vector<64xf32>
    %broadcast_in_dim3A_264 = vector.shape_cast %reduce_sum3A_263 : vector<64xf32> to vector<1x64xf32>
    %add3A_265 = arith.addf %add3A_238, %broadcast_in_dim3A_264 : vector<1x64xf32>
    %mul3A_266 = arith.mulf %add3A_261, %add3A_261 : vector<256x64xf32>
    %reduce_sum3A_267 = arith.constant dense<0.000000e+00> : vector<64xf32>
    %reduce_sum3A_268 = vector.multi_reduction <add>, %mul3A_266, %reduce_sum3A_267 [0] : vector<256x64xf32> to vector<64xf32>
    %broadcast_in_dim3A_269 = vector.shape_cast %reduce_sum3A_268 : vector<64xf32> to vector<1x64xf32>
    %add3A_270 = arith.addf %add3A_243, %broadcast_in_dim3A_269 : vector<1x64xf32>
    %get3A_271 = arith.constant 0 : index
    %get3A_272 = arith.constant 10 : index
    %get3A_273 = arith.constant 0 : index
    %get3A_274 = arith.constant 0 : index
    %get3A_275 = vector.load %arg2[%get3A_271, %get3A_272, %get3A_273, %get3A_274] : memref<1x20x256x16xf32, #tpu.memory_space<vmem>>, vector<1x1x256x3xf32>
    %get3A_276 = vector.shape_cast %get3A_275 : vector<1x1x256x3xf32> to vector<256x3xf32>
    %sub3A_277 = arith.subf %get3A_276, %get3A_3 : vector<256x3xf32>
    %concatenate3A_278 = tpu.concatenate %sub3A_277, %get3A_3 in 1 : vector<256x3xf32>, vector<256x3xf32> -> vector<256x6xf32>
    %get3A_279 = arith.constant 0 : index
    %get3A_280 = arith.constant 0 : index
    %get3A_281 = vector.load %arg4[%get3A_279, %get3A_280] : memref<6x64xf32, #tpu.memory_space<vmem>>, vector<6x64xf32>
    %dot_general3A_282 = arith.constant dense<0.000000e+00> : vector<256x64xf32>
    %dot_general3A_283 = tpu.matmul %concatenate3A_278, %get3A_281, %dot_general3A_282 {dimension_numbers = #tpu.dot_dimension_numbers<[1], [0], [0], [1], [0, 0, 1, 1], [], []>, transpose_lhs_hint = false} : vector<256x6xf32>, vector<6x64xf32>, vector<256x64xf32> -> vector<256x64xf32>
    %get3A_284 = arith.constant 0 : index
    %get3A_285 = arith.constant 0 : index
    %get3A_286 = vector.load %arg5[%get3A_284, %get3A_285] : memref<1x64xf32, #tpu.memory_space<vmem>>, vector<1x64xf32>
    %add3A_287 = vector.broadcast %get3A_286 : vector<1x64xf32> to vector<256x64xf32>
    %add3A_288 = arith.addf %dot_general3A_283, %add3A_287 : vector<256x64xf32>
    %reduce_sum3A_289 = arith.constant dense<0.000000e+00> : vector<64xf32>
    %reduce_sum3A_290 = vector.multi_reduction <add>, %add3A_288, %reduce_sum3A_289 [0] : vector<256x64xf32> to vector<64xf32>
    %broadcast_in_dim3A_291 = vector.shape_cast %reduce_sum3A_290 : vector<64xf32> to vector<1x64xf32>
    %add3A_292 = arith.addf %add3A_265, %broadcast_in_dim3A_291 : vector<1x64xf32>
    %mul3A_293 = arith.mulf %add3A_288, %add3A_288 : vector<256x64xf32>
    %reduce_sum3A_294 = arith.constant dense<0.000000e+00> : vector<64xf32>
    %reduce_sum3A_295 = vector.multi_reduction <add>, %mul3A_293, %reduce_sum3A_294 [0] : vector<256x64xf32> to vector<64xf32>
    %broadcast_in_dim3A_296 = vector.shape_cast %reduce_sum3A_295 : vector<64xf32> to vector<1x64xf32>
    %add3A_297 = arith.addf %add3A_270, %broadcast_in_dim3A_296 : vector<1x64xf32>
    %get3A_298 = arith.constant 0 : index
    %get3A_299 = arith.constant 11 : index
    %get3A_300 = arith.constant 0 : index
    %get3A_301 = arith.constant 0 : index
    %get3A_302 = vector.load %arg2[%get3A_298, %get3A_299, %get3A_300, %get3A_301] : memref<1x20x256x16xf32, #tpu.memory_space<vmem>>, vector<1x1x256x3xf32>
    %get3A_303 = vector.shape_cast %get3A_302 : vector<1x1x256x3xf32> to vector<256x3xf32>
    %sub3A_304 = arith.subf %get3A_303, %get3A_3 : vector<256x3xf32>
    %concatenate3A_305 = tpu.concatenate %sub3A_304, %get3A_3 in 1 : vector<256x3xf32>, vector<256x3xf32> -> vector<256x6xf32>
    %get3A_306 = arith.constant 0 : index
    %get3A_307 = arith.constant 0 : index
    %get3A_308 = vector.load %arg4[%get3A_306, %get3A_307] : memref<6x64xf32, #tpu.memory_space<vmem>>, vector<6x64xf32>
    %dot_general3A_309 = arith.constant dense<0.000000e+00> : vector<256x64xf32>
    %dot_general3A_310 = tpu.matmul %concatenate3A_305, %get3A_308, %dot_general3A_309 {dimension_numbers = #tpu.dot_dimension_numbers<[1], [0], [0], [1], [0, 0, 1, 1], [], []>, transpose_lhs_hint = false} : vector<256x6xf32>, vector<6x64xf32>, vector<256x64xf32> -> vector<256x64xf32>
    %get3A_311 = arith.constant 0 : index
    %get3A_312 = arith.constant 0 : index
    %get3A_313 = vector.load %arg5[%get3A_311, %get3A_312] : memref<1x64xf32, #tpu.memory_space<vmem>>, vector<1x64xf32>
    %add3A_314 = vector.broadcast %get3A_313 : vector<1x64xf32> to vector<256x64xf32>
    %add3A_315 = arith.addf %dot_general3A_310, %add3A_314 : vector<256x64xf32>
    %reduce_sum3A_316 = arith.constant dense<0.000000e+00> : vector<64xf32>
    %reduce_sum3A_317 = vector.multi_reduction <add>, %add3A_315, %reduce_sum3A_316 [0] : vector<256x64xf32> to vector<64xf32>
    %broadcast_in_dim3A_318 = vector.shape_cast %reduce_sum3A_317 : vector<64xf32> to vector<1x64xf32>
    %add3A_319 = arith.addf %add3A_292, %broadcast_in_dim3A_318 : vector<1x64xf32>
    %mul3A_320 = arith.mulf %add3A_315, %add3A_315 : vector<256x64xf32>
    %reduce_sum3A_321 = arith.constant dense<0.000000e+00> : vector<64xf32>
    %reduce_sum3A_322 = vector.multi_reduction <add>, %mul3A_320, %reduce_sum3A_321 [0] : vector<256x64xf32> to vector<64xf32>
    %broadcast_in_dim3A_323 = vector.shape_cast %reduce_sum3A_322 : vector<64xf32> to vector<1x64xf32>
    %add3A_324 = arith.addf %add3A_297, %broadcast_in_dim3A_323 : vector<1x64xf32>
    %get3A_325 = arith.constant 0 : index
    %get3A_326 = arith.constant 12 : index
    %get3A_327 = arith.constant 0 : index
    %get3A_328 = arith.constant 0 : index
    %get3A_329 = vector.load %arg2[%get3A_325, %get3A_326, %get3A_327, %get3A_328] : memref<1x20x256x16xf32, #tpu.memory_space<vmem>>, vector<1x1x256x3xf32>
    %get3A_330 = vector.shape_cast %get3A_329 : vector<1x1x256x3xf32> to vector<256x3xf32>
    %sub3A_331 = arith.subf %get3A_330, %get3A_3 : vector<256x3xf32>
    %concatenate3A_332 = tpu.concatenate %sub3A_331, %get3A_3 in 1 : vector<256x3xf32>, vector<256x3xf32> -> vector<256x6xf32>
    %get3A_333 = arith.constant 0 : index
    %get3A_334 = arith.constant 0 : index
    %get3A_335 = vector.load %arg4[%get3A_333, %get3A_334] : memref<6x64xf32, #tpu.memory_space<vmem>>, vector<6x64xf32>
    %dot_general3A_336 = arith.constant dense<0.000000e+00> : vector<256x64xf32>
    %dot_general3A_337 = tpu.matmul %concatenate3A_332, %get3A_335, %dot_general3A_336 {dimension_numbers = #tpu.dot_dimension_numbers<[1], [0], [0], [1], [0, 0, 1, 1], [], []>, transpose_lhs_hint = false} : vector<256x6xf32>, vector<6x64xf32>, vector<256x64xf32> -> vector<256x64xf32>
    %get3A_338 = arith.constant 0 : index
    %get3A_339 = arith.constant 0 : index
    %get3A_340 = vector.load %arg5[%get3A_338, %get3A_339] : memref<1x64xf32, #tpu.memory_space<vmem>>, vector<1x64xf32>
    %add3A_341 = vector.broadcast %get3A_340 : vector<1x64xf32> to vector<256x64xf32>
    %add3A_342 = arith.addf %dot_general3A_337, %add3A_341 : vector<256x64xf32>
    %reduce_sum3A_343 = arith.constant dense<0.000000e+00> : vector<64xf32>
    %reduce_sum3A_344 = vector.multi_reduction <add>, %add3A_342, %reduce_sum3A_343 [0] : vector<256x64xf32> to vector<64xf32>
    %broadcast_in_dim3A_345 = vector.shape_cast %reduce_sum3A_344 : vector<64xf32> to vector<1x64xf32>
    %add3A_346 = arith.addf %add3A_319, %broadcast_in_dim3A_345 : vector<1x64xf32>
    %mul3A_347 = arith.mulf %add3A_342, %add3A_342 : vector<256x64xf32>
    %reduce_sum3A_348 = arith.constant dense<0.000000e+00> : vector<64xf32>
    %reduce_sum3A_349 = vector.multi_reduction <add>, %mul3A_347, %reduce_sum3A_348 [0] : vector<256x64xf32> to vector<64xf32>
    %broadcast_in_dim3A_350 = vector.shape_cast %reduce_sum3A_349 : vector<64xf32> to vector<1x64xf32>
    %add3A_351 = arith.addf %add3A_324, %broadcast_in_dim3A_350 : vector<1x64xf32>
    %get3A_352 = arith.constant 0 : index
    %get3A_353 = arith.constant 13 : index
    %get3A_354 = arith.constant 0 : index
    %get3A_355 = arith.constant 0 : index
    %get3A_356 = vector.load %arg2[%get3A_352, %get3A_353, %get3A_354, %get3A_355] : memref<1x20x256x16xf32, #tpu.memory_space<vmem>>, vector<1x1x256x3xf32>
    %get3A_357 = vector.shape_cast %get3A_356 : vector<1x1x256x3xf32> to vector<256x3xf32>
    %sub3A_358 = arith.subf %get3A_357, %get3A_3 : vector<256x3xf32>
    %concatenate3A_359 = tpu.concatenate %sub3A_358, %get3A_3 in 1 : vector<256x3xf32>, vector<256x3xf32> -> vector<256x6xf32>
    %get3A_360 = arith.constant 0 : index
    %get3A_361 = arith.constant 0 : index
    %get3A_362 = vector.load %arg4[%get3A_360, %get3A_361] : memref<6x64xf32, #tpu.memory_space<vmem>>, vector<6x64xf32>
    %dot_general3A_363 = arith.constant dense<0.000000e+00> : vector<256x64xf32>
    %dot_general3A_364 = tpu.matmul %concatenate3A_359, %get3A_362, %dot_general3A_363 {dimension_numbers = #tpu.dot_dimension_numbers<[1], [0], [0], [1], [0, 0, 1, 1], [], []>, transpose_lhs_hint = false} : vector<256x6xf32>, vector<6x64xf32>, vector<256x64xf32> -> vector<256x64xf32>
    %get3A_365 = arith.constant 0 : index
    %get3A_366 = arith.constant 0 : index
    %get3A_367 = vector.load %arg5[%get3A_365, %get3A_366] : memref<1x64xf32, #tpu.memory_space<vmem>>, vector<1x64xf32>
    %add3A_368 = vector.broadcast %get3A_367 : vector<1x64xf32> to vector<256x64xf32>
    %add3A_369 = arith.addf %dot_general3A_364, %add3A_368 : vector<256x64xf32>
    %reduce_sum3A_370 = arith.constant dense<0.000000e+00> : vector<64xf32>
    %reduce_sum3A_371 = vector.multi_reduction <add>, %add3A_369, %reduce_sum3A_370 [0] : vector<256x64xf32> to vector<64xf32>
    %broadcast_in_dim3A_372 = vector.shape_cast %reduce_sum3A_371 : vector<64xf32> to vector<1x64xf32>
    %add3A_373 = arith.addf %add3A_346, %broadcast_in_dim3A_372 : vector<1x64xf32>
    %mul3A_374 = arith.mulf %add3A_369, %add3A_369 : vector<256x64xf32>
    %reduce_sum3A_375 = arith.constant dense<0.000000e+00> : vector<64xf32>
    %reduce_sum3A_376 = vector.multi_reduction <add>, %mul3A_374, %reduce_sum3A_375 [0] : vector<256x64xf32> to vector<64xf32>
    %broadcast_in_dim3A_377 = vector.shape_cast %reduce_sum3A_376 : vector<64xf32> to vector<1x64xf32>
    %add3A_378 = arith.addf %add3A_351, %broadcast_in_dim3A_377 : vector<1x64xf32>
    %get3A_379 = arith.constant 0 : index
    %get3A_380 = arith.constant 14 : index
    %get3A_381 = arith.constant 0 : index
    %get3A_382 = arith.constant 0 : index
    %get3A_383 = vector.load %arg2[%get3A_379, %get3A_380, %get3A_381, %get3A_382] : memref<1x20x256x16xf32, #tpu.memory_space<vmem>>, vector<1x1x256x3xf32>
    %get3A_384 = vector.shape_cast %get3A_383 : vector<1x1x256x3xf32> to vector<256x3xf32>
    %sub3A_385 = arith.subf %get3A_384, %get3A_3 : vector<256x3xf32>
    %concatenate3A_386 = tpu.concatenate %sub3A_385, %get3A_3 in 1 : vector<256x3xf32>, vector<256x3xf32> -> vector<256x6xf32>
    %get3A_387 = arith.constant 0 : index
    %get3A_388 = arith.constant 0 : index
    %get3A_389 = vector.load %arg4[%get3A_387, %get3A_388] : memref<6x64xf32, #tpu.memory_space<vmem>>, vector<6x64xf32>
    %dot_general3A_390 = arith.constant dense<0.000000e+00> : vector<256x64xf32>
    %dot_general3A_391 = tpu.matmul %concatenate3A_386, %get3A_389, %dot_general3A_390 {dimension_numbers = #tpu.dot_dimension_numbers<[1], [0], [0], [1], [0, 0, 1, 1], [], []>, transpose_lhs_hint = false} : vector<256x6xf32>, vector<6x64xf32>, vector<256x64xf32> -> vector<256x64xf32>
    %get3A_392 = arith.constant 0 : index
    %get3A_393 = arith.constant 0 : index
    %get3A_394 = vector.load %arg5[%get3A_392, %get3A_393] : memref<1x64xf32, #tpu.memory_space<vmem>>, vector<1x64xf32>
    %add3A_395 = vector.broadcast %get3A_394 : vector<1x64xf32> to vector<256x64xf32>
    %add3A_396 = arith.addf %dot_general3A_391, %add3A_395 : vector<256x64xf32>
    %reduce_sum3A_397 = arith.constant dense<0.000000e+00> : vector<64xf32>
    %reduce_sum3A_398 = vector.multi_reduction <add>, %add3A_396, %reduce_sum3A_397 [0] : vector<256x64xf32> to vector<64xf32>
    %broadcast_in_dim3A_399 = vector.shape_cast %reduce_sum3A_398 : vector<64xf32> to vector<1x64xf32>
    %add3A_400 = arith.addf %add3A_373, %broadcast_in_dim3A_399 : vector<1x64xf32>
    %mul3A_401 = arith.mulf %add3A_396, %add3A_396 : vector<256x64xf32>
    %reduce_sum3A_402 = arith.constant dense<0.000000e+00> : vector<64xf32>
    %reduce_sum3A_403 = vector.multi_reduction <add>, %mul3A_401, %reduce_sum3A_402 [0] : vector<256x64xf32> to vector<64xf32>
    %broadcast_in_dim3A_404 = vector.shape_cast %reduce_sum3A_403 : vector<64xf32> to vector<1x64xf32>
    %add3A_405 = arith.addf %add3A_378, %broadcast_in_dim3A_404 : vector<1x64xf32>
    %get3A_406 = arith.constant 0 : index
    %get3A_407 = arith.constant 15 : index
    %get3A_408 = arith.constant 0 : index
    %get3A_409 = arith.constant 0 : index
    %get3A_410 = vector.load %arg2[%get3A_406, %get3A_407, %get3A_408, %get3A_409] : memref<1x20x256x16xf32, #tpu.memory_space<vmem>>, vector<1x1x256x3xf32>
    %get3A_411 = vector.shape_cast %get3A_410 : vector<1x1x256x3xf32> to vector<256x3xf32>
    %sub3A_412 = arith.subf %get3A_411, %get3A_3 : vector<256x3xf32>
    %concatenate3A_413 = tpu.concatenate %sub3A_412, %get3A_3 in 1 : vector<256x3xf32>, vector<256x3xf32> -> vector<256x6xf32>
    %get3A_414 = arith.constant 0 : index
    %get3A_415 = arith.constant 0 : index
    %get3A_416 = vector.load %arg4[%get3A_414, %get3A_415] : memref<6x64xf32, #tpu.memory_space<vmem>>, vector<6x64xf32>
    %dot_general3A_417 = arith.constant dense<0.000000e+00> : vector<256x64xf32>
    %dot_general3A_418 = tpu.matmul %concatenate3A_413, %get3A_416, %dot_general3A_417 {dimension_numbers = #tpu.dot_dimension_numbers<[1], [0], [0], [1], [0, 0, 1, 1], [], []>, transpose_lhs_hint = false} : vector<256x6xf32>, vector<6x64xf32>, vector<256x64xf32> -> vector<256x64xf32>
    %get3A_419 = arith.constant 0 : index
    %get3A_420 = arith.constant 0 : index
    %get3A_421 = vector.load %arg5[%get3A_419, %get3A_420] : memref<1x64xf32, #tpu.memory_space<vmem>>, vector<1x64xf32>
    %add3A_422 = vector.broadcast %get3A_421 : vector<1x64xf32> to vector<256x64xf32>
    %add3A_423 = arith.addf %dot_general3A_418, %add3A_422 : vector<256x64xf32>
    %reduce_sum3A_424 = arith.constant dense<0.000000e+00> : vector<64xf32>
    %reduce_sum3A_425 = vector.multi_reduction <add>, %add3A_423, %reduce_sum3A_424 [0] : vector<256x64xf32> to vector<64xf32>
    %broadcast_in_dim3A_426 = vector.shape_cast %reduce_sum3A_425 : vector<64xf32> to vector<1x64xf32>
    %add3A_427 = arith.addf %add3A_400, %broadcast_in_dim3A_426 : vector<1x64xf32>
    %mul3A_428 = arith.mulf %add3A_423, %add3A_423 : vector<256x64xf32>
    %reduce_sum3A_429 = arith.constant dense<0.000000e+00> : vector<64xf32>
    %reduce_sum3A_430 = vector.multi_reduction <add>, %mul3A_428, %reduce_sum3A_429 [0] : vector<256x64xf32> to vector<64xf32>
    %broadcast_in_dim3A_431 = vector.shape_cast %reduce_sum3A_430 : vector<64xf32> to vector<1x64xf32>
    %add3A_432 = arith.addf %add3A_405, %broadcast_in_dim3A_431 : vector<1x64xf32>
    %get3A_433 = arith.constant 0 : index
    %get3A_434 = arith.constant 16 : index
    %get3A_435 = arith.constant 0 : index
    %get3A_436 = arith.constant 0 : index
    %get3A_437 = vector.load %arg2[%get3A_433, %get3A_434, %get3A_435, %get3A_436] : memref<1x20x256x16xf32, #tpu.memory_space<vmem>>, vector<1x1x256x3xf32>
    %get3A_438 = vector.shape_cast %get3A_437 : vector<1x1x256x3xf32> to vector<256x3xf32>
    %sub3A_439 = arith.subf %get3A_438, %get3A_3 : vector<256x3xf32>
    %concatenate3A_440 = tpu.concatenate %sub3A_439, %get3A_3 in 1 : vector<256x3xf32>, vector<256x3xf32> -> vector<256x6xf32>
    %get3A_441 = arith.constant 0 : index
    %get3A_442 = arith.constant 0 : index
    %get3A_443 = vector.load %arg4[%get3A_441, %get3A_442] : memref<6x64xf32, #tpu.memory_space<vmem>>, vector<6x64xf32>
    %dot_general3A_444 = arith.constant dense<0.000000e+00> : vector<256x64xf32>
    %dot_general3A_445 = tpu.matmul %concatenate3A_440, %get3A_443, %dot_general3A_444 {dimension_numbers = #tpu.dot_dimension_numbers<[1], [0], [0], [1], [0, 0, 1, 1], [], []>, transpose_lhs_hint = false} : vector<256x6xf32>, vector<6x64xf32>, vector<256x64xf32> -> vector<256x64xf32>
    %get3A_446 = arith.constant 0 : index
    %get3A_447 = arith.constant 0 : index
    %get3A_448 = vector.load %arg5[%get3A_446, %get3A_447] : memref<1x64xf32, #tpu.memory_space<vmem>>, vector<1x64xf32>
    %add3A_449 = vector.broadcast %get3A_448 : vector<1x64xf32> to vector<256x64xf32>
    %add3A_450 = arith.addf %dot_general3A_445, %add3A_449 : vector<256x64xf32>
    %reduce_sum3A_451 = arith.constant dense<0.000000e+00> : vector<64xf32>
    %reduce_sum3A_452 = vector.multi_reduction <add>, %add3A_450, %reduce_sum3A_451 [0] : vector<256x64xf32> to vector<64xf32>
    %broadcast_in_dim3A_453 = vector.shape_cast %reduce_sum3A_452 : vector<64xf32> to vector<1x64xf32>
    %add3A_454 = arith.addf %add3A_427, %broadcast_in_dim3A_453 : vector<1x64xf32>
    %mul3A_455 = arith.mulf %add3A_450, %add3A_450 : vector<256x64xf32>
    %reduce_sum3A_456 = arith.constant dense<0.000000e+00> : vector<64xf32>
    %reduce_sum3A_457 = vector.multi_reduction <add>, %mul3A_455, %reduce_sum3A_456 [0] : vector<256x64xf32> to vector<64xf32>
    %broadcast_in_dim3A_458 = vector.shape_cast %reduce_sum3A_457 : vector<64xf32> to vector<1x64xf32>
    %add3A_459 = arith.addf %add3A_432, %broadcast_in_dim3A_458 : vector<1x64xf32>
    %get3A_460 = arith.constant 0 : index
    %get3A_461 = arith.constant 17 : index
    %get3A_462 = arith.constant 0 : index
    %get3A_463 = arith.constant 0 : index
    %get3A_464 = vector.load %arg2[%get3A_460, %get3A_461, %get3A_462, %get3A_463] : memref<1x20x256x16xf32, #tpu.memory_space<vmem>>, vector<1x1x256x3xf32>
    %get3A_465 = vector.shape_cast %get3A_464 : vector<1x1x256x3xf32> to vector<256x3xf32>
    %sub3A_466 = arith.subf %get3A_465, %get3A_3 : vector<256x3xf32>
    %concatenate3A_467 = tpu.concatenate %sub3A_466, %get3A_3 in 1 : vector<256x3xf32>, vector<256x3xf32> -> vector<256x6xf32>
    %get3A_468 = arith.constant 0 : index
    %get3A_469 = arith.constant 0 : index
    %get3A_470 = vector.load %arg4[%get3A_468, %get3A_469] : memref<6x64xf32, #tpu.memory_space<vmem>>, vector<6x64xf32>
    %dot_general3A_471 = arith.constant dense<0.000000e+00> : vector<256x64xf32>
    %dot_general3A_472 = tpu.matmul %concatenate3A_467, %get3A_470, %dot_general3A_471 {dimension_numbers = #tpu.dot_dimension_numbers<[1], [0], [0], [1], [0, 0, 1, 1], [], []>, transpose_lhs_hint = false} : vector<256x6xf32>, vector<6x64xf32>, vector<256x64xf32> -> vector<256x64xf32>
    %get3A_473 = arith.constant 0 : index
    %get3A_474 = arith.constant 0 : index
    %get3A_475 = vector.load %arg5[%get3A_473, %get3A_474] : memref<1x64xf32, #tpu.memory_space<vmem>>, vector<1x64xf32>
    %add3A_476 = vector.broadcast %get3A_475 : vector<1x64xf32> to vector<256x64xf32>
    %add3A_477 = arith.addf %dot_general3A_472, %add3A_476 : vector<256x64xf32>
    %reduce_sum3A_478 = arith.constant dense<0.000000e+00> : vector<64xf32>
    %reduce_sum3A_479 = vector.multi_reduction <add>, %add3A_477, %reduce_sum3A_478 [0] : vector<256x64xf32> to vector<64xf32>
    %broadcast_in_dim3A_480 = vector.shape_cast %reduce_sum3A_479 : vector<64xf32> to vector<1x64xf32>
    %add3A_481 = arith.addf %add3A_454, %broadcast_in_dim3A_480 : vector<1x64xf32>
    %mul3A_482 = arith.mulf %add3A_477, %add3A_477 : vector<256x64xf32>
    %reduce_sum3A_483 = arith.constant dense<0.000000e+00> : vector<64xf32>
    %reduce_sum3A_484 = vector.multi_reduction <add>, %mul3A_482, %reduce_sum3A_483 [0] : vector<256x64xf32> to vector<64xf32>
    %broadcast_in_dim3A_485 = vector.shape_cast %reduce_sum3A_484 : vector<64xf32> to vector<1x64xf32>
    %add3A_486 = arith.addf %add3A_459, %broadcast_in_dim3A_485 : vector<1x64xf32>
    %get3A_487 = arith.constant 0 : index
    %get3A_488 = arith.constant 18 : index
    %get3A_489 = arith.constant 0 : index
    %get3A_490 = arith.constant 0 : index
    %get3A_491 = vector.load %arg2[%get3A_487, %get3A_488, %get3A_489, %get3A_490] : memref<1x20x256x16xf32, #tpu.memory_space<vmem>>, vector<1x1x256x3xf32>
    %get3A_492 = vector.shape_cast %get3A_491 : vector<1x1x256x3xf32> to vector<256x3xf32>
    %sub3A_493 = arith.subf %get3A_492, %get3A_3 : vector<256x3xf32>
    %concatenate3A_494 = tpu.concatenate %sub3A_493, %get3A_3 in 1 : vector<256x3xf32>, vector<256x3xf32> -> vector<256x6xf32>
    %get3A_495 = arith.constant 0 : index
    %get3A_496 = arith.constant 0 : index
    %get3A_497 = vector.load %arg4[%get3A_495, %get3A_496] : memref<6x64xf32, #tpu.memory_space<vmem>>, vector<6x64xf32>
    %dot_general3A_498 = arith.constant dense<0.000000e+00> : vector<256x64xf32>
    %dot_general3A_499 = tpu.matmul %concatenate3A_494, %get3A_497, %dot_general3A_498 {dimension_numbers = #tpu.dot_dimension_numbers<[1], [0], [0], [1], [0, 0, 1, 1], [], []>, transpose_lhs_hint = false} : vector<256x6xf32>, vector<6x64xf32>, vector<256x64xf32> -> vector<256x64xf32>
    %get3A_500 = arith.constant 0 : index
    %get3A_501 = arith.constant 0 : index
    %get3A_502 = vector.load %arg5[%get3A_500, %get3A_501] : memref<1x64xf32, #tpu.memory_space<vmem>>, vector<1x64xf32>
    %add3A_503 = vector.broadcast %get3A_502 : vector<1x64xf32> to vector<256x64xf32>
    %add3A_504 = arith.addf %dot_general3A_499, %add3A_503 : vector<256x64xf32>
    %reduce_sum3A_505 = arith.constant dense<0.000000e+00> : vector<64xf32>
    %reduce_sum3A_506 = vector.multi_reduction <add>, %add3A_504, %reduce_sum3A_505 [0] : vector<256x64xf32> to vector<64xf32>
    %broadcast_in_dim3A_507 = vector.shape_cast %reduce_sum3A_506 : vector<64xf32> to vector<1x64xf32>
    %add3A_508 = arith.addf %add3A_481, %broadcast_in_dim3A_507 : vector<1x64xf32>
    %mul3A_509 = arith.mulf %add3A_504, %add3A_504 : vector<256x64xf32>
    %reduce_sum3A_510 = arith.constant dense<0.000000e+00> : vector<64xf32>
    %reduce_sum3A_511 = vector.multi_reduction <add>, %mul3A_509, %reduce_sum3A_510 [0] : vector<256x64xf32> to vector<64xf32>
    %broadcast_in_dim3A_512 = vector.shape_cast %reduce_sum3A_511 : vector<64xf32> to vector<1x64xf32>
    %add3A_513 = arith.addf %add3A_486, %broadcast_in_dim3A_512 : vector<1x64xf32>
    %get3A_514 = arith.constant 0 : index
    %get3A_515 = arith.constant 19 : index
    %get3A_516 = arith.constant 0 : index
    %get3A_517 = arith.constant 0 : index
    %get3A_518 = vector.load %arg2[%get3A_514, %get3A_515, %get3A_516, %get3A_517] : memref<1x20x256x16xf32, #tpu.memory_space<vmem>>, vector<1x1x256x3xf32>
    %get3A_519 = vector.shape_cast %get3A_518 : vector<1x1x256x3xf32> to vector<256x3xf32>
    %sub3A_520 = arith.subf %get3A_519, %get3A_3 : vector<256x3xf32>
    %concatenate3A_521 = tpu.concatenate %sub3A_520, %get3A_3 in 1 : vector<256x3xf32>, vector<256x3xf32> -> vector<256x6xf32>
    %get3A_522 = arith.constant 0 : index
    %get3A_523 = arith.constant 0 : index
    %get3A_524 = vector.load %arg4[%get3A_522, %get3A_523] : memref<6x64xf32, #tpu.memory_space<vmem>>, vector<6x64xf32>
    %dot_general3A_525 = arith.constant dense<0.000000e+00> : vector<256x64xf32>
    %dot_general3A_526 = tpu.matmul %concatenate3A_521, %get3A_524, %dot_general3A_525 {dimension_numbers = #tpu.dot_dimension_numbers<[1], [0], [0], [1], [0, 0, 1, 1], [], []>, transpose_lhs_hint = false} : vector<256x6xf32>, vector<6x64xf32>, vector<256x64xf32> -> vector<256x64xf32>
    %get3A_527 = arith.constant 0 : index
    %get3A_528 = arith.constant 0 : index
    %get3A_529 = vector.load %arg5[%get3A_527, %get3A_528] : memref<1x64xf32, #tpu.memory_space<vmem>>, vector<1x64xf32>
    %add3A_530 = vector.broadcast %get3A_529 : vector<1x64xf32> to vector<256x64xf32>
    %add3A_531 = arith.addf %dot_general3A_526, %add3A_530 : vector<256x64xf32>
    %reduce_sum3A_532 = arith.constant dense<0.000000e+00> : vector<64xf32>
    %reduce_sum3A_533 = vector.multi_reduction <add>, %add3A_531, %reduce_sum3A_532 [0] : vector<256x64xf32> to vector<64xf32>
    %broadcast_in_dim3A_534 = vector.shape_cast %reduce_sum3A_533 : vector<64xf32> to vector<1x64xf32>
    %add3A_535 = arith.addf %add3A_508, %broadcast_in_dim3A_534 : vector<1x64xf32>
    %mul3A_536 = arith.mulf %add3A_531, %add3A_531 : vector<256x64xf32>
    %reduce_sum3A_537 = arith.constant dense<0.000000e+00> : vector<64xf32>
    %reduce_sum3A_538 = vector.multi_reduction <add>, %mul3A_536, %reduce_sum3A_537 [0] : vector<256x64xf32> to vector<64xf32>
    %broadcast_in_dim3A_539 = vector.shape_cast %reduce_sum3A_538 : vector<64xf32> to vector<1x64xf32>
    %add3A_540 = arith.addf %add3A_513, %broadcast_in_dim3A_539 : vector<1x64xf32>
    %eq3A = arith.constant 0 : i32
    %eq3A_541 = arith.cmpi eq, %arg0, %eq3A : i32
    %eq3A_542 = arith.constant 0 : i32
    %eq3A_543 = arith.cmpi eq, %arg1, %eq3A_542 : i32
    %and3A = arith.andi %eq3A_541, %eq3A_543 : i1
    %convert_element_type3A = arith.extui %and3A : i1 to i32
    %cond3A = arith.constant 0 : i32
    %cond3A_544 = arith.cmpi ne, %convert_element_type3A, %cond3A : i32
    scf.if %cond3A_544 {
      %broadcast_in_dim3A_558 = arith.constant 0.000000e+00 : f32
      %broadcast_in_dim3A_559 = vector.broadcast %broadcast_in_dim3A_558 : f32 to vector<2x64xf32>
      %swap3A_560 = arith.constant 0 : index
      %swap3A_561 = arith.constant 0 : index
      %swap3A_562 = vector.load %arg6[%swap3A_560, %swap3A_561] : memref<2x64xf32, #tpu.memory_space<vmem>>, vector<2x64xf32>
      tpu.vector_store %arg6[%swap3A_560, %swap3A_561], %broadcast_in_dim3A_559 {strides = array<i32>} : memref<2x64xf32, #tpu.memory_space<vmem>>, vector<2x64xf32>,
    } else {
    }
    %get3A_545 = arith.constant 0 : index
    %get3A_546 = arith.constant 0 : index
    %get3A_547 = vector.load %arg6[%get3A_545, %get3A_546] : memref<2x64xf32, #tpu.memory_space<vmem>>, vector<1x64xf32>
    %add3A_548 = arith.addf %get3A_547, %add3A_535 : vector<1x64xf32>
    %swap3A = arith.constant 0 : index
    %swap3A_549 = arith.constant 0 : index
    %swap3A_550 = vector.load %arg6[%swap3A, %swap3A_549] : memref<2x64xf32, #tpu.memory_space<vmem>>, vector<1x64xf32>
    tpu.vector_store %arg6[%swap3A, %swap3A_549], %add3A_548 {strides = array<i32>} : memref<2x64xf32, #tpu.memory_space<vmem>>, vector<1x64xf32>,
    %get3A_551 = arith.constant 1 : index
    %get3A_552 = arith.constant 0 : index
    %get3A_553 = vector.load %arg6[%get3A_551, %get3A_552] : memref<2x64xf32, #tpu.memory_space<vmem>>, vector<1x64xf32>
    %add3A_554 = arith.addf %get3A_553, %add3A_540 : vector<1x64xf32>
    %swap3A_555 = arith.constant 1 : index
    %swap3A_556 = arith.constant 0 : index
    %swap3A_557 = vector.load %arg6[%swap3A_555, %swap3A_556] : memref<2x64xf32, #tpu.memory_space<vmem>>, vector<1x64xf32>
    tpu.vector_store %arg6[%swap3A_555, %swap3A_556], %add3A_554 {strides = array<i32>} : memref<2x64xf32, #tpu.memory_space<vmem>>, vector<1x64xf32>,
    return
  }
  func.func @transform_0(%arg0: i32, %arg1: i32) -> (i32, i32, i32, i32) {
    %c0_i32 = arith.constant 0 : i32
    %c0_i32_0 = arith.constant 0 : i32
    %c0_i32_1 = arith.constant 0 : i32
    return %arg0, %c0_i32, %arg1, %c0_i32_0 : i32, i32, i32, i32
  }
  func.func @transform_1(%arg0: i32, %arg1: i32) -> (i32, i32, i32) {
    %c0_i32 = arith.constant 0 : i32
    %c0_i32_0 = arith.constant 0 : i32
    return %arg0, %arg1, %c0_i32 : i32, i32, i32
  }
  func.func @transform_2(%arg0: i32, %arg1: i32) -> (i32, i32) {
    %c0_i32 = arith.constant 0 : i32
    %c0_i32_0 = arith.constant 0 : i32
    %c0_i32_1 = arith.constant 0 : i32
    return %c0_i32, %c0_i32_0 : i32, i32
  }
  func.func @transform_3(%arg0: i32, %arg1: i32) -> (i32, i32) {
    %c0_i32 = arith.constant 0 : i32
    %c0_i32_0 = arith.constant 0 : i32
    %c0_i32_1 = arith.constant 0 : i32
    return %c0_i32, %c0_i32_0 : i32, i32
  }
  func.func @transform_4(%arg0: i32, %arg1: i32) -> (i32, i32) {
    %c0_i32 = arith.constant 0 : i32
    %c0_i32_0 = arith.constant 0 : i32
    %c0_i32_1 = arith.constant 0 : i32
    return %c0_i32, %c0_i32_0 : i32, i32
  }
}

module attributes {stable_mosaic.version = 14 : i64} {
  func.func @_p2_body(%arg0: i32, %arg1: i32, %arg2: memref<1x20x256x16xf32, #tpu.memory_space<vmem>>, %arg3: memref<1x256x3xf32, #tpu.memory_space<vmem>>, %arg4: memref<6x64xf32, #tpu.memory_space<vmem>>, %arg5: memref<1x64xf32, #tpu.memory_space<vmem>>, %arg6: memref<1x64xf32, #tpu.memory_space<vmem>>, %arg7: memref<1x64xf32, #tpu.memory_space<vmem>>, %arg8: memref<2x64xf32, #tpu.memory_space<vmem>>, %arg9: memref<128x64xf32, #tpu.memory_space<vmem>>, %arg10: memref<1x128xf32, #tpu.memory_space<vmem>>, %arg11: memref<2x128xf32, #tpu.memory_space<vmem>>) attributes {dimension_semantics = [#tpu.dimension_semantics<arbitrary>, #tpu.dimension_semantics<arbitrary>], iteration_bounds = array<i64: 8, 8>, scalar_prefetch = 0 : i64, scratch_operands = 0 : i64, tpu.core_type = #tpu.core_type<tc>, window_params = [{transform_indices = @transform_0, window_bounds = array<i64: 1, 20, 256, 16>}, {transform_indices = @transform_1, window_bounds = array<i64: 1, 256, 3>}, {pipeline_mode = #tpu.pipeline_mode<synchronous>, transform_indices = @transform_2, window_bounds = array<i64: 6, 64>}, {pipeline_mode = #tpu.pipeline_mode<synchronous>, transform_indices = @transform_3, window_bounds = array<i64: 1, 64>}, {pipeline_mode = #tpu.pipeline_mode<synchronous>, transform_indices = @transform_4, window_bounds = array<i64: 1, 64>}, {pipeline_mode = #tpu.pipeline_mode<synchronous>, transform_indices = @transform_5, window_bounds = array<i64: 1, 64>}, {pipeline_mode = #tpu.pipeline_mode<synchronous>, transform_indices = @transform_6, window_bounds = array<i64: 2, 64>}, {pipeline_mode = #tpu.pipeline_mode<synchronous>, transform_indices = @transform_7, window_bounds = array<i64: 128, 64>}, {pipeline_mode = #tpu.pipeline_mode<synchronous>, transform_indices = @transform_8, window_bounds = array<i64: 1, 128>}, {pipeline_mode = #tpu.pipeline_mode<synchronous>, transform_indices = @transform_9, window_bounds = array<i64: 2, 128>}]} {
    %get3A = arith.constant 0 : index
    %get3A_0 = arith.constant 0 : index
    %get3A_1 = arith.constant 0 : index
    %get3A_2 = vector.load %arg3[%get3A, %get3A_0, %get3A_1] : memref<1x256x3xf32, #tpu.memory_space<vmem>>, vector<1x256x3xf32>
    %get3A_3 = vector.shape_cast %get3A_2 : vector<1x256x3xf32> to vector<256x3xf32>
    %get3A_4 = arith.constant 0 : index
    %get3A_5 = arith.constant 0 : index
    %get3A_6 = vector.load %arg8[%get3A_4, %get3A_5] : memref<2x64xf32, #tpu.memory_space<vmem>>, vector<2x64xf32>
    %get3A_7 = arith.constant 0 : index
    %get3A_8 = arith.constant 0 : index
    %get3A_9 = vector.load %arg6[%get3A_7, %get3A_8] : memref<1x64xf32, #tpu.memory_space<vmem>>, vector<1x64xf32>
    %get3A_10 = arith.constant 0 : index
    %get3A_11 = arith.constant 0 : index
    %get3A_12 = vector.load %arg7[%get3A_10, %get3A_11] : memref<1x64xf32, #tpu.memory_space<vmem>>, vector<1x64xf32>
    %slice3A = vector.extract_strided_slice %get3A_6 {offsets = [0, 0], sizes = [1, 64], strides = [1, 1]} : vector<2x64xf32> to vector<1x64xf32>
    %mul3A = arith.constant 3.05175786E-6 : f32
    %mul3A_13 = vector.broadcast %mul3A : f32 to vector<1x64xf32>
    %mul3A_14 = arith.mulf %slice3A, %mul3A_13 : vector<1x64xf32>
    %slice3A_15 = vector.extract_strided_slice %get3A_6 {offsets = [1, 0], sizes = [1, 64], strides = [1, 1]} : vector<2x64xf32> to vector<1x64xf32>
    %mul3A_16 = arith.constant 3.05175786E-6 : f32
    %mul3A_17 = vector.broadcast %mul3A_16 : f32 to vector<1x64xf32>
    %mul3A_18 = arith.mulf %slice3A_15, %mul3A_17 : vector<1x64xf32>
    %mul3A_19 = arith.mulf %mul3A_14, %mul3A_14 : vector<1x64xf32>
    %sub3A = arith.subf %mul3A_18, %mul3A_19 : vector<1x64xf32>
    %add3A = arith.constant 9.99999974E-6 : f32
    %add3A_20 = vector.broadcast %add3A : f32 to vector<1x64xf32>
    %add3A_21 = arith.addf %sub3A, %add3A_20 : vector<1x64xf32>
    %sqrt3A = math.sqrt %add3A_21 : vector<1x64xf32>
    %div3A = arith.divf %get3A_9, %sqrt3A : vector<1x64xf32>
    %mul3A_22 = arith.mulf %mul3A_14, %div3A : vector<1x64xf32>
    %sub3A_23 = arith.subf %get3A_12, %mul3A_22 : vector<1x64xf32>
    %broadcast_in_dim3A = arith.constant 0.000000e+00 : f32
    %broadcast_in_dim3A_24 = vector.broadcast %broadcast_in_dim3A : f32 to vector<1x128xf32>
    %broadcast_in_dim3A_25 = arith.constant 0.000000e+00 : f32
    %broadcast_in_dim3A_26 = vector.broadcast %broadcast_in_dim3A_25 : f32 to vector<1x128xf32>
    %get3A_27 = arith.constant 0 : index
    %get3A_28 = arith.constant 0 : index
    %get3A_29 = arith.constant 0 : index
    %get3A_30 = arith.constant 0 : index
    %get3A_31 = vector.load %arg2[%get3A_27, %get3A_28, %get3A_29, %get3A_30] : memref<1x20x256x16xf32, #tpu.memory_space<vmem>>, vector<1x1x256x3xf32>
    %get3A_32 = vector.shape_cast %get3A_31 : vector<1x1x256x3xf32> to vector<256x3xf32>
    %sub3A_33 = arith.subf %get3A_32, %get3A_3 : vector<256x3xf32>
    %concatenate3A = tpu.concatenate %sub3A_33, %get3A_3 in 1 : vector<256x3xf32>, vector<256x3xf32> -> vector<256x6xf32>
    %get3A_34 = arith.constant 0 : index
    %get3A_35 = arith.constant 0 : index
    %get3A_36 = vector.load %arg4[%get3A_34, %get3A_35] : memref<6x64xf32, #tpu.memory_space<vmem>>, vector<6x64xf32>
    %dot_general3A = arith.constant dense<0.000000e+00> : vector<256x64xf32>
    %dot_general3A_37 = tpu.matmul %concatenate3A, %get3A_36, %dot_general3A {dimension_numbers = #tpu.dot_dimension_numbers<[1], [0], [0], [1], [0, 0, 1, 1], [], []>, transpose_lhs_hint = false} : vector<256x6xf32>, vector<6x64xf32>, vector<256x64xf32> -> vector<256x64xf32>
    %get3A_38 = arith.constant 0 : index
    %get3A_39 = arith.constant 0 : index
    %get3A_40 = vector.load %arg5[%get3A_38, %get3A_39] : memref<1x64xf32, #tpu.memory_space<vmem>>, vector<1x64xf32>
    %add3A_41 = vector.broadcast %get3A_40 : vector<1x64xf32> to vector<256x64xf32>
    %add3A_42 = arith.addf %dot_general3A_37, %add3A_41 : vector<256x64xf32>
    %mul3A_43 = vector.broadcast %div3A : vector<1x64xf32> to vector<256x64xf32>
    %mul3A_44 = arith.mulf %add3A_42, %mul3A_43 : vector<256x64xf32>
    %add3A_45 = vector.broadcast %sub3A_23 : vector<1x64xf32> to vector<256x64xf32>
    %add3A_46 = arith.addf %mul3A_44, %add3A_45 : vector<256x64xf32>
    %max3A = arith.constant 0.000000e+00 : f32
    %max3A_47 = vector.broadcast %max3A : f32 to vector<256x64xf32>
    %max3A_48 = arith.maximumf %add3A_46, %max3A_47 : vector<256x64xf32>
    %get3A_49 = arith.constant 0 : index
    %get3A_50 = arith.constant 0 : index
    %get3A_51 = vector.load %arg9[%get3A_49, %get3A_50] : memref<128x64xf32, #tpu.memory_space<vmem>>, vector<128x64xf32>
    %dot_general3A_52 = arith.constant dense<0.000000e+00> : vector<256x128xf32>
    %dot_general3A_53 = tpu.matmul %max3A_48, %get3A_51, %dot_general3A_52 {dimension_numbers = #tpu.dot_dimension_numbers<[1], [1], [0], [0], [0, 0, 1, 0], [], []>, transpose_lhs_hint = false} : vector<256x64xf32>, vector<128x64xf32>, vector<256x128xf32> -> vector<256x128xf32>
    %get3A_54 = arith.constant 0 : index
    %get3A_55 = arith.constant 0 : index
    %get3A_56 = vector.load %arg10[%get3A_54, %get3A_55] : memref<1x128xf32, #tpu.memory_space<vmem>>, vector<1x128xf32>
    %add3A_57 = vector.broadcast %get3A_56 : vector<1x128xf32> to vector<256x128xf32>
    %add3A_58 = arith.addf %dot_general3A_53, %add3A_57 : vector<256x128xf32>
    %reduce_sum3A = arith.constant dense<0.000000e+00> : vector<128xf32>
    %reduce_sum3A_59 = vector.multi_reduction <add>, %add3A_58, %reduce_sum3A [0] : vector<256x128xf32> to vector<128xf32>
    %broadcast_in_dim3A_60 = vector.shape_cast %reduce_sum3A_59 : vector<128xf32> to vector<1x128xf32>
    %add3A_61 = arith.addf %broadcast_in_dim3A_24, %broadcast_in_dim3A_60 : vector<1x128xf32>
    %mul3A_62 = arith.mulf %add3A_58, %add3A_58 : vector<256x128xf32>
    %reduce_sum3A_63 = arith.constant dense<0.000000e+00> : vector<128xf32>
    %reduce_sum3A_64 = vector.multi_reduction <add>, %mul3A_62, %reduce_sum3A_63 [0] : vector<256x128xf32> to vector<128xf32>
    %broadcast_in_dim3A_65 = vector.shape_cast %reduce_sum3A_64 : vector<128xf32> to vector<1x128xf32>
    %add3A_66 = arith.addf %broadcast_in_dim3A_26, %broadcast_in_dim3A_65 : vector<1x128xf32>
    %get3A_67 = arith.constant 0 : index
    %get3A_68 = arith.constant 1 : index
    %get3A_69 = arith.constant 0 : index
    %get3A_70 = arith.constant 0 : index
    %get3A_71 = vector.load %arg2[%get3A_67, %get3A_68, %get3A_69, %get3A_70] : memref<1x20x256x16xf32, #tpu.memory_space<vmem>>, vector<1x1x256x3xf32>
    %get3A_72 = vector.shape_cast %get3A_71 : vector<1x1x256x3xf32> to vector<256x3xf32>
    %sub3A_73 = arith.subf %get3A_72, %get3A_3 : vector<256x3xf32>
    %concatenate3A_74 = tpu.concatenate %sub3A_73, %get3A_3 in 1 : vector<256x3xf32>, vector<256x3xf32> -> vector<256x6xf32>
    %get3A_75 = arith.constant 0 : index
    %get3A_76 = arith.constant 0 : index
    %get3A_77 = vector.load %arg4[%get3A_75, %get3A_76] : memref<6x64xf32, #tpu.memory_space<vmem>>, vector<6x64xf32>
    %dot_general3A_78 = arith.constant dense<0.000000e+00> : vector<256x64xf32>
    %dot_general3A_79 = tpu.matmul %concatenate3A_74, %get3A_77, %dot_general3A_78 {dimension_numbers = #tpu.dot_dimension_numbers<[1], [0], [0], [1], [0, 0, 1, 1], [], []>, transpose_lhs_hint = false} : vector<256x6xf32>, vector<6x64xf32>, vector<256x64xf32> -> vector<256x64xf32>
    %get3A_80 = arith.constant 0 : index
    %get3A_81 = arith.constant 0 : index
    %get3A_82 = vector.load %arg5[%get3A_80, %get3A_81] : memref<1x64xf32, #tpu.memory_space<vmem>>, vector<1x64xf32>
    %add3A_83 = vector.broadcast %get3A_82 : vector<1x64xf32> to vector<256x64xf32>
    %add3A_84 = arith.addf %dot_general3A_79, %add3A_83 : vector<256x64xf32>
    %mul3A_85 = vector.broadcast %div3A : vector<1x64xf32> to vector<256x64xf32>
    %mul3A_86 = arith.mulf %add3A_84, %mul3A_85 : vector<256x64xf32>
    %add3A_87 = vector.broadcast %sub3A_23 : vector<1x64xf32> to vector<256x64xf32>
    %add3A_88 = arith.addf %mul3A_86, %add3A_87 : vector<256x64xf32>
    %max3A_89 = arith.constant 0.000000e+00 : f32
    %max3A_90 = vector.broadcast %max3A_89 : f32 to vector<256x64xf32>
    %max3A_91 = arith.maximumf %add3A_88, %max3A_90 : vector<256x64xf32>
    %get3A_92 = arith.constant 0 : index
    %get3A_93 = arith.constant 0 : index
    %get3A_94 = vector.load %arg9[%get3A_92, %get3A_93] : memref<128x64xf32, #tpu.memory_space<vmem>>, vector<128x64xf32>
    %dot_general3A_95 = arith.constant dense<0.000000e+00> : vector<256x128xf32>
    %dot_general3A_96 = tpu.matmul %max3A_91, %get3A_94, %dot_general3A_95 {dimension_numbers = #tpu.dot_dimension_numbers<[1], [1], [0], [0], [0, 0, 1, 0], [], []>, transpose_lhs_hint = false} : vector<256x64xf32>, vector<128x64xf32>, vector<256x128xf32> -> vector<256x128xf32>
    %get3A_97 = arith.constant 0 : index
    %get3A_98 = arith.constant 0 : index
    %get3A_99 = vector.load %arg10[%get3A_97, %get3A_98] : memref<1x128xf32, #tpu.memory_space<vmem>>, vector<1x128xf32>
    %add3A_100 = vector.broadcast %get3A_99 : vector<1x128xf32> to vector<256x128xf32>
    %add3A_101 = arith.addf %dot_general3A_96, %add3A_100 : vector<256x128xf32>
    %reduce_sum3A_102 = arith.constant dense<0.000000e+00> : vector<128xf32>
    %reduce_sum3A_103 = vector.multi_reduction <add>, %add3A_101, %reduce_sum3A_102 [0] : vector<256x128xf32> to vector<128xf32>
    %broadcast_in_dim3A_104 = vector.shape_cast %reduce_sum3A_103 : vector<128xf32> to vector<1x128xf32>
    %add3A_105 = arith.addf %add3A_61, %broadcast_in_dim3A_104 : vector<1x128xf32>
    %mul3A_106 = arith.mulf %add3A_101, %add3A_101 : vector<256x128xf32>
    %reduce_sum3A_107 = arith.constant dense<0.000000e+00> : vector<128xf32>
    %reduce_sum3A_108 = vector.multi_reduction <add>, %mul3A_106, %reduce_sum3A_107 [0] : vector<256x128xf32> to vector<128xf32>
    %broadcast_in_dim3A_109 = vector.shape_cast %reduce_sum3A_108 : vector<128xf32> to vector<1x128xf32>
    %add3A_110 = arith.addf %add3A_66, %broadcast_in_dim3A_109 : vector<1x128xf32>
    %get3A_111 = arith.constant 0 : index
    %get3A_112 = arith.constant 2 : index
    %get3A_113 = arith.constant 0 : index
    %get3A_114 = arith.constant 0 : index
    %get3A_115 = vector.load %arg2[%get3A_111, %get3A_112, %get3A_113, %get3A_114] : memref<1x20x256x16xf32, #tpu.memory_space<vmem>>, vector<1x1x256x3xf32>
    %get3A_116 = vector.shape_cast %get3A_115 : vector<1x1x256x3xf32> to vector<256x3xf32>
    %sub3A_117 = arith.subf %get3A_116, %get3A_3 : vector<256x3xf32>
    %concatenate3A_118 = tpu.concatenate %sub3A_117, %get3A_3 in 1 : vector<256x3xf32>, vector<256x3xf32> -> vector<256x6xf32>
    %get3A_119 = arith.constant 0 : index
    %get3A_120 = arith.constant 0 : index
    %get3A_121 = vector.load %arg4[%get3A_119, %get3A_120] : memref<6x64xf32, #tpu.memory_space<vmem>>, vector<6x64xf32>
    %dot_general3A_122 = arith.constant dense<0.000000e+00> : vector<256x64xf32>
    %dot_general3A_123 = tpu.matmul %concatenate3A_118, %get3A_121, %dot_general3A_122 {dimension_numbers = #tpu.dot_dimension_numbers<[1], [0], [0], [1], [0, 0, 1, 1], [], []>, transpose_lhs_hint = false} : vector<256x6xf32>, vector<6x64xf32>, vector<256x64xf32> -> vector<256x64xf32>
    %get3A_124 = arith.constant 0 : index
    %get3A_125 = arith.constant 0 : index
    %get3A_126 = vector.load %arg5[%get3A_124, %get3A_125] : memref<1x64xf32, #tpu.memory_space<vmem>>, vector<1x64xf32>
    %add3A_127 = vector.broadcast %get3A_126 : vector<1x64xf32> to vector<256x64xf32>
    %add3A_128 = arith.addf %dot_general3A_123, %add3A_127 : vector<256x64xf32>
    %mul3A_129 = vector.broadcast %div3A : vector<1x64xf32> to vector<256x64xf32>
    %mul3A_130 = arith.mulf %add3A_128, %mul3A_129 : vector<256x64xf32>
    %add3A_131 = vector.broadcast %sub3A_23 : vector<1x64xf32> to vector<256x64xf32>
    %add3A_132 = arith.addf %mul3A_130, %add3A_131 : vector<256x64xf32>
    %max3A_133 = arith.constant 0.000000e+00 : f32
    %max3A_134 = vector.broadcast %max3A_133 : f32 to vector<256x64xf32>
    %max3A_135 = arith.maximumf %add3A_132, %max3A_134 : vector<256x64xf32>
    %get3A_136 = arith.constant 0 : index
    %get3A_137 = arith.constant 0 : index
    %get3A_138 = vector.load %arg9[%get3A_136, %get3A_137] : memref<128x64xf32, #tpu.memory_space<vmem>>, vector<128x64xf32>
    %dot_general3A_139 = arith.constant dense<0.000000e+00> : vector<256x128xf32>
    %dot_general3A_140 = tpu.matmul %max3A_135, %get3A_138, %dot_general3A_139 {dimension_numbers = #tpu.dot_dimension_numbers<[1], [1], [0], [0], [0, 0, 1, 0], [], []>, transpose_lhs_hint = false} : vector<256x64xf32>, vector<128x64xf32>, vector<256x128xf32> -> vector<256x128xf32>
    %get3A_141 = arith.constant 0 : index
    %get3A_142 = arith.constant 0 : index
    %get3A_143 = vector.load %arg10[%get3A_141, %get3A_142] : memref<1x128xf32, #tpu.memory_space<vmem>>, vector<1x128xf32>
    %add3A_144 = vector.broadcast %get3A_143 : vector<1x128xf32> to vector<256x128xf32>
    %add3A_145 = arith.addf %dot_general3A_140, %add3A_144 : vector<256x128xf32>
    %reduce_sum3A_146 = arith.constant dense<0.000000e+00> : vector<128xf32>
    %reduce_sum3A_147 = vector.multi_reduction <add>, %add3A_145, %reduce_sum3A_146 [0] : vector<256x128xf32> to vector<128xf32>
    %broadcast_in_dim3A_148 = vector.shape_cast %reduce_sum3A_147 : vector<128xf32> to vector<1x128xf32>
    %add3A_149 = arith.addf %add3A_105, %broadcast_in_dim3A_148 : vector<1x128xf32>
    %mul3A_150 = arith.mulf %add3A_145, %add3A_145 : vector<256x128xf32>
    %reduce_sum3A_151 = arith.constant dense<0.000000e+00> : vector<128xf32>
    %reduce_sum3A_152 = vector.multi_reduction <add>, %mul3A_150, %reduce_sum3A_151 [0] : vector<256x128xf32> to vector<128xf32>
    %broadcast_in_dim3A_153 = vector.shape_cast %reduce_sum3A_152 : vector<128xf32> to vector<1x128xf32>
    %add3A_154 = arith.addf %add3A_110, %broadcast_in_dim3A_153 : vector<1x128xf32>
    %get3A_155 = arith.constant 0 : index
    %get3A_156 = arith.constant 3 : index
    %get3A_157 = arith.constant 0 : index
    %get3A_158 = arith.constant 0 : index
    %get3A_159 = vector.load %arg2[%get3A_155, %get3A_156, %get3A_157, %get3A_158] : memref<1x20x256x16xf32, #tpu.memory_space<vmem>>, vector<1x1x256x3xf32>
    %get3A_160 = vector.shape_cast %get3A_159 : vector<1x1x256x3xf32> to vector<256x3xf32>
    %sub3A_161 = arith.subf %get3A_160, %get3A_3 : vector<256x3xf32>
    %concatenate3A_162 = tpu.concatenate %sub3A_161, %get3A_3 in 1 : vector<256x3xf32>, vector<256x3xf32> -> vector<256x6xf32>
    %get3A_163 = arith.constant 0 : index
    %get3A_164 = arith.constant 0 : index
    %get3A_165 = vector.load %arg4[%get3A_163, %get3A_164] : memref<6x64xf32, #tpu.memory_space<vmem>>, vector<6x64xf32>
    %dot_general3A_166 = arith.constant dense<0.000000e+00> : vector<256x64xf32>
    %dot_general3A_167 = tpu.matmul %concatenate3A_162, %get3A_165, %dot_general3A_166 {dimension_numbers = #tpu.dot_dimension_numbers<[1], [0], [0], [1], [0, 0, 1, 1], [], []>, transpose_lhs_hint = false} : vector<256x6xf32>, vector<6x64xf32>, vector<256x64xf32> -> vector<256x64xf32>
    %get3A_168 = arith.constant 0 : index
    %get3A_169 = arith.constant 0 : index
    %get3A_170 = vector.load %arg5[%get3A_168, %get3A_169] : memref<1x64xf32, #tpu.memory_space<vmem>>, vector<1x64xf32>
    %add3A_171 = vector.broadcast %get3A_170 : vector<1x64xf32> to vector<256x64xf32>
    %add3A_172 = arith.addf %dot_general3A_167, %add3A_171 : vector<256x64xf32>
    %mul3A_173 = vector.broadcast %div3A : vector<1x64xf32> to vector<256x64xf32>
    %mul3A_174 = arith.mulf %add3A_172, %mul3A_173 : vector<256x64xf32>
    %add3A_175 = vector.broadcast %sub3A_23 : vector<1x64xf32> to vector<256x64xf32>
    %add3A_176 = arith.addf %mul3A_174, %add3A_175 : vector<256x64xf32>
    %max3A_177 = arith.constant 0.000000e+00 : f32
    %max3A_178 = vector.broadcast %max3A_177 : f32 to vector<256x64xf32>
    %max3A_179 = arith.maximumf %add3A_176, %max3A_178 : vector<256x64xf32>
    %get3A_180 = arith.constant 0 : index
    %get3A_181 = arith.constant 0 : index
    %get3A_182 = vector.load %arg9[%get3A_180, %get3A_181] : memref<128x64xf32, #tpu.memory_space<vmem>>, vector<128x64xf32>
    %dot_general3A_183 = arith.constant dense<0.000000e+00> : vector<256x128xf32>
    %dot_general3A_184 = tpu.matmul %max3A_179, %get3A_182, %dot_general3A_183 {dimension_numbers = #tpu.dot_dimension_numbers<[1], [1], [0], [0], [0, 0, 1, 0], [], []>, transpose_lhs_hint = false} : vector<256x64xf32>, vector<128x64xf32>, vector<256x128xf32> -> vector<256x128xf32>
    %get3A_185 = arith.constant 0 : index
    %get3A_186 = arith.constant 0 : index
    %get3A_187 = vector.load %arg10[%get3A_185, %get3A_186] : memref<1x128xf32, #tpu.memory_space<vmem>>, vector<1x128xf32>
    %add3A_188 = vector.broadcast %get3A_187 : vector<1x128xf32> to vector<256x128xf32>
    %add3A_189 = arith.addf %dot_general3A_184, %add3A_188 : vector<256x128xf32>
    %reduce_sum3A_190 = arith.constant dense<0.000000e+00> : vector<128xf32>
    %reduce_sum3A_191 = vector.multi_reduction <add>, %add3A_189, %reduce_sum3A_190 [0] : vector<256x128xf32> to vector<128xf32>
    %broadcast_in_dim3A_192 = vector.shape_cast %reduce_sum3A_191 : vector<128xf32> to vector<1x128xf32>
    %add3A_193 = arith.addf %add3A_149, %broadcast_in_dim3A_192 : vector<1x128xf32>
    %mul3A_194 = arith.mulf %add3A_189, %add3A_189 : vector<256x128xf32>
    %reduce_sum3A_195 = arith.constant dense<0.000000e+00> : vector<128xf32>
    %reduce_sum3A_196 = vector.multi_reduction <add>, %mul3A_194, %reduce_sum3A_195 [0] : vector<256x128xf32> to vector<128xf32>
    %broadcast_in_dim3A_197 = vector.shape_cast %reduce_sum3A_196 : vector<128xf32> to vector<1x128xf32>
    %add3A_198 = arith.addf %add3A_154, %broadcast_in_dim3A_197 : vector<1x128xf32>
    %get3A_199 = arith.constant 0 : index
    %get3A_200 = arith.constant 4 : index
    %get3A_201 = arith.constant 0 : index
    %get3A_202 = arith.constant 0 : index
    %get3A_203 = vector.load %arg2[%get3A_199, %get3A_200, %get3A_201, %get3A_202] : memref<1x20x256x16xf32, #tpu.memory_space<vmem>>, vector<1x1x256x3xf32>
    %get3A_204 = vector.shape_cast %get3A_203 : vector<1x1x256x3xf32> to vector<256x3xf32>
    %sub3A_205 = arith.subf %get3A_204, %get3A_3 : vector<256x3xf32>
    %concatenate3A_206 = tpu.concatenate %sub3A_205, %get3A_3 in 1 : vector<256x3xf32>, vector<256x3xf32> -> vector<256x6xf32>
    %get3A_207 = arith.constant 0 : index
    %get3A_208 = arith.constant 0 : index
    %get3A_209 = vector.load %arg4[%get3A_207, %get3A_208] : memref<6x64xf32, #tpu.memory_space<vmem>>, vector<6x64xf32>
    %dot_general3A_210 = arith.constant dense<0.000000e+00> : vector<256x64xf32>
    %dot_general3A_211 = tpu.matmul %concatenate3A_206, %get3A_209, %dot_general3A_210 {dimension_numbers = #tpu.dot_dimension_numbers<[1], [0], [0], [1], [0, 0, 1, 1], [], []>, transpose_lhs_hint = false} : vector<256x6xf32>, vector<6x64xf32>, vector<256x64xf32> -> vector<256x64xf32>
    %get3A_212 = arith.constant 0 : index
    %get3A_213 = arith.constant 0 : index
    %get3A_214 = vector.load %arg5[%get3A_212, %get3A_213] : memref<1x64xf32, #tpu.memory_space<vmem>>, vector<1x64xf32>
    %add3A_215 = vector.broadcast %get3A_214 : vector<1x64xf32> to vector<256x64xf32>
    %add3A_216 = arith.addf %dot_general3A_211, %add3A_215 : vector<256x64xf32>
    %mul3A_217 = vector.broadcast %div3A : vector<1x64xf32> to vector<256x64xf32>
    %mul3A_218 = arith.mulf %add3A_216, %mul3A_217 : vector<256x64xf32>
    %add3A_219 = vector.broadcast %sub3A_23 : vector<1x64xf32> to vector<256x64xf32>
    %add3A_220 = arith.addf %mul3A_218, %add3A_219 : vector<256x64xf32>
    %max3A_221 = arith.constant 0.000000e+00 : f32
    %max3A_222 = vector.broadcast %max3A_221 : f32 to vector<256x64xf32>
    %max3A_223 = arith.maximumf %add3A_220, %max3A_222 : vector<256x64xf32>
    %get3A_224 = arith.constant 0 : index
    %get3A_225 = arith.constant 0 : index
    %get3A_226 = vector.load %arg9[%get3A_224, %get3A_225] : memref<128x64xf32, #tpu.memory_space<vmem>>, vector<128x64xf32>
    %dot_general3A_227 = arith.constant dense<0.000000e+00> : vector<256x128xf32>
    %dot_general3A_228 = tpu.matmul %max3A_223, %get3A_226, %dot_general3A_227 {dimension_numbers = #tpu.dot_dimension_numbers<[1], [1], [0], [0], [0, 0, 1, 0], [], []>, transpose_lhs_hint = false} : vector<256x64xf32>, vector<128x64xf32>, vector<256x128xf32> -> vector<256x128xf32>
    %get3A_229 = arith.constant 0 : index
    %get3A_230 = arith.constant 0 : index
    %get3A_231 = vector.load %arg10[%get3A_229, %get3A_230] : memref<1x128xf32, #tpu.memory_space<vmem>>, vector<1x128xf32>
    %add3A_232 = vector.broadcast %get3A_231 : vector<1x128xf32> to vector<256x128xf32>
    %add3A_233 = arith.addf %dot_general3A_228, %add3A_232 : vector<256x128xf32>
    %reduce_sum3A_234 = arith.constant dense<0.000000e+00> : vector<128xf32>
    %reduce_sum3A_235 = vector.multi_reduction <add>, %add3A_233, %reduce_sum3A_234 [0] : vector<256x128xf32> to vector<128xf32>
    %broadcast_in_dim3A_236 = vector.shape_cast %reduce_sum3A_235 : vector<128xf32> to vector<1x128xf32>
    %add3A_237 = arith.addf %add3A_193, %broadcast_in_dim3A_236 : vector<1x128xf32>
    %mul3A_238 = arith.mulf %add3A_233, %add3A_233 : vector<256x128xf32>
    %reduce_sum3A_239 = arith.constant dense<0.000000e+00> : vector<128xf32>
    %reduce_sum3A_240 = vector.multi_reduction <add>, %mul3A_238, %reduce_sum3A_239 [0] : vector<256x128xf32> to vector<128xf32>
    %broadcast_in_dim3A_241 = vector.shape_cast %reduce_sum3A_240 : vector<128xf32> to vector<1x128xf32>
    %add3A_242 = arith.addf %add3A_198, %broadcast_in_dim3A_241 : vector<1x128xf32>
    %get3A_243 = arith.constant 0 : index
    %get3A_244 = arith.constant 5 : index
    %get3A_245 = arith.constant 0 : index
    %get3A_246 = arith.constant 0 : index
    %get3A_247 = vector.load %arg2[%get3A_243, %get3A_244, %get3A_245, %get3A_246] : memref<1x20x256x16xf32, #tpu.memory_space<vmem>>, vector<1x1x256x3xf32>
    %get3A_248 = vector.shape_cast %get3A_247 : vector<1x1x256x3xf32> to vector<256x3xf32>
    %sub3A_249 = arith.subf %get3A_248, %get3A_3 : vector<256x3xf32>
    %concatenate3A_250 = tpu.concatenate %sub3A_249, %get3A_3 in 1 : vector<256x3xf32>, vector<256x3xf32> -> vector<256x6xf32>
    %get3A_251 = arith.constant 0 : index
    %get3A_252 = arith.constant 0 : index
    %get3A_253 = vector.load %arg4[%get3A_251, %get3A_252] : memref<6x64xf32, #tpu.memory_space<vmem>>, vector<6x64xf32>
    %dot_general3A_254 = arith.constant dense<0.000000e+00> : vector<256x64xf32>
    %dot_general3A_255 = tpu.matmul %concatenate3A_250, %get3A_253, %dot_general3A_254 {dimension_numbers = #tpu.dot_dimension_numbers<[1], [0], [0], [1], [0, 0, 1, 1], [], []>, transpose_lhs_hint = false} : vector<256x6xf32>, vector<6x64xf32>, vector<256x64xf32> -> vector<256x64xf32>
    %get3A_256 = arith.constant 0 : index
    %get3A_257 = arith.constant 0 : index
    %get3A_258 = vector.load %arg5[%get3A_256, %get3A_257] : memref<1x64xf32, #tpu.memory_space<vmem>>, vector<1x64xf32>
    %add3A_259 = vector.broadcast %get3A_258 : vector<1x64xf32> to vector<256x64xf32>
    %add3A_260 = arith.addf %dot_general3A_255, %add3A_259 : vector<256x64xf32>
    %mul3A_261 = vector.broadcast %div3A : vector<1x64xf32> to vector<256x64xf32>
    %mul3A_262 = arith.mulf %add3A_260, %mul3A_261 : vector<256x64xf32>
    %add3A_263 = vector.broadcast %sub3A_23 : vector<1x64xf32> to vector<256x64xf32>
    %add3A_264 = arith.addf %mul3A_262, %add3A_263 : vector<256x64xf32>
    %max3A_265 = arith.constant 0.000000e+00 : f32
    %max3A_266 = vector.broadcast %max3A_265 : f32 to vector<256x64xf32>
    %max3A_267 = arith.maximumf %add3A_264, %max3A_266 : vector<256x64xf32>
    %get3A_268 = arith.constant 0 : index
    %get3A_269 = arith.constant 0 : index
    %get3A_270 = vector.load %arg9[%get3A_268, %get3A_269] : memref<128x64xf32, #tpu.memory_space<vmem>>, vector<128x64xf32>
    %dot_general3A_271 = arith.constant dense<0.000000e+00> : vector<256x128xf32>
    %dot_general3A_272 = tpu.matmul %max3A_267, %get3A_270, %dot_general3A_271 {dimension_numbers = #tpu.dot_dimension_numbers<[1], [1], [0], [0], [0, 0, 1, 0], [], []>, transpose_lhs_hint = false} : vector<256x64xf32>, vector<128x64xf32>, vector<256x128xf32> -> vector<256x128xf32>
    %get3A_273 = arith.constant 0 : index
    %get3A_274 = arith.constant 0 : index
    %get3A_275 = vector.load %arg10[%get3A_273, %get3A_274] : memref<1x128xf32, #tpu.memory_space<vmem>>, vector<1x128xf32>
    %add3A_276 = vector.broadcast %get3A_275 : vector<1x128xf32> to vector<256x128xf32>
    %add3A_277 = arith.addf %dot_general3A_272, %add3A_276 : vector<256x128xf32>
    %reduce_sum3A_278 = arith.constant dense<0.000000e+00> : vector<128xf32>
    %reduce_sum3A_279 = vector.multi_reduction <add>, %add3A_277, %reduce_sum3A_278 [0] : vector<256x128xf32> to vector<128xf32>
    %broadcast_in_dim3A_280 = vector.shape_cast %reduce_sum3A_279 : vector<128xf32> to vector<1x128xf32>
    %add3A_281 = arith.addf %add3A_237, %broadcast_in_dim3A_280 : vector<1x128xf32>
    %mul3A_282 = arith.mulf %add3A_277, %add3A_277 : vector<256x128xf32>
    %reduce_sum3A_283 = arith.constant dense<0.000000e+00> : vector<128xf32>
    %reduce_sum3A_284 = vector.multi_reduction <add>, %mul3A_282, %reduce_sum3A_283 [0] : vector<256x128xf32> to vector<128xf32>
    %broadcast_in_dim3A_285 = vector.shape_cast %reduce_sum3A_284 : vector<128xf32> to vector<1x128xf32>
    %add3A_286 = arith.addf %add3A_242, %broadcast_in_dim3A_285 : vector<1x128xf32>
    %get3A_287 = arith.constant 0 : index
    %get3A_288 = arith.constant 6 : index
    %get3A_289 = arith.constant 0 : index
    %get3A_290 = arith.constant 0 : index
    %get3A_291 = vector.load %arg2[%get3A_287, %get3A_288, %get3A_289, %get3A_290] : memref<1x20x256x16xf32, #tpu.memory_space<vmem>>, vector<1x1x256x3xf32>
    %get3A_292 = vector.shape_cast %get3A_291 : vector<1x1x256x3xf32> to vector<256x3xf32>
    %sub3A_293 = arith.subf %get3A_292, %get3A_3 : vector<256x3xf32>
    %concatenate3A_294 = tpu.concatenate %sub3A_293, %get3A_3 in 1 : vector<256x3xf32>, vector<256x3xf32> -> vector<256x6xf32>
    %get3A_295 = arith.constant 0 : index
    %get3A_296 = arith.constant 0 : index
    %get3A_297 = vector.load %arg4[%get3A_295, %get3A_296] : memref<6x64xf32, #tpu.memory_space<vmem>>, vector<6x64xf32>
    %dot_general3A_298 = arith.constant dense<0.000000e+00> : vector<256x64xf32>
    %dot_general3A_299 = tpu.matmul %concatenate3A_294, %get3A_297, %dot_general3A_298 {dimension_numbers = #tpu.dot_dimension_numbers<[1], [0], [0], [1], [0, 0, 1, 1], [], []>, transpose_lhs_hint = false} : vector<256x6xf32>, vector<6x64xf32>, vector<256x64xf32> -> vector<256x64xf32>
    %get3A_300 = arith.constant 0 : index
    %get3A_301 = arith.constant 0 : index
    %get3A_302 = vector.load %arg5[%get3A_300, %get3A_301] : memref<1x64xf32, #tpu.memory_space<vmem>>, vector<1x64xf32>
    %add3A_303 = vector.broadcast %get3A_302 : vector<1x64xf32> to vector<256x64xf32>
    %add3A_304 = arith.addf %dot_general3A_299, %add3A_303 : vector<256x64xf32>
    %mul3A_305 = vector.broadcast %div3A : vector<1x64xf32> to vector<256x64xf32>
    %mul3A_306 = arith.mulf %add3A_304, %mul3A_305 : vector<256x64xf32>
    %add3A_307 = vector.broadcast %sub3A_23 : vector<1x64xf32> to vector<256x64xf32>
    %add3A_308 = arith.addf %mul3A_306, %add3A_307 : vector<256x64xf32>
    %max3A_309 = arith.constant 0.000000e+00 : f32
    %max3A_310 = vector.broadcast %max3A_309 : f32 to vector<256x64xf32>
    %max3A_311 = arith.maximumf %add3A_308, %max3A_310 : vector<256x64xf32>
    %get3A_312 = arith.constant 0 : index
    %get3A_313 = arith.constant 0 : index
    %get3A_314 = vector.load %arg9[%get3A_312, %get3A_313] : memref<128x64xf32, #tpu.memory_space<vmem>>, vector<128x64xf32>
    %dot_general3A_315 = arith.constant dense<0.000000e+00> : vector<256x128xf32>
    %dot_general3A_316 = tpu.matmul %max3A_311, %get3A_314, %dot_general3A_315 {dimension_numbers = #tpu.dot_dimension_numbers<[1], [1], [0], [0], [0, 0, 1, 0], [], []>, transpose_lhs_hint = false} : vector<256x64xf32>, vector<128x64xf32>, vector<256x128xf32> -> vector<256x128xf32>
    %get3A_317 = arith.constant 0 : index
    %get3A_318 = arith.constant 0 : index
    %get3A_319 = vector.load %arg10[%get3A_317, %get3A_318] : memref<1x128xf32, #tpu.memory_space<vmem>>, vector<1x128xf32>
    %add3A_320 = vector.broadcast %get3A_319 : vector<1x128xf32> to vector<256x128xf32>
    %add3A_321 = arith.addf %dot_general3A_316, %add3A_320 : vector<256x128xf32>
    %reduce_sum3A_322 = arith.constant dense<0.000000e+00> : vector<128xf32>
    %reduce_sum3A_323 = vector.multi_reduction <add>, %add3A_321, %reduce_sum3A_322 [0] : vector<256x128xf32> to vector<128xf32>
    %broadcast_in_dim3A_324 = vector.shape_cast %reduce_sum3A_323 : vector<128xf32> to vector<1x128xf32>
    %add3A_325 = arith.addf %add3A_281, %broadcast_in_dim3A_324 : vector<1x128xf32>
    %mul3A_326 = arith.mulf %add3A_321, %add3A_321 : vector<256x128xf32>
    %reduce_sum3A_327 = arith.constant dense<0.000000e+00> : vector<128xf32>
    %reduce_sum3A_328 = vector.multi_reduction <add>, %mul3A_326, %reduce_sum3A_327 [0] : vector<256x128xf32> to vector<128xf32>
    %broadcast_in_dim3A_329 = vector.shape_cast %reduce_sum3A_328 : vector<128xf32> to vector<1x128xf32>
    %add3A_330 = arith.addf %add3A_286, %broadcast_in_dim3A_329 : vector<1x128xf32>
    %get3A_331 = arith.constant 0 : index
    %get3A_332 = arith.constant 7 : index
    %get3A_333 = arith.constant 0 : index
    %get3A_334 = arith.constant 0 : index
    %get3A_335 = vector.load %arg2[%get3A_331, %get3A_332, %get3A_333, %get3A_334] : memref<1x20x256x16xf32, #tpu.memory_space<vmem>>, vector<1x1x256x3xf32>
    %get3A_336 = vector.shape_cast %get3A_335 : vector<1x1x256x3xf32> to vector<256x3xf32>
    %sub3A_337 = arith.subf %get3A_336, %get3A_3 : vector<256x3xf32>
    %concatenate3A_338 = tpu.concatenate %sub3A_337, %get3A_3 in 1 : vector<256x3xf32>, vector<256x3xf32> -> vector<256x6xf32>
    %get3A_339 = arith.constant 0 : index
    %get3A_340 = arith.constant 0 : index
    %get3A_341 = vector.load %arg4[%get3A_339, %get3A_340] : memref<6x64xf32, #tpu.memory_space<vmem>>, vector<6x64xf32>
    %dot_general3A_342 = arith.constant dense<0.000000e+00> : vector<256x64xf32>
    %dot_general3A_343 = tpu.matmul %concatenate3A_338, %get3A_341, %dot_general3A_342 {dimension_numbers = #tpu.dot_dimension_numbers<[1], [0], [0], [1], [0, 0, 1, 1], [], []>, transpose_lhs_hint = false} : vector<256x6xf32>, vector<6x64xf32>, vector<256x64xf32> -> vector<256x64xf32>
    %get3A_344 = arith.constant 0 : index
    %get3A_345 = arith.constant 0 : index
    %get3A_346 = vector.load %arg5[%get3A_344, %get3A_345] : memref<1x64xf32, #tpu.memory_space<vmem>>, vector<1x64xf32>
    %add3A_347 = vector.broadcast %get3A_346 : vector<1x64xf32> to vector<256x64xf32>
    %add3A_348 = arith.addf %dot_general3A_343, %add3A_347 : vector<256x64xf32>
    %mul3A_349 = vector.broadcast %div3A : vector<1x64xf32> to vector<256x64xf32>
    %mul3A_350 = arith.mulf %add3A_348, %mul3A_349 : vector<256x64xf32>
    %add3A_351 = vector.broadcast %sub3A_23 : vector<1x64xf32> to vector<256x64xf32>
    %add3A_352 = arith.addf %mul3A_350, %add3A_351 : vector<256x64xf32>
    %max3A_353 = arith.constant 0.000000e+00 : f32
    %max3A_354 = vector.broadcast %max3A_353 : f32 to vector<256x64xf32>
    %max3A_355 = arith.maximumf %add3A_352, %max3A_354 : vector<256x64xf32>
    %get3A_356 = arith.constant 0 : index
    %get3A_357 = arith.constant 0 : index
    %get3A_358 = vector.load %arg9[%get3A_356, %get3A_357] : memref<128x64xf32, #tpu.memory_space<vmem>>, vector<128x64xf32>
    %dot_general3A_359 = arith.constant dense<0.000000e+00> : vector<256x128xf32>
    %dot_general3A_360 = tpu.matmul %max3A_355, %get3A_358, %dot_general3A_359 {dimension_numbers = #tpu.dot_dimension_numbers<[1], [1], [0], [0], [0, 0, 1, 0], [], []>, transpose_lhs_hint = false} : vector<256x64xf32>, vector<128x64xf32>, vector<256x128xf32> -> vector<256x128xf32>
    %get3A_361 = arith.constant 0 : index
    %get3A_362 = arith.constant 0 : index
    %get3A_363 = vector.load %arg10[%get3A_361, %get3A_362] : memref<1x128xf32, #tpu.memory_space<vmem>>, vector<1x128xf32>
    %add3A_364 = vector.broadcast %get3A_363 : vector<1x128xf32> to vector<256x128xf32>
    %add3A_365 = arith.addf %dot_general3A_360, %add3A_364 : vector<256x128xf32>
    %reduce_sum3A_366 = arith.constant dense<0.000000e+00> : vector<128xf32>
    %reduce_sum3A_367 = vector.multi_reduction <add>, %add3A_365, %reduce_sum3A_366 [0] : vector<256x128xf32> to vector<128xf32>
    %broadcast_in_dim3A_368 = vector.shape_cast %reduce_sum3A_367 : vector<128xf32> to vector<1x128xf32>
    %add3A_369 = arith.addf %add3A_325, %broadcast_in_dim3A_368 : vector<1x128xf32>
    %mul3A_370 = arith.mulf %add3A_365, %add3A_365 : vector<256x128xf32>
    %reduce_sum3A_371 = arith.constant dense<0.000000e+00> : vector<128xf32>
    %reduce_sum3A_372 = vector.multi_reduction <add>, %mul3A_370, %reduce_sum3A_371 [0] : vector<256x128xf32> to vector<128xf32>
    %broadcast_in_dim3A_373 = vector.shape_cast %reduce_sum3A_372 : vector<128xf32> to vector<1x128xf32>
    %add3A_374 = arith.addf %add3A_330, %broadcast_in_dim3A_373 : vector<1x128xf32>
    %get3A_375 = arith.constant 0 : index
    %get3A_376 = arith.constant 8 : index
    %get3A_377 = arith.constant 0 : index
    %get3A_378 = arith.constant 0 : index
    %get3A_379 = vector.load %arg2[%get3A_375, %get3A_376, %get3A_377, %get3A_378] : memref<1x20x256x16xf32, #tpu.memory_space<vmem>>, vector<1x1x256x3xf32>
    %get3A_380 = vector.shape_cast %get3A_379 : vector<1x1x256x3xf32> to vector<256x3xf32>
    %sub3A_381 = arith.subf %get3A_380, %get3A_3 : vector<256x3xf32>
    %concatenate3A_382 = tpu.concatenate %sub3A_381, %get3A_3 in 1 : vector<256x3xf32>, vector<256x3xf32> -> vector<256x6xf32>
    %get3A_383 = arith.constant 0 : index
    %get3A_384 = arith.constant 0 : index
    %get3A_385 = vector.load %arg4[%get3A_383, %get3A_384] : memref<6x64xf32, #tpu.memory_space<vmem>>, vector<6x64xf32>
    %dot_general3A_386 = arith.constant dense<0.000000e+00> : vector<256x64xf32>
    %dot_general3A_387 = tpu.matmul %concatenate3A_382, %get3A_385, %dot_general3A_386 {dimension_numbers = #tpu.dot_dimension_numbers<[1], [0], [0], [1], [0, 0, 1, 1], [], []>, transpose_lhs_hint = false} : vector<256x6xf32>, vector<6x64xf32>, vector<256x64xf32> -> vector<256x64xf32>
    %get3A_388 = arith.constant 0 : index
    %get3A_389 = arith.constant 0 : index
    %get3A_390 = vector.load %arg5[%get3A_388, %get3A_389] : memref<1x64xf32, #tpu.memory_space<vmem>>, vector<1x64xf32>
    %add3A_391 = vector.broadcast %get3A_390 : vector<1x64xf32> to vector<256x64xf32>
    %add3A_392 = arith.addf %dot_general3A_387, %add3A_391 : vector<256x64xf32>
    %mul3A_393 = vector.broadcast %div3A : vector<1x64xf32> to vector<256x64xf32>
    %mul3A_394 = arith.mulf %add3A_392, %mul3A_393 : vector<256x64xf32>
    %add3A_395 = vector.broadcast %sub3A_23 : vector<1x64xf32> to vector<256x64xf32>
    %add3A_396 = arith.addf %mul3A_394, %add3A_395 : vector<256x64xf32>
    %max3A_397 = arith.constant 0.000000e+00 : f32
    %max3A_398 = vector.broadcast %max3A_397 : f32 to vector<256x64xf32>
    %max3A_399 = arith.maximumf %add3A_396, %max3A_398 : vector<256x64xf32>
    %get3A_400 = arith.constant 0 : index
    %get3A_401 = arith.constant 0 : index
    %get3A_402 = vector.load %arg9[%get3A_400, %get3A_401] : memref<128x64xf32, #tpu.memory_space<vmem>>, vector<128x64xf32>
    %dot_general3A_403 = arith.constant dense<0.000000e+00> : vector<256x128xf32>
    %dot_general3A_404 = tpu.matmul %max3A_399, %get3A_402, %dot_general3A_403 {dimension_numbers = #tpu.dot_dimension_numbers<[1], [1], [0], [0], [0, 0, 1, 0], [], []>, transpose_lhs_hint = false} : vector<256x64xf32>, vector<128x64xf32>, vector<256x128xf32> -> vector<256x128xf32>
    %get3A_405 = arith.constant 0 : index
    %get3A_406 = arith.constant 0 : index
    %get3A_407 = vector.load %arg10[%get3A_405, %get3A_406] : memref<1x128xf32, #tpu.memory_space<vmem>>, vector<1x128xf32>
    %add3A_408 = vector.broadcast %get3A_407 : vector<1x128xf32> to vector<256x128xf32>
    %add3A_409 = arith.addf %dot_general3A_404, %add3A_408 : vector<256x128xf32>
    %reduce_sum3A_410 = arith.constant dense<0.000000e+00> : vector<128xf32>
    %reduce_sum3A_411 = vector.multi_reduction <add>, %add3A_409, %reduce_sum3A_410 [0] : vector<256x128xf32> to vector<128xf32>
    %broadcast_in_dim3A_412 = vector.shape_cast %reduce_sum3A_411 : vector<128xf32> to vector<1x128xf32>
    %add3A_413 = arith.addf %add3A_369, %broadcast_in_dim3A_412 : vector<1x128xf32>
    %mul3A_414 = arith.mulf %add3A_409, %add3A_409 : vector<256x128xf32>
    %reduce_sum3A_415 = arith.constant dense<0.000000e+00> : vector<128xf32>
    %reduce_sum3A_416 = vector.multi_reduction <add>, %mul3A_414, %reduce_sum3A_415 [0] : vector<256x128xf32> to vector<128xf32>
    %broadcast_in_dim3A_417 = vector.shape_cast %reduce_sum3A_416 : vector<128xf32> to vector<1x128xf32>
    %add3A_418 = arith.addf %add3A_374, %broadcast_in_dim3A_417 : vector<1x128xf32>
    %get3A_419 = arith.constant 0 : index
    %get3A_420 = arith.constant 9 : index
    %get3A_421 = arith.constant 0 : index
    %get3A_422 = arith.constant 0 : index
    %get3A_423 = vector.load %arg2[%get3A_419, %get3A_420, %get3A_421, %get3A_422] : memref<1x20x256x16xf32, #tpu.memory_space<vmem>>, vector<1x1x256x3xf32>
    %get3A_424 = vector.shape_cast %get3A_423 : vector<1x1x256x3xf32> to vector<256x3xf32>
    %sub3A_425 = arith.subf %get3A_424, %get3A_3 : vector<256x3xf32>
    %concatenate3A_426 = tpu.concatenate %sub3A_425, %get3A_3 in 1 : vector<256x3xf32>, vector<256x3xf32> -> vector<256x6xf32>
    %get3A_427 = arith.constant 0 : index
    %get3A_428 = arith.constant 0 : index
    %get3A_429 = vector.load %arg4[%get3A_427, %get3A_428] : memref<6x64xf32, #tpu.memory_space<vmem>>, vector<6x64xf32>
    %dot_general3A_430 = arith.constant dense<0.000000e+00> : vector<256x64xf32>
    %dot_general3A_431 = tpu.matmul %concatenate3A_426, %get3A_429, %dot_general3A_430 {dimension_numbers = #tpu.dot_dimension_numbers<[1], [0], [0], [1], [0, 0, 1, 1], [], []>, transpose_lhs_hint = false} : vector<256x6xf32>, vector<6x64xf32>, vector<256x64xf32> -> vector<256x64xf32>
    %get3A_432 = arith.constant 0 : index
    %get3A_433 = arith.constant 0 : index
    %get3A_434 = vector.load %arg5[%get3A_432, %get3A_433] : memref<1x64xf32, #tpu.memory_space<vmem>>, vector<1x64xf32>
    %add3A_435 = vector.broadcast %get3A_434 : vector<1x64xf32> to vector<256x64xf32>
    %add3A_436 = arith.addf %dot_general3A_431, %add3A_435 : vector<256x64xf32>
    %mul3A_437 = vector.broadcast %div3A : vector<1x64xf32> to vector<256x64xf32>
    %mul3A_438 = arith.mulf %add3A_436, %mul3A_437 : vector<256x64xf32>
    %add3A_439 = vector.broadcast %sub3A_23 : vector<1x64xf32> to vector<256x64xf32>
    %add3A_440 = arith.addf %mul3A_438, %add3A_439 : vector<256x64xf32>
    %max3A_441 = arith.constant 0.000000e+00 : f32
    %max3A_442 = vector.broadcast %max3A_441 : f32 to vector<256x64xf32>
    %max3A_443 = arith.maximumf %add3A_440, %max3A_442 : vector<256x64xf32>
    %get3A_444 = arith.constant 0 : index
    %get3A_445 = arith.constant 0 : index
    %get3A_446 = vector.load %arg9[%get3A_444, %get3A_445] : memref<128x64xf32, #tpu.memory_space<vmem>>, vector<128x64xf32>
    %dot_general3A_447 = arith.constant dense<0.000000e+00> : vector<256x128xf32>
    %dot_general3A_448 = tpu.matmul %max3A_443, %get3A_446, %dot_general3A_447 {dimension_numbers = #tpu.dot_dimension_numbers<[1], [1], [0], [0], [0, 0, 1, 0], [], []>, transpose_lhs_hint = false} : vector<256x64xf32>, vector<128x64xf32>, vector<256x128xf32> -> vector<256x128xf32>
    %get3A_449 = arith.constant 0 : index
    %get3A_450 = arith.constant 0 : index
    %get3A_451 = vector.load %arg10[%get3A_449, %get3A_450] : memref<1x128xf32, #tpu.memory_space<vmem>>, vector<1x128xf32>
    %add3A_452 = vector.broadcast %get3A_451 : vector<1x128xf32> to vector<256x128xf32>
    %add3A_453 = arith.addf %dot_general3A_448, %add3A_452 : vector<256x128xf32>
    %reduce_sum3A_454 = arith.constant dense<0.000000e+00> : vector<128xf32>
    %reduce_sum3A_455 = vector.multi_reduction <add>, %add3A_453, %reduce_sum3A_454 [0] : vector<256x128xf32> to vector<128xf32>
    %broadcast_in_dim3A_456 = vector.shape_cast %reduce_sum3A_455 : vector<128xf32> to vector<1x128xf32>
    %add3A_457 = arith.addf %add3A_413, %broadcast_in_dim3A_456 : vector<1x128xf32>
    %mul3A_458 = arith.mulf %add3A_453, %add3A_453 : vector<256x128xf32>
    %reduce_sum3A_459 = arith.constant dense<0.000000e+00> : vector<128xf32>
    %reduce_sum3A_460 = vector.multi_reduction <add>, %mul3A_458, %reduce_sum3A_459 [0] : vector<256x128xf32> to vector<128xf32>
    %broadcast_in_dim3A_461 = vector.shape_cast %reduce_sum3A_460 : vector<128xf32> to vector<1x128xf32>
    %add3A_462 = arith.addf %add3A_418, %broadcast_in_dim3A_461 : vector<1x128xf32>
    %get3A_463 = arith.constant 0 : index
    %get3A_464 = arith.constant 10 : index
    %get3A_465 = arith.constant 0 : index
    %get3A_466 = arith.constant 0 : index
    %get3A_467 = vector.load %arg2[%get3A_463, %get3A_464, %get3A_465, %get3A_466] : memref<1x20x256x16xf32, #tpu.memory_space<vmem>>, vector<1x1x256x3xf32>
    %get3A_468 = vector.shape_cast %get3A_467 : vector<1x1x256x3xf32> to vector<256x3xf32>
    %sub3A_469 = arith.subf %get3A_468, %get3A_3 : vector<256x3xf32>
    %concatenate3A_470 = tpu.concatenate %sub3A_469, %get3A_3 in 1 : vector<256x3xf32>, vector<256x3xf32> -> vector<256x6xf32>
    %get3A_471 = arith.constant 0 : index
    %get3A_472 = arith.constant 0 : index
    %get3A_473 = vector.load %arg4[%get3A_471, %get3A_472] : memref<6x64xf32, #tpu.memory_space<vmem>>, vector<6x64xf32>
    %dot_general3A_474 = arith.constant dense<0.000000e+00> : vector<256x64xf32>
    %dot_general3A_475 = tpu.matmul %concatenate3A_470, %get3A_473, %dot_general3A_474 {dimension_numbers = #tpu.dot_dimension_numbers<[1], [0], [0], [1], [0, 0, 1, 1], [], []>, transpose_lhs_hint = false} : vector<256x6xf32>, vector<6x64xf32>, vector<256x64xf32> -> vector<256x64xf32>
    %get3A_476 = arith.constant 0 : index
    %get3A_477 = arith.constant 0 : index
    %get3A_478 = vector.load %arg5[%get3A_476, %get3A_477] : memref<1x64xf32, #tpu.memory_space<vmem>>, vector<1x64xf32>
    %add3A_479 = vector.broadcast %get3A_478 : vector<1x64xf32> to vector<256x64xf32>
    %add3A_480 = arith.addf %dot_general3A_475, %add3A_479 : vector<256x64xf32>
    %mul3A_481 = vector.broadcast %div3A : vector<1x64xf32> to vector<256x64xf32>
    %mul3A_482 = arith.mulf %add3A_480, %mul3A_481 : vector<256x64xf32>
    %add3A_483 = vector.broadcast %sub3A_23 : vector<1x64xf32> to vector<256x64xf32>
    %add3A_484 = arith.addf %mul3A_482, %add3A_483 : vector<256x64xf32>
    %max3A_485 = arith.constant 0.000000e+00 : f32
    %max3A_486 = vector.broadcast %max3A_485 : f32 to vector<256x64xf32>
    %max3A_487 = arith.maximumf %add3A_484, %max3A_486 : vector<256x64xf32>
    %get3A_488 = arith.constant 0 : index
    %get3A_489 = arith.constant 0 : index
    %get3A_490 = vector.load %arg9[%get3A_488, %get3A_489] : memref<128x64xf32, #tpu.memory_space<vmem>>, vector<128x64xf32>
    %dot_general3A_491 = arith.constant dense<0.000000e+00> : vector<256x128xf32>
    %dot_general3A_492 = tpu.matmul %max3A_487, %get3A_490, %dot_general3A_491 {dimension_numbers = #tpu.dot_dimension_numbers<[1], [1], [0], [0], [0, 0, 1, 0], [], []>, transpose_lhs_hint = false} : vector<256x64xf32>, vector<128x64xf32>, vector<256x128xf32> -> vector<256x128xf32>
    %get3A_493 = arith.constant 0 : index
    %get3A_494 = arith.constant 0 : index
    %get3A_495 = vector.load %arg10[%get3A_493, %get3A_494] : memref<1x128xf32, #tpu.memory_space<vmem>>, vector<1x128xf32>
    %add3A_496 = vector.broadcast %get3A_495 : vector<1x128xf32> to vector<256x128xf32>
    %add3A_497 = arith.addf %dot_general3A_492, %add3A_496 : vector<256x128xf32>
    %reduce_sum3A_498 = arith.constant dense<0.000000e+00> : vector<128xf32>
    %reduce_sum3A_499 = vector.multi_reduction <add>, %add3A_497, %reduce_sum3A_498 [0] : vector<256x128xf32> to vector<128xf32>
    %broadcast_in_dim3A_500 = vector.shape_cast %reduce_sum3A_499 : vector<128xf32> to vector<1x128xf32>
    %add3A_501 = arith.addf %add3A_457, %broadcast_in_dim3A_500 : vector<1x128xf32>
    %mul3A_502 = arith.mulf %add3A_497, %add3A_497 : vector<256x128xf32>
    %reduce_sum3A_503 = arith.constant dense<0.000000e+00> : vector<128xf32>
    %reduce_sum3A_504 = vector.multi_reduction <add>, %mul3A_502, %reduce_sum3A_503 [0] : vector<256x128xf32> to vector<128xf32>
    %broadcast_in_dim3A_505 = vector.shape_cast %reduce_sum3A_504 : vector<128xf32> to vector<1x128xf32>
    %add3A_506 = arith.addf %add3A_462, %broadcast_in_dim3A_505 : vector<1x128xf32>
    %get3A_507 = arith.constant 0 : index
    %get3A_508 = arith.constant 11 : index
    %get3A_509 = arith.constant 0 : index
    %get3A_510 = arith.constant 0 : index
    %get3A_511 = vector.load %arg2[%get3A_507, %get3A_508, %get3A_509, %get3A_510] : memref<1x20x256x16xf32, #tpu.memory_space<vmem>>, vector<1x1x256x3xf32>
    %get3A_512 = vector.shape_cast %get3A_511 : vector<1x1x256x3xf32> to vector<256x3xf32>
    %sub3A_513 = arith.subf %get3A_512, %get3A_3 : vector<256x3xf32>
    %concatenate3A_514 = tpu.concatenate %sub3A_513, %get3A_3 in 1 : vector<256x3xf32>, vector<256x3xf32> -> vector<256x6xf32>
    %get3A_515 = arith.constant 0 : index
    %get3A_516 = arith.constant 0 : index
    %get3A_517 = vector.load %arg4[%get3A_515, %get3A_516] : memref<6x64xf32, #tpu.memory_space<vmem>>, vector<6x64xf32>
    %dot_general3A_518 = arith.constant dense<0.000000e+00> : vector<256x64xf32>
    %dot_general3A_519 = tpu.matmul %concatenate3A_514, %get3A_517, %dot_general3A_518 {dimension_numbers = #tpu.dot_dimension_numbers<[1], [0], [0], [1], [0, 0, 1, 1], [], []>, transpose_lhs_hint = false} : vector<256x6xf32>, vector<6x64xf32>, vector<256x64xf32> -> vector<256x64xf32>
    %get3A_520 = arith.constant 0 : index
    %get3A_521 = arith.constant 0 : index
    %get3A_522 = vector.load %arg5[%get3A_520, %get3A_521] : memref<1x64xf32, #tpu.memory_space<vmem>>, vector<1x64xf32>
    %add3A_523 = vector.broadcast %get3A_522 : vector<1x64xf32> to vector<256x64xf32>
    %add3A_524 = arith.addf %dot_general3A_519, %add3A_523 : vector<256x64xf32>
    %mul3A_525 = vector.broadcast %div3A : vector<1x64xf32> to vector<256x64xf32>
    %mul3A_526 = arith.mulf %add3A_524, %mul3A_525 : vector<256x64xf32>
    %add3A_527 = vector.broadcast %sub3A_23 : vector<1x64xf32> to vector<256x64xf32>
    %add3A_528 = arith.addf %mul3A_526, %add3A_527 : vector<256x64xf32>
    %max3A_529 = arith.constant 0.000000e+00 : f32
    %max3A_530 = vector.broadcast %max3A_529 : f32 to vector<256x64xf32>
    %max3A_531 = arith.maximumf %add3A_528, %max3A_530 : vector<256x64xf32>
    %get3A_532 = arith.constant 0 : index
    %get3A_533 = arith.constant 0 : index
    %get3A_534 = vector.load %arg9[%get3A_532, %get3A_533] : memref<128x64xf32, #tpu.memory_space<vmem>>, vector<128x64xf32>
    %dot_general3A_535 = arith.constant dense<0.000000e+00> : vector<256x128xf32>
    %dot_general3A_536 = tpu.matmul %max3A_531, %get3A_534, %dot_general3A_535 {dimension_numbers = #tpu.dot_dimension_numbers<[1], [1], [0], [0], [0, 0, 1, 0], [], []>, transpose_lhs_hint = false} : vector<256x64xf32>, vector<128x64xf32>, vector<256x128xf32> -> vector<256x128xf32>
    %get3A_537 = arith.constant 0 : index
    %get3A_538 = arith.constant 0 : index
    %get3A_539 = vector.load %arg10[%get3A_537, %get3A_538] : memref<1x128xf32, #tpu.memory_space<vmem>>, vector<1x128xf32>
    %add3A_540 = vector.broadcast %get3A_539 : vector<1x128xf32> to vector<256x128xf32>
    %add3A_541 = arith.addf %dot_general3A_536, %add3A_540 : vector<256x128xf32>
    %reduce_sum3A_542 = arith.constant dense<0.000000e+00> : vector<128xf32>
    %reduce_sum3A_543 = vector.multi_reduction <add>, %add3A_541, %reduce_sum3A_542 [0] : vector<256x128xf32> to vector<128xf32>
    %broadcast_in_dim3A_544 = vector.shape_cast %reduce_sum3A_543 : vector<128xf32> to vector<1x128xf32>
    %add3A_545 = arith.addf %add3A_501, %broadcast_in_dim3A_544 : vector<1x128xf32>
    %mul3A_546 = arith.mulf %add3A_541, %add3A_541 : vector<256x128xf32>
    %reduce_sum3A_547 = arith.constant dense<0.000000e+00> : vector<128xf32>
    %reduce_sum3A_548 = vector.multi_reduction <add>, %mul3A_546, %reduce_sum3A_547 [0] : vector<256x128xf32> to vector<128xf32>
    %broadcast_in_dim3A_549 = vector.shape_cast %reduce_sum3A_548 : vector<128xf32> to vector<1x128xf32>
    %add3A_550 = arith.addf %add3A_506, %broadcast_in_dim3A_549 : vector<1x128xf32>
    %get3A_551 = arith.constant 0 : index
    %get3A_552 = arith.constant 12 : index
    %get3A_553 = arith.constant 0 : index
    %get3A_554 = arith.constant 0 : index
    %get3A_555 = vector.load %arg2[%get3A_551, %get3A_552, %get3A_553, %get3A_554] : memref<1x20x256x16xf32, #tpu.memory_space<vmem>>, vector<1x1x256x3xf32>
    %get3A_556 = vector.shape_cast %get3A_555 : vector<1x1x256x3xf32> to vector<256x3xf32>
    %sub3A_557 = arith.subf %get3A_556, %get3A_3 : vector<256x3xf32>
    %concatenate3A_558 = tpu.concatenate %sub3A_557, %get3A_3 in 1 : vector<256x3xf32>, vector<256x3xf32> -> vector<256x6xf32>
    %get3A_559 = arith.constant 0 : index
    %get3A_560 = arith.constant 0 : index
    %get3A_561 = vector.load %arg4[%get3A_559, %get3A_560] : memref<6x64xf32, #tpu.memory_space<vmem>>, vector<6x64xf32>
    %dot_general3A_562 = arith.constant dense<0.000000e+00> : vector<256x64xf32>
    %dot_general3A_563 = tpu.matmul %concatenate3A_558, %get3A_561, %dot_general3A_562 {dimension_numbers = #tpu.dot_dimension_numbers<[1], [0], [0], [1], [0, 0, 1, 1], [], []>, transpose_lhs_hint = false} : vector<256x6xf32>, vector<6x64xf32>, vector<256x64xf32> -> vector<256x64xf32>
    %get3A_564 = arith.constant 0 : index
    %get3A_565 = arith.constant 0 : index
    %get3A_566 = vector.load %arg5[%get3A_564, %get3A_565] : memref<1x64xf32, #tpu.memory_space<vmem>>, vector<1x64xf32>
    %add3A_567 = vector.broadcast %get3A_566 : vector<1x64xf32> to vector<256x64xf32>
    %add3A_568 = arith.addf %dot_general3A_563, %add3A_567 : vector<256x64xf32>
    %mul3A_569 = vector.broadcast %div3A : vector<1x64xf32> to vector<256x64xf32>
    %mul3A_570 = arith.mulf %add3A_568, %mul3A_569 : vector<256x64xf32>
    %add3A_571 = vector.broadcast %sub3A_23 : vector<1x64xf32> to vector<256x64xf32>
    %add3A_572 = arith.addf %mul3A_570, %add3A_571 : vector<256x64xf32>
    %max3A_573 = arith.constant 0.000000e+00 : f32
    %max3A_574 = vector.broadcast %max3A_573 : f32 to vector<256x64xf32>
    %max3A_575 = arith.maximumf %add3A_572, %max3A_574 : vector<256x64xf32>
    %get3A_576 = arith.constant 0 : index
    %get3A_577 = arith.constant 0 : index
    %get3A_578 = vector.load %arg9[%get3A_576, %get3A_577] : memref<128x64xf32, #tpu.memory_space<vmem>>, vector<128x64xf32>
    %dot_general3A_579 = arith.constant dense<0.000000e+00> : vector<256x128xf32>
    %dot_general3A_580 = tpu.matmul %max3A_575, %get3A_578, %dot_general3A_579 {dimension_numbers = #tpu.dot_dimension_numbers<[1], [1], [0], [0], [0, 0, 1, 0], [], []>, transpose_lhs_hint = false} : vector<256x64xf32>, vector<128x64xf32>, vector<256x128xf32> -> vector<256x128xf32>
    %get3A_581 = arith.constant 0 : index
    %get3A_582 = arith.constant 0 : index
    %get3A_583 = vector.load %arg10[%get3A_581, %get3A_582] : memref<1x128xf32, #tpu.memory_space<vmem>>, vector<1x128xf32>
    %add3A_584 = vector.broadcast %get3A_583 : vector<1x128xf32> to vector<256x128xf32>
    %add3A_585 = arith.addf %dot_general3A_580, %add3A_584 : vector<256x128xf32>
    %reduce_sum3A_586 = arith.constant dense<0.000000e+00> : vector<128xf32>
    %reduce_sum3A_587 = vector.multi_reduction <add>, %add3A_585, %reduce_sum3A_586 [0] : vector<256x128xf32> to vector<128xf32>
    %broadcast_in_dim3A_588 = vector.shape_cast %reduce_sum3A_587 : vector<128xf32> to vector<1x128xf32>
    %add3A_589 = arith.addf %add3A_545, %broadcast_in_dim3A_588 : vector<1x128xf32>
    %mul3A_590 = arith.mulf %add3A_585, %add3A_585 : vector<256x128xf32>
    %reduce_sum3A_591 = arith.constant dense<0.000000e+00> : vector<128xf32>
    %reduce_sum3A_592 = vector.multi_reduction <add>, %mul3A_590, %reduce_sum3A_591 [0] : vector<256x128xf32> to vector<128xf32>
    %broadcast_in_dim3A_593 = vector.shape_cast %reduce_sum3A_592 : vector<128xf32> to vector<1x128xf32>
    %add3A_594 = arith.addf %add3A_550, %broadcast_in_dim3A_593 : vector<1x128xf32>
    %get3A_595 = arith.constant 0 : index
    %get3A_596 = arith.constant 13 : index
    %get3A_597 = arith.constant 0 : index
    %get3A_598 = arith.constant 0 : index
    %get3A_599 = vector.load %arg2[%get3A_595, %get3A_596, %get3A_597, %get3A_598] : memref<1x20x256x16xf32, #tpu.memory_space<vmem>>, vector<1x1x256x3xf32>
    %get3A_600 = vector.shape_cast %get3A_599 : vector<1x1x256x3xf32> to vector<256x3xf32>
    %sub3A_601 = arith.subf %get3A_600, %get3A_3 : vector<256x3xf32>
    %concatenate3A_602 = tpu.concatenate %sub3A_601, %get3A_3 in 1 : vector<256x3xf32>, vector<256x3xf32> -> vector<256x6xf32>
    %get3A_603 = arith.constant 0 : index
    %get3A_604 = arith.constant 0 : index
    %get3A_605 = vector.load %arg4[%get3A_603, %get3A_604] : memref<6x64xf32, #tpu.memory_space<vmem>>, vector<6x64xf32>
    %dot_general3A_606 = arith.constant dense<0.000000e+00> : vector<256x64xf32>
    %dot_general3A_607 = tpu.matmul %concatenate3A_602, %get3A_605, %dot_general3A_606 {dimension_numbers = #tpu.dot_dimension_numbers<[1], [0], [0], [1], [0, 0, 1, 1], [], []>, transpose_lhs_hint = false} : vector<256x6xf32>, vector<6x64xf32>, vector<256x64xf32> -> vector<256x64xf32>
    %get3A_608 = arith.constant 0 : index
    %get3A_609 = arith.constant 0 : index
    %get3A_610 = vector.load %arg5[%get3A_608, %get3A_609] : memref<1x64xf32, #tpu.memory_space<vmem>>, vector<1x64xf32>
    %add3A_611 = vector.broadcast %get3A_610 : vector<1x64xf32> to vector<256x64xf32>
    %add3A_612 = arith.addf %dot_general3A_607, %add3A_611 : vector<256x64xf32>
    %mul3A_613 = vector.broadcast %div3A : vector<1x64xf32> to vector<256x64xf32>
    %mul3A_614 = arith.mulf %add3A_612, %mul3A_613 : vector<256x64xf32>
    %add3A_615 = vector.broadcast %sub3A_23 : vector<1x64xf32> to vector<256x64xf32>
    %add3A_616 = arith.addf %mul3A_614, %add3A_615 : vector<256x64xf32>
    %max3A_617 = arith.constant 0.000000e+00 : f32
    %max3A_618 = vector.broadcast %max3A_617 : f32 to vector<256x64xf32>
    %max3A_619 = arith.maximumf %add3A_616, %max3A_618 : vector<256x64xf32>
    %get3A_620 = arith.constant 0 : index
    %get3A_621 = arith.constant 0 : index
    %get3A_622 = vector.load %arg9[%get3A_620, %get3A_621] : memref<128x64xf32, #tpu.memory_space<vmem>>, vector<128x64xf32>
    %dot_general3A_623 = arith.constant dense<0.000000e+00> : vector<256x128xf32>
    %dot_general3A_624 = tpu.matmul %max3A_619, %get3A_622, %dot_general3A_623 {dimension_numbers = #tpu.dot_dimension_numbers<[1], [1], [0], [0], [0, 0, 1, 0], [], []>, transpose_lhs_hint = false} : vector<256x64xf32>, vector<128x64xf32>, vector<256x128xf32> -> vector<256x128xf32>
    %get3A_625 = arith.constant 0 : index
    %get3A_626 = arith.constant 0 : index
    %get3A_627 = vector.load %arg10[%get3A_625, %get3A_626] : memref<1x128xf32, #tpu.memory_space<vmem>>, vector<1x128xf32>
    %add3A_628 = vector.broadcast %get3A_627 : vector<1x128xf32> to vector<256x128xf32>
    %add3A_629 = arith.addf %dot_general3A_624, %add3A_628 : vector<256x128xf32>
    %reduce_sum3A_630 = arith.constant dense<0.000000e+00> : vector<128xf32>
    %reduce_sum3A_631 = vector.multi_reduction <add>, %add3A_629, %reduce_sum3A_630 [0] : vector<256x128xf32> to vector<128xf32>
    %broadcast_in_dim3A_632 = vector.shape_cast %reduce_sum3A_631 : vector<128xf32> to vector<1x128xf32>
    %add3A_633 = arith.addf %add3A_589, %broadcast_in_dim3A_632 : vector<1x128xf32>
    %mul3A_634 = arith.mulf %add3A_629, %add3A_629 : vector<256x128xf32>
    %reduce_sum3A_635 = arith.constant dense<0.000000e+00> : vector<128xf32>
    %reduce_sum3A_636 = vector.multi_reduction <add>, %mul3A_634, %reduce_sum3A_635 [0] : vector<256x128xf32> to vector<128xf32>
    %broadcast_in_dim3A_637 = vector.shape_cast %reduce_sum3A_636 : vector<128xf32> to vector<1x128xf32>
    %add3A_638 = arith.addf %add3A_594, %broadcast_in_dim3A_637 : vector<1x128xf32>
    %get3A_639 = arith.constant 0 : index
    %get3A_640 = arith.constant 14 : index
    %get3A_641 = arith.constant 0 : index
    %get3A_642 = arith.constant 0 : index
    %get3A_643 = vector.load %arg2[%get3A_639, %get3A_640, %get3A_641, %get3A_642] : memref<1x20x256x16xf32, #tpu.memory_space<vmem>>, vector<1x1x256x3xf32>
    %get3A_644 = vector.shape_cast %get3A_643 : vector<1x1x256x3xf32> to vector<256x3xf32>
    %sub3A_645 = arith.subf %get3A_644, %get3A_3 : vector<256x3xf32>
    %concatenate3A_646 = tpu.concatenate %sub3A_645, %get3A_3 in 1 : vector<256x3xf32>, vector<256x3xf32> -> vector<256x6xf32>
    %get3A_647 = arith.constant 0 : index
    %get3A_648 = arith.constant 0 : index
    %get3A_649 = vector.load %arg4[%get3A_647, %get3A_648] : memref<6x64xf32, #tpu.memory_space<vmem>>, vector<6x64xf32>
    %dot_general3A_650 = arith.constant dense<0.000000e+00> : vector<256x64xf32>
    %dot_general3A_651 = tpu.matmul %concatenate3A_646, %get3A_649, %dot_general3A_650 {dimension_numbers = #tpu.dot_dimension_numbers<[1], [0], [0], [1], [0, 0, 1, 1], [], []>, transpose_lhs_hint = false} : vector<256x6xf32>, vector<6x64xf32>, vector<256x64xf32> -> vector<256x64xf32>
    %get3A_652 = arith.constant 0 : index
    %get3A_653 = arith.constant 0 : index
    %get3A_654 = vector.load %arg5[%get3A_652, %get3A_653] : memref<1x64xf32, #tpu.memory_space<vmem>>, vector<1x64xf32>
    %add3A_655 = vector.broadcast %get3A_654 : vector<1x64xf32> to vector<256x64xf32>
    %add3A_656 = arith.addf %dot_general3A_651, %add3A_655 : vector<256x64xf32>
    %mul3A_657 = vector.broadcast %div3A : vector<1x64xf32> to vector<256x64xf32>
    %mul3A_658 = arith.mulf %add3A_656, %mul3A_657 : vector<256x64xf32>
    %add3A_659 = vector.broadcast %sub3A_23 : vector<1x64xf32> to vector<256x64xf32>
    %add3A_660 = arith.addf %mul3A_658, %add3A_659 : vector<256x64xf32>
    %max3A_661 = arith.constant 0.000000e+00 : f32
    %max3A_662 = vector.broadcast %max3A_661 : f32 to vector<256x64xf32>
    %max3A_663 = arith.maximumf %add3A_660, %max3A_662 : vector<256x64xf32>
    %get3A_664 = arith.constant 0 : index
    %get3A_665 = arith.constant 0 : index
    %get3A_666 = vector.load %arg9[%get3A_664, %get3A_665] : memref<128x64xf32, #tpu.memory_space<vmem>>, vector<128x64xf32>
    %dot_general3A_667 = arith.constant dense<0.000000e+00> : vector<256x128xf32>
    %dot_general3A_668 = tpu.matmul %max3A_663, %get3A_666, %dot_general3A_667 {dimension_numbers = #tpu.dot_dimension_numbers<[1], [1], [0], [0], [0, 0, 1, 0], [], []>, transpose_lhs_hint = false} : vector<256x64xf32>, vector<128x64xf32>, vector<256x128xf32> -> vector<256x128xf32>
    %get3A_669 = arith.constant 0 : index
    %get3A_670 = arith.constant 0 : index
    %get3A_671 = vector.load %arg10[%get3A_669, %get3A_670] : memref<1x128xf32, #tpu.memory_space<vmem>>, vector<1x128xf32>
    %add3A_672 = vector.broadcast %get3A_671 : vector<1x128xf32> to vector<256x128xf32>
    %add3A_673 = arith.addf %dot_general3A_668, %add3A_672 : vector<256x128xf32>
    %reduce_sum3A_674 = arith.constant dense<0.000000e+00> : vector<128xf32>
    %reduce_sum3A_675 = vector.multi_reduction <add>, %add3A_673, %reduce_sum3A_674 [0] : vector<256x128xf32> to vector<128xf32>
    %broadcast_in_dim3A_676 = vector.shape_cast %reduce_sum3A_675 : vector<128xf32> to vector<1x128xf32>
    %add3A_677 = arith.addf %add3A_633, %broadcast_in_dim3A_676 : vector<1x128xf32>
    %mul3A_678 = arith.mulf %add3A_673, %add3A_673 : vector<256x128xf32>
    %reduce_sum3A_679 = arith.constant dense<0.000000e+00> : vector<128xf32>
    %reduce_sum3A_680 = vector.multi_reduction <add>, %mul3A_678, %reduce_sum3A_679 [0] : vector<256x128xf32> to vector<128xf32>
    %broadcast_in_dim3A_681 = vector.shape_cast %reduce_sum3A_680 : vector<128xf32> to vector<1x128xf32>
    %add3A_682 = arith.addf %add3A_638, %broadcast_in_dim3A_681 : vector<1x128xf32>
    %get3A_683 = arith.constant 0 : index
    %get3A_684 = arith.constant 15 : index
    %get3A_685 = arith.constant 0 : index
    %get3A_686 = arith.constant 0 : index
    %get3A_687 = vector.load %arg2[%get3A_683, %get3A_684, %get3A_685, %get3A_686] : memref<1x20x256x16xf32, #tpu.memory_space<vmem>>, vector<1x1x256x3xf32>
    %get3A_688 = vector.shape_cast %get3A_687 : vector<1x1x256x3xf32> to vector<256x3xf32>
    %sub3A_689 = arith.subf %get3A_688, %get3A_3 : vector<256x3xf32>
    %concatenate3A_690 = tpu.concatenate %sub3A_689, %get3A_3 in 1 : vector<256x3xf32>, vector<256x3xf32> -> vector<256x6xf32>
    %get3A_691 = arith.constant 0 : index
    %get3A_692 = arith.constant 0 : index
    %get3A_693 = vector.load %arg4[%get3A_691, %get3A_692] : memref<6x64xf32, #tpu.memory_space<vmem>>, vector<6x64xf32>
    %dot_general3A_694 = arith.constant dense<0.000000e+00> : vector<256x64xf32>
    %dot_general3A_695 = tpu.matmul %concatenate3A_690, %get3A_693, %dot_general3A_694 {dimension_numbers = #tpu.dot_dimension_numbers<[1], [0], [0], [1], [0, 0, 1, 1], [], []>, transpose_lhs_hint = false} : vector<256x6xf32>, vector<6x64xf32>, vector<256x64xf32> -> vector<256x64xf32>
    %get3A_696 = arith.constant 0 : index
    %get3A_697 = arith.constant 0 : index
    %get3A_698 = vector.load %arg5[%get3A_696, %get3A_697] : memref<1x64xf32, #tpu.memory_space<vmem>>, vector<1x64xf32>
    %add3A_699 = vector.broadcast %get3A_698 : vector<1x64xf32> to vector<256x64xf32>
    %add3A_700 = arith.addf %dot_general3A_695, %add3A_699 : vector<256x64xf32>
    %mul3A_701 = vector.broadcast %div3A : vector<1x64xf32> to vector<256x64xf32>
    %mul3A_702 = arith.mulf %add3A_700, %mul3A_701 : vector<256x64xf32>
    %add3A_703 = vector.broadcast %sub3A_23 : vector<1x64xf32> to vector<256x64xf32>
    %add3A_704 = arith.addf %mul3A_702, %add3A_703 : vector<256x64xf32>
    %max3A_705 = arith.constant 0.000000e+00 : f32
    %max3A_706 = vector.broadcast %max3A_705 : f32 to vector<256x64xf32>
    %max3A_707 = arith.maximumf %add3A_704, %max3A_706 : vector<256x64xf32>
    %get3A_708 = arith.constant 0 : index
    %get3A_709 = arith.constant 0 : index
    %get3A_710 = vector.load %arg9[%get3A_708, %get3A_709] : memref<128x64xf32, #tpu.memory_space<vmem>>, vector<128x64xf32>
    %dot_general3A_711 = arith.constant dense<0.000000e+00> : vector<256x128xf32>
    %dot_general3A_712 = tpu.matmul %max3A_707, %get3A_710, %dot_general3A_711 {dimension_numbers = #tpu.dot_dimension_numbers<[1], [1], [0], [0], [0, 0, 1, 0], [], []>, transpose_lhs_hint = false} : vector<256x64xf32>, vector<128x64xf32>, vector<256x128xf32> -> vector<256x128xf32>
    %get3A_713 = arith.constant 0 : index
    %get3A_714 = arith.constant 0 : index
    %get3A_715 = vector.load %arg10[%get3A_713, %get3A_714] : memref<1x128xf32, #tpu.memory_space<vmem>>, vector<1x128xf32>
    %add3A_716 = vector.broadcast %get3A_715 : vector<1x128xf32> to vector<256x128xf32>
    %add3A_717 = arith.addf %dot_general3A_712, %add3A_716 : vector<256x128xf32>
    %reduce_sum3A_718 = arith.constant dense<0.000000e+00> : vector<128xf32>
    %reduce_sum3A_719 = vector.multi_reduction <add>, %add3A_717, %reduce_sum3A_718 [0] : vector<256x128xf32> to vector<128xf32>
    %broadcast_in_dim3A_720 = vector.shape_cast %reduce_sum3A_719 : vector<128xf32> to vector<1x128xf32>
    %add3A_721 = arith.addf %add3A_677, %broadcast_in_dim3A_720 : vector<1x128xf32>
    %mul3A_722 = arith.mulf %add3A_717, %add3A_717 : vector<256x128xf32>
    %reduce_sum3A_723 = arith.constant dense<0.000000e+00> : vector<128xf32>
    %reduce_sum3A_724 = vector.multi_reduction <add>, %mul3A_722, %reduce_sum3A_723 [0] : vector<256x128xf32> to vector<128xf32>
    %broadcast_in_dim3A_725 = vector.shape_cast %reduce_sum3A_724 : vector<128xf32> to vector<1x128xf32>
    %add3A_726 = arith.addf %add3A_682, %broadcast_in_dim3A_725 : vector<1x128xf32>
    %get3A_727 = arith.constant 0 : index
    %get3A_728 = arith.constant 16 : index
    %get3A_729 = arith.constant 0 : index
    %get3A_730 = arith.constant 0 : index
    %get3A_731 = vector.load %arg2[%get3A_727, %get3A_728, %get3A_729, %get3A_730] : memref<1x20x256x16xf32, #tpu.memory_space<vmem>>, vector<1x1x256x3xf32>
    %get3A_732 = vector.shape_cast %get3A_731 : vector<1x1x256x3xf32> to vector<256x3xf32>
    %sub3A_733 = arith.subf %get3A_732, %get3A_3 : vector<256x3xf32>
    %concatenate3A_734 = tpu.concatenate %sub3A_733, %get3A_3 in 1 : vector<256x3xf32>, vector<256x3xf32> -> vector<256x6xf32>
    %get3A_735 = arith.constant 0 : index
    %get3A_736 = arith.constant 0 : index
    %get3A_737 = vector.load %arg4[%get3A_735, %get3A_736] : memref<6x64xf32, #tpu.memory_space<vmem>>, vector<6x64xf32>
    %dot_general3A_738 = arith.constant dense<0.000000e+00> : vector<256x64xf32>
    %dot_general3A_739 = tpu.matmul %concatenate3A_734, %get3A_737, %dot_general3A_738 {dimension_numbers = #tpu.dot_dimension_numbers<[1], [0], [0], [1], [0, 0, 1, 1], [], []>, transpose_lhs_hint = false} : vector<256x6xf32>, vector<6x64xf32>, vector<256x64xf32> -> vector<256x64xf32>
    %get3A_740 = arith.constant 0 : index
    %get3A_741 = arith.constant 0 : index
    %get3A_742 = vector.load %arg5[%get3A_740, %get3A_741] : memref<1x64xf32, #tpu.memory_space<vmem>>, vector<1x64xf32>
    %add3A_743 = vector.broadcast %get3A_742 : vector<1x64xf32> to vector<256x64xf32>
    %add3A_744 = arith.addf %dot_general3A_739, %add3A_743 : vector<256x64xf32>
    %mul3A_745 = vector.broadcast %div3A : vector<1x64xf32> to vector<256x64xf32>
    %mul3A_746 = arith.mulf %add3A_744, %mul3A_745 : vector<256x64xf32>
    %add3A_747 = vector.broadcast %sub3A_23 : vector<1x64xf32> to vector<256x64xf32>
    %add3A_748 = arith.addf %mul3A_746, %add3A_747 : vector<256x64xf32>
    %max3A_749 = arith.constant 0.000000e+00 : f32
    %max3A_750 = vector.broadcast %max3A_749 : f32 to vector<256x64xf32>
    %max3A_751 = arith.maximumf %add3A_748, %max3A_750 : vector<256x64xf32>
    %get3A_752 = arith.constant 0 : index
    %get3A_753 = arith.constant 0 : index
    %get3A_754 = vector.load %arg9[%get3A_752, %get3A_753] : memref<128x64xf32, #tpu.memory_space<vmem>>, vector<128x64xf32>
    %dot_general3A_755 = arith.constant dense<0.000000e+00> : vector<256x128xf32>
    %dot_general3A_756 = tpu.matmul %max3A_751, %get3A_754, %dot_general3A_755 {dimension_numbers = #tpu.dot_dimension_numbers<[1], [1], [0], [0], [0, 0, 1, 0], [], []>, transpose_lhs_hint = false} : vector<256x64xf32>, vector<128x64xf32>, vector<256x128xf32> -> vector<256x128xf32>
    %get3A_757 = arith.constant 0 : index
    %get3A_758 = arith.constant 0 : index
    %get3A_759 = vector.load %arg10[%get3A_757, %get3A_758] : memref<1x128xf32, #tpu.memory_space<vmem>>, vector<1x128xf32>
    %add3A_760 = vector.broadcast %get3A_759 : vector<1x128xf32> to vector<256x128xf32>
    %add3A_761 = arith.addf %dot_general3A_756, %add3A_760 : vector<256x128xf32>
    %reduce_sum3A_762 = arith.constant dense<0.000000e+00> : vector<128xf32>
    %reduce_sum3A_763 = vector.multi_reduction <add>, %add3A_761, %reduce_sum3A_762 [0] : vector<256x128xf32> to vector<128xf32>
    %broadcast_in_dim3A_764 = vector.shape_cast %reduce_sum3A_763 : vector<128xf32> to vector<1x128xf32>
    %add3A_765 = arith.addf %add3A_721, %broadcast_in_dim3A_764 : vector<1x128xf32>
    %mul3A_766 = arith.mulf %add3A_761, %add3A_761 : vector<256x128xf32>
    %reduce_sum3A_767 = arith.constant dense<0.000000e+00> : vector<128xf32>
    %reduce_sum3A_768 = vector.multi_reduction <add>, %mul3A_766, %reduce_sum3A_767 [0] : vector<256x128xf32> to vector<128xf32>
    %broadcast_in_dim3A_769 = vector.shape_cast %reduce_sum3A_768 : vector<128xf32> to vector<1x128xf32>
    %add3A_770 = arith.addf %add3A_726, %broadcast_in_dim3A_769 : vector<1x128xf32>
    %get3A_771 = arith.constant 0 : index
    %get3A_772 = arith.constant 17 : index
    %get3A_773 = arith.constant 0 : index
    %get3A_774 = arith.constant 0 : index
    %get3A_775 = vector.load %arg2[%get3A_771, %get3A_772, %get3A_773, %get3A_774] : memref<1x20x256x16xf32, #tpu.memory_space<vmem>>, vector<1x1x256x3xf32>
    %get3A_776 = vector.shape_cast %get3A_775 : vector<1x1x256x3xf32> to vector<256x3xf32>
    %sub3A_777 = arith.subf %get3A_776, %get3A_3 : vector<256x3xf32>
    %concatenate3A_778 = tpu.concatenate %sub3A_777, %get3A_3 in 1 : vector<256x3xf32>, vector<256x3xf32> -> vector<256x6xf32>
    %get3A_779 = arith.constant 0 : index
    %get3A_780 = arith.constant 0 : index
    %get3A_781 = vector.load %arg4[%get3A_779, %get3A_780] : memref<6x64xf32, #tpu.memory_space<vmem>>, vector<6x64xf32>
    %dot_general3A_782 = arith.constant dense<0.000000e+00> : vector<256x64xf32>
    %dot_general3A_783 = tpu.matmul %concatenate3A_778, %get3A_781, %dot_general3A_782 {dimension_numbers = #tpu.dot_dimension_numbers<[1], [0], [0], [1], [0, 0, 1, 1], [], []>, transpose_lhs_hint = false} : vector<256x6xf32>, vector<6x64xf32>, vector<256x64xf32> -> vector<256x64xf32>
    %get3A_784 = arith.constant 0 : index
    %get3A_785 = arith.constant 0 : index
    %get3A_786 = vector.load %arg5[%get3A_784, %get3A_785] : memref<1x64xf32, #tpu.memory_space<vmem>>, vector<1x64xf32>
    %add3A_787 = vector.broadcast %get3A_786 : vector<1x64xf32> to vector<256x64xf32>
    %add3A_788 = arith.addf %dot_general3A_783, %add3A_787 : vector<256x64xf32>
    %mul3A_789 = vector.broadcast %div3A : vector<1x64xf32> to vector<256x64xf32>
    %mul3A_790 = arith.mulf %add3A_788, %mul3A_789 : vector<256x64xf32>
    %add3A_791 = vector.broadcast %sub3A_23 : vector<1x64xf32> to vector<256x64xf32>
    %add3A_792 = arith.addf %mul3A_790, %add3A_791 : vector<256x64xf32>
    %max3A_793 = arith.constant 0.000000e+00 : f32
    %max3A_794 = vector.broadcast %max3A_793 : f32 to vector<256x64xf32>
    %max3A_795 = arith.maximumf %add3A_792, %max3A_794 : vector<256x64xf32>
    %get3A_796 = arith.constant 0 : index
    %get3A_797 = arith.constant 0 : index
    %get3A_798 = vector.load %arg9[%get3A_796, %get3A_797] : memref<128x64xf32, #tpu.memory_space<vmem>>, vector<128x64xf32>
    %dot_general3A_799 = arith.constant dense<0.000000e+00> : vector<256x128xf32>
    %dot_general3A_800 = tpu.matmul %max3A_795, %get3A_798, %dot_general3A_799 {dimension_numbers = #tpu.dot_dimension_numbers<[1], [1], [0], [0], [0, 0, 1, 0], [], []>, transpose_lhs_hint = false} : vector<256x64xf32>, vector<128x64xf32>, vector<256x128xf32> -> vector<256x128xf32>
    %get3A_801 = arith.constant 0 : index
    %get3A_802 = arith.constant 0 : index
    %get3A_803 = vector.load %arg10[%get3A_801, %get3A_802] : memref<1x128xf32, #tpu.memory_space<vmem>>, vector<1x128xf32>
    %add3A_804 = vector.broadcast %get3A_803 : vector<1x128xf32> to vector<256x128xf32>
    %add3A_805 = arith.addf %dot_general3A_800, %add3A_804 : vector<256x128xf32>
    %reduce_sum3A_806 = arith.constant dense<0.000000e+00> : vector<128xf32>
    %reduce_sum3A_807 = vector.multi_reduction <add>, %add3A_805, %reduce_sum3A_806 [0] : vector<256x128xf32> to vector<128xf32>
    %broadcast_in_dim3A_808 = vector.shape_cast %reduce_sum3A_807 : vector<128xf32> to vector<1x128xf32>
    %add3A_809 = arith.addf %add3A_765, %broadcast_in_dim3A_808 : vector<1x128xf32>
    %mul3A_810 = arith.mulf %add3A_805, %add3A_805 : vector<256x128xf32>
    %reduce_sum3A_811 = arith.constant dense<0.000000e+00> : vector<128xf32>
    %reduce_sum3A_812 = vector.multi_reduction <add>, %mul3A_810, %reduce_sum3A_811 [0] : vector<256x128xf32> to vector<128xf32>
    %broadcast_in_dim3A_813 = vector.shape_cast %reduce_sum3A_812 : vector<128xf32> to vector<1x128xf32>
    %add3A_814 = arith.addf %add3A_770, %broadcast_in_dim3A_813 : vector<1x128xf32>
    %get3A_815 = arith.constant 0 : index
    %get3A_816 = arith.constant 18 : index
    %get3A_817 = arith.constant 0 : index
    %get3A_818 = arith.constant 0 : index
    %get3A_819 = vector.load %arg2[%get3A_815, %get3A_816, %get3A_817, %get3A_818] : memref<1x20x256x16xf32, #tpu.memory_space<vmem>>, vector<1x1x256x3xf32>
    %get3A_820 = vector.shape_cast %get3A_819 : vector<1x1x256x3xf32> to vector<256x3xf32>
    %sub3A_821 = arith.subf %get3A_820, %get3A_3 : vector<256x3xf32>
    %concatenate3A_822 = tpu.concatenate %sub3A_821, %get3A_3 in 1 : vector<256x3xf32>, vector<256x3xf32> -> vector<256x6xf32>
    %get3A_823 = arith.constant 0 : index
    %get3A_824 = arith.constant 0 : index
    %get3A_825 = vector.load %arg4[%get3A_823, %get3A_824] : memref<6x64xf32, #tpu.memory_space<vmem>>, vector<6x64xf32>
    %dot_general3A_826 = arith.constant dense<0.000000e+00> : vector<256x64xf32>
    %dot_general3A_827 = tpu.matmul %concatenate3A_822, %get3A_825, %dot_general3A_826 {dimension_numbers = #tpu.dot_dimension_numbers<[1], [0], [0], [1], [0, 0, 1, 1], [], []>, transpose_lhs_hint = false} : vector<256x6xf32>, vector<6x64xf32>, vector<256x64xf32> -> vector<256x64xf32>
    %get3A_828 = arith.constant 0 : index
    %get3A_829 = arith.constant 0 : index
    %get3A_830 = vector.load %arg5[%get3A_828, %get3A_829] : memref<1x64xf32, #tpu.memory_space<vmem>>, vector<1x64xf32>
    %add3A_831 = vector.broadcast %get3A_830 : vector<1x64xf32> to vector<256x64xf32>
    %add3A_832 = arith.addf %dot_general3A_827, %add3A_831 : vector<256x64xf32>
    %mul3A_833 = vector.broadcast %div3A : vector<1x64xf32> to vector<256x64xf32>
    %mul3A_834 = arith.mulf %add3A_832, %mul3A_833 : vector<256x64xf32>
    %add3A_835 = vector.broadcast %sub3A_23 : vector<1x64xf32> to vector<256x64xf32>
    %add3A_836 = arith.addf %mul3A_834, %add3A_835 : vector<256x64xf32>
    %max3A_837 = arith.constant 0.000000e+00 : f32
    %max3A_838 = vector.broadcast %max3A_837 : f32 to vector<256x64xf32>
    %max3A_839 = arith.maximumf %add3A_836, %max3A_838 : vector<256x64xf32>
    %get3A_840 = arith.constant 0 : index
    %get3A_841 = arith.constant 0 : index
    %get3A_842 = vector.load %arg9[%get3A_840, %get3A_841] : memref<128x64xf32, #tpu.memory_space<vmem>>, vector<128x64xf32>
    %dot_general3A_843 = arith.constant dense<0.000000e+00> : vector<256x128xf32>
    %dot_general3A_844 = tpu.matmul %max3A_839, %get3A_842, %dot_general3A_843 {dimension_numbers = #tpu.dot_dimension_numbers<[1], [1], [0], [0], [0, 0, 1, 0], [], []>, transpose_lhs_hint = false} : vector<256x64xf32>, vector<128x64xf32>, vector<256x128xf32> -> vector<256x128xf32>
    %get3A_845 = arith.constant 0 : index
    %get3A_846 = arith.constant 0 : index
    %get3A_847 = vector.load %arg10[%get3A_845, %get3A_846] : memref<1x128xf32, #tpu.memory_space<vmem>>, vector<1x128xf32>
    %add3A_848 = vector.broadcast %get3A_847 : vector<1x128xf32> to vector<256x128xf32>
    %add3A_849 = arith.addf %dot_general3A_844, %add3A_848 : vector<256x128xf32>
    %reduce_sum3A_850 = arith.constant dense<0.000000e+00> : vector<128xf32>
    %reduce_sum3A_851 = vector.multi_reduction <add>, %add3A_849, %reduce_sum3A_850 [0] : vector<256x128xf32> to vector<128xf32>
    %broadcast_in_dim3A_852 = vector.shape_cast %reduce_sum3A_851 : vector<128xf32> to vector<1x128xf32>
    %add3A_853 = arith.addf %add3A_809, %broadcast_in_dim3A_852 : vector<1x128xf32>
    %mul3A_854 = arith.mulf %add3A_849, %add3A_849 : vector<256x128xf32>
    %reduce_sum3A_855 = arith.constant dense<0.000000e+00> : vector<128xf32>
    %reduce_sum3A_856 = vector.multi_reduction <add>, %mul3A_854, %reduce_sum3A_855 [0] : vector<256x128xf32> to vector<128xf32>
    %broadcast_in_dim3A_857 = vector.shape_cast %reduce_sum3A_856 : vector<128xf32> to vector<1x128xf32>
    %add3A_858 = arith.addf %add3A_814, %broadcast_in_dim3A_857 : vector<1x128xf32>
    %get3A_859 = arith.constant 0 : index
    %get3A_860 = arith.constant 19 : index
    %get3A_861 = arith.constant 0 : index
    %get3A_862 = arith.constant 0 : index
    %get3A_863 = vector.load %arg2[%get3A_859, %get3A_860, %get3A_861, %get3A_862] : memref<1x20x256x16xf32, #tpu.memory_space<vmem>>, vector<1x1x256x3xf32>
    %get3A_864 = vector.shape_cast %get3A_863 : vector<1x1x256x3xf32> to vector<256x3xf32>
    %sub3A_865 = arith.subf %get3A_864, %get3A_3 : vector<256x3xf32>
    %concatenate3A_866 = tpu.concatenate %sub3A_865, %get3A_3 in 1 : vector<256x3xf32>, vector<256x3xf32> -> vector<256x6xf32>
    %get3A_867 = arith.constant 0 : index
    %get3A_868 = arith.constant 0 : index
    %get3A_869 = vector.load %arg4[%get3A_867, %get3A_868] : memref<6x64xf32, #tpu.memory_space<vmem>>, vector<6x64xf32>
    %dot_general3A_870 = arith.constant dense<0.000000e+00> : vector<256x64xf32>
    %dot_general3A_871 = tpu.matmul %concatenate3A_866, %get3A_869, %dot_general3A_870 {dimension_numbers = #tpu.dot_dimension_numbers<[1], [0], [0], [1], [0, 0, 1, 1], [], []>, transpose_lhs_hint = false} : vector<256x6xf32>, vector<6x64xf32>, vector<256x64xf32> -> vector<256x64xf32>
    %get3A_872 = arith.constant 0 : index
    %get3A_873 = arith.constant 0 : index
    %get3A_874 = vector.load %arg5[%get3A_872, %get3A_873] : memref<1x64xf32, #tpu.memory_space<vmem>>, vector<1x64xf32>
    %add3A_875 = vector.broadcast %get3A_874 : vector<1x64xf32> to vector<256x64xf32>
    %add3A_876 = arith.addf %dot_general3A_871, %add3A_875 : vector<256x64xf32>
    %mul3A_877 = vector.broadcast %div3A : vector<1x64xf32> to vector<256x64xf32>
    %mul3A_878 = arith.mulf %add3A_876, %mul3A_877 : vector<256x64xf32>
    %add3A_879 = vector.broadcast %sub3A_23 : vector<1x64xf32> to vector<256x64xf32>
    %add3A_880 = arith.addf %mul3A_878, %add3A_879 : vector<256x64xf32>
    %max3A_881 = arith.constant 0.000000e+00 : f32
    %max3A_882 = vector.broadcast %max3A_881 : f32 to vector<256x64xf32>
    %max3A_883 = arith.maximumf %add3A_880, %max3A_882 : vector<256x64xf32>
    %get3A_884 = arith.constant 0 : index
    %get3A_885 = arith.constant 0 : index
    %get3A_886 = vector.load %arg9[%get3A_884, %get3A_885] : memref<128x64xf32, #tpu.memory_space<vmem>>, vector<128x64xf32>
    %dot_general3A_887 = arith.constant dense<0.000000e+00> : vector<256x128xf32>
    %dot_general3A_888 = tpu.matmul %max3A_883, %get3A_886, %dot_general3A_887 {dimension_numbers = #tpu.dot_dimension_numbers<[1], [1], [0], [0], [0, 0, 1, 0], [], []>, transpose_lhs_hint = false} : vector<256x64xf32>, vector<128x64xf32>, vector<256x128xf32> -> vector<256x128xf32>
    %get3A_889 = arith.constant 0 : index
    %get3A_890 = arith.constant 0 : index
    %get3A_891 = vector.load %arg10[%get3A_889, %get3A_890] : memref<1x128xf32, #tpu.memory_space<vmem>>, vector<1x128xf32>
    %add3A_892 = vector.broadcast %get3A_891 : vector<1x128xf32> to vector<256x128xf32>
    %add3A_893 = arith.addf %dot_general3A_888, %add3A_892 : vector<256x128xf32>
    %reduce_sum3A_894 = arith.constant dense<0.000000e+00> : vector<128xf32>
    %reduce_sum3A_895 = vector.multi_reduction <add>, %add3A_893, %reduce_sum3A_894 [0] : vector<256x128xf32> to vector<128xf32>
    %broadcast_in_dim3A_896 = vector.shape_cast %reduce_sum3A_895 : vector<128xf32> to vector<1x128xf32>
    %add3A_897 = arith.addf %add3A_853, %broadcast_in_dim3A_896 : vector<1x128xf32>
    %mul3A_898 = arith.mulf %add3A_893, %add3A_893 : vector<256x128xf32>
    %reduce_sum3A_899 = arith.constant dense<0.000000e+00> : vector<128xf32>
    %reduce_sum3A_900 = vector.multi_reduction <add>, %mul3A_898, %reduce_sum3A_899 [0] : vector<256x128xf32> to vector<128xf32>
    %broadcast_in_dim3A_901 = vector.shape_cast %reduce_sum3A_900 : vector<128xf32> to vector<1x128xf32>
    %add3A_902 = arith.addf %add3A_858, %broadcast_in_dim3A_901 : vector<1x128xf32>
    %eq3A = arith.constant 0 : i32
    %eq3A_903 = arith.cmpi eq, %arg0, %eq3A : i32
    %eq3A_904 = arith.constant 0 : i32
    %eq3A_905 = arith.cmpi eq, %arg1, %eq3A_904 : i32
    %and3A = arith.andi %eq3A_903, %eq3A_905 : i1
    %convert_element_type3A = arith.extui %and3A : i1 to i32
    %cond3A = arith.constant 0 : i32
    %cond3A_906 = arith.cmpi ne, %convert_element_type3A, %cond3A : i32
    scf.if %cond3A_906 {
      %broadcast_in_dim3A_920 = arith.constant 0.000000e+00 : f32
      %broadcast_in_dim3A_921 = vector.broadcast %broadcast_in_dim3A_920 : f32 to vector<2x128xf32>
      %swap3A_922 = arith.constant 0 : index
      %swap3A_923 = arith.constant 0 : index
      %swap3A_924 = vector.load %arg11[%swap3A_922, %swap3A_923] : memref<2x128xf32, #tpu.memory_space<vmem>>, vector<2x128xf32>
      tpu.vector_store %arg11[%swap3A_922, %swap3A_923], %broadcast_in_dim3A_921 {strides = array<i32>} : memref<2x128xf32, #tpu.memory_space<vmem>>, vector<2x128xf32>,
    } else {
    }
    %get3A_907 = arith.constant 0 : index
    %get3A_908 = arith.constant 0 : index
    %get3A_909 = vector.load %arg11[%get3A_907, %get3A_908] : memref<2x128xf32, #tpu.memory_space<vmem>>, vector<1x128xf32>
    %add3A_910 = arith.addf %get3A_909, %add3A_897 : vector<1x128xf32>
    %swap3A = arith.constant 0 : index
    %swap3A_911 = arith.constant 0 : index
    %swap3A_912 = vector.load %arg11[%swap3A, %swap3A_911] : memref<2x128xf32, #tpu.memory_space<vmem>>, vector<1x128xf32>
    tpu.vector_store %arg11[%swap3A, %swap3A_911], %add3A_910 {strides = array<i32>} : memref<2x128xf32, #tpu.memory_space<vmem>>, vector<1x128xf32>,
    %get3A_913 = arith.constant 1 : index
    %get3A_914 = arith.constant 0 : index
    %get3A_915 = vector.load %arg11[%get3A_913, %get3A_914] : memref<2x128xf32, #tpu.memory_space<vmem>>, vector<1x128xf32>
    %add3A_916 = arith.addf %get3A_915, %add3A_902 : vector<1x128xf32>
    %swap3A_917 = arith.constant 1 : index
    %swap3A_918 = arith.constant 0 : index
    %swap3A_919 = vector.load %arg11[%swap3A_917, %swap3A_918] : memref<2x128xf32, #tpu.memory_space<vmem>>, vector<1x128xf32>
    tpu.vector_store %arg11[%swap3A_917, %swap3A_918], %add3A_916 {strides = array<i32>} : memref<2x128xf32, #tpu.memory_space<vmem>>, vector<1x128xf32>,
    return
  }
  func.func @transform_0(%arg0: i32, %arg1: i32) -> (i32, i32, i32, i32) {
    %c0_i32 = arith.constant 0 : i32
    %c0_i32_0 = arith.constant 0 : i32
    %c0_i32_1 = arith.constant 0 : i32
    return %arg0, %c0_i32, %arg1, %c0_i32_0 : i32, i32, i32, i32
  }
  func.func @transform_1(%arg0: i32, %arg1: i32) -> (i32, i32, i32) {
    %c0_i32 = arith.constant 0 : i32
    %c0_i32_0 = arith.constant 0 : i32
    return %arg0, %arg1, %c0_i32 : i32, i32, i32
  }
  func.func @transform_2(%arg0: i32, %arg1: i32) -> (i32, i32) {
    %c0_i32 = arith.constant 0 : i32
    %c0_i32_0 = arith.constant 0 : i32
    %c0_i32_1 = arith.constant 0 : i32
    return %c0_i32, %c0_i32_0 : i32, i32
  }
  func.func @transform_3(%arg0: i32, %arg1: i32) -> (i32, i32) {
    %c0_i32 = arith.constant 0 : i32
    %c0_i32_0 = arith.constant 0 : i32
    %c0_i32_1 = arith.constant 0 : i32
    return %c0_i32, %c0_i32_0 : i32, i32
  }
  func.func @transform_4(%arg0: i32, %arg1: i32) -> (i32, i32) {
    %c0_i32 = arith.constant 0 : i32
    %c0_i32_0 = arith.constant 0 : i32
    %c0_i32_1 = arith.constant 0 : i32
    return %c0_i32, %c0_i32_0 : i32, i32
  }
  func.func @transform_5(%arg0: i32, %arg1: i32) -> (i32, i32) {
    %c0_i32 = arith.constant 0 : i32
    %c0_i32_0 = arith.constant 0 : i32
    %c0_i32_1 = arith.constant 0 : i32
    return %c0_i32, %c0_i32_0 : i32, i32
  }
  func.func @transform_6(%arg0: i32, %arg1: i32) -> (i32, i32) {
    %c0_i32 = arith.constant 0 : i32
    %c0_i32_0 = arith.constant 0 : i32
    %c0_i32_1 = arith.constant 0 : i32
    return %c0_i32, %c0_i32_0 : i32, i32
  }
  func.func @transform_7(%arg0: i32, %arg1: i32) -> (i32, i32) {
    %c0_i32 = arith.constant 0 : i32
    %c0_i32_0 = arith.constant 0 : i32
    %c0_i32_1 = arith.constant 0 : i32
    return %c0_i32, %c0_i32_0 : i32, i32
  }
  func.func @transform_8(%arg0: i32, %arg1: i32) -> (i32, i32) {
    %c0_i32 = arith.constant 0 : i32
    %c0_i32_0 = arith.constant 0 : i32
    %c0_i32_1 = arith.constant 0 : i32
    return %c0_i32, %c0_i32_0 : i32, i32
  }
  func.func @transform_9(%arg0: i32, %arg1: i32) -> (i32, i32) {
    %c0_i32 = arith.constant 0 : i32
    %c0_i32_0 = arith.constant 0 : i32
    %c0_i32_1 = arith.constant 0 : i32
    return %c0_i32, %c0_i32_0 : i32, i32
  }
}

module attributes {stable_mosaic.version = 14 : i64} {
  func.func @_p3_body(%arg0: i32, %arg1: i32, %arg2: memref<1x20x256x16xf32, #tpu.memory_space<vmem>>, %arg3: memref<1x256x3xf32, #tpu.memory_space<vmem>>, %arg4: memref<6x64xf32, #tpu.memory_space<vmem>>, %arg5: memref<1x64xf32, #tpu.memory_space<vmem>>, %arg6: memref<1x64xf32, #tpu.memory_space<vmem>>, %arg7: memref<1x64xf32, #tpu.memory_space<vmem>>, %arg8: memref<2x64xf32, #tpu.memory_space<vmem>>, %arg9: memref<128x64xf32, #tpu.memory_space<vmem>>, %arg10: memref<1x128xf32, #tpu.memory_space<vmem>>, %arg11: memref<1x128xf32, #tpu.memory_space<vmem>>, %arg12: memref<1x128xf32, #tpu.memory_space<vmem>>, %arg13: memref<2x128xf32, #tpu.memory_space<vmem>>, %arg14: memref<128x128xf32, #tpu.memory_space<vmem>>, %arg15: memref<1x128xf32, #tpu.memory_space<vmem>>, %arg16: memref<1x256x128xf32, #tpu.memory_space<vmem>>, %arg17: memref<2x128xf32, #tpu.memory_space<vmem>>) attributes {dimension_semantics = [#tpu.dimension_semantics<arbitrary>, #tpu.dimension_semantics<arbitrary>], iteration_bounds = array<i64: 8, 8>, scalar_prefetch = 0 : i64, scratch_operands = 0 : i64, tpu.core_type = #tpu.core_type<tc>, window_params = [{transform_indices = @transform_0, window_bounds = array<i64: 1, 20, 256, 16>}, {transform_indices = @transform_1, window_bounds = array<i64: 1, 256, 3>}, {pipeline_mode = #tpu.pipeline_mode<synchronous>, transform_indices = @transform_2, window_bounds = array<i64: 6, 64>}, {pipeline_mode = #tpu.pipeline_mode<synchronous>, transform_indices = @transform_3, window_bounds = array<i64: 1, 64>}, {pipeline_mode = #tpu.pipeline_mode<synchronous>, transform_indices = @transform_4, window_bounds = array<i64: 1, 64>}, {pipeline_mode = #tpu.pipeline_mode<synchronous>, transform_indices = @transform_5, window_bounds = array<i64: 1, 64>}, {pipeline_mode = #tpu.pipeline_mode<synchronous>, transform_indices = @transform_6, window_bounds = array<i64: 2, 64>}, {pipeline_mode = #tpu.pipeline_mode<synchronous>, transform_indices = @transform_7, window_bounds = array<i64: 128, 64>}, {pipeline_mode = #tpu.pipeline_mode<synchronous>, transform_indices = @transform_8, window_bounds = array<i64: 1, 128>}, {pipeline_mode = #tpu.pipeline_mode<synchronous>, transform_indices = @transform_9, window_bounds = array<i64: 1, 128>}, {pipeline_mode = #tpu.pipeline_mode<synchronous>, transform_indices = @transform_10, window_bounds = array<i64: 1, 128>}, {pipeline_mode = #tpu.pipeline_mode<synchronous>, transform_indices = @transform_11, window_bounds = array<i64: 2, 128>}, {pipeline_mode = #tpu.pipeline_mode<synchronous>, transform_indices = @transform_12, window_bounds = array<i64: 128, 128>}, {pipeline_mode = #tpu.pipeline_mode<synchronous>, transform_indices = @transform_13, window_bounds = array<i64: 1, 128>}, {transform_indices = @transform_14, window_bounds = array<i64: 1, 256, 128>}, {pipeline_mode = #tpu.pipeline_mode<synchronous>, transform_indices = @transform_15, window_bounds = array<i64: 2, 128>}]} {
    %get3A = arith.constant 0 : index
    %get3A_0 = arith.constant 0 : index
    %get3A_1 = arith.constant 0 : index
    %get3A_2 = vector.load %arg3[%get3A, %get3A_0, %get3A_1] : memref<1x256x3xf32, #tpu.memory_space<vmem>>, vector<1x256x3xf32>
    %get3A_3 = vector.shape_cast %get3A_2 : vector<1x256x3xf32> to vector<256x3xf32>
    %get3A_4 = arith.constant 0 : index
    %get3A_5 = arith.constant 0 : index
    %get3A_6 = vector.load %arg8[%get3A_4, %get3A_5] : memref<2x64xf32, #tpu.memory_space<vmem>>, vector<2x64xf32>
    %get3A_7 = arith.constant 0 : index
    %get3A_8 = arith.constant 0 : index
    %get3A_9 = vector.load %arg6[%get3A_7, %get3A_8] : memref<1x64xf32, #tpu.memory_space<vmem>>, vector<1x64xf32>
    %get3A_10 = arith.constant 0 : index
    %get3A_11 = arith.constant 0 : index
    %get3A_12 = vector.load %arg7[%get3A_10, %get3A_11] : memref<1x64xf32, #tpu.memory_space<vmem>>, vector<1x64xf32>
    %slice3A = vector.extract_strided_slice %get3A_6 {offsets = [0, 0], sizes = [1, 64], strides = [1, 1]} : vector<2x64xf32> to vector<1x64xf32>
    %mul3A = arith.constant 3.05175786E-6 : f32
    %mul3A_13 = vector.broadcast %mul3A : f32 to vector<1x64xf32>
    %mul3A_14 = arith.mulf %slice3A, %mul3A_13 : vector<1x64xf32>
    %slice3A_15 = vector.extract_strided_slice %get3A_6 {offsets = [1, 0], sizes = [1, 64], strides = [1, 1]} : vector<2x64xf32> to vector<1x64xf32>
    %mul3A_16 = arith.constant 3.05175786E-6 : f32
    %mul3A_17 = vector.broadcast %mul3A_16 : f32 to vector<1x64xf32>
    %mul3A_18 = arith.mulf %slice3A_15, %mul3A_17 : vector<1x64xf32>
    %mul3A_19 = arith.mulf %mul3A_14, %mul3A_14 : vector<1x64xf32>
    %sub3A = arith.subf %mul3A_18, %mul3A_19 : vector<1x64xf32>
    %add3A = arith.constant 9.99999974E-6 : f32
    %add3A_20 = vector.broadcast %add3A : f32 to vector<1x64xf32>
    %add3A_21 = arith.addf %sub3A, %add3A_20 : vector<1x64xf32>
    %sqrt3A = math.sqrt %add3A_21 : vector<1x64xf32>
    %div3A = arith.divf %get3A_9, %sqrt3A : vector<1x64xf32>
    %mul3A_22 = arith.mulf %mul3A_14, %div3A : vector<1x64xf32>
    %sub3A_23 = arith.subf %get3A_12, %mul3A_22 : vector<1x64xf32>
    %get3A_24 = arith.constant 0 : index
    %get3A_25 = arith.constant 0 : index
    %get3A_26 = vector.load %arg13[%get3A_24, %get3A_25] : memref<2x128xf32, #tpu.memory_space<vmem>>, vector<2x128xf32>
    %get3A_27 = arith.constant 0 : index
    %get3A_28 = arith.constant 0 : index
    %get3A_29 = vector.load %arg11[%get3A_27, %get3A_28] : memref<1x128xf32, #tpu.memory_space<vmem>>, vector<1x128xf32>
    %get3A_30 = arith.constant 0 : index
    %get3A_31 = arith.constant 0 : index
    %get3A_32 = vector.load %arg12[%get3A_30, %get3A_31] : memref<1x128xf32, #tpu.memory_space<vmem>>, vector<1x128xf32>
    %slice3A_33 = vector.extract_strided_slice %get3A_26 {offsets = [0, 0], sizes = [1, 128], strides = [1, 1]} : vector<2x128xf32> to vector<1x128xf32>
    %mul3A_34 = arith.constant 3.05175786E-6 : f32
    %mul3A_35 = vector.broadcast %mul3A_34 : f32 to vector<1x128xf32>
    %mul3A_36 = arith.mulf %slice3A_33, %mul3A_35 : vector<1x128xf32>
    %slice3A_37 = vector.extract_strided_slice %get3A_26 {offsets = [1, 0], sizes = [1, 128], strides = [1, 1]} : vector<2x128xf32> to vector<1x128xf32>
    %mul3A_38 = arith.constant 3.05175786E-6 : f32
    %mul3A_39 = vector.broadcast %mul3A_38 : f32 to vector<1x128xf32>
    %mul3A_40 = arith.mulf %slice3A_37, %mul3A_39 : vector<1x128xf32>
    %mul3A_41 = arith.mulf %mul3A_36, %mul3A_36 : vector<1x128xf32>
    %sub3A_42 = arith.subf %mul3A_40, %mul3A_41 : vector<1x128xf32>
    %add3A_43 = arith.constant 9.99999974E-6 : f32
    %add3A_44 = vector.broadcast %add3A_43 : f32 to vector<1x128xf32>
    %add3A_45 = arith.addf %sub3A_42, %add3A_44 : vector<1x128xf32>
    %sqrt3A_46 = math.sqrt %add3A_45 : vector<1x128xf32>
    %div3A_47 = arith.divf %get3A_29, %sqrt3A_46 : vector<1x128xf32>
    %mul3A_48 = arith.mulf %mul3A_36, %div3A_47 : vector<1x128xf32>
    %sub3A_49 = arith.subf %get3A_32, %mul3A_48 : vector<1x128xf32>
    %broadcast_in_dim3A = arith.constant 0.000000e+00 : f32
    %broadcast_in_dim3A_50 = vector.broadcast %broadcast_in_dim3A : f32 to vector<1x128xf32>
    %broadcast_in_dim3A_51 = arith.constant 0.000000e+00 : f32
    %broadcast_in_dim3A_52 = vector.broadcast %broadcast_in_dim3A_51 : f32 to vector<1x128xf32>
    %get3A_53 = arith.constant 0 : index
    %get3A_54 = arith.constant 0 : index
    %get3A_55 = arith.constant 0 : index
    %get3A_56 = arith.constant 0 : index
    %get3A_57 = vector.load %arg2[%get3A_53, %get3A_54, %get3A_55, %get3A_56] : memref<1x20x256x16xf32, #tpu.memory_space<vmem>>, vector<1x1x256x3xf32>
    %get3A_58 = vector.shape_cast %get3A_57 : vector<1x1x256x3xf32> to vector<256x3xf32>
    %sub3A_59 = arith.subf %get3A_58, %get3A_3 : vector<256x3xf32>
    %concatenate3A = tpu.concatenate %sub3A_59, %get3A_3 in 1 : vector<256x3xf32>, vector<256x3xf32> -> vector<256x6xf32>
    %get3A_60 = arith.constant 0 : index
    %get3A_61 = arith.constant 0 : index
    %get3A_62 = vector.load %arg4[%get3A_60, %get3A_61] : memref<6x64xf32, #tpu.memory_space<vmem>>, vector<6x64xf32>
    %dot_general3A = arith.constant dense<0.000000e+00> : vector<256x64xf32>
    %dot_general3A_63 = tpu.matmul %concatenate3A, %get3A_62, %dot_general3A {dimension_numbers = #tpu.dot_dimension_numbers<[1], [0], [0], [1], [0, 0, 1, 1], [], []>, transpose_lhs_hint = false} : vector<256x6xf32>, vector<6x64xf32>, vector<256x64xf32> -> vector<256x64xf32>
    %get3A_64 = arith.constant 0 : index
    %get3A_65 = arith.constant 0 : index
    %get3A_66 = vector.load %arg5[%get3A_64, %get3A_65] : memref<1x64xf32, #tpu.memory_space<vmem>>, vector<1x64xf32>
    %add3A_67 = vector.broadcast %get3A_66 : vector<1x64xf32> to vector<256x64xf32>
    %add3A_68 = arith.addf %dot_general3A_63, %add3A_67 : vector<256x64xf32>
    %mul3A_69 = vector.broadcast %div3A : vector<1x64xf32> to vector<256x64xf32>
    %mul3A_70 = arith.mulf %add3A_68, %mul3A_69 : vector<256x64xf32>
    %add3A_71 = vector.broadcast %sub3A_23 : vector<1x64xf32> to vector<256x64xf32>
    %add3A_72 = arith.addf %mul3A_70, %add3A_71 : vector<256x64xf32>
    %max3A = arith.constant 0.000000e+00 : f32
    %max3A_73 = vector.broadcast %max3A : f32 to vector<256x64xf32>
    %max3A_74 = arith.maximumf %add3A_72, %max3A_73 : vector<256x64xf32>
    %get3A_75 = arith.constant 0 : index
    %get3A_76 = arith.constant 0 : index
    %get3A_77 = vector.load %arg9[%get3A_75, %get3A_76] : memref<128x64xf32, #tpu.memory_space<vmem>>, vector<128x64xf32>
    %dot_general3A_78 = arith.constant dense<0.000000e+00> : vector<256x128xf32>
    %dot_general3A_79 = tpu.matmul %max3A_74, %get3A_77, %dot_general3A_78 {dimension_numbers = #tpu.dot_dimension_numbers<[1], [1], [0], [0], [0, 0, 1, 0], [], []>, transpose_lhs_hint = false} : vector<256x64xf32>, vector<128x64xf32>, vector<256x128xf32> -> vector<256x128xf32>
    %get3A_80 = arith.constant 0 : index
    %get3A_81 = arith.constant 0 : index
    %get3A_82 = vector.load %arg10[%get3A_80, %get3A_81] : memref<1x128xf32, #tpu.memory_space<vmem>>, vector<1x128xf32>
    %add3A_83 = vector.broadcast %get3A_82 : vector<1x128xf32> to vector<256x128xf32>
    %add3A_84 = arith.addf %dot_general3A_79, %add3A_83 : vector<256x128xf32>
    %mul3A_85 = vector.broadcast %div3A_47 : vector<1x128xf32> to vector<256x128xf32>
    %mul3A_86 = arith.mulf %add3A_84, %mul3A_85 : vector<256x128xf32>
    %add3A_87 = vector.broadcast %sub3A_49 : vector<1x128xf32> to vector<256x128xf32>
    %add3A_88 = arith.addf %mul3A_86, %add3A_87 : vector<256x128xf32>
    %max3A_89 = arith.constant 0.000000e+00 : f32
    %max3A_90 = vector.broadcast %max3A_89 : f32 to vector<256x128xf32>
    %max3A_91 = arith.maximumf %add3A_88, %max3A_90 : vector<256x128xf32>
    %get3A_92 = arith.constant 0 : index
    %get3A_93 = arith.constant 0 : index
    %get3A_94 = vector.load %arg14[%get3A_92, %get3A_93] : memref<128x128xf32, #tpu.memory_space<vmem>>, vector<128x128xf32>
    %dot_general3A_95 = arith.constant dense<0.000000e+00> : vector<256x128xf32>
    %dot_general3A_96 = tpu.matmul %max3A_91, %get3A_94, %dot_general3A_95 {dimension_numbers = #tpu.dot_dimension_numbers<[1], [1], [0], [0], [0, 0, 1, 0], [], []>, transpose_lhs_hint = false} : vector<256x128xf32>, vector<128x128xf32>, vector<256x128xf32> -> vector<256x128xf32>
    %get3A_97 = arith.constant 0 : index
    %get3A_98 = arith.constant 0 : index
    %get3A_99 = vector.load %arg15[%get3A_97, %get3A_98] : memref<1x128xf32, #tpu.memory_space<vmem>>, vector<1x128xf32>
    %add3A_100 = vector.broadcast %get3A_99 : vector<1x128xf32> to vector<256x128xf32>
    %add3A_101 = arith.addf %dot_general3A_96, %add3A_100 : vector<256x128xf32>
    %reduce_sum3A = arith.constant dense<0.000000e+00> : vector<128xf32>
    %reduce_sum3A_102 = vector.multi_reduction <add>, %add3A_101, %reduce_sum3A [0] : vector<256x128xf32> to vector<128xf32>
    %broadcast_in_dim3A_103 = vector.shape_cast %reduce_sum3A_102 : vector<128xf32> to vector<1x128xf32>
    %add3A_104 = arith.addf %broadcast_in_dim3A_50, %broadcast_in_dim3A_103 : vector<1x128xf32>
    %mul3A_105 = arith.mulf %add3A_101, %add3A_101 : vector<256x128xf32>
    %reduce_sum3A_106 = arith.constant dense<0.000000e+00> : vector<128xf32>
    %reduce_sum3A_107 = vector.multi_reduction <add>, %mul3A_105, %reduce_sum3A_106 [0] : vector<256x128xf32> to vector<128xf32>
    %broadcast_in_dim3A_108 = vector.shape_cast %reduce_sum3A_107 : vector<128xf32> to vector<1x128xf32>
    %add3A_109 = arith.addf %broadcast_in_dim3A_52, %broadcast_in_dim3A_108 : vector<1x128xf32>
    %get3A_110 = arith.constant 0 : index
    %get3A_111 = arith.constant 1 : index
    %get3A_112 = arith.constant 0 : index
    %get3A_113 = arith.constant 0 : index
    %get3A_114 = vector.load %arg2[%get3A_110, %get3A_111, %get3A_112, %get3A_113] : memref<1x20x256x16xf32, #tpu.memory_space<vmem>>, vector<1x1x256x3xf32>
    %get3A_115 = vector.shape_cast %get3A_114 : vector<1x1x256x3xf32> to vector<256x3xf32>
    %sub3A_116 = arith.subf %get3A_115, %get3A_3 : vector<256x3xf32>
    %concatenate3A_117 = tpu.concatenate %sub3A_116, %get3A_3 in 1 : vector<256x3xf32>, vector<256x3xf32> -> vector<256x6xf32>
    %get3A_118 = arith.constant 0 : index
    %get3A_119 = arith.constant 0 : index
    %get3A_120 = vector.load %arg4[%get3A_118, %get3A_119] : memref<6x64xf32, #tpu.memory_space<vmem>>, vector<6x64xf32>
    %dot_general3A_121 = arith.constant dense<0.000000e+00> : vector<256x64xf32>
    %dot_general3A_122 = tpu.matmul %concatenate3A_117, %get3A_120, %dot_general3A_121 {dimension_numbers = #tpu.dot_dimension_numbers<[1], [0], [0], [1], [0, 0, 1, 1], [], []>, transpose_lhs_hint = false} : vector<256x6xf32>, vector<6x64xf32>, vector<256x64xf32> -> vector<256x64xf32>
    %get3A_123 = arith.constant 0 : index
    %get3A_124 = arith.constant 0 : index
    %get3A_125 = vector.load %arg5[%get3A_123, %get3A_124] : memref<1x64xf32, #tpu.memory_space<vmem>>, vector<1x64xf32>
    %add3A_126 = vector.broadcast %get3A_125 : vector<1x64xf32> to vector<256x64xf32>
    %add3A_127 = arith.addf %dot_general3A_122, %add3A_126 : vector<256x64xf32>
    %mul3A_128 = vector.broadcast %div3A : vector<1x64xf32> to vector<256x64xf32>
    %mul3A_129 = arith.mulf %add3A_127, %mul3A_128 : vector<256x64xf32>
    %add3A_130 = vector.broadcast %sub3A_23 : vector<1x64xf32> to vector<256x64xf32>
    %add3A_131 = arith.addf %mul3A_129, %add3A_130 : vector<256x64xf32>
    %max3A_132 = arith.constant 0.000000e+00 : f32
    %max3A_133 = vector.broadcast %max3A_132 : f32 to vector<256x64xf32>
    %max3A_134 = arith.maximumf %add3A_131, %max3A_133 : vector<256x64xf32>
    %get3A_135 = arith.constant 0 : index
    %get3A_136 = arith.constant 0 : index
    %get3A_137 = vector.load %arg9[%get3A_135, %get3A_136] : memref<128x64xf32, #tpu.memory_space<vmem>>, vector<128x64xf32>
    %dot_general3A_138 = arith.constant dense<0.000000e+00> : vector<256x128xf32>
    %dot_general3A_139 = tpu.matmul %max3A_134, %get3A_137, %dot_general3A_138 {dimension_numbers = #tpu.dot_dimension_numbers<[1], [1], [0], [0], [0, 0, 1, 0], [], []>, transpose_lhs_hint = false} : vector<256x64xf32>, vector<128x64xf32>, vector<256x128xf32> -> vector<256x128xf32>
    %get3A_140 = arith.constant 0 : index
    %get3A_141 = arith.constant 0 : index
    %get3A_142 = vector.load %arg10[%get3A_140, %get3A_141] : memref<1x128xf32, #tpu.memory_space<vmem>>, vector<1x128xf32>
    %add3A_143 = vector.broadcast %get3A_142 : vector<1x128xf32> to vector<256x128xf32>
    %add3A_144 = arith.addf %dot_general3A_139, %add3A_143 : vector<256x128xf32>
    %mul3A_145 = vector.broadcast %div3A_47 : vector<1x128xf32> to vector<256x128xf32>
    %mul3A_146 = arith.mulf %add3A_144, %mul3A_145 : vector<256x128xf32>
    %add3A_147 = vector.broadcast %sub3A_49 : vector<1x128xf32> to vector<256x128xf32>
    %add3A_148 = arith.addf %mul3A_146, %add3A_147 : vector<256x128xf32>
    %max3A_149 = arith.constant 0.000000e+00 : f32
    %max3A_150 = vector.broadcast %max3A_149 : f32 to vector<256x128xf32>
    %max3A_151 = arith.maximumf %add3A_148, %max3A_150 : vector<256x128xf32>
    %get3A_152 = arith.constant 0 : index
    %get3A_153 = arith.constant 0 : index
    %get3A_154 = vector.load %arg14[%get3A_152, %get3A_153] : memref<128x128xf32, #tpu.memory_space<vmem>>, vector<128x128xf32>
    %dot_general3A_155 = arith.constant dense<0.000000e+00> : vector<256x128xf32>
    %dot_general3A_156 = tpu.matmul %max3A_151, %get3A_154, %dot_general3A_155 {dimension_numbers = #tpu.dot_dimension_numbers<[1], [1], [0], [0], [0, 0, 1, 0], [], []>, transpose_lhs_hint = false} : vector<256x128xf32>, vector<128x128xf32>, vector<256x128xf32> -> vector<256x128xf32>
    %get3A_157 = arith.constant 0 : index
    %get3A_158 = arith.constant 0 : index
    %get3A_159 = vector.load %arg15[%get3A_157, %get3A_158] : memref<1x128xf32, #tpu.memory_space<vmem>>, vector<1x128xf32>
    %add3A_160 = vector.broadcast %get3A_159 : vector<1x128xf32> to vector<256x128xf32>
    %add3A_161 = arith.addf %dot_general3A_156, %add3A_160 : vector<256x128xf32>
    %reduce_sum3A_162 = arith.constant dense<0.000000e+00> : vector<128xf32>
    %reduce_sum3A_163 = vector.multi_reduction <add>, %add3A_161, %reduce_sum3A_162 [0] : vector<256x128xf32> to vector<128xf32>
    %broadcast_in_dim3A_164 = vector.shape_cast %reduce_sum3A_163 : vector<128xf32> to vector<1x128xf32>
    %add3A_165 = arith.addf %add3A_104, %broadcast_in_dim3A_164 : vector<1x128xf32>
    %mul3A_166 = arith.mulf %add3A_161, %add3A_161 : vector<256x128xf32>
    %reduce_sum3A_167 = arith.constant dense<0.000000e+00> : vector<128xf32>
    %reduce_sum3A_168 = vector.multi_reduction <add>, %mul3A_166, %reduce_sum3A_167 [0] : vector<256x128xf32> to vector<128xf32>
    %broadcast_in_dim3A_169 = vector.shape_cast %reduce_sum3A_168 : vector<128xf32> to vector<1x128xf32>
    %add3A_170 = arith.addf %add3A_109, %broadcast_in_dim3A_169 : vector<1x128xf32>
    %max3A_171 = arith.maximumf %add3A_101, %add3A_161 : vector<256x128xf32>
    %get3A_172 = arith.constant 0 : index
    %get3A_173 = arith.constant 2 : index
    %get3A_174 = arith.constant 0 : index
    %get3A_175 = arith.constant 0 : index
    %get3A_176 = vector.load %arg2[%get3A_172, %get3A_173, %get3A_174, %get3A_175] : memref<1x20x256x16xf32, #tpu.memory_space<vmem>>, vector<1x1x256x3xf32>
    %get3A_177 = vector.shape_cast %get3A_176 : vector<1x1x256x3xf32> to vector<256x3xf32>
    %sub3A_178 = arith.subf %get3A_177, %get3A_3 : vector<256x3xf32>
    %concatenate3A_179 = tpu.concatenate %sub3A_178, %get3A_3 in 1 : vector<256x3xf32>, vector<256x3xf32> -> vector<256x6xf32>
    %get3A_180 = arith.constant 0 : index
    %get3A_181 = arith.constant 0 : index
    %get3A_182 = vector.load %arg4[%get3A_180, %get3A_181] : memref<6x64xf32, #tpu.memory_space<vmem>>, vector<6x64xf32>
    %dot_general3A_183 = arith.constant dense<0.000000e+00> : vector<256x64xf32>
    %dot_general3A_184 = tpu.matmul %concatenate3A_179, %get3A_182, %dot_general3A_183 {dimension_numbers = #tpu.dot_dimension_numbers<[1], [0], [0], [1], [0, 0, 1, 1], [], []>, transpose_lhs_hint = false} : vector<256x6xf32>, vector<6x64xf32>, vector<256x64xf32> -> vector<256x64xf32>
    %get3A_185 = arith.constant 0 : index
    %get3A_186 = arith.constant 0 : index
    %get3A_187 = vector.load %arg5[%get3A_185, %get3A_186] : memref<1x64xf32, #tpu.memory_space<vmem>>, vector<1x64xf32>
    %add3A_188 = vector.broadcast %get3A_187 : vector<1x64xf32> to vector<256x64xf32>
    %add3A_189 = arith.addf %dot_general3A_184, %add3A_188 : vector<256x64xf32>
    %mul3A_190 = vector.broadcast %div3A : vector<1x64xf32> to vector<256x64xf32>
    %mul3A_191 = arith.mulf %add3A_189, %mul3A_190 : vector<256x64xf32>
    %add3A_192 = vector.broadcast %sub3A_23 : vector<1x64xf32> to vector<256x64xf32>
    %add3A_193 = arith.addf %mul3A_191, %add3A_192 : vector<256x64xf32>
    %max3A_194 = arith.constant 0.000000e+00 : f32
    %max3A_195 = vector.broadcast %max3A_194 : f32 to vector<256x64xf32>
    %max3A_196 = arith.maximumf %add3A_193, %max3A_195 : vector<256x64xf32>
    %get3A_197 = arith.constant 0 : index
    %get3A_198 = arith.constant 0 : index
    %get3A_199 = vector.load %arg9[%get3A_197, %get3A_198] : memref<128x64xf32, #tpu.memory_space<vmem>>, vector<128x64xf32>
    %dot_general3A_200 = arith.constant dense<0.000000e+00> : vector<256x128xf32>
    %dot_general3A_201 = tpu.matmul %max3A_196, %get3A_199, %dot_general3A_200 {dimension_numbers = #tpu.dot_dimension_numbers<[1], [1], [0], [0], [0, 0, 1, 0], [], []>, transpose_lhs_hint = false} : vector<256x64xf32>, vector<128x64xf32>, vector<256x128xf32> -> vector<256x128xf32>
    %get3A_202 = arith.constant 0 : index
    %get3A_203 = arith.constant 0 : index
    %get3A_204 = vector.load %arg10[%get3A_202, %get3A_203] : memref<1x128xf32, #tpu.memory_space<vmem>>, vector<1x128xf32>
    %add3A_205 = vector.broadcast %get3A_204 : vector<1x128xf32> to vector<256x128xf32>
    %add3A_206 = arith.addf %dot_general3A_201, %add3A_205 : vector<256x128xf32>
    %mul3A_207 = vector.broadcast %div3A_47 : vector<1x128xf32> to vector<256x128xf32>
    %mul3A_208 = arith.mulf %add3A_206, %mul3A_207 : vector<256x128xf32>
    %add3A_209 = vector.broadcast %sub3A_49 : vector<1x128xf32> to vector<256x128xf32>
    %add3A_210 = arith.addf %mul3A_208, %add3A_209 : vector<256x128xf32>
    %max3A_211 = arith.constant 0.000000e+00 : f32
    %max3A_212 = vector.broadcast %max3A_211 : f32 to vector<256x128xf32>
    %max3A_213 = arith.maximumf %add3A_210, %max3A_212 : vector<256x128xf32>
    %get3A_214 = arith.constant 0 : index
    %get3A_215 = arith.constant 0 : index
    %get3A_216 = vector.load %arg14[%get3A_214, %get3A_215] : memref<128x128xf32, #tpu.memory_space<vmem>>, vector<128x128xf32>
    %dot_general3A_217 = arith.constant dense<0.000000e+00> : vector<256x128xf32>
    %dot_general3A_218 = tpu.matmul %max3A_213, %get3A_216, %dot_general3A_217 {dimension_numbers = #tpu.dot_dimension_numbers<[1], [1], [0], [0], [0, 0, 1, 0], [], []>, transpose_lhs_hint = false} : vector<256x128xf32>, vector<128x128xf32>, vector<256x128xf32> -> vector<256x128xf32>
    %get3A_219 = arith.constant 0 : index
    %get3A_220 = arith.constant 0 : index
    %get3A_221 = vector.load %arg15[%get3A_219, %get3A_220] : memref<1x128xf32, #tpu.memory_space<vmem>>, vector<1x128xf32>
    %add3A_222 = vector.broadcast %get3A_221 : vector<1x128xf32> to vector<256x128xf32>
    %add3A_223 = arith.addf %dot_general3A_218, %add3A_222 : vector<256x128xf32>
    %reduce_sum3A_224 = arith.constant dense<0.000000e+00> : vector<128xf32>
    %reduce_sum3A_225 = vector.multi_reduction <add>, %add3A_223, %reduce_sum3A_224 [0] : vector<256x128xf32> to vector<128xf32>
    %broadcast_in_dim3A_226 = vector.shape_cast %reduce_sum3A_225 : vector<128xf32> to vector<1x128xf32>
    %add3A_227 = arith.addf %add3A_165, %broadcast_in_dim3A_226 : vector<1x128xf32>
    %mul3A_228 = arith.mulf %add3A_223, %add3A_223 : vector<256x128xf32>
    %reduce_sum3A_229 = arith.constant dense<0.000000e+00> : vector<128xf32>
    %reduce_sum3A_230 = vector.multi_reduction <add>, %mul3A_228, %reduce_sum3A_229 [0] : vector<256x128xf32> to vector<128xf32>
    %broadcast_in_dim3A_231 = vector.shape_cast %reduce_sum3A_230 : vector<128xf32> to vector<1x128xf32>
    %add3A_232 = arith.addf %add3A_170, %broadcast_in_dim3A_231 : vector<1x128xf32>
    %max3A_233 = arith.maximumf %max3A_171, %add3A_223 : vector<256x128xf32>
    %get3A_234 = arith.constant 0 : index
    %get3A_235 = arith.constant 3 : index
    %get3A_236 = arith.constant 0 : index
    %get3A_237 = arith.constant 0 : index
    %get3A_238 = vector.load %arg2[%get3A_234, %get3A_235, %get3A_236, %get3A_237] : memref<1x20x256x16xf32, #tpu.memory_space<vmem>>, vector<1x1x256x3xf32>
    %get3A_239 = vector.shape_cast %get3A_238 : vector<1x1x256x3xf32> to vector<256x3xf32>
    %sub3A_240 = arith.subf %get3A_239, %get3A_3 : vector<256x3xf32>
    %concatenate3A_241 = tpu.concatenate %sub3A_240, %get3A_3 in 1 : vector<256x3xf32>, vector<256x3xf32> -> vector<256x6xf32>
    %get3A_242 = arith.constant 0 : index
    %get3A_243 = arith.constant 0 : index
    %get3A_244 = vector.load %arg4[%get3A_242, %get3A_243] : memref<6x64xf32, #tpu.memory_space<vmem>>, vector<6x64xf32>
    %dot_general3A_245 = arith.constant dense<0.000000e+00> : vector<256x64xf32>
    %dot_general3A_246 = tpu.matmul %concatenate3A_241, %get3A_244, %dot_general3A_245 {dimension_numbers = #tpu.dot_dimension_numbers<[1], [0], [0], [1], [0, 0, 1, 1], [], []>, transpose_lhs_hint = false} : vector<256x6xf32>, vector<6x64xf32>, vector<256x64xf32> -> vector<256x64xf32>
    %get3A_247 = arith.constant 0 : index
    %get3A_248 = arith.constant 0 : index
    %get3A_249 = vector.load %arg5[%get3A_247, %get3A_248] : memref<1x64xf32, #tpu.memory_space<vmem>>, vector<1x64xf32>
    %add3A_250 = vector.broadcast %get3A_249 : vector<1x64xf32> to vector<256x64xf32>
    %add3A_251 = arith.addf %dot_general3A_246, %add3A_250 : vector<256x64xf32>
    %mul3A_252 = vector.broadcast %div3A : vector<1x64xf32> to vector<256x64xf32>
    %mul3A_253 = arith.mulf %add3A_251, %mul3A_252 : vector<256x64xf32>
    %add3A_254 = vector.broadcast %sub3A_23 : vector<1x64xf32> to vector<256x64xf32>
    %add3A_255 = arith.addf %mul3A_253, %add3A_254 : vector<256x64xf32>
    %max3A_256 = arith.constant 0.000000e+00 : f32
    %max3A_257 = vector.broadcast %max3A_256 : f32 to vector<256x64xf32>
    %max3A_258 = arith.maximumf %add3A_255, %max3A_257 : vector<256x64xf32>
    %get3A_259 = arith.constant 0 : index
    %get3A_260 = arith.constant 0 : index
    %get3A_261 = vector.load %arg9[%get3A_259, %get3A_260] : memref<128x64xf32, #tpu.memory_space<vmem>>, vector<128x64xf32>
    %dot_general3A_262 = arith.constant dense<0.000000e+00> : vector<256x128xf32>
    %dot_general3A_263 = tpu.matmul %max3A_258, %get3A_261, %dot_general3A_262 {dimension_numbers = #tpu.dot_dimension_numbers<[1], [1], [0], [0], [0, 0, 1, 0], [], []>, transpose_lhs_hint = false} : vector<256x64xf32>, vector<128x64xf32>, vector<256x128xf32> -> vector<256x128xf32>
    %get3A_264 = arith.constant 0 : index
    %get3A_265 = arith.constant 0 : index
    %get3A_266 = vector.load %arg10[%get3A_264, %get3A_265] : memref<1x128xf32, #tpu.memory_space<vmem>>, vector<1x128xf32>
    %add3A_267 = vector.broadcast %get3A_266 : vector<1x128xf32> to vector<256x128xf32>
    %add3A_268 = arith.addf %dot_general3A_263, %add3A_267 : vector<256x128xf32>
    %mul3A_269 = vector.broadcast %div3A_47 : vector<1x128xf32> to vector<256x128xf32>
    %mul3A_270 = arith.mulf %add3A_268, %mul3A_269 : vector<256x128xf32>
    %add3A_271 = vector.broadcast %sub3A_49 : vector<1x128xf32> to vector<256x128xf32>
    %add3A_272 = arith.addf %mul3A_270, %add3A_271 : vector<256x128xf32>
    %max3A_273 = arith.constant 0.000000e+00 : f32
    %max3A_274 = vector.broadcast %max3A_273 : f32 to vector<256x128xf32>
    %max3A_275 = arith.maximumf %add3A_272, %max3A_274 : vector<256x128xf32>
    %get3A_276 = arith.constant 0 : index
    %get3A_277 = arith.constant 0 : index
    %get3A_278 = vector.load %arg14[%get3A_276, %get3A_277] : memref<128x128xf32, #tpu.memory_space<vmem>>, vector<128x128xf32>
    %dot_general3A_279 = arith.constant dense<0.000000e+00> : vector<256x128xf32>
    %dot_general3A_280 = tpu.matmul %max3A_275, %get3A_278, %dot_general3A_279 {dimension_numbers = #tpu.dot_dimension_numbers<[1], [1], [0], [0], [0, 0, 1, 0], [], []>, transpose_lhs_hint = false} : vector<256x128xf32>, vector<128x128xf32>, vector<256x128xf32> -> vector<256x128xf32>
    %get3A_281 = arith.constant 0 : index
    %get3A_282 = arith.constant 0 : index
    %get3A_283 = vector.load %arg15[%get3A_281, %get3A_282] : memref<1x128xf32, #tpu.memory_space<vmem>>, vector<1x128xf32>
    %add3A_284 = vector.broadcast %get3A_283 : vector<1x128xf32> to vector<256x128xf32>
    %add3A_285 = arith.addf %dot_general3A_280, %add3A_284 : vector<256x128xf32>
    %reduce_sum3A_286 = arith.constant dense<0.000000e+00> : vector<128xf32>
    %reduce_sum3A_287 = vector.multi_reduction <add>, %add3A_285, %reduce_sum3A_286 [0] : vector<256x128xf32> to vector<128xf32>
    %broadcast_in_dim3A_288 = vector.shape_cast %reduce_sum3A_287 : vector<128xf32> to vector<1x128xf32>
    %add3A_289 = arith.addf %add3A_227, %broadcast_in_dim3A_288 : vector<1x128xf32>
    %mul3A_290 = arith.mulf %add3A_285, %add3A_285 : vector<256x128xf32>
    %reduce_sum3A_291 = arith.constant dense<0.000000e+00> : vector<128xf32>
    %reduce_sum3A_292 = vector.multi_reduction <add>, %mul3A_290, %reduce_sum3A_291 [0] : vector<256x128xf32> to vector<128xf32>
    %broadcast_in_dim3A_293 = vector.shape_cast %reduce_sum3A_292 : vector<128xf32> to vector<1x128xf32>
    %add3A_294 = arith.addf %add3A_232, %broadcast_in_dim3A_293 : vector<1x128xf32>
    %max3A_295 = arith.maximumf %max3A_233, %add3A_285 : vector<256x128xf32>
    %get3A_296 = arith.constant 0 : index
    %get3A_297 = arith.constant 4 : index
    %get3A_298 = arith.constant 0 : index
    %get3A_299 = arith.constant 0 : index
    %get3A_300 = vector.load %arg2[%get3A_296, %get3A_297, %get3A_298, %get3A_299] : memref<1x20x256x16xf32, #tpu.memory_space<vmem>>, vector<1x1x256x3xf32>
    %get3A_301 = vector.shape_cast %get3A_300 : vector<1x1x256x3xf32> to vector<256x3xf32>
    %sub3A_302 = arith.subf %get3A_301, %get3A_3 : vector<256x3xf32>
    %concatenate3A_303 = tpu.concatenate %sub3A_302, %get3A_3 in 1 : vector<256x3xf32>, vector<256x3xf32> -> vector<256x6xf32>
    %get3A_304 = arith.constant 0 : index
    %get3A_305 = arith.constant 0 : index
    %get3A_306 = vector.load %arg4[%get3A_304, %get3A_305] : memref<6x64xf32, #tpu.memory_space<vmem>>, vector<6x64xf32>
    %dot_general3A_307 = arith.constant dense<0.000000e+00> : vector<256x64xf32>
    %dot_general3A_308 = tpu.matmul %concatenate3A_303, %get3A_306, %dot_general3A_307 {dimension_numbers = #tpu.dot_dimension_numbers<[1], [0], [0], [1], [0, 0, 1, 1], [], []>, transpose_lhs_hint = false} : vector<256x6xf32>, vector<6x64xf32>, vector<256x64xf32> -> vector<256x64xf32>
    %get3A_309 = arith.constant 0 : index
    %get3A_310 = arith.constant 0 : index
    %get3A_311 = vector.load %arg5[%get3A_309, %get3A_310] : memref<1x64xf32, #tpu.memory_space<vmem>>, vector<1x64xf32>
    %add3A_312 = vector.broadcast %get3A_311 : vector<1x64xf32> to vector<256x64xf32>
    %add3A_313 = arith.addf %dot_general3A_308, %add3A_312 : vector<256x64xf32>
    %mul3A_314 = vector.broadcast %div3A : vector<1x64xf32> to vector<256x64xf32>
    %mul3A_315 = arith.mulf %add3A_313, %mul3A_314 : vector<256x64xf32>
    %add3A_316 = vector.broadcast %sub3A_23 : vector<1x64xf32> to vector<256x64xf32>
    %add3A_317 = arith.addf %mul3A_315, %add3A_316 : vector<256x64xf32>
    %max3A_318 = arith.constant 0.000000e+00 : f32
    %max3A_319 = vector.broadcast %max3A_318 : f32 to vector<256x64xf32>
    %max3A_320 = arith.maximumf %add3A_317, %max3A_319 : vector<256x64xf32>
    %get3A_321 = arith.constant 0 : index
    %get3A_322 = arith.constant 0 : index
    %get3A_323 = vector.load %arg9[%get3A_321, %get3A_322] : memref<128x64xf32, #tpu.memory_space<vmem>>, vector<128x64xf32>
    %dot_general3A_324 = arith.constant dense<0.000000e+00> : vector<256x128xf32>
    %dot_general3A_325 = tpu.matmul %max3A_320, %get3A_323, %dot_general3A_324 {dimension_numbers = #tpu.dot_dimension_numbers<[1], [1], [0], [0], [0, 0, 1, 0], [], []>, transpose_lhs_hint = false} : vector<256x64xf32>, vector<128x64xf32>, vector<256x128xf32> -> vector<256x128xf32>
    %get3A_326 = arith.constant 0 : index
    %get3A_327 = arith.constant 0 : index
    %get3A_328 = vector.load %arg10[%get3A_326, %get3A_327] : memref<1x128xf32, #tpu.memory_space<vmem>>, vector<1x128xf32>
    %add3A_329 = vector.broadcast %get3A_328 : vector<1x128xf32> to vector<256x128xf32>
    %add3A_330 = arith.addf %dot_general3A_325, %add3A_329 : vector<256x128xf32>
    %mul3A_331 = vector.broadcast %div3A_47 : vector<1x128xf32> to vector<256x128xf32>
    %mul3A_332 = arith.mulf %add3A_330, %mul3A_331 : vector<256x128xf32>
    %add3A_333 = vector.broadcast %sub3A_49 : vector<1x128xf32> to vector<256x128xf32>
    %add3A_334 = arith.addf %mul3A_332, %add3A_333 : vector<256x128xf32>
    %max3A_335 = arith.constant 0.000000e+00 : f32
    %max3A_336 = vector.broadcast %max3A_335 : f32 to vector<256x128xf32>
    %max3A_337 = arith.maximumf %add3A_334, %max3A_336 : vector<256x128xf32>
    %get3A_338 = arith.constant 0 : index
    %get3A_339 = arith.constant 0 : index
    %get3A_340 = vector.load %arg14[%get3A_338, %get3A_339] : memref<128x128xf32, #tpu.memory_space<vmem>>, vector<128x128xf32>
    %dot_general3A_341 = arith.constant dense<0.000000e+00> : vector<256x128xf32>
    %dot_general3A_342 = tpu.matmul %max3A_337, %get3A_340, %dot_general3A_341 {dimension_numbers = #tpu.dot_dimension_numbers<[1], [1], [0], [0], [0, 0, 1, 0], [], []>, transpose_lhs_hint = false} : vector<256x128xf32>, vector<128x128xf32>, vector<256x128xf32> -> vector<256x128xf32>
    %get3A_343 = arith.constant 0 : index
    %get3A_344 = arith.constant 0 : index
    %get3A_345 = vector.load %arg15[%get3A_343, %get3A_344] : memref<1x128xf32, #tpu.memory_space<vmem>>, vector<1x128xf32>
    %add3A_346 = vector.broadcast %get3A_345 : vector<1x128xf32> to vector<256x128xf32>
    %add3A_347 = arith.addf %dot_general3A_342, %add3A_346 : vector<256x128xf32>
    %reduce_sum3A_348 = arith.constant dense<0.000000e+00> : vector<128xf32>
    %reduce_sum3A_349 = vector.multi_reduction <add>, %add3A_347, %reduce_sum3A_348 [0] : vector<256x128xf32> to vector<128xf32>
    %broadcast_in_dim3A_350 = vector.shape_cast %reduce_sum3A_349 : vector<128xf32> to vector<1x128xf32>
    %add3A_351 = arith.addf %add3A_289, %broadcast_in_dim3A_350 : vector<1x128xf32>
    %mul3A_352 = arith.mulf %add3A_347, %add3A_347 : vector<256x128xf32>
    %reduce_sum3A_353 = arith.constant dense<0.000000e+00> : vector<128xf32>
    %reduce_sum3A_354 = vector.multi_reduction <add>, %mul3A_352, %reduce_sum3A_353 [0] : vector<256x128xf32> to vector<128xf32>
    %broadcast_in_dim3A_355 = vector.shape_cast %reduce_sum3A_354 : vector<128xf32> to vector<1x128xf32>
    %add3A_356 = arith.addf %add3A_294, %broadcast_in_dim3A_355 : vector<1x128xf32>
    %max3A_357 = arith.maximumf %max3A_295, %add3A_347 : vector<256x128xf32>
    %get3A_358 = arith.constant 0 : index
    %get3A_359 = arith.constant 5 : index
    %get3A_360 = arith.constant 0 : index
    %get3A_361 = arith.constant 0 : index
    %get3A_362 = vector.load %arg2[%get3A_358, %get3A_359, %get3A_360, %get3A_361] : memref<1x20x256x16xf32, #tpu.memory_space<vmem>>, vector<1x1x256x3xf32>
    %get3A_363 = vector.shape_cast %get3A_362 : vector<1x1x256x3xf32> to vector<256x3xf32>
    %sub3A_364 = arith.subf %get3A_363, %get3A_3 : vector<256x3xf32>
    %concatenate3A_365 = tpu.concatenate %sub3A_364, %get3A_3 in 1 : vector<256x3xf32>, vector<256x3xf32> -> vector<256x6xf32>
    %get3A_366 = arith.constant 0 : index
    %get3A_367 = arith.constant 0 : index
    %get3A_368 = vector.load %arg4[%get3A_366, %get3A_367] : memref<6x64xf32, #tpu.memory_space<vmem>>, vector<6x64xf32>
    %dot_general3A_369 = arith.constant dense<0.000000e+00> : vector<256x64xf32>
    %dot_general3A_370 = tpu.matmul %concatenate3A_365, %get3A_368, %dot_general3A_369 {dimension_numbers = #tpu.dot_dimension_numbers<[1], [0], [0], [1], [0, 0, 1, 1], [], []>, transpose_lhs_hint = false} : vector<256x6xf32>, vector<6x64xf32>, vector<256x64xf32> -> vector<256x64xf32>
    %get3A_371 = arith.constant 0 : index
    %get3A_372 = arith.constant 0 : index
    %get3A_373 = vector.load %arg5[%get3A_371, %get3A_372] : memref<1x64xf32, #tpu.memory_space<vmem>>, vector<1x64xf32>
    %add3A_374 = vector.broadcast %get3A_373 : vector<1x64xf32> to vector<256x64xf32>
    %add3A_375 = arith.addf %dot_general3A_370, %add3A_374 : vector<256x64xf32>
    %mul3A_376 = vector.broadcast %div3A : vector<1x64xf32> to vector<256x64xf32>
    %mul3A_377 = arith.mulf %add3A_375, %mul3A_376 : vector<256x64xf32>
    %add3A_378 = vector.broadcast %sub3A_23 : vector<1x64xf32> to vector<256x64xf32>
    %add3A_379 = arith.addf %mul3A_377, %add3A_378 : vector<256x64xf32>
    %max3A_380 = arith.constant 0.000000e+00 : f32
    %max3A_381 = vector.broadcast %max3A_380 : f32 to vector<256x64xf32>
    %max3A_382 = arith.maximumf %add3A_379, %max3A_381 : vector<256x64xf32>
    %get3A_383 = arith.constant 0 : index
    %get3A_384 = arith.constant 0 : index
    %get3A_385 = vector.load %arg9[%get3A_383, %get3A_384] : memref<128x64xf32, #tpu.memory_space<vmem>>, vector<128x64xf32>
    %dot_general3A_386 = arith.constant dense<0.000000e+00> : vector<256x128xf32>
    %dot_general3A_387 = tpu.matmul %max3A_382, %get3A_385, %dot_general3A_386 {dimension_numbers = #tpu.dot_dimension_numbers<[1], [1], [0], [0], [0, 0, 1, 0], [], []>, transpose_lhs_hint = false} : vector<256x64xf32>, vector<128x64xf32>, vector<256x128xf32> -> vector<256x128xf32>
    %get3A_388 = arith.constant 0 : index
    %get3A_389 = arith.constant 0 : index
    %get3A_390 = vector.load %arg10[%get3A_388, %get3A_389] : memref<1x128xf32, #tpu.memory_space<vmem>>, vector<1x128xf32>
    %add3A_391 = vector.broadcast %get3A_390 : vector<1x128xf32> to vector<256x128xf32>
    %add3A_392 = arith.addf %dot_general3A_387, %add3A_391 : vector<256x128xf32>
    %mul3A_393 = vector.broadcast %div3A_47 : vector<1x128xf32> to vector<256x128xf32>
    %mul3A_394 = arith.mulf %add3A_392, %mul3A_393 : vector<256x128xf32>
    %add3A_395 = vector.broadcast %sub3A_49 : vector<1x128xf32> to vector<256x128xf32>
    %add3A_396 = arith.addf %mul3A_394, %add3A_395 : vector<256x128xf32>
    %max3A_397 = arith.constant 0.000000e+00 : f32
    %max3A_398 = vector.broadcast %max3A_397 : f32 to vector<256x128xf32>
    %max3A_399 = arith.maximumf %add3A_396, %max3A_398 : vector<256x128xf32>
    %get3A_400 = arith.constant 0 : index
    %get3A_401 = arith.constant 0 : index
    %get3A_402 = vector.load %arg14[%get3A_400, %get3A_401] : memref<128x128xf32, #tpu.memory_space<vmem>>, vector<128x128xf32>
    %dot_general3A_403 = arith.constant dense<0.000000e+00> : vector<256x128xf32>
    %dot_general3A_404 = tpu.matmul %max3A_399, %get3A_402, %dot_general3A_403 {dimension_numbers = #tpu.dot_dimension_numbers<[1], [1], [0], [0], [0, 0, 1, 0], [], []>, transpose_lhs_hint = false} : vector<256x128xf32>, vector<128x128xf32>, vector<256x128xf32> -> vector<256x128xf32>
    %get3A_405 = arith.constant 0 : index
    %get3A_406 = arith.constant 0 : index
    %get3A_407 = vector.load %arg15[%get3A_405, %get3A_406] : memref<1x128xf32, #tpu.memory_space<vmem>>, vector<1x128xf32>
    %add3A_408 = vector.broadcast %get3A_407 : vector<1x128xf32> to vector<256x128xf32>
    %add3A_409 = arith.addf %dot_general3A_404, %add3A_408 : vector<256x128xf32>
    %reduce_sum3A_410 = arith.constant dense<0.000000e+00> : vector<128xf32>
    %reduce_sum3A_411 = vector.multi_reduction <add>, %add3A_409, %reduce_sum3A_410 [0] : vector<256x128xf32> to vector<128xf32>
    %broadcast_in_dim3A_412 = vector.shape_cast %reduce_sum3A_411 : vector<128xf32> to vector<1x128xf32>
    %add3A_413 = arith.addf %add3A_351, %broadcast_in_dim3A_412 : vector<1x128xf32>
    %mul3A_414 = arith.mulf %add3A_409, %add3A_409 : vector<256x128xf32>
    %reduce_sum3A_415 = arith.constant dense<0.000000e+00> : vector<128xf32>
    %reduce_sum3A_416 = vector.multi_reduction <add>, %mul3A_414, %reduce_sum3A_415 [0] : vector<256x128xf32> to vector<128xf32>
    %broadcast_in_dim3A_417 = vector.shape_cast %reduce_sum3A_416 : vector<128xf32> to vector<1x128xf32>
    %add3A_418 = arith.addf %add3A_356, %broadcast_in_dim3A_417 : vector<1x128xf32>
    %max3A_419 = arith.maximumf %max3A_357, %add3A_409 : vector<256x128xf32>
    %get3A_420 = arith.constant 0 : index
    %get3A_421 = arith.constant 6 : index
    %get3A_422 = arith.constant 0 : index
    %get3A_423 = arith.constant 0 : index
    %get3A_424 = vector.load %arg2[%get3A_420, %get3A_421, %get3A_422, %get3A_423] : memref<1x20x256x16xf32, #tpu.memory_space<vmem>>, vector<1x1x256x3xf32>
    %get3A_425 = vector.shape_cast %get3A_424 : vector<1x1x256x3xf32> to vector<256x3xf32>
    %sub3A_426 = arith.subf %get3A_425, %get3A_3 : vector<256x3xf32>
    %concatenate3A_427 = tpu.concatenate %sub3A_426, %get3A_3 in 1 : vector<256x3xf32>, vector<256x3xf32> -> vector<256x6xf32>
    %get3A_428 = arith.constant 0 : index
    %get3A_429 = arith.constant 0 : index
    %get3A_430 = vector.load %arg4[%get3A_428, %get3A_429] : memref<6x64xf32, #tpu.memory_space<vmem>>, vector<6x64xf32>
    %dot_general3A_431 = arith.constant dense<0.000000e+00> : vector<256x64xf32>
    %dot_general3A_432 = tpu.matmul %concatenate3A_427, %get3A_430, %dot_general3A_431 {dimension_numbers = #tpu.dot_dimension_numbers<[1], [0], [0], [1], [0, 0, 1, 1], [], []>, transpose_lhs_hint = false} : vector<256x6xf32>, vector<6x64xf32>, vector<256x64xf32> -> vector<256x64xf32>
    %get3A_433 = arith.constant 0 : index
    %get3A_434 = arith.constant 0 : index
    %get3A_435 = vector.load %arg5[%get3A_433, %get3A_434] : memref<1x64xf32, #tpu.memory_space<vmem>>, vector<1x64xf32>
    %add3A_436 = vector.broadcast %get3A_435 : vector<1x64xf32> to vector<256x64xf32>
    %add3A_437 = arith.addf %dot_general3A_432, %add3A_436 : vector<256x64xf32>
    %mul3A_438 = vector.broadcast %div3A : vector<1x64xf32> to vector<256x64xf32>
    %mul3A_439 = arith.mulf %add3A_437, %mul3A_438 : vector<256x64xf32>
    %add3A_440 = vector.broadcast %sub3A_23 : vector<1x64xf32> to vector<256x64xf32>
    %add3A_441 = arith.addf %mul3A_439, %add3A_440 : vector<256x64xf32>
    %max3A_442 = arith.constant 0.000000e+00 : f32
    %max3A_443 = vector.broadcast %max3A_442 : f32 to vector<256x64xf32>
    %max3A_444 = arith.maximumf %add3A_441, %max3A_443 : vector<256x64xf32>
    %get3A_445 = arith.constant 0 : index
    %get3A_446 = arith.constant 0 : index
    %get3A_447 = vector.load %arg9[%get3A_445, %get3A_446] : memref<128x64xf32, #tpu.memory_space<vmem>>, vector<128x64xf32>
    %dot_general3A_448 = arith.constant dense<0.000000e+00> : vector<256x128xf32>
    %dot_general3A_449 = tpu.matmul %max3A_444, %get3A_447, %dot_general3A_448 {dimension_numbers = #tpu.dot_dimension_numbers<[1], [1], [0], [0], [0, 0, 1, 0], [], []>, transpose_lhs_hint = false} : vector<256x64xf32>, vector<128x64xf32>, vector<256x128xf32> -> vector<256x128xf32>
    %get3A_450 = arith.constant 0 : index
    %get3A_451 = arith.constant 0 : index
    %get3A_452 = vector.load %arg10[%get3A_450, %get3A_451] : memref<1x128xf32, #tpu.memory_space<vmem>>, vector<1x128xf32>
    %add3A_453 = vector.broadcast %get3A_452 : vector<1x128xf32> to vector<256x128xf32>
    %add3A_454 = arith.addf %dot_general3A_449, %add3A_453 : vector<256x128xf32>
    %mul3A_455 = vector.broadcast %div3A_47 : vector<1x128xf32> to vector<256x128xf32>
    %mul3A_456 = arith.mulf %add3A_454, %mul3A_455 : vector<256x128xf32>
    %add3A_457 = vector.broadcast %sub3A_49 : vector<1x128xf32> to vector<256x128xf32>
    %add3A_458 = arith.addf %mul3A_456, %add3A_457 : vector<256x128xf32>
    %max3A_459 = arith.constant 0.000000e+00 : f32
    %max3A_460 = vector.broadcast %max3A_459 : f32 to vector<256x128xf32>
    %max3A_461 = arith.maximumf %add3A_458, %max3A_460 : vector<256x128xf32>
    %get3A_462 = arith.constant 0 : index
    %get3A_463 = arith.constant 0 : index
    %get3A_464 = vector.load %arg14[%get3A_462, %get3A_463] : memref<128x128xf32, #tpu.memory_space<vmem>>, vector<128x128xf32>
    %dot_general3A_465 = arith.constant dense<0.000000e+00> : vector<256x128xf32>
    %dot_general3A_466 = tpu.matmul %max3A_461, %get3A_464, %dot_general3A_465 {dimension_numbers = #tpu.dot_dimension_numbers<[1], [1], [0], [0], [0, 0, 1, 0], [], []>, transpose_lhs_hint = false} : vector<256x128xf32>, vector<128x128xf32>, vector<256x128xf32> -> vector<256x128xf32>
    %get3A_467 = arith.constant 0 : index
    %get3A_468 = arith.constant 0 : index
    %get3A_469 = vector.load %arg15[%get3A_467, %get3A_468] : memref<1x128xf32, #tpu.memory_space<vmem>>, vector<1x128xf32>
    %add3A_470 = vector.broadcast %get3A_469 : vector<1x128xf32> to vector<256x128xf32>
    %add3A_471 = arith.addf %dot_general3A_466, %add3A_470 : vector<256x128xf32>
    %reduce_sum3A_472 = arith.constant dense<0.000000e+00> : vector<128xf32>
    %reduce_sum3A_473 = vector.multi_reduction <add>, %add3A_471, %reduce_sum3A_472 [0] : vector<256x128xf32> to vector<128xf32>
    %broadcast_in_dim3A_474 = vector.shape_cast %reduce_sum3A_473 : vector<128xf32> to vector<1x128xf32>
    %add3A_475 = arith.addf %add3A_413, %broadcast_in_dim3A_474 : vector<1x128xf32>
    %mul3A_476 = arith.mulf %add3A_471, %add3A_471 : vector<256x128xf32>
    %reduce_sum3A_477 = arith.constant dense<0.000000e+00> : vector<128xf32>
    %reduce_sum3A_478 = vector.multi_reduction <add>, %mul3A_476, %reduce_sum3A_477 [0] : vector<256x128xf32> to vector<128xf32>
    %broadcast_in_dim3A_479 = vector.shape_cast %reduce_sum3A_478 : vector<128xf32> to vector<1x128xf32>
    %add3A_480 = arith.addf %add3A_418, %broadcast_in_dim3A_479 : vector<1x128xf32>
    %max3A_481 = arith.maximumf %max3A_419, %add3A_471 : vector<256x128xf32>
    %get3A_482 = arith.constant 0 : index
    %get3A_483 = arith.constant 7 : index
    %get3A_484 = arith.constant 0 : index
    %get3A_485 = arith.constant 0 : index
    %get3A_486 = vector.load %arg2[%get3A_482, %get3A_483, %get3A_484, %get3A_485] : memref<1x20x256x16xf32, #tpu.memory_space<vmem>>, vector<1x1x256x3xf32>
    %get3A_487 = vector.shape_cast %get3A_486 : vector<1x1x256x3xf32> to vector<256x3xf32>
    %sub3A_488 = arith.subf %get3A_487, %get3A_3 : vector<256x3xf32>
    %concatenate3A_489 = tpu.concatenate %sub3A_488, %get3A_3 in 1 : vector<256x3xf32>, vector<256x3xf32> -> vector<256x6xf32>
    %get3A_490 = arith.constant 0 : index
    %get3A_491 = arith.constant 0 : index
    %get3A_492 = vector.load %arg4[%get3A_490, %get3A_491] : memref<6x64xf32, #tpu.memory_space<vmem>>, vector<6x64xf32>
    %dot_general3A_493 = arith.constant dense<0.000000e+00> : vector<256x64xf32>
    %dot_general3A_494 = tpu.matmul %concatenate3A_489, %get3A_492, %dot_general3A_493 {dimension_numbers = #tpu.dot_dimension_numbers<[1], [0], [0], [1], [0, 0, 1, 1], [], []>, transpose_lhs_hint = false} : vector<256x6xf32>, vector<6x64xf32>, vector<256x64xf32> -> vector<256x64xf32>
    %get3A_495 = arith.constant 0 : index
    %get3A_496 = arith.constant 0 : index
    %get3A_497 = vector.load %arg5[%get3A_495, %get3A_496] : memref<1x64xf32, #tpu.memory_space<vmem>>, vector<1x64xf32>
    %add3A_498 = vector.broadcast %get3A_497 : vector<1x64xf32> to vector<256x64xf32>
    %add3A_499 = arith.addf %dot_general3A_494, %add3A_498 : vector<256x64xf32>
    %mul3A_500 = vector.broadcast %div3A : vector<1x64xf32> to vector<256x64xf32>
    %mul3A_501 = arith.mulf %add3A_499, %mul3A_500 : vector<256x64xf32>
    %add3A_502 = vector.broadcast %sub3A_23 : vector<1x64xf32> to vector<256x64xf32>
    %add3A_503 = arith.addf %mul3A_501, %add3A_502 : vector<256x64xf32>
    %max3A_504 = arith.constant 0.000000e+00 : f32
    %max3A_505 = vector.broadcast %max3A_504 : f32 to vector<256x64xf32>
    %max3A_506 = arith.maximumf %add3A_503, %max3A_505 : vector<256x64xf32>
    %get3A_507 = arith.constant 0 : index
    %get3A_508 = arith.constant 0 : index
    %get3A_509 = vector.load %arg9[%get3A_507, %get3A_508] : memref<128x64xf32, #tpu.memory_space<vmem>>, vector<128x64xf32>
    %dot_general3A_510 = arith.constant dense<0.000000e+00> : vector<256x128xf32>
    %dot_general3A_511 = tpu.matmul %max3A_506, %get3A_509, %dot_general3A_510 {dimension_numbers = #tpu.dot_dimension_numbers<[1], [1], [0], [0], [0, 0, 1, 0], [], []>, transpose_lhs_hint = false} : vector<256x64xf32>, vector<128x64xf32>, vector<256x128xf32> -> vector<256x128xf32>
    %get3A_512 = arith.constant 0 : index
    %get3A_513 = arith.constant 0 : index
    %get3A_514 = vector.load %arg10[%get3A_512, %get3A_513] : memref<1x128xf32, #tpu.memory_space<vmem>>, vector<1x128xf32>
    %add3A_515 = vector.broadcast %get3A_514 : vector<1x128xf32> to vector<256x128xf32>
    %add3A_516 = arith.addf %dot_general3A_511, %add3A_515 : vector<256x128xf32>
    %mul3A_517 = vector.broadcast %div3A_47 : vector<1x128xf32> to vector<256x128xf32>
    %mul3A_518 = arith.mulf %add3A_516, %mul3A_517 : vector<256x128xf32>
    %add3A_519 = vector.broadcast %sub3A_49 : vector<1x128xf32> to vector<256x128xf32>
    %add3A_520 = arith.addf %mul3A_518, %add3A_519 : vector<256x128xf32>
    %max3A_521 = arith.constant 0.000000e+00 : f32
    %max3A_522 = vector.broadcast %max3A_521 : f32 to vector<256x128xf32>
    %max3A_523 = arith.maximumf %add3A_520, %max3A_522 : vector<256x128xf32>
    %get3A_524 = arith.constant 0 : index
    %get3A_525 = arith.constant 0 : index
    %get3A_526 = vector.load %arg14[%get3A_524, %get3A_525] : memref<128x128xf32, #tpu.memory_space<vmem>>, vector<128x128xf32>
    %dot_general3A_527 = arith.constant dense<0.000000e+00> : vector<256x128xf32>
    %dot_general3A_528 = tpu.matmul %max3A_523, %get3A_526, %dot_general3A_527 {dimension_numbers = #tpu.dot_dimension_numbers<[1], [1], [0], [0], [0, 0, 1, 0], [], []>, transpose_lhs_hint = false} : vector<256x128xf32>, vector<128x128xf32>, vector<256x128xf32> -> vector<256x128xf32>
    %get3A_529 = arith.constant 0 : index
    %get3A_530 = arith.constant 0 : index
    %get3A_531 = vector.load %arg15[%get3A_529, %get3A_530] : memref<1x128xf32, #tpu.memory_space<vmem>>, vector<1x128xf32>
    %add3A_532 = vector.broadcast %get3A_531 : vector<1x128xf32> to vector<256x128xf32>
    %add3A_533 = arith.addf %dot_general3A_528, %add3A_532 : vector<256x128xf32>
    %reduce_sum3A_534 = arith.constant dense<0.000000e+00> : vector<128xf32>
    %reduce_sum3A_535 = vector.multi_reduction <add>, %add3A_533, %reduce_sum3A_534 [0] : vector<256x128xf32> to vector<128xf32>
    %broadcast_in_dim3A_536 = vector.shape_cast %reduce_sum3A_535 : vector<128xf32> to vector<1x128xf32>
    %add3A_537 = arith.addf %add3A_475, %broadcast_in_dim3A_536 : vector<1x128xf32>
    %mul3A_538 = arith.mulf %add3A_533, %add3A_533 : vector<256x128xf32>
    %reduce_sum3A_539 = arith.constant dense<0.000000e+00> : vector<128xf32>
    %reduce_sum3A_540 = vector.multi_reduction <add>, %mul3A_538, %reduce_sum3A_539 [0] : vector<256x128xf32> to vector<128xf32>
    %broadcast_in_dim3A_541 = vector.shape_cast %reduce_sum3A_540 : vector<128xf32> to vector<1x128xf32>
    %add3A_542 = arith.addf %add3A_480, %broadcast_in_dim3A_541 : vector<1x128xf32>
    %max3A_543 = arith.maximumf %max3A_481, %add3A_533 : vector<256x128xf32>
    %get3A_544 = arith.constant 0 : index
    %get3A_545 = arith.constant 8 : index
    %get3A_546 = arith.constant 0 : index
    %get3A_547 = arith.constant 0 : index
    %get3A_548 = vector.load %arg2[%get3A_544, %get3A_545, %get3A_546, %get3A_547] : memref<1x20x256x16xf32, #tpu.memory_space<vmem>>, vector<1x1x256x3xf32>
    %get3A_549 = vector.shape_cast %get3A_548 : vector<1x1x256x3xf32> to vector<256x3xf32>
    %sub3A_550 = arith.subf %get3A_549, %get3A_3 : vector<256x3xf32>
    %concatenate3A_551 = tpu.concatenate %sub3A_550, %get3A_3 in 1 : vector<256x3xf32>, vector<256x3xf32> -> vector<256x6xf32>
    %get3A_552 = arith.constant 0 : index
    %get3A_553 = arith.constant 0 : index
    %get3A_554 = vector.load %arg4[%get3A_552, %get3A_553] : memref<6x64xf32, #tpu.memory_space<vmem>>, vector<6x64xf32>
    %dot_general3A_555 = arith.constant dense<0.000000e+00> : vector<256x64xf32>
    %dot_general3A_556 = tpu.matmul %concatenate3A_551, %get3A_554, %dot_general3A_555 {dimension_numbers = #tpu.dot_dimension_numbers<[1], [0], [0], [1], [0, 0, 1, 1], [], []>, transpose_lhs_hint = false} : vector<256x6xf32>, vector<6x64xf32>, vector<256x64xf32> -> vector<256x64xf32>
    %get3A_557 = arith.constant 0 : index
    %get3A_558 = arith.constant 0 : index
    %get3A_559 = vector.load %arg5[%get3A_557, %get3A_558] : memref<1x64xf32, #tpu.memory_space<vmem>>, vector<1x64xf32>
    %add3A_560 = vector.broadcast %get3A_559 : vector<1x64xf32> to vector<256x64xf32>
    %add3A_561 = arith.addf %dot_general3A_556, %add3A_560 : vector<256x64xf32>
    %mul3A_562 = vector.broadcast %div3A : vector<1x64xf32> to vector<256x64xf32>
    %mul3A_563 = arith.mulf %add3A_561, %mul3A_562 : vector<256x64xf32>
    %add3A_564 = vector.broadcast %sub3A_23 : vector<1x64xf32> to vector<256x64xf32>
    %add3A_565 = arith.addf %mul3A_563, %add3A_564 : vector<256x64xf32>
    %max3A_566 = arith.constant 0.000000e+00 : f32
    %max3A_567 = vector.broadcast %max3A_566 : f32 to vector<256x64xf32>
    %max3A_568 = arith.maximumf %add3A_565, %max3A_567 : vector<256x64xf32>
    %get3A_569 = arith.constant 0 : index
    %get3A_570 = arith.constant 0 : index
    %get3A_571 = vector.load %arg9[%get3A_569, %get3A_570] : memref<128x64xf32, #tpu.memory_space<vmem>>, vector<128x64xf32>
    %dot_general3A_572 = arith.constant dense<0.000000e+00> : vector<256x128xf32>
    %dot_general3A_573 = tpu.matmul %max3A_568, %get3A_571, %dot_general3A_572 {dimension_numbers = #tpu.dot_dimension_numbers<[1], [1], [0], [0], [0, 0, 1, 0], [], []>, transpose_lhs_hint = false} : vector<256x64xf32>, vector<128x64xf32>, vector<256x128xf32> -> vector<256x128xf32>
    %get3A_574 = arith.constant 0 : index
    %get3A_575 = arith.constant 0 : index
    %get3A_576 = vector.load %arg10[%get3A_574, %get3A_575] : memref<1x128xf32, #tpu.memory_space<vmem>>, vector<1x128xf32>
    %add3A_577 = vector.broadcast %get3A_576 : vector<1x128xf32> to vector<256x128xf32>
    %add3A_578 = arith.addf %dot_general3A_573, %add3A_577 : vector<256x128xf32>
    %mul3A_579 = vector.broadcast %div3A_47 : vector<1x128xf32> to vector<256x128xf32>
    %mul3A_580 = arith.mulf %add3A_578, %mul3A_579 : vector<256x128xf32>
    %add3A_581 = vector.broadcast %sub3A_49 : vector<1x128xf32> to vector<256x128xf32>
    %add3A_582 = arith.addf %mul3A_580, %add3A_581 : vector<256x128xf32>
    %max3A_583 = arith.constant 0.000000e+00 : f32
    %max3A_584 = vector.broadcast %max3A_583 : f32 to vector<256x128xf32>
    %max3A_585 = arith.maximumf %add3A_582, %max3A_584 : vector<256x128xf32>
    %get3A_586 = arith.constant 0 : index
    %get3A_587 = arith.constant 0 : index
    %get3A_588 = vector.load %arg14[%get3A_586, %get3A_587] : memref<128x128xf32, #tpu.memory_space<vmem>>, vector<128x128xf32>
    %dot_general3A_589 = arith.constant dense<0.000000e+00> : vector<256x128xf32>
    %dot_general3A_590 = tpu.matmul %max3A_585, %get3A_588, %dot_general3A_589 {dimension_numbers = #tpu.dot_dimension_numbers<[1], [1], [0], [0], [0, 0, 1, 0], [], []>, transpose_lhs_hint = false} : vector<256x128xf32>, vector<128x128xf32>, vector<256x128xf32> -> vector<256x128xf32>
    %get3A_591 = arith.constant 0 : index
    %get3A_592 = arith.constant 0 : index
    %get3A_593 = vector.load %arg15[%get3A_591, %get3A_592] : memref<1x128xf32, #tpu.memory_space<vmem>>, vector<1x128xf32>
    %add3A_594 = vector.broadcast %get3A_593 : vector<1x128xf32> to vector<256x128xf32>
    %add3A_595 = arith.addf %dot_general3A_590, %add3A_594 : vector<256x128xf32>
    %reduce_sum3A_596 = arith.constant dense<0.000000e+00> : vector<128xf32>
    %reduce_sum3A_597 = vector.multi_reduction <add>, %add3A_595, %reduce_sum3A_596 [0] : vector<256x128xf32> to vector<128xf32>
    %broadcast_in_dim3A_598 = vector.shape_cast %reduce_sum3A_597 : vector<128xf32> to vector<1x128xf32>
    %add3A_599 = arith.addf %add3A_537, %broadcast_in_dim3A_598 : vector<1x128xf32>
    %mul3A_600 = arith.mulf %add3A_595, %add3A_595 : vector<256x128xf32>
    %reduce_sum3A_601 = arith.constant dense<0.000000e+00> : vector<128xf32>
    %reduce_sum3A_602 = vector.multi_reduction <add>, %mul3A_600, %reduce_sum3A_601 [0] : vector<256x128xf32> to vector<128xf32>
    %broadcast_in_dim3A_603 = vector.shape_cast %reduce_sum3A_602 : vector<128xf32> to vector<1x128xf32>
    %add3A_604 = arith.addf %add3A_542, %broadcast_in_dim3A_603 : vector<1x128xf32>
    %max3A_605 = arith.maximumf %max3A_543, %add3A_595 : vector<256x128xf32>
    %get3A_606 = arith.constant 0 : index
    %get3A_607 = arith.constant 9 : index
    %get3A_608 = arith.constant 0 : index
    %get3A_609 = arith.constant 0 : index
    %get3A_610 = vector.load %arg2[%get3A_606, %get3A_607, %get3A_608, %get3A_609] : memref<1x20x256x16xf32, #tpu.memory_space<vmem>>, vector<1x1x256x3xf32>
    %get3A_611 = vector.shape_cast %get3A_610 : vector<1x1x256x3xf32> to vector<256x3xf32>
    %sub3A_612 = arith.subf %get3A_611, %get3A_3 : vector<256x3xf32>
    %concatenate3A_613 = tpu.concatenate %sub3A_612, %get3A_3 in 1 : vector<256x3xf32>, vector<256x3xf32> -> vector<256x6xf32>
    %get3A_614 = arith.constant 0 : index
    %get3A_615 = arith.constant 0 : index
    %get3A_616 = vector.load %arg4[%get3A_614, %get3A_615] : memref<6x64xf32, #tpu.memory_space<vmem>>, vector<6x64xf32>
    %dot_general3A_617 = arith.constant dense<0.000000e+00> : vector<256x64xf32>
    %dot_general3A_618 = tpu.matmul %concatenate3A_613, %get3A_616, %dot_general3A_617 {dimension_numbers = #tpu.dot_dimension_numbers<[1], [0], [0], [1], [0, 0, 1, 1], [], []>, transpose_lhs_hint = false} : vector<256x6xf32>, vector<6x64xf32>, vector<256x64xf32> -> vector<256x64xf32>
    %get3A_619 = arith.constant 0 : index
    %get3A_620 = arith.constant 0 : index
    %get3A_621 = vector.load %arg5[%get3A_619, %get3A_620] : memref<1x64xf32, #tpu.memory_space<vmem>>, vector<1x64xf32>
    %add3A_622 = vector.broadcast %get3A_621 : vector<1x64xf32> to vector<256x64xf32>
    %add3A_623 = arith.addf %dot_general3A_618, %add3A_622 : vector<256x64xf32>
    %mul3A_624 = vector.broadcast %div3A : vector<1x64xf32> to vector<256x64xf32>
    %mul3A_625 = arith.mulf %add3A_623, %mul3A_624 : vector<256x64xf32>
    %add3A_626 = vector.broadcast %sub3A_23 : vector<1x64xf32> to vector<256x64xf32>
    %add3A_627 = arith.addf %mul3A_625, %add3A_626 : vector<256x64xf32>
    %max3A_628 = arith.constant 0.000000e+00 : f32
    %max3A_629 = vector.broadcast %max3A_628 : f32 to vector<256x64xf32>
    %max3A_630 = arith.maximumf %add3A_627, %max3A_629 : vector<256x64xf32>
    %get3A_631 = arith.constant 0 : index
    %get3A_632 = arith.constant 0 : index
    %get3A_633 = vector.load %arg9[%get3A_631, %get3A_632] : memref<128x64xf32, #tpu.memory_space<vmem>>, vector<128x64xf32>
    %dot_general3A_634 = arith.constant dense<0.000000e+00> : vector<256x128xf32>
    %dot_general3A_635 = tpu.matmul %max3A_630, %get3A_633, %dot_general3A_634 {dimension_numbers = #tpu.dot_dimension_numbers<[1], [1], [0], [0], [0, 0, 1, 0], [], []>, transpose_lhs_hint = false} : vector<256x64xf32>, vector<128x64xf32>, vector<256x128xf32> -> vector<256x128xf32>
    %get3A_636 = arith.constant 0 : index
    %get3A_637 = arith.constant 0 : index
    %get3A_638 = vector.load %arg10[%get3A_636, %get3A_637] : memref<1x128xf32, #tpu.memory_space<vmem>>, vector<1x128xf32>
    %add3A_639 = vector.broadcast %get3A_638 : vector<1x128xf32> to vector<256x128xf32>
    %add3A_640 = arith.addf %dot_general3A_635, %add3A_639 : vector<256x128xf32>
    %mul3A_641 = vector.broadcast %div3A_47 : vector<1x128xf32> to vector<256x128xf32>
    %mul3A_642 = arith.mulf %add3A_640, %mul3A_641 : vector<256x128xf32>
    %add3A_643 = vector.broadcast %sub3A_49 : vector<1x128xf32> to vector<256x128xf32>
    %add3A_644 = arith.addf %mul3A_642, %add3A_643 : vector<256x128xf32>
    %max3A_645 = arith.constant 0.000000e+00 : f32
    %max3A_646 = vector.broadcast %max3A_645 : f32 to vector<256x128xf32>
    %max3A_647 = arith.maximumf %add3A_644, %max3A_646 : vector<256x128xf32>
    %get3A_648 = arith.constant 0 : index
    %get3A_649 = arith.constant 0 : index
    %get3A_650 = vector.load %arg14[%get3A_648, %get3A_649] : memref<128x128xf32, #tpu.memory_space<vmem>>, vector<128x128xf32>
    %dot_general3A_651 = arith.constant dense<0.000000e+00> : vector<256x128xf32>
    %dot_general3A_652 = tpu.matmul %max3A_647, %get3A_650, %dot_general3A_651 {dimension_numbers = #tpu.dot_dimension_numbers<[1], [1], [0], [0], [0, 0, 1, 0], [], []>, transpose_lhs_hint = false} : vector<256x128xf32>, vector<128x128xf32>, vector<256x128xf32> -> vector<256x128xf32>
    %get3A_653 = arith.constant 0 : index
    %get3A_654 = arith.constant 0 : index
    %get3A_655 = vector.load %arg15[%get3A_653, %get3A_654] : memref<1x128xf32, #tpu.memory_space<vmem>>, vector<1x128xf32>
    %add3A_656 = vector.broadcast %get3A_655 : vector<1x128xf32> to vector<256x128xf32>
    %add3A_657 = arith.addf %dot_general3A_652, %add3A_656 : vector<256x128xf32>
    %reduce_sum3A_658 = arith.constant dense<0.000000e+00> : vector<128xf32>
    %reduce_sum3A_659 = vector.multi_reduction <add>, %add3A_657, %reduce_sum3A_658 [0] : vector<256x128xf32> to vector<128xf32>
    %broadcast_in_dim3A_660 = vector.shape_cast %reduce_sum3A_659 : vector<128xf32> to vector<1x128xf32>
    %add3A_661 = arith.addf %add3A_599, %broadcast_in_dim3A_660 : vector<1x128xf32>
    %mul3A_662 = arith.mulf %add3A_657, %add3A_657 : vector<256x128xf32>
    %reduce_sum3A_663 = arith.constant dense<0.000000e+00> : vector<128xf32>
    %reduce_sum3A_664 = vector.multi_reduction <add>, %mul3A_662, %reduce_sum3A_663 [0] : vector<256x128xf32> to vector<128xf32>
    %broadcast_in_dim3A_665 = vector.shape_cast %reduce_sum3A_664 : vector<128xf32> to vector<1x128xf32>
    %add3A_666 = arith.addf %add3A_604, %broadcast_in_dim3A_665 : vector<1x128xf32>
    %max3A_667 = arith.maximumf %max3A_605, %add3A_657 : vector<256x128xf32>
    %get3A_668 = arith.constant 0 : index
    %get3A_669 = arith.constant 10 : index
    %get3A_670 = arith.constant 0 : index
    %get3A_671 = arith.constant 0 : index
    %get3A_672 = vector.load %arg2[%get3A_668, %get3A_669, %get3A_670, %get3A_671] : memref<1x20x256x16xf32, #tpu.memory_space<vmem>>, vector<1x1x256x3xf32>
    %get3A_673 = vector.shape_cast %get3A_672 : vector<1x1x256x3xf32> to vector<256x3xf32>
    %sub3A_674 = arith.subf %get3A_673, %get3A_3 : vector<256x3xf32>
    %concatenate3A_675 = tpu.concatenate %sub3A_674, %get3A_3 in 1 : vector<256x3xf32>, vector<256x3xf32> -> vector<256x6xf32>
    %get3A_676 = arith.constant 0 : index
    %get3A_677 = arith.constant 0 : index
    %get3A_678 = vector.load %arg4[%get3A_676, %get3A_677] : memref<6x64xf32, #tpu.memory_space<vmem>>, vector<6x64xf32>
    %dot_general3A_679 = arith.constant dense<0.000000e+00> : vector<256x64xf32>
    %dot_general3A_680 = tpu.matmul %concatenate3A_675, %get3A_678, %dot_general3A_679 {dimension_numbers = #tpu.dot_dimension_numbers<[1], [0], [0], [1], [0, 0, 1, 1], [], []>, transpose_lhs_hint = false} : vector<256x6xf32>, vector<6x64xf32>, vector<256x64xf32> -> vector<256x64xf32>
    %get3A_681 = arith.constant 0 : index
    %get3A_682 = arith.constant 0 : index
    %get3A_683 = vector.load %arg5[%get3A_681, %get3A_682] : memref<1x64xf32, #tpu.memory_space<vmem>>, vector<1x64xf32>
    %add3A_684 = vector.broadcast %get3A_683 : vector<1x64xf32> to vector<256x64xf32>
    %add3A_685 = arith.addf %dot_general3A_680, %add3A_684 : vector<256x64xf32>
    %mul3A_686 = vector.broadcast %div3A : vector<1x64xf32> to vector<256x64xf32>
    %mul3A_687 = arith.mulf %add3A_685, %mul3A_686 : vector<256x64xf32>
    %add3A_688 = vector.broadcast %sub3A_23 : vector<1x64xf32> to vector<256x64xf32>
    %add3A_689 = arith.addf %mul3A_687, %add3A_688 : vector<256x64xf32>
    %max3A_690 = arith.constant 0.000000e+00 : f32
    %max3A_691 = vector.broadcast %max3A_690 : f32 to vector<256x64xf32>
    %max3A_692 = arith.maximumf %add3A_689, %max3A_691 : vector<256x64xf32>
    %get3A_693 = arith.constant 0 : index
    %get3A_694 = arith.constant 0 : index
    %get3A_695 = vector.load %arg9[%get3A_693, %get3A_694] : memref<128x64xf32, #tpu.memory_space<vmem>>, vector<128x64xf32>
    %dot_general3A_696 = arith.constant dense<0.000000e+00> : vector<256x128xf32>
    %dot_general3A_697 = tpu.matmul %max3A_692, %get3A_695, %dot_general3A_696 {dimension_numbers = #tpu.dot_dimension_numbers<[1], [1], [0], [0], [0, 0, 1, 0], [], []>, transpose_lhs_hint = false} : vector<256x64xf32>, vector<128x64xf32>, vector<256x128xf32> -> vector<256x128xf32>
    %get3A_698 = arith.constant 0 : index
    %get3A_699 = arith.constant 0 : index
    %get3A_700 = vector.load %arg10[%get3A_698, %get3A_699] : memref<1x128xf32, #tpu.memory_space<vmem>>, vector<1x128xf32>
    %add3A_701 = vector.broadcast %get3A_700 : vector<1x128xf32> to vector<256x128xf32>
    %add3A_702 = arith.addf %dot_general3A_697, %add3A_701 : vector<256x128xf32>
    %mul3A_703 = vector.broadcast %div3A_47 : vector<1x128xf32> to vector<256x128xf32>
    %mul3A_704 = arith.mulf %add3A_702, %mul3A_703 : vector<256x128xf32>
    %add3A_705 = vector.broadcast %sub3A_49 : vector<1x128xf32> to vector<256x128xf32>
    %add3A_706 = arith.addf %mul3A_704, %add3A_705 : vector<256x128xf32>
    %max3A_707 = arith.constant 0.000000e+00 : f32
    %max3A_708 = vector.broadcast %max3A_707 : f32 to vector<256x128xf32>
    %max3A_709 = arith.maximumf %add3A_706, %max3A_708 : vector<256x128xf32>
    %get3A_710 = arith.constant 0 : index
    %get3A_711 = arith.constant 0 : index
    %get3A_712 = vector.load %arg14[%get3A_710, %get3A_711] : memref<128x128xf32, #tpu.memory_space<vmem>>, vector<128x128xf32>
    %dot_general3A_713 = arith.constant dense<0.000000e+00> : vector<256x128xf32>
    %dot_general3A_714 = tpu.matmul %max3A_709, %get3A_712, %dot_general3A_713 {dimension_numbers = #tpu.dot_dimension_numbers<[1], [1], [0], [0], [0, 0, 1, 0], [], []>, transpose_lhs_hint = false} : vector<256x128xf32>, vector<128x128xf32>, vector<256x128xf32> -> vector<256x128xf32>
    %get3A_715 = arith.constant 0 : index
    %get3A_716 = arith.constant 0 : index
    %get3A_717 = vector.load %arg15[%get3A_715, %get3A_716] : memref<1x128xf32, #tpu.memory_space<vmem>>, vector<1x128xf32>
    %add3A_718 = vector.broadcast %get3A_717 : vector<1x128xf32> to vector<256x128xf32>
    %add3A_719 = arith.addf %dot_general3A_714, %add3A_718 : vector<256x128xf32>
    %reduce_sum3A_720 = arith.constant dense<0.000000e+00> : vector<128xf32>
    %reduce_sum3A_721 = vector.multi_reduction <add>, %add3A_719, %reduce_sum3A_720 [0] : vector<256x128xf32> to vector<128xf32>
    %broadcast_in_dim3A_722 = vector.shape_cast %reduce_sum3A_721 : vector<128xf32> to vector<1x128xf32>
    %add3A_723 = arith.addf %add3A_661, %broadcast_in_dim3A_722 : vector<1x128xf32>
    %mul3A_724 = arith.mulf %add3A_719, %add3A_719 : vector<256x128xf32>
    %reduce_sum3A_725 = arith.constant dense<0.000000e+00> : vector<128xf32>
    %reduce_sum3A_726 = vector.multi_reduction <add>, %mul3A_724, %reduce_sum3A_725 [0] : vector<256x128xf32> to vector<128xf32>
    %broadcast_in_dim3A_727 = vector.shape_cast %reduce_sum3A_726 : vector<128xf32> to vector<1x128xf32>
    %add3A_728 = arith.addf %add3A_666, %broadcast_in_dim3A_727 : vector<1x128xf32>
    %max3A_729 = arith.maximumf %max3A_667, %add3A_719 : vector<256x128xf32>
    %get3A_730 = arith.constant 0 : index
    %get3A_731 = arith.constant 11 : index
    %get3A_732 = arith.constant 0 : index
    %get3A_733 = arith.constant 0 : index
    %get3A_734 = vector.load %arg2[%get3A_730, %get3A_731, %get3A_732, %get3A_733] : memref<1x20x256x16xf32, #tpu.memory_space<vmem>>, vector<1x1x256x3xf32>
    %get3A_735 = vector.shape_cast %get3A_734 : vector<1x1x256x3xf32> to vector<256x3xf32>
    %sub3A_736 = arith.subf %get3A_735, %get3A_3 : vector<256x3xf32>
    %concatenate3A_737 = tpu.concatenate %sub3A_736, %get3A_3 in 1 : vector<256x3xf32>, vector<256x3xf32> -> vector<256x6xf32>
    %get3A_738 = arith.constant 0 : index
    %get3A_739 = arith.constant 0 : index
    %get3A_740 = vector.load %arg4[%get3A_738, %get3A_739] : memref<6x64xf32, #tpu.memory_space<vmem>>, vector<6x64xf32>
    %dot_general3A_741 = arith.constant dense<0.000000e+00> : vector<256x64xf32>
    %dot_general3A_742 = tpu.matmul %concatenate3A_737, %get3A_740, %dot_general3A_741 {dimension_numbers = #tpu.dot_dimension_numbers<[1], [0], [0], [1], [0, 0, 1, 1], [], []>, transpose_lhs_hint = false} : vector<256x6xf32>, vector<6x64xf32>, vector<256x64xf32> -> vector<256x64xf32>
    %get3A_743 = arith.constant 0 : index
    %get3A_744 = arith.constant 0 : index
    %get3A_745 = vector.load %arg5[%get3A_743, %get3A_744] : memref<1x64xf32, #tpu.memory_space<vmem>>, vector<1x64xf32>
    %add3A_746 = vector.broadcast %get3A_745 : vector<1x64xf32> to vector<256x64xf32>
    %add3A_747 = arith.addf %dot_general3A_742, %add3A_746 : vector<256x64xf32>
    %mul3A_748 = vector.broadcast %div3A : vector<1x64xf32> to vector<256x64xf32>
    %mul3A_749 = arith.mulf %add3A_747, %mul3A_748 : vector<256x64xf32>
    %add3A_750 = vector.broadcast %sub3A_23 : vector<1x64xf32> to vector<256x64xf32>
    %add3A_751 = arith.addf %mul3A_749, %add3A_750 : vector<256x64xf32>
    %max3A_752 = arith.constant 0.000000e+00 : f32
    %max3A_753 = vector.broadcast %max3A_752 : f32 to vector<256x64xf32>
    %max3A_754 = arith.maximumf %add3A_751, %max3A_753 : vector<256x64xf32>
    %get3A_755 = arith.constant 0 : index
    %get3A_756 = arith.constant 0 : index
    %get3A_757 = vector.load %arg9[%get3A_755, %get3A_756] : memref<128x64xf32, #tpu.memory_space<vmem>>, vector<128x64xf32>
    %dot_general3A_758 = arith.constant dense<0.000000e+00> : vector<256x128xf32>
    %dot_general3A_759 = tpu.matmul %max3A_754, %get3A_757, %dot_general3A_758 {dimension_numbers = #tpu.dot_dimension_numbers<[1], [1], [0], [0], [0, 0, 1, 0], [], []>, transpose_lhs_hint = false} : vector<256x64xf32>, vector<128x64xf32>, vector<256x128xf32> -> vector<256x128xf32>
    %get3A_760 = arith.constant 0 : index
    %get3A_761 = arith.constant 0 : index
    %get3A_762 = vector.load %arg10[%get3A_760, %get3A_761] : memref<1x128xf32, #tpu.memory_space<vmem>>, vector<1x128xf32>
    %add3A_763 = vector.broadcast %get3A_762 : vector<1x128xf32> to vector<256x128xf32>
    %add3A_764 = arith.addf %dot_general3A_759, %add3A_763 : vector<256x128xf32>
    %mul3A_765 = vector.broadcast %div3A_47 : vector<1x128xf32> to vector<256x128xf32>
    %mul3A_766 = arith.mulf %add3A_764, %mul3A_765 : vector<256x128xf32>
    %add3A_767 = vector.broadcast %sub3A_49 : vector<1x128xf32> to vector<256x128xf32>
    %add3A_768 = arith.addf %mul3A_766, %add3A_767 : vector<256x128xf32>
    %max3A_769 = arith.constant 0.000000e+00 : f32
    %max3A_770 = vector.broadcast %max3A_769 : f32 to vector<256x128xf32>
    %max3A_771 = arith.maximumf %add3A_768, %max3A_770 : vector<256x128xf32>
    %get3A_772 = arith.constant 0 : index
    %get3A_773 = arith.constant 0 : index
    %get3A_774 = vector.load %arg14[%get3A_772, %get3A_773] : memref<128x128xf32, #tpu.memory_space<vmem>>, vector<128x128xf32>
    %dot_general3A_775 = arith.constant dense<0.000000e+00> : vector<256x128xf32>
    %dot_general3A_776 = tpu.matmul %max3A_771, %get3A_774, %dot_general3A_775 {dimension_numbers = #tpu.dot_dimension_numbers<[1], [1], [0], [0], [0, 0, 1, 0], [], []>, transpose_lhs_hint = false} : vector<256x128xf32>, vector<128x128xf32>, vector<256x128xf32> -> vector<256x128xf32>
    %get3A_777 = arith.constant 0 : index
    %get3A_778 = arith.constant 0 : index
    %get3A_779 = vector.load %arg15[%get3A_777, %get3A_778] : memref<1x128xf32, #tpu.memory_space<vmem>>, vector<1x128xf32>
    %add3A_780 = vector.broadcast %get3A_779 : vector<1x128xf32> to vector<256x128xf32>
    %add3A_781 = arith.addf %dot_general3A_776, %add3A_780 : vector<256x128xf32>
    %reduce_sum3A_782 = arith.constant dense<0.000000e+00> : vector<128xf32>
    %reduce_sum3A_783 = vector.multi_reduction <add>, %add3A_781, %reduce_sum3A_782 [0] : vector<256x128xf32> to vector<128xf32>
    %broadcast_in_dim3A_784 = vector.shape_cast %reduce_sum3A_783 : vector<128xf32> to vector<1x128xf32>
    %add3A_785 = arith.addf %add3A_723, %broadcast_in_dim3A_784 : vector<1x128xf32>
    %mul3A_786 = arith.mulf %add3A_781, %add3A_781 : vector<256x128xf32>
    %reduce_sum3A_787 = arith.constant dense<0.000000e+00> : vector<128xf32>
    %reduce_sum3A_788 = vector.multi_reduction <add>, %mul3A_786, %reduce_sum3A_787 [0] : vector<256x128xf32> to vector<128xf32>
    %broadcast_in_dim3A_789 = vector.shape_cast %reduce_sum3A_788 : vector<128xf32> to vector<1x128xf32>
    %add3A_790 = arith.addf %add3A_728, %broadcast_in_dim3A_789 : vector<1x128xf32>
    %max3A_791 = arith.maximumf %max3A_729, %add3A_781 : vector<256x128xf32>
    %get3A_792 = arith.constant 0 : index
    %get3A_793 = arith.constant 12 : index
    %get3A_794 = arith.constant 0 : index
    %get3A_795 = arith.constant 0 : index
    %get3A_796 = vector.load %arg2[%get3A_792, %get3A_793, %get3A_794, %get3A_795] : memref<1x20x256x16xf32, #tpu.memory_space<vmem>>, vector<1x1x256x3xf32>
    %get3A_797 = vector.shape_cast %get3A_796 : vector<1x1x256x3xf32> to vector<256x3xf32>
    %sub3A_798 = arith.subf %get3A_797, %get3A_3 : vector<256x3xf32>
    %concatenate3A_799 = tpu.concatenate %sub3A_798, %get3A_3 in 1 : vector<256x3xf32>, vector<256x3xf32> -> vector<256x6xf32>
    %get3A_800 = arith.constant 0 : index
    %get3A_801 = arith.constant 0 : index
    %get3A_802 = vector.load %arg4[%get3A_800, %get3A_801] : memref<6x64xf32, #tpu.memory_space<vmem>>, vector<6x64xf32>
    %dot_general3A_803 = arith.constant dense<0.000000e+00> : vector<256x64xf32>
    %dot_general3A_804 = tpu.matmul %concatenate3A_799, %get3A_802, %dot_general3A_803 {dimension_numbers = #tpu.dot_dimension_numbers<[1], [0], [0], [1], [0, 0, 1, 1], [], []>, transpose_lhs_hint = false} : vector<256x6xf32>, vector<6x64xf32>, vector<256x64xf32> -> vector<256x64xf32>
    %get3A_805 = arith.constant 0 : index
    %get3A_806 = arith.constant 0 : index
    %get3A_807 = vector.load %arg5[%get3A_805, %get3A_806] : memref<1x64xf32, #tpu.memory_space<vmem>>, vector<1x64xf32>
    %add3A_808 = vector.broadcast %get3A_807 : vector<1x64xf32> to vector<256x64xf32>
    %add3A_809 = arith.addf %dot_general3A_804, %add3A_808 : vector<256x64xf32>
    %mul3A_810 = vector.broadcast %div3A : vector<1x64xf32> to vector<256x64xf32>
    %mul3A_811 = arith.mulf %add3A_809, %mul3A_810 : vector<256x64xf32>
    %add3A_812 = vector.broadcast %sub3A_23 : vector<1x64xf32> to vector<256x64xf32>
    %add3A_813 = arith.addf %mul3A_811, %add3A_812 : vector<256x64xf32>
    %max3A_814 = arith.constant 0.000000e+00 : f32
    %max3A_815 = vector.broadcast %max3A_814 : f32 to vector<256x64xf32>
    %max3A_816 = arith.maximumf %add3A_813, %max3A_815 : vector<256x64xf32>
    %get3A_817 = arith.constant 0 : index
    %get3A_818 = arith.constant 0 : index
    %get3A_819 = vector.load %arg9[%get3A_817, %get3A_818] : memref<128x64xf32, #tpu.memory_space<vmem>>, vector<128x64xf32>
    %dot_general3A_820 = arith.constant dense<0.000000e+00> : vector<256x128xf32>
    %dot_general3A_821 = tpu.matmul %max3A_816, %get3A_819, %dot_general3A_820 {dimension_numbers = #tpu.dot_dimension_numbers<[1], [1], [0], [0], [0, 0, 1, 0], [], []>, transpose_lhs_hint = false} : vector<256x64xf32>, vector<128x64xf32>, vector<256x128xf32> -> vector<256x128xf32>
    %get3A_822 = arith.constant 0 : index
    %get3A_823 = arith.constant 0 : index
    %get3A_824 = vector.load %arg10[%get3A_822, %get3A_823] : memref<1x128xf32, #tpu.memory_space<vmem>>, vector<1x128xf32>
    %add3A_825 = vector.broadcast %get3A_824 : vector<1x128xf32> to vector<256x128xf32>
    %add3A_826 = arith.addf %dot_general3A_821, %add3A_825 : vector<256x128xf32>
    %mul3A_827 = vector.broadcast %div3A_47 : vector<1x128xf32> to vector<256x128xf32>
    %mul3A_828 = arith.mulf %add3A_826, %mul3A_827 : vector<256x128xf32>
    %add3A_829 = vector.broadcast %sub3A_49 : vector<1x128xf32> to vector<256x128xf32>
    %add3A_830 = arith.addf %mul3A_828, %add3A_829 : vector<256x128xf32>
    %max3A_831 = arith.constant 0.000000e+00 : f32
    %max3A_832 = vector.broadcast %max3A_831 : f32 to vector<256x128xf32>
    %max3A_833 = arith.maximumf %add3A_830, %max3A_832 : vector<256x128xf32>
    %get3A_834 = arith.constant 0 : index
    %get3A_835 = arith.constant 0 : index
    %get3A_836 = vector.load %arg14[%get3A_834, %get3A_835] : memref<128x128xf32, #tpu.memory_space<vmem>>, vector<128x128xf32>
    %dot_general3A_837 = arith.constant dense<0.000000e+00> : vector<256x128xf32>
    %dot_general3A_838 = tpu.matmul %max3A_833, %get3A_836, %dot_general3A_837 {dimension_numbers = #tpu.dot_dimension_numbers<[1], [1], [0], [0], [0, 0, 1, 0], [], []>, transpose_lhs_hint = false} : vector<256x128xf32>, vector<128x128xf32>, vector<256x128xf32> -> vector<256x128xf32>
    %get3A_839 = arith.constant 0 : index
    %get3A_840 = arith.constant 0 : index
    %get3A_841 = vector.load %arg15[%get3A_839, %get3A_840] : memref<1x128xf32, #tpu.memory_space<vmem>>, vector<1x128xf32>
    %add3A_842 = vector.broadcast %get3A_841 : vector<1x128xf32> to vector<256x128xf32>
    %add3A_843 = arith.addf %dot_general3A_838, %add3A_842 : vector<256x128xf32>
    %reduce_sum3A_844 = arith.constant dense<0.000000e+00> : vector<128xf32>
    %reduce_sum3A_845 = vector.multi_reduction <add>, %add3A_843, %reduce_sum3A_844 [0] : vector<256x128xf32> to vector<128xf32>
    %broadcast_in_dim3A_846 = vector.shape_cast %reduce_sum3A_845 : vector<128xf32> to vector<1x128xf32>
    %add3A_847 = arith.addf %add3A_785, %broadcast_in_dim3A_846 : vector<1x128xf32>
    %mul3A_848 = arith.mulf %add3A_843, %add3A_843 : vector<256x128xf32>
    %reduce_sum3A_849 = arith.constant dense<0.000000e+00> : vector<128xf32>
    %reduce_sum3A_850 = vector.multi_reduction <add>, %mul3A_848, %reduce_sum3A_849 [0] : vector<256x128xf32> to vector<128xf32>
    %broadcast_in_dim3A_851 = vector.shape_cast %reduce_sum3A_850 : vector<128xf32> to vector<1x128xf32>
    %add3A_852 = arith.addf %add3A_790, %broadcast_in_dim3A_851 : vector<1x128xf32>
    %max3A_853 = arith.maximumf %max3A_791, %add3A_843 : vector<256x128xf32>
    %get3A_854 = arith.constant 0 : index
    %get3A_855 = arith.constant 13 : index
    %get3A_856 = arith.constant 0 : index
    %get3A_857 = arith.constant 0 : index
    %get3A_858 = vector.load %arg2[%get3A_854, %get3A_855, %get3A_856, %get3A_857] : memref<1x20x256x16xf32, #tpu.memory_space<vmem>>, vector<1x1x256x3xf32>
    %get3A_859 = vector.shape_cast %get3A_858 : vector<1x1x256x3xf32> to vector<256x3xf32>
    %sub3A_860 = arith.subf %get3A_859, %get3A_3 : vector<256x3xf32>
    %concatenate3A_861 = tpu.concatenate %sub3A_860, %get3A_3 in 1 : vector<256x3xf32>, vector<256x3xf32> -> vector<256x6xf32>
    %get3A_862 = arith.constant 0 : index
    %get3A_863 = arith.constant 0 : index
    %get3A_864 = vector.load %arg4[%get3A_862, %get3A_863] : memref<6x64xf32, #tpu.memory_space<vmem>>, vector<6x64xf32>
    %dot_general3A_865 = arith.constant dense<0.000000e+00> : vector<256x64xf32>
    %dot_general3A_866 = tpu.matmul %concatenate3A_861, %get3A_864, %dot_general3A_865 {dimension_numbers = #tpu.dot_dimension_numbers<[1], [0], [0], [1], [0, 0, 1, 1], [], []>, transpose_lhs_hint = false} : vector<256x6xf32>, vector<6x64xf32>, vector<256x64xf32> -> vector<256x64xf32>
    %get3A_867 = arith.constant 0 : index
    %get3A_868 = arith.constant 0 : index
    %get3A_869 = vector.load %arg5[%get3A_867, %get3A_868] : memref<1x64xf32, #tpu.memory_space<vmem>>, vector<1x64xf32>
    %add3A_870 = vector.broadcast %get3A_869 : vector<1x64xf32> to vector<256x64xf32>
    %add3A_871 = arith.addf %dot_general3A_866, %add3A_870 : vector<256x64xf32>
    %mul3A_872 = vector.broadcast %div3A : vector<1x64xf32> to vector<256x64xf32>
    %mul3A_873 = arith.mulf %add3A_871, %mul3A_872 : vector<256x64xf32>
    %add3A_874 = vector.broadcast %sub3A_23 : vector<1x64xf32> to vector<256x64xf32>
    %add3A_875 = arith.addf %mul3A_873, %add3A_874 : vector<256x64xf32>
    %max3A_876 = arith.constant 0.000000e+00 : f32
    %max3A_877 = vector.broadcast %max3A_876 : f32 to vector<256x64xf32>
    %max3A_878 = arith.maximumf %add3A_875, %max3A_877 : vector<256x64xf32>
    %get3A_879 = arith.constant 0 : index
    %get3A_880 = arith.constant 0 : index
    %get3A_881 = vector.load %arg9[%get3A_879, %get3A_880] : memref<128x64xf32, #tpu.memory_space<vmem>>, vector<128x64xf32>
    %dot_general3A_882 = arith.constant dense<0.000000e+00> : vector<256x128xf32>
    %dot_general3A_883 = tpu.matmul %max3A_878, %get3A_881, %dot_general3A_882 {dimension_numbers = #tpu.dot_dimension_numbers<[1], [1], [0], [0], [0, 0, 1, 0], [], []>, transpose_lhs_hint = false} : vector<256x64xf32>, vector<128x64xf32>, vector<256x128xf32> -> vector<256x128xf32>
    %get3A_884 = arith.constant 0 : index
    %get3A_885 = arith.constant 0 : index
    %get3A_886 = vector.load %arg10[%get3A_884, %get3A_885] : memref<1x128xf32, #tpu.memory_space<vmem>>, vector<1x128xf32>
    %add3A_887 = vector.broadcast %get3A_886 : vector<1x128xf32> to vector<256x128xf32>
    %add3A_888 = arith.addf %dot_general3A_883, %add3A_887 : vector<256x128xf32>
    %mul3A_889 = vector.broadcast %div3A_47 : vector<1x128xf32> to vector<256x128xf32>
    %mul3A_890 = arith.mulf %add3A_888, %mul3A_889 : vector<256x128xf32>
    %add3A_891 = vector.broadcast %sub3A_49 : vector<1x128xf32> to vector<256x128xf32>
    %add3A_892 = arith.addf %mul3A_890, %add3A_891 : vector<256x128xf32>
    %max3A_893 = arith.constant 0.000000e+00 : f32
    %max3A_894 = vector.broadcast %max3A_893 : f32 to vector<256x128xf32>
    %max3A_895 = arith.maximumf %add3A_892, %max3A_894 : vector<256x128xf32>
    %get3A_896 = arith.constant 0 : index
    %get3A_897 = arith.constant 0 : index
    %get3A_898 = vector.load %arg14[%get3A_896, %get3A_897] : memref<128x128xf32, #tpu.memory_space<vmem>>, vector<128x128xf32>
    %dot_general3A_899 = arith.constant dense<0.000000e+00> : vector<256x128xf32>
    %dot_general3A_900 = tpu.matmul %max3A_895, %get3A_898, %dot_general3A_899 {dimension_numbers = #tpu.dot_dimension_numbers<[1], [1], [0], [0], [0, 0, 1, 0], [], []>, transpose_lhs_hint = false} : vector<256x128xf32>, vector<128x128xf32>, vector<256x128xf32> -> vector<256x128xf32>
    %get3A_901 = arith.constant 0 : index
    %get3A_902 = arith.constant 0 : index
    %get3A_903 = vector.load %arg15[%get3A_901, %get3A_902] : memref<1x128xf32, #tpu.memory_space<vmem>>, vector<1x128xf32>
    %add3A_904 = vector.broadcast %get3A_903 : vector<1x128xf32> to vector<256x128xf32>
    %add3A_905 = arith.addf %dot_general3A_900, %add3A_904 : vector<256x128xf32>
    %reduce_sum3A_906 = arith.constant dense<0.000000e+00> : vector<128xf32>
    %reduce_sum3A_907 = vector.multi_reduction <add>, %add3A_905, %reduce_sum3A_906 [0] : vector<256x128xf32> to vector<128xf32>
    %broadcast_in_dim3A_908 = vector.shape_cast %reduce_sum3A_907 : vector<128xf32> to vector<1x128xf32>
    %add3A_909 = arith.addf %add3A_847, %broadcast_in_dim3A_908 : vector<1x128xf32>
    %mul3A_910 = arith.mulf %add3A_905, %add3A_905 : vector<256x128xf32>
    %reduce_sum3A_911 = arith.constant dense<0.000000e+00> : vector<128xf32>
    %reduce_sum3A_912 = vector.multi_reduction <add>, %mul3A_910, %reduce_sum3A_911 [0] : vector<256x128xf32> to vector<128xf32>
    %broadcast_in_dim3A_913 = vector.shape_cast %reduce_sum3A_912 : vector<128xf32> to vector<1x128xf32>
    %add3A_914 = arith.addf %add3A_852, %broadcast_in_dim3A_913 : vector<1x128xf32>
    %max3A_915 = arith.maximumf %max3A_853, %add3A_905 : vector<256x128xf32>
    %get3A_916 = arith.constant 0 : index
    %get3A_917 = arith.constant 14 : index
    %get3A_918 = arith.constant 0 : index
    %get3A_919 = arith.constant 0 : index
    %get3A_920 = vector.load %arg2[%get3A_916, %get3A_917, %get3A_918, %get3A_919] : memref<1x20x256x16xf32, #tpu.memory_space<vmem>>, vector<1x1x256x3xf32>
    %get3A_921 = vector.shape_cast %get3A_920 : vector<1x1x256x3xf32> to vector<256x3xf32>
    %sub3A_922 = arith.subf %get3A_921, %get3A_3 : vector<256x3xf32>
    %concatenate3A_923 = tpu.concatenate %sub3A_922, %get3A_3 in 1 : vector<256x3xf32>, vector<256x3xf32> -> vector<256x6xf32>
    %get3A_924 = arith.constant 0 : index
    %get3A_925 = arith.constant 0 : index
    %get3A_926 = vector.load %arg4[%get3A_924, %get3A_925] : memref<6x64xf32, #tpu.memory_space<vmem>>, vector<6x64xf32>
    %dot_general3A_927 = arith.constant dense<0.000000e+00> : vector<256x64xf32>
    %dot_general3A_928 = tpu.matmul %concatenate3A_923, %get3A_926, %dot_general3A_927 {dimension_numbers = #tpu.dot_dimension_numbers<[1], [0], [0], [1], [0, 0, 1, 1], [], []>, transpose_lhs_hint = false} : vector<256x6xf32>, vector<6x64xf32>, vector<256x64xf32> -> vector<256x64xf32>
    %get3A_929 = arith.constant 0 : index
    %get3A_930 = arith.constant 0 : index
    %get3A_931 = vector.load %arg5[%get3A_929, %get3A_930] : memref<1x64xf32, #tpu.memory_space<vmem>>, vector<1x64xf32>
    %add3A_932 = vector.broadcast %get3A_931 : vector<1x64xf32> to vector<256x64xf32>
    %add3A_933 = arith.addf %dot_general3A_928, %add3A_932 : vector<256x64xf32>
    %mul3A_934 = vector.broadcast %div3A : vector<1x64xf32> to vector<256x64xf32>
    %mul3A_935 = arith.mulf %add3A_933, %mul3A_934 : vector<256x64xf32>
    %add3A_936 = vector.broadcast %sub3A_23 : vector<1x64xf32> to vector<256x64xf32>
    %add3A_937 = arith.addf %mul3A_935, %add3A_936 : vector<256x64xf32>
    %max3A_938 = arith.constant 0.000000e+00 : f32
    %max3A_939 = vector.broadcast %max3A_938 : f32 to vector<256x64xf32>
    %max3A_940 = arith.maximumf %add3A_937, %max3A_939 : vector<256x64xf32>
    %get3A_941 = arith.constant 0 : index
    %get3A_942 = arith.constant 0 : index
    %get3A_943 = vector.load %arg9[%get3A_941, %get3A_942] : memref<128x64xf32, #tpu.memory_space<vmem>>, vector<128x64xf32>
    %dot_general3A_944 = arith.constant dense<0.000000e+00> : vector<256x128xf32>
    %dot_general3A_945 = tpu.matmul %max3A_940, %get3A_943, %dot_general3A_944 {dimension_numbers = #tpu.dot_dimension_numbers<[1], [1], [0], [0], [0, 0, 1, 0], [], []>, transpose_lhs_hint = false} : vector<256x64xf32>, vector<128x64xf32>, vector<256x128xf32> -> vector<256x128xf32>
    %get3A_946 = arith.constant 0 : index
    %get3A_947 = arith.constant 0 : index
    %get3A_948 = vector.load %arg10[%get3A_946, %get3A_947] : memref<1x128xf32, #tpu.memory_space<vmem>>, vector<1x128xf32>
    %add3A_949 = vector.broadcast %get3A_948 : vector<1x128xf32> to vector<256x128xf32>
    %add3A_950 = arith.addf %dot_general3A_945, %add3A_949 : vector<256x128xf32>
    %mul3A_951 = vector.broadcast %div3A_47 : vector<1x128xf32> to vector<256x128xf32>
    %mul3A_952 = arith.mulf %add3A_950, %mul3A_951 : vector<256x128xf32>
    %add3A_953 = vector.broadcast %sub3A_49 : vector<1x128xf32> to vector<256x128xf32>
    %add3A_954 = arith.addf %mul3A_952, %add3A_953 : vector<256x128xf32>
    %max3A_955 = arith.constant 0.000000e+00 : f32
    %max3A_956 = vector.broadcast %max3A_955 : f32 to vector<256x128xf32>
    %max3A_957 = arith.maximumf %add3A_954, %max3A_956 : vector<256x128xf32>
    %get3A_958 = arith.constant 0 : index
    %get3A_959 = arith.constant 0 : index
    %get3A_960 = vector.load %arg14[%get3A_958, %get3A_959] : memref<128x128xf32, #tpu.memory_space<vmem>>, vector<128x128xf32>
    %dot_general3A_961 = arith.constant dense<0.000000e+00> : vector<256x128xf32>
    %dot_general3A_962 = tpu.matmul %max3A_957, %get3A_960, %dot_general3A_961 {dimension_numbers = #tpu.dot_dimension_numbers<[1], [1], [0], [0], [0, 0, 1, 0], [], []>, transpose_lhs_hint = false} : vector<256x128xf32>, vector<128x128xf32>, vector<256x128xf32> -> vector<256x128xf32>
    %get3A_963 = arith.constant 0 : index
    %get3A_964 = arith.constant 0 : index
    %get3A_965 = vector.load %arg15[%get3A_963, %get3A_964] : memref<1x128xf32, #tpu.memory_space<vmem>>, vector<1x128xf32>
    %add3A_966 = vector.broadcast %get3A_965 : vector<1x128xf32> to vector<256x128xf32>
    %add3A_967 = arith.addf %dot_general3A_962, %add3A_966 : vector<256x128xf32>
    %reduce_sum3A_968 = arith.constant dense<0.000000e+00> : vector<128xf32>
    %reduce_sum3A_969 = vector.multi_reduction <add>, %add3A_967, %reduce_sum3A_968 [0] : vector<256x128xf32> to vector<128xf32>
    %broadcast_in_dim3A_970 = vector.shape_cast %reduce_sum3A_969 : vector<128xf32> to vector<1x128xf32>
    %add3A_971 = arith.addf %add3A_909, %broadcast_in_dim3A_970 : vector<1x128xf32>
    %mul3A_972 = arith.mulf %add3A_967, %add3A_967 : vector<256x128xf32>
    %reduce_sum3A_973 = arith.constant dense<0.000000e+00> : vector<128xf32>
    %reduce_sum3A_974 = vector.multi_reduction <add>, %mul3A_972, %reduce_sum3A_973 [0] : vector<256x128xf32> to vector<128xf32>
    %broadcast_in_dim3A_975 = vector.shape_cast %reduce_sum3A_974 : vector<128xf32> to vector<1x128xf32>
    %add3A_976 = arith.addf %add3A_914, %broadcast_in_dim3A_975 : vector<1x128xf32>
    %max3A_977 = arith.maximumf %max3A_915, %add3A_967 : vector<256x128xf32>
    %get3A_978 = arith.constant 0 : index
    %get3A_979 = arith.constant 15 : index
    %get3A_980 = arith.constant 0 : index
    %get3A_981 = arith.constant 0 : index
    %get3A_982 = vector.load %arg2[%get3A_978, %get3A_979, %get3A_980, %get3A_981] : memref<1x20x256x16xf32, #tpu.memory_space<vmem>>, vector<1x1x256x3xf32>
    %get3A_983 = vector.shape_cast %get3A_982 : vector<1x1x256x3xf32> to vector<256x3xf32>
    %sub3A_984 = arith.subf %get3A_983, %get3A_3 : vector<256x3xf32>
    %concatenate3A_985 = tpu.concatenate %sub3A_984, %get3A_3 in 1 : vector<256x3xf32>, vector<256x3xf32> -> vector<256x6xf32>
    %get3A_986 = arith.constant 0 : index
    %get3A_987 = arith.constant 0 : index
    %get3A_988 = vector.load %arg4[%get3A_986, %get3A_987] : memref<6x64xf32, #tpu.memory_space<vmem>>, vector<6x64xf32>
    %dot_general3A_989 = arith.constant dense<0.000000e+00> : vector<256x64xf32>
    %dot_general3A_990 = tpu.matmul %concatenate3A_985, %get3A_988, %dot_general3A_989 {dimension_numbers = #tpu.dot_dimension_numbers<[1], [0], [0], [1], [0, 0, 1, 1], [], []>, transpose_lhs_hint = false} : vector<256x6xf32>, vector<6x64xf32>, vector<256x64xf32> -> vector<256x64xf32>
    %get3A_991 = arith.constant 0 : index
    %get3A_992 = arith.constant 0 : index
    %get3A_993 = vector.load %arg5[%get3A_991, %get3A_992] : memref<1x64xf32, #tpu.memory_space<vmem>>, vector<1x64xf32>
    %add3A_994 = vector.broadcast %get3A_993 : vector<1x64xf32> to vector<256x64xf32>
    %add3A_995 = arith.addf %dot_general3A_990, %add3A_994 : vector<256x64xf32>
    %mul3A_996 = vector.broadcast %div3A : vector<1x64xf32> to vector<256x64xf32>
    %mul3A_997 = arith.mulf %add3A_995, %mul3A_996 : vector<256x64xf32>
    %add3A_998 = vector.broadcast %sub3A_23 : vector<1x64xf32> to vector<256x64xf32>
    %add3A_999 = arith.addf %mul3A_997, %add3A_998 : vector<256x64xf32>
    %max3A_1000 = arith.constant 0.000000e+00 : f32
    %max3A_1001 = vector.broadcast %max3A_1000 : f32 to vector<256x64xf32>
    %max3A_1002 = arith.maximumf %add3A_999, %max3A_1001 : vector<256x64xf32>
    %get3A_1003 = arith.constant 0 : index
    %get3A_1004 = arith.constant 0 : index
    %get3A_1005 = vector.load %arg9[%get3A_1003, %get3A_1004] : memref<128x64xf32, #tpu.memory_space<vmem>>, vector<128x64xf32>
    %dot_general3A_1006 = arith.constant dense<0.000000e+00> : vector<256x128xf32>
    %dot_general3A_1007 = tpu.matmul %max3A_1002, %get3A_1005, %dot_general3A_1006 {dimension_numbers = #tpu.dot_dimension_numbers<[1], [1], [0], [0], [0, 0, 1, 0], [], []>, transpose_lhs_hint = false} : vector<256x64xf32>, vector<128x64xf32>, vector<256x128xf32> -> vector<256x128xf32>
    %get3A_1008 = arith.constant 0 : index
    %get3A_1009 = arith.constant 0 : index
    %get3A_1010 = vector.load %arg10[%get3A_1008, %get3A_1009] : memref<1x128xf32, #tpu.memory_space<vmem>>, vector<1x128xf32>
    %add3A_1011 = vector.broadcast %get3A_1010 : vector<1x128xf32> to vector<256x128xf32>
    %add3A_1012 = arith.addf %dot_general3A_1007, %add3A_1011 : vector<256x128xf32>
    %mul3A_1013 = vector.broadcast %div3A_47 : vector<1x128xf32> to vector<256x128xf32>
    %mul3A_1014 = arith.mulf %add3A_1012, %mul3A_1013 : vector<256x128xf32>
    %add3A_1015 = vector.broadcast %sub3A_49 : vector<1x128xf32> to vector<256x128xf32>
    %add3A_1016 = arith.addf %mul3A_1014, %add3A_1015 : vector<256x128xf32>
    %max3A_1017 = arith.constant 0.000000e+00 : f32
    %max3A_1018 = vector.broadcast %max3A_1017 : f32 to vector<256x128xf32>
    %max3A_1019 = arith.maximumf %add3A_1016, %max3A_1018 : vector<256x128xf32>
    %get3A_1020 = arith.constant 0 : index
    %get3A_1021 = arith.constant 0 : index
    %get3A_1022 = vector.load %arg14[%get3A_1020, %get3A_1021] : memref<128x128xf32, #tpu.memory_space<vmem>>, vector<128x128xf32>
    %dot_general3A_1023 = arith.constant dense<0.000000e+00> : vector<256x128xf32>
    %dot_general3A_1024 = tpu.matmul %max3A_1019, %get3A_1022, %dot_general3A_1023 {dimension_numbers = #tpu.dot_dimension_numbers<[1], [1], [0], [0], [0, 0, 1, 0], [], []>, transpose_lhs_hint = false} : vector<256x128xf32>, vector<128x128xf32>, vector<256x128xf32> -> vector<256x128xf32>
    %get3A_1025 = arith.constant 0 : index
    %get3A_1026 = arith.constant 0 : index
    %get3A_1027 = vector.load %arg15[%get3A_1025, %get3A_1026] : memref<1x128xf32, #tpu.memory_space<vmem>>, vector<1x128xf32>
    %add3A_1028 = vector.broadcast %get3A_1027 : vector<1x128xf32> to vector<256x128xf32>
    %add3A_1029 = arith.addf %dot_general3A_1024, %add3A_1028 : vector<256x128xf32>
    %reduce_sum3A_1030 = arith.constant dense<0.000000e+00> : vector<128xf32>
    %reduce_sum3A_1031 = vector.multi_reduction <add>, %add3A_1029, %reduce_sum3A_1030 [0] : vector<256x128xf32> to vector<128xf32>
    %broadcast_in_dim3A_1032 = vector.shape_cast %reduce_sum3A_1031 : vector<128xf32> to vector<1x128xf32>
    %add3A_1033 = arith.addf %add3A_971, %broadcast_in_dim3A_1032 : vector<1x128xf32>
    %mul3A_1034 = arith.mulf %add3A_1029, %add3A_1029 : vector<256x128xf32>
    %reduce_sum3A_1035 = arith.constant dense<0.000000e+00> : vector<128xf32>
    %reduce_sum3A_1036 = vector.multi_reduction <add>, %mul3A_1034, %reduce_sum3A_1035 [0] : vector<256x128xf32> to vector<128xf32>
    %broadcast_in_dim3A_1037 = vector.shape_cast %reduce_sum3A_1036 : vector<128xf32> to vector<1x128xf32>
    %add3A_1038 = arith.addf %add3A_976, %broadcast_in_dim3A_1037 : vector<1x128xf32>
    %max3A_1039 = arith.maximumf %max3A_977, %add3A_1029 : vector<256x128xf32>
    %get3A_1040 = arith.constant 0 : index
    %get3A_1041 = arith.constant 16 : index
    %get3A_1042 = arith.constant 0 : index
    %get3A_1043 = arith.constant 0 : index
    %get3A_1044 = vector.load %arg2[%get3A_1040, %get3A_1041, %get3A_1042, %get3A_1043] : memref<1x20x256x16xf32, #tpu.memory_space<vmem>>, vector<1x1x256x3xf32>
    %get3A_1045 = vector.shape_cast %get3A_1044 : vector<1x1x256x3xf32> to vector<256x3xf32>
    %sub3A_1046 = arith.subf %get3A_1045, %get3A_3 : vector<256x3xf32>
    %concatenate3A_1047 = tpu.concatenate %sub3A_1046, %get3A_3 in 1 : vector<256x3xf32>, vector<256x3xf32> -> vector<256x6xf32>
    %get3A_1048 = arith.constant 0 : index
    %get3A_1049 = arith.constant 0 : index
    %get3A_1050 = vector.load %arg4[%get3A_1048, %get3A_1049] : memref<6x64xf32, #tpu.memory_space<vmem>>, vector<6x64xf32>
    %dot_general3A_1051 = arith.constant dense<0.000000e+00> : vector<256x64xf32>
    %dot_general3A_1052 = tpu.matmul %concatenate3A_1047, %get3A_1050, %dot_general3A_1051 {dimension_numbers = #tpu.dot_dimension_numbers<[1], [0], [0], [1], [0, 0, 1, 1], [], []>, transpose_lhs_hint = false} : vector<256x6xf32>, vector<6x64xf32>, vector<256x64xf32> -> vector<256x64xf32>
    %get3A_1053 = arith.constant 0 : index
    %get3A_1054 = arith.constant 0 : index
    %get3A_1055 = vector.load %arg5[%get3A_1053, %get3A_1054] : memref<1x64xf32, #tpu.memory_space<vmem>>, vector<1x64xf32>
    %add3A_1056 = vector.broadcast %get3A_1055 : vector<1x64xf32> to vector<256x64xf32>
    %add3A_1057 = arith.addf %dot_general3A_1052, %add3A_1056 : vector<256x64xf32>
    %mul3A_1058 = vector.broadcast %div3A : vector<1x64xf32> to vector<256x64xf32>
    %mul3A_1059 = arith.mulf %add3A_1057, %mul3A_1058 : vector<256x64xf32>
    %add3A_1060 = vector.broadcast %sub3A_23 : vector<1x64xf32> to vector<256x64xf32>
    %add3A_1061 = arith.addf %mul3A_1059, %add3A_1060 : vector<256x64xf32>
    %max3A_1062 = arith.constant 0.000000e+00 : f32
    %max3A_1063 = vector.broadcast %max3A_1062 : f32 to vector<256x64xf32>
    %max3A_1064 = arith.maximumf %add3A_1061, %max3A_1063 : vector<256x64xf32>
    %get3A_1065 = arith.constant 0 : index
    %get3A_1066 = arith.constant 0 : index
    %get3A_1067 = vector.load %arg9[%get3A_1065, %get3A_1066] : memref<128x64xf32, #tpu.memory_space<vmem>>, vector<128x64xf32>
    %dot_general3A_1068 = arith.constant dense<0.000000e+00> : vector<256x128xf32>
    %dot_general3A_1069 = tpu.matmul %max3A_1064, %get3A_1067, %dot_general3A_1068 {dimension_numbers = #tpu.dot_dimension_numbers<[1], [1], [0], [0], [0, 0, 1, 0], [], []>, transpose_lhs_hint = false} : vector<256x64xf32>, vector<128x64xf32>, vector<256x128xf32> -> vector<256x128xf32>
    %get3A_1070 = arith.constant 0 : index
    %get3A_1071 = arith.constant 0 : index
    %get3A_1072 = vector.load %arg10[%get3A_1070, %get3A_1071] : memref<1x128xf32, #tpu.memory_space<vmem>>, vector<1x128xf32>
    %add3A_1073 = vector.broadcast %get3A_1072 : vector<1x128xf32> to vector<256x128xf32>
    %add3A_1074 = arith.addf %dot_general3A_1069, %add3A_1073 : vector<256x128xf32>
    %mul3A_1075 = vector.broadcast %div3A_47 : vector<1x128xf32> to vector<256x128xf32>
    %mul3A_1076 = arith.mulf %add3A_1074, %mul3A_1075 : vector<256x128xf32>
    %add3A_1077 = vector.broadcast %sub3A_49 : vector<1x128xf32> to vector<256x128xf32>
    %add3A_1078 = arith.addf %mul3A_1076, %add3A_1077 : vector<256x128xf32>
    %max3A_1079 = arith.constant 0.000000e+00 : f32
    %max3A_1080 = vector.broadcast %max3A_1079 : f32 to vector<256x128xf32>
    %max3A_1081 = arith.maximumf %add3A_1078, %max3A_1080 : vector<256x128xf32>
    %get3A_1082 = arith.constant 0 : index
    %get3A_1083 = arith.constant 0 : index
    %get3A_1084 = vector.load %arg14[%get3A_1082, %get3A_1083] : memref<128x128xf32, #tpu.memory_space<vmem>>, vector<128x128xf32>
    %dot_general3A_1085 = arith.constant dense<0.000000e+00> : vector<256x128xf32>
    %dot_general3A_1086 = tpu.matmul %max3A_1081, %get3A_1084, %dot_general3A_1085 {dimension_numbers = #tpu.dot_dimension_numbers<[1], [1], [0], [0], [0, 0, 1, 0], [], []>, transpose_lhs_hint = false} : vector<256x128xf32>, vector<128x128xf32>, vector<256x128xf32> -> vector<256x128xf32>
    %get3A_1087 = arith.constant 0 : index
    %get3A_1088 = arith.constant 0 : index
    %get3A_1089 = vector.load %arg15[%get3A_1087, %get3A_1088] : memref<1x128xf32, #tpu.memory_space<vmem>>, vector<1x128xf32>
    %add3A_1090 = vector.broadcast %get3A_1089 : vector<1x128xf32> to vector<256x128xf32>
    %add3A_1091 = arith.addf %dot_general3A_1086, %add3A_1090 : vector<256x128xf32>
    %reduce_sum3A_1092 = arith.constant dense<0.000000e+00> : vector<128xf32>
    %reduce_sum3A_1093 = vector.multi_reduction <add>, %add3A_1091, %reduce_sum3A_1092 [0] : vector<256x128xf32> to vector<128xf32>
    %broadcast_in_dim3A_1094 = vector.shape_cast %reduce_sum3A_1093 : vector<128xf32> to vector<1x128xf32>
    %add3A_1095 = arith.addf %add3A_1033, %broadcast_in_dim3A_1094 : vector<1x128xf32>
    %mul3A_1096 = arith.mulf %add3A_1091, %add3A_1091 : vector<256x128xf32>
    %reduce_sum3A_1097 = arith.constant dense<0.000000e+00> : vector<128xf32>
    %reduce_sum3A_1098 = vector.multi_reduction <add>, %mul3A_1096, %reduce_sum3A_1097 [0] : vector<256x128xf32> to vector<128xf32>
    %broadcast_in_dim3A_1099 = vector.shape_cast %reduce_sum3A_1098 : vector<128xf32> to vector<1x128xf32>
    %add3A_1100 = arith.addf %add3A_1038, %broadcast_in_dim3A_1099 : vector<1x128xf32>
    %max3A_1101 = arith.maximumf %max3A_1039, %add3A_1091 : vector<256x128xf32>
    %get3A_1102 = arith.constant 0 : index
    %get3A_1103 = arith.constant 17 : index
    %get3A_1104 = arith.constant 0 : index
    %get3A_1105 = arith.constant 0 : index
    %get3A_1106 = vector.load %arg2[%get3A_1102, %get3A_1103, %get3A_1104, %get3A_1105] : memref<1x20x256x16xf32, #tpu.memory_space<vmem>>, vector<1x1x256x3xf32>
    %get3A_1107 = vector.shape_cast %get3A_1106 : vector<1x1x256x3xf32> to vector<256x3xf32>
    %sub3A_1108 = arith.subf %get3A_1107, %get3A_3 : vector<256x3xf32>
    %concatenate3A_1109 = tpu.concatenate %sub3A_1108, %get3A_3 in 1 : vector<256x3xf32>, vector<256x3xf32> -> vector<256x6xf32>
    %get3A_1110 = arith.constant 0 : index
    %get3A_1111 = arith.constant 0 : index
    %get3A_1112 = vector.load %arg4[%get3A_1110, %get3A_1111] : memref<6x64xf32, #tpu.memory_space<vmem>>, vector<6x64xf32>
    %dot_general3A_1113 = arith.constant dense<0.000000e+00> : vector<256x64xf32>
    %dot_general3A_1114 = tpu.matmul %concatenate3A_1109, %get3A_1112, %dot_general3A_1113 {dimension_numbers = #tpu.dot_dimension_numbers<[1], [0], [0], [1], [0, 0, 1, 1], [], []>, transpose_lhs_hint = false} : vector<256x6xf32>, vector<6x64xf32>, vector<256x64xf32> -> vector<256x64xf32>
    %get3A_1115 = arith.constant 0 : index
    %get3A_1116 = arith.constant 0 : index
    %get3A_1117 = vector.load %arg5[%get3A_1115, %get3A_1116] : memref<1x64xf32, #tpu.memory_space<vmem>>, vector<1x64xf32>
    %add3A_1118 = vector.broadcast %get3A_1117 : vector<1x64xf32> to vector<256x64xf32>
    %add3A_1119 = arith.addf %dot_general3A_1114, %add3A_1118 : vector<256x64xf32>
    %mul3A_1120 = vector.broadcast %div3A : vector<1x64xf32> to vector<256x64xf32>
    %mul3A_1121 = arith.mulf %add3A_1119, %mul3A_1120 : vector<256x64xf32>
    %add3A_1122 = vector.broadcast %sub3A_23 : vector<1x64xf32> to vector<256x64xf32>
    %add3A_1123 = arith.addf %mul3A_1121, %add3A_1122 : vector<256x64xf32>
    %max3A_1124 = arith.constant 0.000000e+00 : f32
    %max3A_1125 = vector.broadcast %max3A_1124 : f32 to vector<256x64xf32>
    %max3A_1126 = arith.maximumf %add3A_1123, %max3A_1125 : vector<256x64xf32>
    %get3A_1127 = arith.constant 0 : index
    %get3A_1128 = arith.constant 0 : index
    %get3A_1129 = vector.load %arg9[%get3A_1127, %get3A_1128] : memref<128x64xf32, #tpu.memory_space<vmem>>, vector<128x64xf32>
    %dot_general3A_1130 = arith.constant dense<0.000000e+00> : vector<256x128xf32>
    %dot_general3A_1131 = tpu.matmul %max3A_1126, %get3A_1129, %dot_general3A_1130 {dimension_numbers = #tpu.dot_dimension_numbers<[1], [1], [0], [0], [0, 0, 1, 0], [], []>, transpose_lhs_hint = false} : vector<256x64xf32>, vector<128x64xf32>, vector<256x128xf32> -> vector<256x128xf32>
    %get3A_1132 = arith.constant 0 : index
    %get3A_1133 = arith.constant 0 : index
    %get3A_1134 = vector.load %arg10[%get3A_1132, %get3A_1133] : memref<1x128xf32, #tpu.memory_space<vmem>>, vector<1x128xf32>
    %add3A_1135 = vector.broadcast %get3A_1134 : vector<1x128xf32> to vector<256x128xf32>
    %add3A_1136 = arith.addf %dot_general3A_1131, %add3A_1135 : vector<256x128xf32>
    %mul3A_1137 = vector.broadcast %div3A_47 : vector<1x128xf32> to vector<256x128xf32>
    %mul3A_1138 = arith.mulf %add3A_1136, %mul3A_1137 : vector<256x128xf32>
    %add3A_1139 = vector.broadcast %sub3A_49 : vector<1x128xf32> to vector<256x128xf32>
    %add3A_1140 = arith.addf %mul3A_1138, %add3A_1139 : vector<256x128xf32>
    %max3A_1141 = arith.constant 0.000000e+00 : f32
    %max3A_1142 = vector.broadcast %max3A_1141 : f32 to vector<256x128xf32>
    %max3A_1143 = arith.maximumf %add3A_1140, %max3A_1142 : vector<256x128xf32>
    %get3A_1144 = arith.constant 0 : index
    %get3A_1145 = arith.constant 0 : index
    %get3A_1146 = vector.load %arg14[%get3A_1144, %get3A_1145] : memref<128x128xf32, #tpu.memory_space<vmem>>, vector<128x128xf32>
    %dot_general3A_1147 = arith.constant dense<0.000000e+00> : vector<256x128xf32>
    %dot_general3A_1148 = tpu.matmul %max3A_1143, %get3A_1146, %dot_general3A_1147 {dimension_numbers = #tpu.dot_dimension_numbers<[1], [1], [0], [0], [0, 0, 1, 0], [], []>, transpose_lhs_hint = false} : vector<256x128xf32>, vector<128x128xf32>, vector<256x128xf32> -> vector<256x128xf32>
    %get3A_1149 = arith.constant 0 : index
    %get3A_1150 = arith.constant 0 : index
    %get3A_1151 = vector.load %arg15[%get3A_1149, %get3A_1150] : memref<1x128xf32, #tpu.memory_space<vmem>>, vector<1x128xf32>
    %add3A_1152 = vector.broadcast %get3A_1151 : vector<1x128xf32> to vector<256x128xf32>
    %add3A_1153 = arith.addf %dot_general3A_1148, %add3A_1152 : vector<256x128xf32>
    %reduce_sum3A_1154 = arith.constant dense<0.000000e+00> : vector<128xf32>
    %reduce_sum3A_1155 = vector.multi_reduction <add>, %add3A_1153, %reduce_sum3A_1154 [0] : vector<256x128xf32> to vector<128xf32>
    %broadcast_in_dim3A_1156 = vector.shape_cast %reduce_sum3A_1155 : vector<128xf32> to vector<1x128xf32>
    %add3A_1157 = arith.addf %add3A_1095, %broadcast_in_dim3A_1156 : vector<1x128xf32>
    %mul3A_1158 = arith.mulf %add3A_1153, %add3A_1153 : vector<256x128xf32>
    %reduce_sum3A_1159 = arith.constant dense<0.000000e+00> : vector<128xf32>
    %reduce_sum3A_1160 = vector.multi_reduction <add>, %mul3A_1158, %reduce_sum3A_1159 [0] : vector<256x128xf32> to vector<128xf32>
    %broadcast_in_dim3A_1161 = vector.shape_cast %reduce_sum3A_1160 : vector<128xf32> to vector<1x128xf32>
    %add3A_1162 = arith.addf %add3A_1100, %broadcast_in_dim3A_1161 : vector<1x128xf32>
    %max3A_1163 = arith.maximumf %max3A_1101, %add3A_1153 : vector<256x128xf32>
    %get3A_1164 = arith.constant 0 : index
    %get3A_1165 = arith.constant 18 : index
    %get3A_1166 = arith.constant 0 : index
    %get3A_1167 = arith.constant 0 : index
    %get3A_1168 = vector.load %arg2[%get3A_1164, %get3A_1165, %get3A_1166, %get3A_1167] : memref<1x20x256x16xf32, #tpu.memory_space<vmem>>, vector<1x1x256x3xf32>
    %get3A_1169 = vector.shape_cast %get3A_1168 : vector<1x1x256x3xf32> to vector<256x3xf32>
    %sub3A_1170 = arith.subf %get3A_1169, %get3A_3 : vector<256x3xf32>
    %concatenate3A_1171 = tpu.concatenate %sub3A_1170, %get3A_3 in 1 : vector<256x3xf32>, vector<256x3xf32> -> vector<256x6xf32>
    %get3A_1172 = arith.constant 0 : index
    %get3A_1173 = arith.constant 0 : index
    %get3A_1174 = vector.load %arg4[%get3A_1172, %get3A_1173] : memref<6x64xf32, #tpu.memory_space<vmem>>, vector<6x64xf32>
    %dot_general3A_1175 = arith.constant dense<0.000000e+00> : vector<256x64xf32>
    %dot_general3A_1176 = tpu.matmul %concatenate3A_1171, %get3A_1174, %dot_general3A_1175 {dimension_numbers = #tpu.dot_dimension_numbers<[1], [0], [0], [1], [0, 0, 1, 1], [], []>, transpose_lhs_hint = false} : vector<256x6xf32>, vector<6x64xf32>, vector<256x64xf32> -> vector<256x64xf32>
    %get3A_1177 = arith.constant 0 : index
    %get3A_1178 = arith.constant 0 : index
    %get3A_1179 = vector.load %arg5[%get3A_1177, %get3A_1178] : memref<1x64xf32, #tpu.memory_space<vmem>>, vector<1x64xf32>
    %add3A_1180 = vector.broadcast %get3A_1179 : vector<1x64xf32> to vector<256x64xf32>
    %add3A_1181 = arith.addf %dot_general3A_1176, %add3A_1180 : vector<256x64xf32>
    %mul3A_1182 = vector.broadcast %div3A : vector<1x64xf32> to vector<256x64xf32>
    %mul3A_1183 = arith.mulf %add3A_1181, %mul3A_1182 : vector<256x64xf32>
    %add3A_1184 = vector.broadcast %sub3A_23 : vector<1x64xf32> to vector<256x64xf32>
    %add3A_1185 = arith.addf %mul3A_1183, %add3A_1184 : vector<256x64xf32>
    %max3A_1186 = arith.constant 0.000000e+00 : f32
    %max3A_1187 = vector.broadcast %max3A_1186 : f32 to vector<256x64xf32>
    %max3A_1188 = arith.maximumf %add3A_1185, %max3A_1187 : vector<256x64xf32>
    %get3A_1189 = arith.constant 0 : index
    %get3A_1190 = arith.constant 0 : index
    %get3A_1191 = vector.load %arg9[%get3A_1189, %get3A_1190] : memref<128x64xf32, #tpu.memory_space<vmem>>, vector<128x64xf32>
    %dot_general3A_1192 = arith.constant dense<0.000000e+00> : vector<256x128xf32>
    %dot_general3A_1193 = tpu.matmul %max3A_1188, %get3A_1191, %dot_general3A_1192 {dimension_numbers = #tpu.dot_dimension_numbers<[1], [1], [0], [0], [0, 0, 1, 0], [], []>, transpose_lhs_hint = false} : vector<256x64xf32>, vector<128x64xf32>, vector<256x128xf32> -> vector<256x128xf32>
    %get3A_1194 = arith.constant 0 : index
    %get3A_1195 = arith.constant 0 : index
    %get3A_1196 = vector.load %arg10[%get3A_1194, %get3A_1195] : memref<1x128xf32, #tpu.memory_space<vmem>>, vector<1x128xf32>
    %add3A_1197 = vector.broadcast %get3A_1196 : vector<1x128xf32> to vector<256x128xf32>
    %add3A_1198 = arith.addf %dot_general3A_1193, %add3A_1197 : vector<256x128xf32>
    %mul3A_1199 = vector.broadcast %div3A_47 : vector<1x128xf32> to vector<256x128xf32>
    %mul3A_1200 = arith.mulf %add3A_1198, %mul3A_1199 : vector<256x128xf32>
    %add3A_1201 = vector.broadcast %sub3A_49 : vector<1x128xf32> to vector<256x128xf32>
    %add3A_1202 = arith.addf %mul3A_1200, %add3A_1201 : vector<256x128xf32>
    %max3A_1203 = arith.constant 0.000000e+00 : f32
    %max3A_1204 = vector.broadcast %max3A_1203 : f32 to vector<256x128xf32>
    %max3A_1205 = arith.maximumf %add3A_1202, %max3A_1204 : vector<256x128xf32>
    %get3A_1206 = arith.constant 0 : index
    %get3A_1207 = arith.constant 0 : index
    %get3A_1208 = vector.load %arg14[%get3A_1206, %get3A_1207] : memref<128x128xf32, #tpu.memory_space<vmem>>, vector<128x128xf32>
    %dot_general3A_1209 = arith.constant dense<0.000000e+00> : vector<256x128xf32>
    %dot_general3A_1210 = tpu.matmul %max3A_1205, %get3A_1208, %dot_general3A_1209 {dimension_numbers = #tpu.dot_dimension_numbers<[1], [1], [0], [0], [0, 0, 1, 0], [], []>, transpose_lhs_hint = false} : vector<256x128xf32>, vector<128x128xf32>, vector<256x128xf32> -> vector<256x128xf32>
    %get3A_1211 = arith.constant 0 : index
    %get3A_1212 = arith.constant 0 : index
    %get3A_1213 = vector.load %arg15[%get3A_1211, %get3A_1212] : memref<1x128xf32, #tpu.memory_space<vmem>>, vector<1x128xf32>
    %add3A_1214 = vector.broadcast %get3A_1213 : vector<1x128xf32> to vector<256x128xf32>
    %add3A_1215 = arith.addf %dot_general3A_1210, %add3A_1214 : vector<256x128xf32>
    %reduce_sum3A_1216 = arith.constant dense<0.000000e+00> : vector<128xf32>
    %reduce_sum3A_1217 = vector.multi_reduction <add>, %add3A_1215, %reduce_sum3A_1216 [0] : vector<256x128xf32> to vector<128xf32>
    %broadcast_in_dim3A_1218 = vector.shape_cast %reduce_sum3A_1217 : vector<128xf32> to vector<1x128xf32>
    %add3A_1219 = arith.addf %add3A_1157, %broadcast_in_dim3A_1218 : vector<1x128xf32>
    %mul3A_1220 = arith.mulf %add3A_1215, %add3A_1215 : vector<256x128xf32>
    %reduce_sum3A_1221 = arith.constant dense<0.000000e+00> : vector<128xf32>
    %reduce_sum3A_1222 = vector.multi_reduction <add>, %mul3A_1220, %reduce_sum3A_1221 [0] : vector<256x128xf32> to vector<128xf32>
    %broadcast_in_dim3A_1223 = vector.shape_cast %reduce_sum3A_1222 : vector<128xf32> to vector<1x128xf32>
    %add3A_1224 = arith.addf %add3A_1162, %broadcast_in_dim3A_1223 : vector<1x128xf32>
    %max3A_1225 = arith.maximumf %max3A_1163, %add3A_1215 : vector<256x128xf32>
    %get3A_1226 = arith.constant 0 : index
    %get3A_1227 = arith.constant 19 : index
    %get3A_1228 = arith.constant 0 : index
    %get3A_1229 = arith.constant 0 : index
    %get3A_1230 = vector.load %arg2[%get3A_1226, %get3A_1227, %get3A_1228, %get3A_1229] : memref<1x20x256x16xf32, #tpu.memory_space<vmem>>, vector<1x1x256x3xf32>
    %get3A_1231 = vector.shape_cast %get3A_1230 : vector<1x1x256x3xf32> to vector<256x3xf32>
    %sub3A_1232 = arith.subf %get3A_1231, %get3A_3 : vector<256x3xf32>
    %concatenate3A_1233 = tpu.concatenate %sub3A_1232, %get3A_3 in 1 : vector<256x3xf32>, vector<256x3xf32> -> vector<256x6xf32>
    %get3A_1234 = arith.constant 0 : index
    %get3A_1235 = arith.constant 0 : index
    %get3A_1236 = vector.load %arg4[%get3A_1234, %get3A_1235] : memref<6x64xf32, #tpu.memory_space<vmem>>, vector<6x64xf32>
    %dot_general3A_1237 = arith.constant dense<0.000000e+00> : vector<256x64xf32>
    %dot_general3A_1238 = tpu.matmul %concatenate3A_1233, %get3A_1236, %dot_general3A_1237 {dimension_numbers = #tpu.dot_dimension_numbers<[1], [0], [0], [1], [0, 0, 1, 1], [], []>, transpose_lhs_hint = false} : vector<256x6xf32>, vector<6x64xf32>, vector<256x64xf32> -> vector<256x64xf32>
    %get3A_1239 = arith.constant 0 : index
    %get3A_1240 = arith.constant 0 : index
    %get3A_1241 = vector.load %arg5[%get3A_1239, %get3A_1240] : memref<1x64xf32, #tpu.memory_space<vmem>>, vector<1x64xf32>
    %add3A_1242 = vector.broadcast %get3A_1241 : vector<1x64xf32> to vector<256x64xf32>
    %add3A_1243 = arith.addf %dot_general3A_1238, %add3A_1242 : vector<256x64xf32>
    %mul3A_1244 = vector.broadcast %div3A : vector<1x64xf32> to vector<256x64xf32>
    %mul3A_1245 = arith.mulf %add3A_1243, %mul3A_1244 : vector<256x64xf32>
    %add3A_1246 = vector.broadcast %sub3A_23 : vector<1x64xf32> to vector<256x64xf32>
    %add3A_1247 = arith.addf %mul3A_1245, %add3A_1246 : vector<256x64xf32>
    %max3A_1248 = arith.constant 0.000000e+00 : f32
    %max3A_1249 = vector.broadcast %max3A_1248 : f32 to vector<256x64xf32>
    %max3A_1250 = arith.maximumf %add3A_1247, %max3A_1249 : vector<256x64xf32>
    %get3A_1251 = arith.constant 0 : index
    %get3A_1252 = arith.constant 0 : index
    %get3A_1253 = vector.load %arg9[%get3A_1251, %get3A_1252] : memref<128x64xf32, #tpu.memory_space<vmem>>, vector<128x64xf32>
    %dot_general3A_1254 = arith.constant dense<0.000000e+00> : vector<256x128xf32>
    %dot_general3A_1255 = tpu.matmul %max3A_1250, %get3A_1253, %dot_general3A_1254 {dimension_numbers = #tpu.dot_dimension_numbers<[1], [1], [0], [0], [0, 0, 1, 0], [], []>, transpose_lhs_hint = false} : vector<256x64xf32>, vector<128x64xf32>, vector<256x128xf32> -> vector<256x128xf32>
    %get3A_1256 = arith.constant 0 : index
    %get3A_1257 = arith.constant 0 : index
    %get3A_1258 = vector.load %arg10[%get3A_1256, %get3A_1257] : memref<1x128xf32, #tpu.memory_space<vmem>>, vector<1x128xf32>
    %add3A_1259 = vector.broadcast %get3A_1258 : vector<1x128xf32> to vector<256x128xf32>
    %add3A_1260 = arith.addf %dot_general3A_1255, %add3A_1259 : vector<256x128xf32>
    %mul3A_1261 = vector.broadcast %div3A_47 : vector<1x128xf32> to vector<256x128xf32>
    %mul3A_1262 = arith.mulf %add3A_1260, %mul3A_1261 : vector<256x128xf32>
    %add3A_1263 = vector.broadcast %sub3A_49 : vector<1x128xf32> to vector<256x128xf32>
    %add3A_1264 = arith.addf %mul3A_1262, %add3A_1263 : vector<256x128xf32>
    %max3A_1265 = arith.constant 0.000000e+00 : f32
    %max3A_1266 = vector.broadcast %max3A_1265 : f32 to vector<256x128xf32>
    %max3A_1267 = arith.maximumf %add3A_1264, %max3A_1266 : vector<256x128xf32>
    %get3A_1268 = arith.constant 0 : index
    %get3A_1269 = arith.constant 0 : index
    %get3A_1270 = vector.load %arg14[%get3A_1268, %get3A_1269] : memref<128x128xf32, #tpu.memory_space<vmem>>, vector<128x128xf32>
    %dot_general3A_1271 = arith.constant dense<0.000000e+00> : vector<256x128xf32>
    %dot_general3A_1272 = tpu.matmul %max3A_1267, %get3A_1270, %dot_general3A_1271 {dimension_numbers = #tpu.dot_dimension_numbers<[1], [1], [0], [0], [0, 0, 1, 0], [], []>, transpose_lhs_hint = false} : vector<256x128xf32>, vector<128x128xf32>, vector<256x128xf32> -> vector<256x128xf32>
    %get3A_1273 = arith.constant 0 : index
    %get3A_1274 = arith.constant 0 : index
    %get3A_1275 = vector.load %arg15[%get3A_1273, %get3A_1274] : memref<1x128xf32, #tpu.memory_space<vmem>>, vector<1x128xf32>
    %add3A_1276 = vector.broadcast %get3A_1275 : vector<1x128xf32> to vector<256x128xf32>
    %add3A_1277 = arith.addf %dot_general3A_1272, %add3A_1276 : vector<256x128xf32>
    %reduce_sum3A_1278 = arith.constant dense<0.000000e+00> : vector<128xf32>
    %reduce_sum3A_1279 = vector.multi_reduction <add>, %add3A_1277, %reduce_sum3A_1278 [0] : vector<256x128xf32> to vector<128xf32>
    %broadcast_in_dim3A_1280 = vector.shape_cast %reduce_sum3A_1279 : vector<128xf32> to vector<1x128xf32>
    %add3A_1281 = arith.addf %add3A_1219, %broadcast_in_dim3A_1280 : vector<1x128xf32>
    %mul3A_1282 = arith.mulf %add3A_1277, %add3A_1277 : vector<256x128xf32>
    %reduce_sum3A_1283 = arith.constant dense<0.000000e+00> : vector<128xf32>
    %reduce_sum3A_1284 = vector.multi_reduction <add>, %mul3A_1282, %reduce_sum3A_1283 [0] : vector<256x128xf32> to vector<128xf32>
    %broadcast_in_dim3A_1285 = vector.shape_cast %reduce_sum3A_1284 : vector<128xf32> to vector<1x128xf32>
    %add3A_1286 = arith.addf %add3A_1224, %broadcast_in_dim3A_1285 : vector<1x128xf32>
    %max3A_1287 = arith.maximumf %max3A_1225, %add3A_1277 : vector<256x128xf32>
    %swap3A = arith.constant 0 : index
    %swap3A_1288 = arith.constant 0 : index
    %swap3A_1289 = arith.constant 0 : index
    %swap3A_1290 = vector.load %arg16[%swap3A, %swap3A_1288, %swap3A_1289] : memref<1x256x128xf32, #tpu.memory_space<vmem>>, vector<1x256x128xf32>
    %swap3A_1291 = vector.shape_cast %swap3A_1290 : vector<1x256x128xf32> to vector<256x128xf32>
    %swap3A_1292 = vector.shape_cast %max3A_1287 : vector<256x128xf32> to vector<1x256x128xf32>
    tpu.vector_store %arg16[%swap3A, %swap3A_1288, %swap3A_1289], %swap3A_1292 {strides = array<i32>} : memref<1x256x128xf32, #tpu.memory_space<vmem>>, vector<1x256x128xf32>,
    %eq3A = arith.constant 0 : i32
    %eq3A_1293 = arith.cmpi eq, %arg0, %eq3A : i32
    %eq3A_1294 = arith.constant 0 : i32
    %eq3A_1295 = arith.cmpi eq, %arg1, %eq3A_1294 : i32
    %and3A = arith.andi %eq3A_1293, %eq3A_1295 : i1
    %convert_element_type3A = arith.extui %and3A : i1 to i32
    %cond3A = arith.constant 0 : i32
    %cond3A_1296 = arith.cmpi ne, %convert_element_type3A, %cond3A : i32
    scf.if %cond3A_1296 {
      %broadcast_in_dim3A_1311 = arith.constant 0.000000e+00 : f32
      %broadcast_in_dim3A_1312 = vector.broadcast %broadcast_in_dim3A_1311 : f32 to vector<2x128xf32>
      %swap3A_1313 = arith.constant 0 : index
      %swap3A_1314 = arith.constant 0 : index
      %swap3A_1315 = vector.load %arg17[%swap3A_1313, %swap3A_1314] : memref<2x128xf32, #tpu.memory_space<vmem>>, vector<2x128xf32>
      tpu.vector_store %arg17[%swap3A_1313, %swap3A_1314], %broadcast_in_dim3A_1312 {strides = array<i32>} : memref<2x128xf32, #tpu.memory_space<vmem>>, vector<2x128xf32>,
    } else {
    }
    %get3A_1297 = arith.constant 0 : index
    %get3A_1298 = arith.constant 0 : index
    %get3A_1299 = vector.load %arg17[%get3A_1297, %get3A_1298] : memref<2x128xf32, #tpu.memory_space<vmem>>, vector<1x128xf32>
    %add3A_1300 = arith.addf %get3A_1299, %add3A_1281 : vector<1x128xf32>
    %swap3A_1301 = arith.constant 0 : index
    %swap3A_1302 = arith.constant 0 : index
    %swap3A_1303 = vector.load %arg17[%swap3A_1301, %swap3A_1302] : memref<2x128xf32, #tpu.memory_space<vmem>>, vector<1x128xf32>
    tpu.vector_store %arg17[%swap3A_1301, %swap3A_1302], %add3A_1300 {strides = array<i32>} : memref<2x128xf32, #tpu.memory_space<vmem>>, vector<1x128xf32>,
    %get3A_1304 = arith.constant 1 : index
    %get3A_1305 = arith.constant 0 : index
    %get3A_1306 = vector.load %arg17[%get3A_1304, %get3A_1305] : memref<2x128xf32, #tpu.memory_space<vmem>>, vector<1x128xf32>
    %add3A_1307 = arith.addf %get3A_1306, %add3A_1286 : vector<1x128xf32>
    %swap3A_1308 = arith.constant 1 : index
    %swap3A_1309 = arith.constant 0 : index
    %swap3A_1310 = vector.load %arg17[%swap3A_1308, %swap3A_1309] : memref<2x128xf32, #tpu.memory_space<vmem>>, vector<1x128xf32>
    tpu.vector_store %arg17[%swap3A_1308, %swap3A_1309], %add3A_1307 {strides = array<i32>} : memref<2x128xf32, #tpu.memory_space<vmem>>, vector<1x128xf32>,
    return
  }
  func.func @transform_0(%arg0: i32, %arg1: i32) -> (i32, i32, i32, i32) {
    %c0_i32 = arith.constant 0 : i32
    %c0_i32_0 = arith.constant 0 : i32
    %c0_i32_1 = arith.constant 0 : i32
    return %arg0, %c0_i32, %arg1, %c0_i32_0 : i32, i32, i32, i32
  }
  func.func @transform_1(%arg0: i32, %arg1: i32) -> (i32, i32, i32) {
    %c0_i32 = arith.constant 0 : i32
    %c0_i32_0 = arith.constant 0 : i32
    return %arg0, %arg1, %c0_i32 : i32, i32, i32
  }
  func.func @transform_2(%arg0: i32, %arg1: i32) -> (i32, i32) {
    %c0_i32 = arith.constant 0 : i32
    %c0_i32_0 = arith.constant 0 : i32
    %c0_i32_1 = arith.constant 0 : i32
    return %c0_i32, %c0_i32_0 : i32, i32
  }
  func.func @transform_3(%arg0: i32, %arg1: i32) -> (i32, i32) {
    %c0_i32 = arith.constant 0 : i32
    %c0_i32_0 = arith.constant 0 : i32
    %c0_i32_1 = arith.constant 0 : i32
    return %c0_i32, %c0_i32_0 : i32, i32
  }
  func.func @transform_4(%arg0: i32, %arg1: i32) -> (i32, i32) {
    %c0_i32 = arith.constant 0 : i32
    %c0_i32_0 = arith.constant 0 : i32
    %c0_i32_1 = arith.constant 0 : i32
    return %c0_i32, %c0_i32_0 : i32, i32
  }
  func.func @transform_5(%arg0: i32, %arg1: i32) -> (i32, i32) {
    %c0_i32 = arith.constant 0 : i32
    %c0_i32_0 = arith.constant 0 : i32
    %c0_i32_1 = arith.constant 0 : i32
    return %c0_i32, %c0_i32_0 : i32, i32
  }
  func.func @transform_6(%arg0: i32, %arg1: i32) -> (i32, i32) {
    %c0_i32 = arith.constant 0 : i32
    %c0_i32_0 = arith.constant 0 : i32
    %c0_i32_1 = arith.constant 0 : i32
    return %c0_i32, %c0_i32_0 : i32, i32
  }
  func.func @transform_7(%arg0: i32, %arg1: i32) -> (i32, i32) {
    %c0_i32 = arith.constant 0 : i32
    %c0_i32_0 = arith.constant 0 : i32
    %c0_i32_1 = arith.constant 0 : i32
    return %c0_i32, %c0_i32_0 : i32, i32
  }
  func.func @transform_8(%arg0: i32, %arg1: i32) -> (i32, i32) {
    %c0_i32 = arith.constant 0 : i32
    %c0_i32_0 = arith.constant 0 : i32
    %c0_i32_1 = arith.constant 0 : i32
    return %c0_i32, %c0_i32_0 : i32, i32
  }
  func.func @transform_9(%arg0: i32, %arg1: i32) -> (i32, i32) {
    %c0_i32 = arith.constant 0 : i32
    %c0_i32_0 = arith.constant 0 : i32
    %c0_i32_1 = arith.constant 0 : i32
    return %c0_i32, %c0_i32_0 : i32, i32
  }
  func.func @transform_10(%arg0: i32, %arg1: i32) -> (i32, i32) {
    %c0_i32 = arith.constant 0 : i32
    %c0_i32_0 = arith.constant 0 : i32
    %c0_i32_1 = arith.constant 0 : i32
    return %c0_i32, %c0_i32_0 : i32, i32
  }
  func.func @transform_11(%arg0: i32, %arg1: i32) -> (i32, i32) {
    %c0_i32 = arith.constant 0 : i32
    %c0_i32_0 = arith.constant 0 : i32
    %c0_i32_1 = arith.constant 0 : i32
    return %c0_i32, %c0_i32_0 : i32, i32
  }
  func.func @transform_12(%arg0: i32, %arg1: i32) -> (i32, i32) {
    %c0_i32 = arith.constant 0 : i32
    %c0_i32_0 = arith.constant 0 : i32
    %c0_i32_1 = arith.constant 0 : i32
    return %c0_i32, %c0_i32_0 : i32, i32
  }
  func.func @transform_13(%arg0: i32, %arg1: i32) -> (i32, i32) {
    %c0_i32 = arith.constant 0 : i32
    %c0_i32_0 = arith.constant 0 : i32
    %c0_i32_1 = arith.constant 0 : i32
    return %c0_i32, %c0_i32_0 : i32, i32
  }
  func.func @transform_14(%arg0: i32, %arg1: i32) -> (i32, i32, i32) {
    %c0_i32 = arith.constant 0 : i32
    %c0_i32_0 = arith.constant 0 : i32
    return %arg0, %arg1, %c0_i32 : i32, i32, i32
  }
  func.func @transform_15(%arg0: i32, %arg1: i32) -> (i32, i32) {
    %c0_i32 = arith.constant 0 : i32
    %c0_i32_0 = arith.constant 0 : i32
    %c0_i32_1 = arith.constant 0 : i32
    return %c0_i32, %c0_i32_0 : i32, i32
  }
}

module attributes {stable_mosaic.version = 14 : i64} {
  func.func @_final_body(%arg0: i32, %arg1: memref<1x2048x128xf32, #tpu.memory_space<vmem>>, %arg2: memref<2x128xf32, #tpu.memory_space<vmem>>, %arg3: memref<1x128xf32, #tpu.memory_space<vmem>>, %arg4: memref<1x128xf32, #tpu.memory_space<vmem>>, %arg5: memref<1x2048x128xf32, #tpu.memory_space<vmem>>) attributes {dimension_semantics = [#tpu.dimension_semantics<arbitrary>], iteration_bounds = array<i64: 8>, scalar_prefetch = 0 : i64, scratch_operands = 0 : i64, tpu.core_type = #tpu.core_type<tc>, window_params = [{transform_indices = @transform_0, window_bounds = array<i64: 1, 2048, 128>}, {pipeline_mode = #tpu.pipeline_mode<synchronous>, transform_indices = @transform_1, window_bounds = array<i64: 2, 128>}, {pipeline_mode = #tpu.pipeline_mode<synchronous>, transform_indices = @transform_2, window_bounds = array<i64: 1, 128>}, {pipeline_mode = #tpu.pipeline_mode<synchronous>, transform_indices = @transform_3, window_bounds = array<i64: 1, 128>}, {transform_indices = @transform_4, window_bounds = array<i64: 1, 2048, 128>}]} {
    %get3A = arith.constant 0 : index
    %get3A_0 = arith.constant 0 : index
    %get3A_1 = vector.load %arg2[%get3A, %get3A_0] : memref<2x128xf32, #tpu.memory_space<vmem>>, vector<2x128xf32>
    %get3A_2 = arith.constant 0 : index
    %get3A_3 = arith.constant 0 : index
    %get3A_4 = vector.load %arg3[%get3A_2, %get3A_3] : memref<1x128xf32, #tpu.memory_space<vmem>>, vector<1x128xf32>
    %get3A_5 = arith.constant 0 : index
    %get3A_6 = arith.constant 0 : index
    %get3A_7 = vector.load %arg4[%get3A_5, %get3A_6] : memref<1x128xf32, #tpu.memory_space<vmem>>, vector<1x128xf32>
    %slice3A = vector.extract_strided_slice %get3A_1 {offsets = [0, 0], sizes = [1, 128], strides = [1, 1]} : vector<2x128xf32> to vector<1x128xf32>
    %mul3A = arith.constant 3.05175786E-6 : f32
    %mul3A_8 = vector.broadcast %mul3A : f32 to vector<1x128xf32>
    %mul3A_9 = arith.mulf %slice3A, %mul3A_8 : vector<1x128xf32>
    %slice3A_10 = vector.extract_strided_slice %get3A_1 {offsets = [1, 0], sizes = [1, 128], strides = [1, 1]} : vector<2x128xf32> to vector<1x128xf32>
    %mul3A_11 = arith.constant 3.05175786E-6 : f32
    %mul3A_12 = vector.broadcast %mul3A_11 : f32 to vector<1x128xf32>
    %mul3A_13 = arith.mulf %slice3A_10, %mul3A_12 : vector<1x128xf32>
    %mul3A_14 = arith.mulf %mul3A_9, %mul3A_9 : vector<1x128xf32>
    %sub3A = arith.subf %mul3A_13, %mul3A_14 : vector<1x128xf32>
    %add3A = arith.constant 9.99999974E-6 : f32
    %add3A_15 = vector.broadcast %add3A : f32 to vector<1x128xf32>
    %add3A_16 = arith.addf %sub3A, %add3A_15 : vector<1x128xf32>
    %sqrt3A = math.sqrt %add3A_16 : vector<1x128xf32>
    %div3A = arith.divf %get3A_4, %sqrt3A : vector<1x128xf32>
    %mul3A_17 = arith.mulf %mul3A_9, %div3A : vector<1x128xf32>
    %sub3A_18 = arith.subf %get3A_7, %mul3A_17 : vector<1x128xf32>
    %get3A_19 = arith.constant 0 : index
    %get3A_20 = arith.constant 0 : index
    %get3A_21 = arith.constant 0 : index
    %get3A_22 = vector.load %arg1[%get3A_19, %get3A_20, %get3A_21] : memref<1x2048x128xf32, #tpu.memory_space<vmem>>, vector<1x2048x128xf32>
    %get3A_23 = vector.shape_cast %get3A_22 : vector<1x2048x128xf32> to vector<2048x128xf32>
    %mul3A_24 = vector.broadcast %div3A : vector<1x128xf32> to vector<2048x128xf32>
    %mul3A_25 = arith.mulf %get3A_23, %mul3A_24 : vector<2048x128xf32>
    %add3A_26 = vector.broadcast %sub3A_18 : vector<1x128xf32> to vector<2048x128xf32>
    %add3A_27 = arith.addf %mul3A_25, %add3A_26 : vector<2048x128xf32>
    %swap3A = arith.constant 0 : index
    %swap3A_28 = arith.constant 0 : index
    %swap3A_29 = arith.constant 0 : index
    %swap3A_30 = vector.load %arg5[%swap3A, %swap3A_28, %swap3A_29] : memref<1x2048x128xf32, #tpu.memory_space<vmem>>, vector<1x2048x128xf32>
    %swap3A_31 = vector.shape_cast %swap3A_30 : vector<1x2048x128xf32> to vector<2048x128xf32>
    %swap3A_32 = vector.shape_cast %add3A_27 : vector<2048x128xf32> to vector<1x2048x128xf32>
    tpu.vector_store %arg5[%swap3A, %swap3A_28, %swap3A_29], %swap3A_32 {strides = array<i32>} : memref<1x2048x128xf32, #tpu.memory_space<vmem>>, vector<1x2048x128xf32>,
    return
  }
  func.func @transform_0(%arg0: i32) -> (i32, i32, i32) {
    %c0_i32 = arith.constant 0 : i32
    %c0_i32_0 = arith.constant 0 : i32
    %c0_i32_1 = arith.constant 0 : i32
    return %arg0, %c0_i32, %c0_i32_0 : i32, i32, i32
  }
  func.func @transform_1(%arg0: i32) -> (i32, i32) {
    %c0_i32 = arith.constant 0 : i32
    %c0_i32_0 = arith.constant 0 : i32
    %c0_i32_1 = arith.constant 0 : i32
    return %c0_i32, %c0_i32_0 : i32, i32
  }
  func.func @transform_2(%arg0: i32) -> (i32, i32) {
    %c0_i32 = arith.constant 0 : i32
    %c0_i32_0 = arith.constant 0 : i32
    %c0_i32_1 = arith.constant 0 : i32
    return %c0_i32, %c0_i32_0 : i32, i32
  }
  func.func @transform_3(%arg0: i32) -> (i32, i32) {
    %c0_i32 = arith.constant 0 : i32
    %c0_i32_0 = arith.constant 0 : i32
    %c0_i32_1 = arith.constant 0 : i32
    return %c0_i32, %c0_i32_0 : i32, i32
  }
  func.func @transform_4(%arg0: i32) -> (i32, i32, i32) {
    %c0_i32 = arith.constant 0 : i32
    %c0_i32_0 = arith.constant 0 : i32
    %c0_i32_1 = arith.constant 0 : i32
    return %arg0, %c0_i32, %c0_i32_0 : i32, i32, i32
  }
}

</mosaic_0001>

<sc_bundles>
// kernel: kernel.8.cloned.1.call-start
scs
__scs_entry_jumppad:
0x0: {  	(pc) =	sbr.rel $0x88, $3  }
0x1: {  	(tag) =	ssettag $0x0;
	lr =	simm.s32 $0x1  }
0x2: {  	[smem:$0x3F94] =	sst lr;
	_ =	strace $0xD0000000  }
0x3: {  	_ = 	snop  }
0x4: {  	_ = 	snop  }
0x5: {  	_ = 	snop  }
0x6: {  	_ = 	snop  }
0x7: {  	_ = 	snop  }
__scs_overlays_trampoline_lowered:
0x8: {  	[smem:$0x3FA3] =	sst s0  }
0x9: {  	[smem:$0x3FA4] =	sst s1  }
0xa: {  	[smem:$0x3FA5] =	sst s2  }
0xb: {  	[smem:$0x3FA6] =	sst s3  }
0xc: {  	[smem:$0x3FA7] =	sst s4  }
0xd: {  	[smem:$0x3FA8] =	sst s5  }
0xe: {  	[smem:$0x3FA9] =	sst s6  }
0xf: {  	[smem:$0x3FAA] =	sst s7  }
0x10: {  	[smem:$0x3FAB] =	sst s8  }
0x11: {  	[smem:$0x3FAC] =	sst s9;
	s0 =	simm.s32 @!p0 $0x0  }
0x12: {  	s1 =	sld [smem:$0x3F92];
	s0 =	simm.s32 @p0 $0x1  }
0x13: {  	[smem:$0x3FAD] =	sst s0;
	s0 =	simm.s32 @!p1 $0x0  }
0x14: {  	s2 =	sld [smem:$0x3F91];
	s0 =	simm.s32 @p1 $0x1  }
0x15: {  	[smem:$0x3FAE] =	sst s0;
	s0 =	simm.s32 @!p2 $0x0  }
0x16: {  	s3 =	sld [smem:$0x3FDB];
	s0 =	simm.s32 @p2 $0x1  }
0x17: {  	s4 =	simm.s32 $0x1BF5;
	[smem:$0x3FB0] =	sst s0  }
0x18: {  	s0 =	sld [smem:$0x3F93];
	_ =	swait.ge [sflag:s4], $0x0  }
0x19: {  	s7 =	sld [smem:$0x3F94]  }
0x1a: {  	s8 =	sadd.s32 $0xFFFFE003, lr  }
0x1b: {  	s9 =	sadd.s32 $0xFFFFFEF7, lr;
	s5 =	simm.s32 $0xFFFFFFFF;
	p2 =	slt.u32 s8, $0xFFFFF086  }
0x1c: {  	p1 =	slt.u32 s9, $0xF7A;
	s5 =	simm.s32 @!p2 $0x0  }
0x1d: {  	s5 =	simm.s32 @p1 $0x1;
	p0 =	seq.s32 s7, s2  }
0x1e: {  	s7 =	smul.u32 @!p0 $0xF7A, s2;
	p2 =	seq.s32 @!p0 s5, $0x0  }
0x1f: {  	s9 =	smul.u32 $0xF7A, s1;
	s8 =	simm.s32 @!p0 $0x1BF5;
	p2 =	por !p2, p0  }
0x20: {  	[sflag:s8] =	ssyncset.s32 @!p0 $0xFFFFF086;
	s6 =	sadd.s32 @!p0 s3, s7;
	s7 =	simm.s32 @!p0 $0x108  }
0x21: {  	s3 =	sadd.s32 s3, s9;
	s6 =	sadd.s32 @!p0 $0x88, s6;
	s7 =	simm.s32 @p2 $0x1082  }
0x22: {  	[simem:s7], [sflag:s8] =	dma.local @!p0 [hbm:s6], $0xF7A  }
0x23: {  	s9 =	sor.u32 $0xD0000000, s2;
	s6 =	simm.s32 $0x108;
	_ =	swait.ge @!p0 [sflag:s8], $0x0  }
0x24: {  	s3 =	sadd.s32 $0x88, s3;
	s6 =	simm.s32 @!p1 $0x1082;
	[sflag:s4] =	ssyncset.s32 $0xFFFFF086  }
0x25: {  	[simem:s6], [sflag:s4] =	dma.local [hbm:s3], $0xF7A  }
0x26: {  	[smem:$0x3F94] =	sst s1;
	(tag) =	ssettag s2;
	_ =	strace s9  }
0x27: {  	s1 =	sld [smem:$0x3FA4]  }
0x28: {  	s2 =	sld [smem:$0x3FA5]  }
0x29: {  	s4 =	sld [smem:$0x3FA7]  }
0x2a: {  	p0 =	seq.s32 s5, $0x0;
	s5 =	sld [smem:$0x3FA8]  }
0x2b: {  	s6 =	sld [smem:$0x3FA9]  }
0x2c: {  	s7 =	sld [smem:$0x3FAA]  }
0x2d: {  	s3 =	simm.s32 $0x108;
	s8 =	sld [smem:$0x3FAB]  }
0x2e: {  	s3 =	simm.s32 @!p0 $0x1082;
	s9 =	sld [smem:$0x3FAC]  }
0x2f: {  	lr =	sadd.s32 s0, s3;
	s0 =	sld [smem:$0x3FA3]  }
0x30: {  	s3 =	sld [smem:$0x3FA6]  }
0x31: {  	[smem:$0x3FAF] =	sst s10  }
0x32: {  	s10 =	sld [smem:$0x3FAD];
	_ =	sdelay $0x3  }
0x33: {  	p0 =	seq.s32 s10, $0x1;
	s10 =	sld [smem:$0x3FAF];
	_ =	sdelay $0x3  }
0x34: {  	[smem:$0x3FAF] =	sst s10  }
0x35: {  	s10 =	sld [smem:$0x3FAE];
	_ =	sdelay $0x3  }
0x36: {  	p1 =	seq.s32 s10, $0x1;
	s10 =	sld [smem:$0x3FAF];
	_ =	sdelay $0x3  }
0x37: {  	[smem:$0x3FAF] =	sst s10  }
0x38: {  	s10 =	sld [smem:$0x3FB0]  }
0x39: {  	_ = 	snop;
	(pc) =	sbr.ind lr, $3  }
0x3a: {  	_ = 	snop  }
0x3b: {  	_ = 	snop  }
0x3c: {  	p2 =	seq.s32 s10, $0x1;
	s10 =	sld [smem:$0x3FAF]  }
0x3d: {  	_ =	shalt  }
0x3e: {  	_ =	shalt  }
0x3f: {  	_ =	shalt  }
0x40: {  	_ =	shalt  }
0x41: {  	_ =	shalt  }
0x42: {  	_ =	shalt  }
0x43: {  	_ =	shalt  }
0x44: {  	_ =	shalt  }
0x45: {  	_ =	shalt  }
0x46: {  	_ =	shalt  }
0x47: {  	_ =	shalt  }
0x48: {  	_ =	shalt  }
0x49: {  	_ =	shalt  }
0x4a: {  	_ =	shalt  }
0x4b: {  	_ =	shalt  }
0x4c: {  	_ =	shalt  }
0x4d: {  	_ =	shalt  }
0x4e: {  	_ =	shalt  }
0x4f: {  	_ =	shalt  }
0x50: {  	_ =	shalt  }
0x51: {  	_ =	shalt  }
0x52: {  	_ =	shalt  }
0x53: {  	_ =	shalt  }
0x54: {  	_ =	shalt  }
0x55: {  	_ =	shalt  }
0x56: {  	_ =	shalt  }
0x57: {  	_ =	shalt  }
0x58: {  	_ =	shalt  }
0x59: {  	_ =	shalt  }
0x5a: {  	_ =	shalt  }
0x5b: {  	_ =	shalt  }
0x5c: {  	_ =	shalt  }
0x5d: {  	_ =	shalt  }
0x5e: {  	_ =	shalt  }
0x5f: {  	_ =	shalt  }
0x60: {  	_ =	shalt  }
0x61: {  	_ =	shalt  }
0x62: {  	_ =	shalt  }
0x63: {  	_ =	shalt  }
0x64: {  	_ =	shalt  }
0x65: {  	_ =	shalt  }
0x66: {  	_ =	shalt  }
0x67: {  	_ =	shalt  }
0x68: {  	_ =	shalt  }
0x69: {  	_ =	shalt  }
0x6a: {  	_ =	shalt  }
0x6b: {  	_ =	shalt  }
0x6c: {  	_ =	shalt  }
0x6d: {  	_ =	shalt  }
0x6e: {  	_ =	shalt  }
0x6f: {  	_ =	shalt  }
0x70: {  	_ =	shalt  }
0x71: {  	_ =	shalt  }
0x72: {  	_ =	shalt  }
0x73: {  	_ =	shalt  }
0x74: {  	_ =	shalt  }
0x75: {  	_ =	shalt  }
0x76: {  	_ =	shalt  }
0x77: {  	_ =	shalt  }
0x78: {  	_ =	shalt  }
0x79: {  	_ =	shalt  }
0x7a: {  	_ =	shalt  }
0x7b: {  	_ =	shalt  }
0x7c: {  	_ =	shalt  }
0x7d: {  	_ =	shalt  }
0x7e: {  	_ =	shalt  }
0x7f: {  	_ =	shalt  }
0x80: {  	_ =	shalt  }
0x81: {  	_ =	shalt  }
0x82: {  	_ =	shalt  }
0x83: {  	_ =	shalt  }
0x84: {  	_ =	shalt  }
0x85: {  	_ =	shalt  }
0x86: {  	_ =	shalt  }
0x87: {  	_ =	shalt  }
.Lfunc_end0:
.L_simem_size_0:
called_computation_lowered:
.L_overlay_start_0:
0x88: {  	s2 =	sld [smem:$0x3FD9]  }
0x89: {  	s3 =	sld [smem:$0x3FFE];
	_ =	sdelay $0x1  }
0x8a: {  	s1 =	srdreg.scid  }
0x8b: {  	s0 =	sand.u32 $0x1, s1  }
0x8c: {  	s17 =	sshll.u32 s0, $0xA;
	s2 =	sadd.s32 s3, s2  }
0x8d: {  	s2 =	sadd.s32 s2, s17  }
0x8e: {  	[smem:$0x3FBB] =	sst s2  }
0x8f: {  	_ = 	snop  }
0x90: {  	s2 =	sld [smem:$0x3FD0];
	(tm) =	ssettm $0x1  }
0x91: {  	s18 =	sld [smem:$0x3FFB];
	_ =	sdelay $0x3  }
0x92: {  	_ =	strace s18  }
0x93: {  	s3 =	sld [smem:$0x3FFC];
	_ =	sdelay $0x3  }
0x94: {  	_ =	strace s3  }
0x95: {  	s3 =	sld [smem:$0x3FFD];
	_ =	sdelay $0x3  }
0x96: {  	_ =	strace s3  }
0x97: {  	_ =	strace $0x8FFFFFFF  }
0x98: {  	s19 =	sld [smem:$0x3FDB];
	_ =	sdelay $0x1  }
0x99: {  	s4 =	simm.s32 $_scs_section_size  }
0x9a: {  	s5 =	simm.s32 $_size__tile_overlayer_lowered;
	s6 =	simm.s32 $_tile_overlayer_lowered  }
0x9b: {  	s22 =	simm.s32 $0x1BFF;
	s21 =	sshll.u32 s6, $0x1;
	s3 =	sadd.s32 s4, s19  }
0x9c: {  	s7 =	simm.s32 $0x0;
	s20 =	sshll.u32 s5, $0x1;
	s5 =	sadd.s32 s21, s3  }
0x9d: {  	[timem:s7], [sflag:s22] =	dma.local [hbm:s5], s20  }
0x9e: {  	_ =	swait.ge [sflag:s22], s20  }
0x9f: {  	s4 =	ssub.s32 $0x0, s20;
	[sflag:s22] =	ssyncset.done $0x0  }
0xa0: {  	[sflag:s22] =	ssyncadd.s32 s4;
	_ =	sdelay $0x1  }
0xa1: {  	s23 =	simm.s32 $0x1B8B  }
0xa2: {  	_ =	swait.ge [sflag:s23], $0x1  }
0xa3: {  	[sflag:s23] =	ssyncset.done $0x0  }
0xa4: {  	s25 =	simm.s32 $0x1B8E;
	s24 =	sld [smem:$0x3FFE];
	[sflag:s23] =	ssyncadd.s32 $0xFFFFFFFF  }
0xa5: {  	s26 =	simm.s32 $execute0_lowered;
	[smem:$0x3FD2] =	sst s25  }
0xa6: {  	s5 =	sshll.u32 s26, $0x1;
	_ =	strace $0x80000046;
	[dreg:$0x1] =	wrdreg $0xFFFFFFFF  }
0xa7: {  	s28 =	simm.s32 $_size_execute0_lowered;
	s3 =	sadd.s32 s3, s5;
	[dreg:$0x0] =	wrdreg $0x0  }
0xa8: {  	s5 =	sshll.u32 s28, $0x1;
	[dreg:$0x2] =	wrdreg s3  }
0xa9: {  	[dreg:$0x3] =	wrdreg s5  }
0xaa: {  	[dreg:$0x4] =	wrdreg $0xC0  }
0xab: {  	_ =	task [dreg:s7], $0x5FFFF  }
0xac: {  	[dreg:$0x1] =	wrdreg $0xFFFFFFFF  }
0xad: {  	[dreg:$0x0] =	wrdreg $0x60  }
0xae: {  	[dreg:$0x2] =	wrdreg s24  }
0xaf: {  	[dreg:$0x3] =	wrdreg s2  }
0xb0: {  	[dreg:$0x4] =	wrdreg $0x9  }
0xb1: {  	_ =	task.clear_ibuf [dreg:s7], $0x5FFFF;
	_ =	strace $0x90000046  }
0xb2: {  	s29 =	simm.s32 $0x9;
	_ =	strace $0x80000048  }
0xb3: {  	_ =	swait.ge [sflag:s29], $0x1  }
0xb4: {  	[sflag:s29] =	ssyncadd.s32 $0xFFFFFFFF  }
0xb5: {  	_ =	strace $0x90000048  }
0xb6: {  	_ =	sfence  }
0xb7: {  	s30 =	sld [smem:$0x0];
	_ =	sdelay $0x2  }
0xb8: {  	s31 =	sshll.u32 s1, $0xD;
	s1 =	sshrl.u32 s1, $0x2  }
0xb9: {  	s3 =	sand.u32 $0x4000, s31;
	s1 =	sadd.s32 s1, s30  }
0xba: {  	s0 =	sor.u32 s3, s0;
	s1 =	sshll.u32 s1, $0x11  }
0xbb: {  	s0 =	sor.u32 s1, s0  }
0xbc: {  	s0 =	sadd.s32 $0x8F2B, s0  }
0xbd: {  	[sflag:s0] =	ssyncadd.remote.s32 $0x1  }
0xbe: {  	_ =	sfence.sel $0xFFFF  }
0xbf: {  	[dreg:$0x0] =	wrdreg $0xFFFFFFFF;
	(pc) =	sbr.abs _section_cstart, $3  }
0xc0: {  	[dreg:$0x1] =	wrdreg $0xFFFFFFFF  }
0xc1: {  	_ =	task.clear_ibuf [dreg:s7], $0x2FFFF;
	_ =	strace $0x9FFFFFFF  }
0xc2: {  	(tm) =	ssettm $0x7FFFFFFF  }
0xc3: {  	_ =	shalt  }
tec
execute0_lowered:
.L_overlay_start_1:
0x0: {  	(tag) =	ssettag $0x1  }
0x1: {  	s4 =	rddreg [dreg:$0x0]  }
0x2: {  	s5 =	rddreg [dreg:$0x1]  }
0x3: {  	s0 =	rddreg [dreg:$0x2]  }
0x4: {  	s3 =	srdreg.scid;
	s1 =	stileid.u32;
	s2 =	simm.s32 $0x0  }
0x5: {  	s10 =	simm.s32 $0x3000;
	s11 =	simm.s32 $0x3800;
	s12 =	simm.s32 $0x4000  }
0x6: {  	s13 =	simm.s32 $0x4800;
	s14 =	simm.s32 $0x5000;
	s15 =	simm.s32 $0x5800  }
0x7: {  	s16 =	simm.s32 $0x6000;
	s17 =	simm.s32 $0x1;
	s18 =	simm.s32 $0x0  }
0x8: {  	s3 =	sand.u32 $0x1, s3;
	s6 =	smul.u32 $0x50000, s1;
	[smem:$0x7FF] =	sst s2  }
0x9: {  	s8 =	sshll.u32 s1, $0x1;
	s7 =	smul.u32 $0x28000, s3;
	_ =	strace $0x80000047  }
0xa: {  	s30 =	ssub.s32 $0x2, s3;
	s3 =	sor.u32 s3, s8;
	s8 =	simm.s32 $0x80  }
0xb: {  	s31 =	sshrl.u32 s30, $0x1;
	s9 =	smul.u32 $0x500, s3;
	s6 =	sadd.s32 s7, s6  }
0xc: {  	s3 =	sadd.s32 $0x1E00, s4;
	s7 =	ssub.s32 s30, s31;
	s6 =	sshrl.u32 s6, $0x3  }
0xd: {  	s6 =	sadd.s32 s6, s4;
	s4 =	sadd.s32 s5, s9;
	s5 =	smax.u32 s7, $0x1  }
0xe: {  	s7 =	simm.s32 $0x2;
	s9 =	simm.s32 $0x2800;
	s6 =	sadd.s32 $0x9E00, s6  }
.LBB2_1:
0xf: {  	[tilespmem:s2], [sflag:$0x2] =	stream.linear.gather [hbm4b:s4+s2], $0x2800, $0x38;
	[tilespmem:$0x6800] =	vst v63  }
0x10: {  	_ =	swait.ge [sflag:s7], $0x2800  }
0x11: {  	[sflag:s7] =	ssyncset.done $0x0  }
0x12: {  	s19 =	simm.s32 $0x0;
	[sflag:s7] =	ssyncadd.s32 $0xFFFFD800  }
0x13: {  	[tilespmem:s9], [sflag:$0x1] =	stream.indirect.gather [hbm4b:s3+s8], $0x10, s19, s8, $0xb8;
	[tilespmem:$0x6800] =	vst v63  }
0x14: {  	s24 =	simm.s32 $0x80  }
0x15: {  	[tilespmem:s10], [sflag:$0x1] =	stream.indirect.gather [hbm4b:s3+s8], $0x10, s24, s8, $0xb8;
	[tilespmem:$0x6800] =	vst v63  }
0x16: {  	s25 =	simm.s32 $0x100  }
0x17: {  	[tilespmem:s11], [sflag:$0x1] =	stream.indirect.gather [hbm4b:s3+s8], $0x10, s25, s8, $0xb8;
	[tilespmem:$0x6800] =	vst v63  }
0x18: {  	s26 =	simm.s32 $0x180  }
0x19: {  	[tilespmem:s12], [sflag:$0x1] =	stream.indirect.gather [hbm4b:s3+s8], $0x10, s26, s8, $0xb8;
	[tilespmem:$0x6800] =	vst v63  }
0x1a: {  	s28 =	simm.s32 $0x200  }
0x1b: {  	[tilespmem:s13], [sflag:$0x1] =	stream.indirect.gather [hbm4b:s3+s8], $0x10, s28, s8, $0xb8;
	[tilespmem:$0x6800] =	vst v63  }
0x1c: {  	s29 =	simm.s32 $0x280  }
0x1d: {  	[tilespmem:s14], [sflag:$0x1] =	stream.indirect.gather [hbm4b:s3+s8], $0x10, s29, s8, $0xb8;
	[tilespmem:$0x6800] =	vst v63  }
0x1e: {  	s30 =	simm.s32 $0x300  }
0x1f: {  	[tilespmem:s15], [sflag:$0x1] =	stream.indirect.gather [hbm4b:s3+s8], $0x10, s30, s8, $0xb8;
	[tilespmem:$0x6800] =	vst v63  }
0x20: {  	s31 =	simm.s32 $0x380  }
0x21: {  	[tilespmem:s16], [sflag:$0x1] =	stream.indirect.gather [hbm4b:s3+s8], $0x10, s31, s8, $0xb8;
	[tilespmem:$0x6800] =	vst v63  }
0x22: {  	_ =	swait.ge [sflag:s17], $0x800  }
0x23: {  	[sflag:s17] =	ssyncset.done $0x0  }
0x24: {  	[sflag:s17] =	ssyncadd.s32 $0xFFFFF800  }
0x25: {  	_ =	swait.ge [sflag:s17], $0x800  }
0x26: {  	[sflag:s17] =	ssyncset.done $0x0  }
0x27: {  	[sflag:s17] =	ssyncadd.s32 $0xFFFFF800  }
0x28: {  	_ =	swait.ge [sflag:s17], $0x800  }
0x29: {  	[sflag:s17] =	ssyncset.done $0x0  }
0x2a: {  	[sflag:s17] =	ssyncadd.s32 $0xFFFFF800  }
0x2b: {  	_ =	swait.ge [sflag:s17], $0x800  }
0x2c: {  	[sflag:s17] =	ssyncset.done $0x0  }
0x2d: {  	[sflag:s17] =	ssyncadd.s32 $0xFFFFF800  }
0x2e: {  	_ =	swait.ge [sflag:s17], $0x800  }
0x2f: {  	[sflag:s17] =	ssyncset.done $0x0  }
0x30: {  	[sflag:s17] =	ssyncadd.s32 $0xFFFFF800  }
0x31: {  	_ =	swait.ge [sflag:s17], $0x800  }
0x32: {  	[sflag:s17] =	ssyncset.done $0x0  }
0x33: {  	[sflag:s17] =	ssyncadd.s32 $0xFFFFF800  }
0x34: {  	_ =	swait.ge [sflag:s17], $0x800  }
0x35: {  	[sflag:s17] =	ssyncset.done $0x0  }
0x36: {  	[sflag:s17] =	ssyncadd.s32 $0xFFFFF800  }
0x37: {  	_ =	swait.ge [sflag:s17], $0x800  }
0x38: {  	[sflag:s17] =	ssyncset.done $0x0  }
0x39: {  	[sflag:s17] =	ssyncadd.s32 $0xFFFFF800  }
0x3a: {  	[hbm4b:s6+s2] =	stream.linear.scatter [tilespmem:s9], [sflag:$0x2], $0x4000, $0x38;
	[tilespmem:$0x6800] =	vst v63  }
0x3b: {  	s20 =	simm.s32 $0x1000;
	_ =	swait.ge [sflag:s7], $0x4000  }
0x3c: {  	s22 =	simm.s32 $0x2000;
	s19 =	sadd.s32 $0x800, s6;
	[sflag:s7] =	ssyncset.done $0x0  }
.LBB2_2:
0x3d: {  	s23 =	sshra.s32 s20, $0x2  }
0x3e: {  	[sflag:s7] =	ssyncadd.s32 $0xFFFFC000;
	s20 =	smov.u32 s22;
	s21 =	sadd.s32 $0x1000, s22  }
0x3f: {  	[tilespmem:s9], [sflag:$0x1] =	stream.indirect.gather [hbm4b:s3+s8], $0x10, s23, s8, $0xb8;
	[tilespmem:$0x6800] =	vst v63  }
0x40: {  	p0 =	sne.s32 s22, $0x9000;
	s22 =	sadd.s32 $0x80, s23  }
0x41: {  	[tilespmem:s10], [sflag:$0x1] =	stream.indirect.gather [hbm4b:s3+s8], $0x10, s22, s8, $0xb8;
	[tilespmem:$0x6800] =	vst v63  }
0x42: {  	s22 =	sadd.s32 $0x100, s23  }
0x43: {  	[tilespmem:s11], [sflag:$0x1] =	stream.indirect.gather [hbm4b:s3+s8], $0x10, s22, s8, $0xb8;
	[tilespmem:$0x6800] =	vst v63  }
0x44: {  	s22 =	sadd.s32 $0x180, s23  }
0x45: {  	[tilespmem:s12], [sflag:$0x1] =	stream.indirect.gather [hbm4b:s3+s8], $0x10, s22, s8, $0xb8;
	[tilespmem:$0x6800] =	vst v63  }
0x46: {  	s22 =	sadd.s32 $0x200, s23  }
0x47: {  	[tilespmem:s13], [sflag:$0x1] =	stream.indirect.gather [hbm4b:s3+s8], $0x10, s22, s8, $0xb8;
	[tilespmem:$0x6800] =	vst v63  }
0x48: {  	s22 =	sadd.s32 $0x280, s23  }
0x49: {  	[tilespmem:s14], [sflag:$0x1] =	stream.indirect.gather [hbm4b:s3+s8], $0x10, s22, s8, $0xb8;
	[tilespmem:$0x6800] =	vst v63  }
0x4a: {  	s22 =	sadd.s32 $0x300, s23  }
0x4b: {  	[tilespmem:s15], [sflag:$0x1] =	stream.indirect.gather [hbm4b:s3+s8], $0x10, s22, s8, $0xb8;
	[tilespmem:$0x6800] =	vst v63  }
0x4c: {  	s22 =	sadd.s32 $0x380, s23  }
0x4d: {  	[tilespmem:s16], [sflag:$0x1] =	stream.indirect.gather [hbm4b:s3+s8], $0x10, s22, s8, $0xb8;
	[tilespmem:$0x6800] =	vst v63  }
0x4e: {  	_ =	swait.ge [sflag:s17], $0x800  }
0x4f: {  	[sflag:s17] =	ssyncset.done $0x0  }
0x50: {  	[sflag:s17] =	ssyncadd.s32 $0xFFFFF800  }
0x51: {  	_ =	swait.ge [sflag:s17], $0x800  }
0x52: {  	[sflag:s17] =	ssyncset.done $0x0  }
0x53: {  	[sflag:s17] =	ssyncadd.s32 $0xFFFFF800  }
0x54: {  	_ =	swait.ge [sflag:s17], $0x800  }
0x55: {  	[sflag:s17] =	ssyncset.done $0x0  }
0x56: {  	[sflag:s17] =	ssyncadd.s32 $0xFFFFF800  }
0x57: {  	_ =	swait.ge [sflag:s17], $0x800  }
0x58: {  	[sflag:s17] =	ssyncset.done $0x0  }
0x59: {  	[sflag:s17] =	ssyncadd.s32 $0xFFFFF800  }
0x5a: {  	_ =	swait.ge [sflag:s17], $0x800  }
0x5b: {  	[sflag:s17] =	ssyncset.done $0x0  }
0x5c: {  	[sflag:s17] =	ssyncadd.s32 $0xFFFFF800  }
0x5d: {  	_ =	swait.ge [sflag:s17], $0x800  }
0x5e: {  	[sflag:s17] =	ssyncset.done $0x0  }
0x5f: {  	[sflag:s17] =	ssyncadd.s32 $0xFFFFF800  }
0x60: {  	_ =	swait.ge [sflag:s17], $0x800  }
0x61: {  	[sflag:s17] =	ssyncset.done $0x0  }
0x62: {  	[sflag:s17] =	ssyncadd.s32 $0xFFFFF800  }
0x63: {  	_ =	swait.ge [sflag:s17], $0x800  }
.Ltmp0:
0x64: {  	[sflag:s17] =	ssyncset.done $0x0;
	(pc) =	sbr.rel @p0 .LBB2_2-.Ltmp0, $4  }
0x65: {  	[sflag:s17] =	ssyncadd.s32 $0xFFFFF800  }
0x66: {  	[hbm4b:s19+s2] =	stream.linear.scatter [tilespmem:s9], [sflag:$0x2], $0x4000, $0x38;
	[tilespmem:$0x6800] =	vst v63  }
0x67: {  	_ =	swait.ge [sflag:s7], $0x4000  }
0x68: {  	s22 =	smov.u32 s21;
	s19 =	sadd.s32 $0x800, s19;
	[sflag:s7] =	ssyncset.done $0x0  }
0x69: {  	s20 =	sshra.s32 s20, $0x2;
	[sflag:s7] =	ssyncadd.s32 $0xFFFFC000  }
0x6a: {  	[tilespmem:s9], [sflag:$0x1] =	stream.indirect.gather [hbm4b:s3+s8], $0x10, s20, s8, $0xb8;
	[tilespmem:$0x6800] =	vst v63  }
0x6b: {  	s21 =	sadd.s32 $0x80, s20  }
0x6c: {  	[tilespmem:s10], [sflag:$0x1] =	stream.indirect.gather [hbm4b:s3+s8], $0x10, s21, s8, $0xb8;
	[tilespmem:$0x6800] =	vst v63  }
0x6d: {  	s26 =	sadd.s32 $0x100, s20  }
0x6e: {  	[tilespmem:s11], [sflag:$0x1] =	stream.indirect.gather [hbm4b:s3+s8], $0x10, s26, s8, $0xb8;
	[tilespmem:$0x6800] =	vst v63  }
0x6f: {  	s28 =	sadd.s32 $0x180, s20  }
0x70: {  	[tilespmem:s12], [sflag:$0x1] =	stream.indirect.gather [hbm4b:s3+s8], $0x10, s28, s8, $0xb8;
	[tilespmem:$0x6800] =	vst v63  }
0x71: {  	s29 =	sadd.s32 $0x200, s20  }
0x72: {  	[tilespmem:s13], [sflag:$0x1] =	stream.indirect.gather [hbm4b:s3+s8], $0x10, s29, s8, $0xb8;
	[tilespmem:$0x6800] =	vst v63  }
0x73: {  	s30 =	sadd.s32 $0x280, s20  }
0x74: {  	[tilespmem:s14], [sflag:$0x1] =	stream.indirect.gather [hbm4b:s3+s8], $0x10, s30, s8, $0xb8;
	[tilespmem:$0x6800] =	vst v63  }
0x75: {  	s31 =	sadd.s32 $0x300, s20  }
0x76: {  	[tilespmem:s15], [sflag:$0x1] =	stream.indirect.gather [hbm4b:s3+s8], $0x10, s31, s8, $0xb8;
	[tilespmem:$0x6800] =	vst v63  }
0x77: {  	s20 =	sadd.s32 $0x380, s20  }
0x78: {  	[tilespmem:s16], [sflag:$0x1] =	stream.indirect.gather [hbm4b:s3+s8], $0x10, s20, s8, $0xb8;
	[tilespmem:$0x6800] =	vst v63  }
0x79: {  	_ =	swait.ge [sflag:s17], $0x800  }
0x7a: {  	[sflag:s17] =	ssyncset.done $0x0  }
0x7b: {  	[sflag:s17] =	ssyncadd.s32 $0xFFFFF800  }
0x7c: {  	_ =	swait.ge [sflag:s17], $0x800  }
0x7d: {  	[sflag:s17] =	ssyncset.done $0x0  }
0x7e: {  	[sflag:s17] =	ssyncadd.s32 $0xFFFFF800  }
0x7f: {  	_ =	swait.ge [sflag:s17], $0x800  }
0x80: {  	[sflag:s17] =	ssyncset.done $0x0  }
0x81: {  	[sflag:s17] =	ssyncadd.s32 $0xFFFFF800  }
0x82: {  	_ =	swait.ge [sflag:s17], $0x800  }
0x83: {  	[sflag:s17] =	ssyncset.done $0x0  }
0x84: {  	[sflag:s17] =	ssyncadd.s32 $0xFFFFF800  }
0x85: {  	_ =	swait.ge [sflag:s17], $0x800  }
0x86: {  	[sflag:s17] =	ssyncset.done $0x0  }
0x87: {  	[sflag:s17] =	ssyncadd.s32 $0xFFFFF800  }
0x88: {  	_ =	swait.ge [sflag:s17], $0x800  }
0x89: {  	[sflag:s17] =	ssyncset.done $0x0  }
0x8a: {  	[sflag:s17] =	ssyncadd.s32 $0xFFFFF800  }
0x8b: {  	_ =	swait.ge [sflag:s17], $0x800  }
0x8c: {  	[sflag:s17] =	ssyncset.done $0x0  }
0x8d: {  	[sflag:s17] =	ssyncadd.s32 $0xFFFFF800  }
0x8e: {  	s18 =	sadd.s32 $0x1, s18;
	_ =	swait.ge [sflag:s17], $0x800  }
0x8f: {  	p0 =	sne.s32 s18, s5;
	[sflag:s17] =	ssyncset.done $0x0  }
.Ltmp1:
0x90: {  	[sflag:s17] =	ssyncadd.s32 $0xFFFFF800;
	(pc) =	sbr.rel @p0 .LBB2_1-.Ltmp1, $4  }
0x91: {  	[hbm4b:s19+s2] =	stream.linear.scatter [tilespmem:s9], [sflag:$0x2], $0x4000, $0x38;
	[tilespmem:$0x6800] =	vst v63  }
0x92: {  	_ =	swait.ge [sflag:s7], $0x4000  }
0x93: {  	[sflag:s7] =	ssyncset.done $0x0  }
0x94: {  	[sflag:s7] =	ssyncadd.s32 $0xFFFFC000  }
0x95: {  	_ =	sfence.sel $0x180000  }
0x96: {  	[bflag:$0x0] =	sbarrier.arrive $0xFFFF  }
0x97: {  	p0 =	sne.s32 s1, $0x0;
	_ =	strace $0x90000047  }
0x98: {  	s0 =	sadd.s32 @!p0 $0x100000, s0;
	[bflag:$0x2] =	sbarrier.arrive $0xFFFF  }
0x99: {  	[sflag:s0] =	ssyncadd.tile.s32 @!p0 $0x1;
	_ =	shalt  }
.Lfunc_end2:
_tile_overlayer_lowered:
.L_overlay_start_2:
0x9a: {  	(tag) =	ssettag $0x2  }
0x9b: {  	s0 =	rddreg [dreg:$0x0];
	s2 =	stileid.u32  }
0x9c: {  	s1 =	rddreg [dreg:$0x1];
	p0 =	sne.s32 s2, $0x0  }
0x9d: {  	s3 =	rddreg [dreg:$0x2];
	[bflag:$0x3] =	sbarrier.arrive $0xFFFF;
	s2 =	simm.s32 @!p0 $0x1C02  }
0x9e: {  	[timem:s3], [sflag:s2] =	dma.local @!p0 [hbm:s0], s1  }
0x9f: {  	s0 =	simm.s32 @!p0 $0x2  }
0xa0: {  	_ =	swait.ge @!p0 [sflag:s0], s1  }
0xa1: {  	s1 =	ssub.s32 @!p0 $0x0, s1;
	[sflag:s0] =	ssyncset.done @!p0 $0x0  }
0xa2: {  	[sflag:s0] =	ssyncadd.s32 @!p0 s1  }
0xa3: {  	[bflag:$0x3] =	sbarrier.arrive $0xFFFF  }
0xa4: {  	_ =	shalt  }

</sc_bundles>
